<compile_context>
chip_gen: v7x
topology: tpu7x:2x2x1
jax: 0.10.2.dev20260603
libtpu: 0.0.44.dev20260713+nightly
codegen_flags: <defaults>
</compile_context>

<pallas_src>
import functools

import jax
import jax.numpy as jnp
from jax import lax
from jax.experimental import pallas as pl
from jax.experimental.pallas import tpu as pltpu
from jax.experimental.pallas import tpu_sc as plsc

BATCH = 16384
EMBED_DIM = 32
N_ROWS = 1000000
NUM_CORES = 2
NUM_SUBCORES = 16
NUM_WORKERS = NUM_CORES * NUM_SUBCORES
BPW = BATCH // NUM_WORKERS
LANES = 16
NGROUPS = BPW // LANES
NBUF = 8


def _gmf_body(uidx_hbm, iidx_hbm, uemb_hbm, iemb_hbm, out_hbm,
              uraw_v, iraw_v, ubuf_v, ibuf_v, outb_v, sem):
    wid = lax.axis_index("s") * NUM_CORES + lax.axis_index("c")
    base = wid * BPW

    pltpu.sync_copy(uidx_hbm.at[pl.ds(base, BPW)], uraw_v)
    pltpu.sync_copy(iidx_hbm.at[pl.ds(base, BPW)], iraw_v)

    iota = lax.iota(jnp.int32, LANES)
    tr_lo = iota >> 3
    s_lo = iota & 7
    tr_hi = (iota + LANES) >> 3

    def fire(ru, ri, slot):
        off_u = pl.multiple_of((ru >> 7) * 128, 128)
        pltpu.async_copy(
            uemb_hbm.at[pl.ds(0, 32), pl.ds(off_u, 128)],
            ubuf_v.at[slot], sem.at[slot])
        off_i = pl.multiple_of((ri >> 7) * 128, 128)
        pltpu.async_copy(
            iemb_hbm.at[pl.ds(0, 32), pl.ds(off_i, 128)],
            ibuf_v.at[slot], sem.at[slot])

    def drain(slot):
        pltpu.make_async_copy(
            uemb_hbm.at[pl.ds(0, 32), pl.ds(0, 128)],
            ubuf_v.at[slot], sem.at[slot]).wait()
        pltpu.make_async_copy(
            iemb_hbm.at[pl.ds(0, 32), pl.ds(0, 128)],
            ibuf_v.at[slot], sem.at[slot]).wait()

    head_u = uraw_v[pl.ds(0, LANES)]
    head_i = iraw_v[pl.ds(0, LANES)]
    for k in range(NBUF):
        fire(head_u[k], head_i[k], k)

    def group(g, carry):
        cur_u = uraw_v[pl.ds(g * LANES, LANES)]
        cur_i = iraw_v[pl.ds(g * LANES, LANES)]
        nxt = jnp.minimum((g + 1) * LANES, BPW - LANES)
        nxt_u = uraw_v[pl.ds(nxt, LANES)]
        nxt_i = iraw_v[pl.ds(nxt, LANES)]
        for k in range(LANES):
            j = g * LANES + k
            slot = k % NBUF
            drain(slot)
            ru = cur_u[k]
            ri = cur_i[k]
            lu = lax.broadcast(ru & 127, (LANES,))
            li = lax.broadcast(ri & 127, (LANES,))
            slotv = lax.broadcast(jnp.int32(slot), (LANES,))
            u_lo = plsc.load_gather(ubuf_v, [slotv, iota, lu])
            u_hi = plsc.load_gather(ubuf_v, [slotv, iota + LANES, lu])
            v_lo = plsc.load_gather(ibuf_v, [slotv, iota, li])
            v_hi = plsc.load_gather(ibuf_v, [slotv, iota + LANES, li])
            tcb = lax.broadcast(j >> 7, (LANES,))
            lj = lax.broadcast(j & 127, (LANES,))
            plsc.store_scatter(outb_v, [tr_lo, tcb, s_lo, lj], u_lo * v_lo)
            plsc.store_scatter(outb_v, [tr_hi, tcb, s_lo, lj], u_hi * v_hi)
            if k < LANES - NBUF:
                fire(cur_u[k + NBUF], cur_i[k + NBUF], slot)
            else:
                kk = k + NBUF - LANES

                @pl.when(g < NGROUPS - 1)
                def _():
                    fire(nxt_u[kk], nxt_i[kk], slot)
        return carry

    lax.fori_loop(0, NGROUPS, group, 0)

    for tr in range(4):
        pltpu.sync_copy(outb_v.at[tr], out_hbm.at[tr, pl.ds(wid * 4, 4)])


@jax.jit
def _gmf(uidx, iidx, uemb, iemb):
    mesh = plsc.VectorSubcoreMesh(core_axis_name="c", subcore_axis_name="s")
    run = functools.partial(
        pl.kernel,
        mesh=mesh,
        out_type=jax.ShapeDtypeStruct((4, 128, 8, 128), jnp.float32),
        scratch_types=[
            pltpu.VMEM((BPW,), jnp.int32),
            pltpu.VMEM((BPW,), jnp.int32),
            pltpu.VMEM((NBUF, 32, 128), jnp.float32),
            pltpu.VMEM((NBUF, 32, 128), jnp.float32),
            pltpu.VMEM((4, 4, 8, 128), jnp.float32),
            pltpu.SemaphoreType.DMA((NBUF,)),
        ],
        compiler_params=pltpu.CompilerParams(
            use_tc_tiling_on_sc=True, needs_layout_passes=False),
    )(_gmf_body)
    return run(uidx, iidx, uemb, iemb)


def kernel(user_idx, item_idx, user_emb, item_emb):
    u3 = user_emb.T
    v3 = item_emb.T
    out4 = _gmf(user_idx.astype(jnp.int32), item_idx.astype(jnp.int32),
                u3, v3)
    return out4.transpose(1, 3, 0, 2).reshape(BATCH, EMBED_DIM)

# --- scband reference (transcript-rebuilt; emitter-appended) ---
"""Pipeline reference for scband-gmf-68478958567713 (READ-ONLY COPY).

The authoritative reference and input builder live on the scoring server;
editing this copy changes nothing except your own understanding.
"""

import jax, jax.numpy as jnp
import numpy as np

N_USERS = 1000000
N_ITEMS = 1000000
EMBED_DIM = 32
BATCH = 16384

def setup_inputs(seed: int = 0) -> dict:
    key = jax.random.key(seed)
    k1, k2, k3, k4 = jax.random.split(key, 4)
    user_idx = jax.random.randint(k1, (BATCH,), 0, N_USERS, dtype=jnp.int64 if jax.config.jax_enable_x64 else jnp.int32)
    item_idx = jax.random.randint(k2, (BATCH,), 0, N_ITEMS, dtype=jnp.int64 if jax.config.jax_enable_x64 else jnp.int32)
    user_emb = jax.random.normal(k3, (N_USERS, EMBED_DIM), dtype=jnp.float32) * 0.01
    item_emb = jax.random.normal(k4, (N_ITEMS, EMBED_DIM), dtype=jnp.float32) * 0.01
    return {"user_idx": user_idx, "item_idx": item_idx, "user_emb": user_emb, "item_emb": item_emb}

def reference(user_idx, item_idx, user_emb, item_emb):
    u = jnp.take(user_emb, user_idx, axis=0)
    v = jnp.take(item_emb, item_idx, axis=0)
    return u * v

if __name__ == "__main__":
    import jax
    _d = setup_inputs()
    print(jax.jit(kernel)(*tuple(_d.values())))

</pallas_src>

<mosaic_0001>
#map = affine_map<(d0, d1) -> (0)>
#map1 = affine_map<(d0, d1) -> (0, 0)>
#map2 = affine_map<(d0, d1) -> (0, 0, 0, 0)>
module attributes {stable_mosaic.version = 14 : i64} {
  func.func @_gmf_body(%arg0: i32, %arg1: i32, %arg2: memref<16384xi32, #tpu.memory_space<hbm>>, %arg3: memref<16384xi32, #tpu.memory_space<hbm>>, %arg4: memref<32x1000000xf32, #tpu.memory_space<hbm>>, %arg5: memref<32x1000000xf32, #tpu.memory_space<hbm>>, %arg6: memref<4x128x8x128xf32, #tpu.memory_space<hbm>>, %arg7: memref<512xi32, #tpu.memory_space<vmem>>, %arg8: memref<512xi32, #tpu.memory_space<vmem>>, %arg9: memref<8x32x128xf32, #tpu.memory_space<vmem>>, %arg10: memref<8x32x128xf32, #tpu.memory_space<vmem>>, %arg11: memref<4x4x8x128xf32, #tpu.memory_space<vmem>>, %arg12: memref<8x!tpu.dma_semaphore, #tpu.memory_space<semaphore_mem>>) attributes {dimension_semantics = [#tpu.dimension_semantics<core_parallel>, #tpu.dimension_semantics<subcore_parallel>], iteration_bounds = array<i64: 2, 16>, scalar_prefetch = 0 : i64, scratch_operands = 6 : i64, tpu.core_type = #tpu.core_type<sc_vector_subcore>, window_params = [{transform_indices = #map}, {transform_indices = #map}, {transform_indices = #map1}, {transform_indices = #map1}, {transform_indices = #map2}]} {
    %mul3A = arith.constant 2 : i32
    %mul3A_0 = arith.muli %arg1, %mul3A : i32
    %add3A = arith.addi %mul3A_0, %arg0 : i32
    %mul3A_1 = arith.constant 512 : i32
    %mul3A_2 = arith.muli %add3A, %mul3A_1 : i32
    "tpu.region"() ({
      %run_scoped3A_400 = tpu.sem_alloc : memref<!tpu.dma_semaphore, #tpu.memory_space<semaphore_mem>>
      %dma_start3A_401 = tpu.memref_slice %arg2[%mul3A_2] : memref<16384xi32, #tpu.memory_space<hbm>> -> memref<512xi32, #tpu.memory_space<hbm>>
      %dma_start3A_402 = tpu.memref_slice %arg2[%mul3A_2] : memref<16384xi32, #tpu.memory_space<hbm>> -> memref<512xi32, #tpu.memory_space<hbm>>
      tpu.enqueue_dma source(%dma_start3A_402 : memref<512xi32, #tpu.memory_space<hbm>>) target(%arg7 : memref<512xi32, #tpu.memory_space<vmem>>) target_semaphore(%run_scoped3A_400 : memref<!tpu.dma_semaphore, #tpu.memory_space<semaphore_mem>>)
      %dma_wait3A = tpu.memref_slice %arg2[%mul3A_2] : memref<16384xi32, #tpu.memory_space<hbm>> -> memref<512xi32, #tpu.memory_space<hbm>>
      %dma_wait3A_403 = tpu.memref_slice %arg2[%mul3A_2] : memref<16384xi32, #tpu.memory_space<hbm>> -> memref<512xi32, #tpu.memory_space<hbm>>
      tpu.wait_dma2 semaphore(%run_scoped3A_400 : memref<!tpu.dma_semaphore, #tpu.memory_space<semaphore_mem>>) src(%dma_wait3A_403 : memref<512xi32, #tpu.memory_space<hbm>>) dst(%arg7 : memref<512xi32, #tpu.memory_space<vmem>>)
      tpu.yield
    }) : () -> ()
    "tpu.region"() ({
      %run_scoped3A_400 = tpu.sem_alloc : memref<!tpu.dma_semaphore, #tpu.memory_space<semaphore_mem>>
      %dma_start3A_401 = tpu.memref_slice %arg3[%mul3A_2] : memref<16384xi32, #tpu.memory_space<hbm>> -> memref<512xi32, #tpu.memory_space<hbm>>
      %dma_start3A_402 = tpu.memref_slice %arg3[%mul3A_2] : memref<16384xi32, #tpu.memory_space<hbm>> -> memref<512xi32, #tpu.memory_space<hbm>>
      tpu.enqueue_dma source(%dma_start3A_402 : memref<512xi32, #tpu.memory_space<hbm>>) target(%arg8 : memref<512xi32, #tpu.memory_space<vmem>>) target_semaphore(%run_scoped3A_400 : memref<!tpu.dma_semaphore, #tpu.memory_space<semaphore_mem>>)
      %dma_wait3A = tpu.memref_slice %arg3[%mul3A_2] : memref<16384xi32, #tpu.memory_space<hbm>> -> memref<512xi32, #tpu.memory_space<hbm>>
      %dma_wait3A_403 = tpu.memref_slice %arg3[%mul3A_2] : memref<16384xi32, #tpu.memory_space<hbm>> -> memref<512xi32, #tpu.memory_space<hbm>>
      tpu.wait_dma2 semaphore(%run_scoped3A_400 : memref<!tpu.dma_semaphore, #tpu.memory_space<semaphore_mem>>) src(%dma_wait3A_403 : memref<512xi32, #tpu.memory_space<hbm>>) dst(%arg8 : memref<512xi32, #tpu.memory_space<vmem>>)
      tpu.yield
    }) : () -> ()
    %iota3A = tpu.iota {dimensions = array<i32: 0>} : vector<16xi32>
    %shift_right_arithmetic3A = arith.constant 3 : i32
    %shift_right_arithmetic3A_3 = vector.broadcast %shift_right_arithmetic3A : i32 to vector<16xi32>
    %shift_right_arithmetic3A_4 = arith.shrsi %iota3A, %shift_right_arithmetic3A_3 : vector<16xi32>
    %and3A = arith.constant 7 : i32
    %and3A_5 = vector.broadcast %and3A : i32 to vector<16xi32>
    %and3A_6 = arith.andi %iota3A, %and3A_5 : vector<16xi32>
    %add3A_7 = arith.constant 16 : i32
    %add3A_8 = vector.broadcast %add3A_7 : i32 to vector<16xi32>
    %add3A_9 = arith.addi %iota3A, %add3A_8 : vector<16xi32>
    %shift_right_arithmetic3A_10 = arith.constant 3 : i32
    %shift_right_arithmetic3A_11 = vector.broadcast %shift_right_arithmetic3A_10 : i32 to vector<16xi32>
    %shift_right_arithmetic3A_12 = arith.shrsi %add3A_9, %shift_right_arithmetic3A_11 : vector<16xi32>
    %get3A = arith.constant 0 : index
    %get3A_13 = tpu.vector_load %arg7[%get3A] {strides = array<i32>} : memref<512xi32, #tpu.memory_space<vmem>>, vector<16xi32>,
    %get3A_14 = arith.constant 0 : index
    %get3A_15 = tpu.vector_load %arg8[%get3A_14] {strides = array<i32>} : memref<512xi32, #tpu.memory_space<vmem>>, vector<16xi32>,
    %slice3A = vector.extract_strided_slice %get3A_13 {offsets = [0], sizes = [1], strides = [1]} : vector<16xi32> to vector<1xi32>
    %squeeze3A = vector.extract %slice3A[0] : i32 from vector<1xi32>
    %slice3A_16 = vector.extract_strided_slice %get3A_15 {offsets = [0], sizes = [1], strides = [1]} : vector<16xi32> to vector<1xi32>
    %squeeze3A_17 = vector.extract %slice3A_16[0] : i32 from vector<1xi32>
    %shift_right_arithmetic3A_18 = arith.constant 7 : i32
    %shift_right_arithmetic3A_19 = arith.shrsi %squeeze3A, %shift_right_arithmetic3A_18 : i32
    %mul3A_20 = arith.constant 128 : i32
    %mul3A_21 = arith.muli %shift_right_arithmetic3A_19, %mul3A_20 : i32
    %multiple_of3A = tpu.assume_multiple %mul3A_21, 128 : i32
    %dma_start3A = arith.constant 0 : i32
    %dma_start3A_22 = arith.constant 0 : i32
    %dma_start3A_23 = arith.constant 0 : i32
    %dma_start3A_24 = arith.constant 0 : i32
    %dma_start3A_25 = tpu.memref_slice %arg9[%dma_start3A, %dma_start3A_23, %dma_start3A_24] : memref<8x32x128xf32, #tpu.memory_space<vmem>> -> memref<1x32x128xf32, #tpu.memory_space<vmem>>
    %dma_start3A_26 = tpu.memref_squeeze %dma_start3A_25 : memref<1x32x128xf32, #tpu.memory_space<vmem>> -> memref<32x128xf32, #tpu.memory_space<vmem>>
    %dma_start3A_27 = arith.constant 0 : i32
    %dma_start3A_28 = tpu.memref_slice %arg4[%dma_start3A_27, %multiple_of3A] : memref<32x1000000xf32, #tpu.memory_space<hbm>> -> memref<32x128xf32, #tpu.memory_space<hbm>>
    %dma_start3A_29 = tpu.memref_slice %arg12[%dma_start3A_22] : memref<8x!tpu.dma_semaphore, #tpu.memory_space<semaphore_mem>> -> memref<1x!tpu.dma_semaphore, #tpu.memory_space<semaphore_mem>>
    %dma_start3A_30 = tpu.memref_squeeze %dma_start3A_29 : memref<1x!tpu.dma_semaphore, #tpu.memory_space<semaphore_mem>> -> memref<!tpu.dma_semaphore, #tpu.memory_space<semaphore_mem>>
    %dma_start3A_31 = arith.constant 0 : i32
    %dma_start3A_32 = arith.constant 0 : i32
    %dma_start3A_33 = tpu.memref_slice %arg9[%dma_start3A, %dma_start3A_31, %dma_start3A_32] : memref<8x32x128xf32, #tpu.memory_space<vmem>> -> memref<1x32x128xf32, #tpu.memory_space<vmem>>
    %dma_start3A_34 = tpu.memref_squeeze %dma_start3A_33 : memref<1x32x128xf32, #tpu.memory_space<vmem>> -> memref<32x128xf32, #tpu.memory_space<vmem>>
    %dma_start3A_35 = arith.constant 0 : i32
    %dma_start3A_36 = tpu.memref_slice %arg4[%dma_start3A_35, %multiple_of3A] : memref<32x1000000xf32, #tpu.memory_space<hbm>> -> memref<32x128xf32, #tpu.memory_space<hbm>>
    tpu.enqueue_dma source(%dma_start3A_36 : memref<32x128xf32, #tpu.memory_space<hbm>>) target(%dma_start3A_34 : memref<32x128xf32, #tpu.memory_space<vmem>>) target_semaphore(%dma_start3A_30 : memref<!tpu.dma_semaphore, #tpu.memory_space<semaphore_mem>>)
    %shift_right_arithmetic3A_37 = arith.constant 7 : i32
    %shift_right_arithmetic3A_38 = arith.shrsi %squeeze3A_17, %shift_right_arithmetic3A_37 : i32
    %mul3A_39 = arith.constant 128 : i32
    %mul3A_40 = arith.muli %shift_right_arithmetic3A_38, %mul3A_39 : i32
    %multiple_of3A_41 = tpu.assume_multiple %mul3A_40, 128 : i32
    %dma_start3A_42 = arith.constant 0 : i32
    %dma_start3A_43 = arith.constant 0 : i32
    %dma_start3A_44 = arith.constant 0 : i32
    %dma_start3A_45 = arith.constant 0 : i32
    %dma_start3A_46 = tpu.memref_slice %arg10[%dma_start3A_42, %dma_start3A_44, %dma_start3A_45] : memref<8x32x128xf32, #tpu.memory_space<vmem>> -> memref<1x32x128xf32, #tpu.memory_space<vmem>>
    %dma_start3A_47 = tpu.memref_squeeze %dma_start3A_46 : memref<1x32x128xf32, #tpu.memory_space<vmem>> -> memref<32x128xf32, #tpu.memory_space<vmem>>
    %dma_start3A_48 = arith.constant 0 : i32
    %dma_start3A_49 = tpu.memref_slice %arg5[%dma_start3A_48, %multiple_of3A_41] : memref<32x1000000xf32, #tpu.memory_space<hbm>> -> memref<32x128xf32, #tpu.memory_space<hbm>>
    %dma_start3A_50 = tpu.memref_slice %arg12[%dma_start3A_43] : memref<8x!tpu.dma_semaphore, #tpu.memory_space<semaphore_mem>> -> memref<1x!tpu.dma_semaphore, #tpu.memory_space<semaphore_mem>>
    %dma_start3A_51 = tpu.memref_squeeze %dma_start3A_50 : memref<1x!tpu.dma_semaphore, #tpu.memory_space<semaphore_mem>> -> memref<!tpu.dma_semaphore, #tpu.memory_space<semaphore_mem>>
    %dma_start3A_52 = arith.constant 0 : i32
    %dma_start3A_53 = arith.constant 0 : i32
    %dma_start3A_54 = tpu.memref_slice %arg10[%dma_start3A_42, %dma_start3A_52, %dma_start3A_53] : memref<8x32x128xf32, #tpu.memory_space<vmem>> -> memref<1x32x128xf32, #tpu.memory_space<vmem>>
    %dma_start3A_55 = tpu.memref_squeeze %dma_start3A_54 : memref<1x32x128xf32, #tpu.memory_space<vmem>> -> memref<32x128xf32, #tpu.memory_space<vmem>>
    %dma_start3A_56 = arith.constant 0 : i32
    %dma_start3A_57 = tpu.memref_slice %arg5[%dma_start3A_56, %multiple_of3A_41] : memref<32x1000000xf32, #tpu.memory_space<hbm>> -> memref<32x128xf32, #tpu.memory_space<hbm>>
    tpu.enqueue_dma source(%dma_start3A_57 : memref<32x128xf32, #tpu.memory_space<hbm>>) target(%dma_start3A_55 : memref<32x128xf32, #tpu.memory_space<vmem>>) target_semaphore(%dma_start3A_51 : memref<!tpu.dma_semaphore, #tpu.memory_space<semaphore_mem>>)
    %slice3A_58 = vector.extract_strided_slice %get3A_13 {offsets = [1], sizes = [1], strides = [1]} : vector<16xi32> to vector<1xi32>
    %squeeze3A_59 = vector.extract %slice3A_58[0] : i32 from vector<1xi32>
    %slice3A_60 = vector.extract_strided_slice %get3A_15 {offsets = [1], sizes = [1], strides = [1]} : vector<16xi32> to vector<1xi32>
    %squeeze3A_61 = vector.extract %slice3A_60[0] : i32 from vector<1xi32>
    %shift_right_arithmetic3A_62 = arith.constant 7 : i32
    %shift_right_arithmetic3A_63 = arith.shrsi %squeeze3A_59, %shift_right_arithmetic3A_62 : i32
    %mul3A_64 = arith.constant 128 : i32
    %mul3A_65 = arith.muli %shift_right_arithmetic3A_63, %mul3A_64 : i32
    %multiple_of3A_66 = tpu.assume_multiple %mul3A_65, 128 : i32
    %dma_start3A_67 = arith.constant 1 : i32
    %dma_start3A_68 = arith.constant 1 : i32
    %dma_start3A_69 = arith.constant 0 : i32
    %dma_start3A_70 = arith.constant 0 : i32
    %dma_start3A_71 = tpu.memref_slice %arg9[%dma_start3A_67, %dma_start3A_69, %dma_start3A_70] : memref<8x32x128xf32, #tpu.memory_space<vmem>> -> memref<1x32x128xf32, #tpu.memory_space<vmem>>
    %dma_start3A_72 = tpu.memref_squeeze %dma_start3A_71 : memref<1x32x128xf32, #tpu.memory_space<vmem>> -> memref<32x128xf32, #tpu.memory_space<vmem>>
    %dma_start3A_73 = arith.constant 0 : i32
    %dma_start3A_74 = tpu.memref_slice %arg4[%dma_start3A_73, %multiple_of3A_66] : memref<32x1000000xf32, #tpu.memory_space<hbm>> -> memref<32x128xf32, #tpu.memory_space<hbm>>
    %dma_start3A_75 = tpu.memref_slice %arg12[%dma_start3A_68] : memref<8x!tpu.dma_semaphore, #tpu.memory_space<semaphore_mem>> -> memref<1x!tpu.dma_semaphore, #tpu.memory_space<semaphore_mem>>
    %dma_start3A_76 = tpu.memref_squeeze %dma_start3A_75 : memref<1x!tpu.dma_semaphore, #tpu.memory_space<semaphore_mem>> -> memref<!tpu.dma_semaphore, #tpu.memory_space<semaphore_mem>>
    %dma_start3A_77 = arith.constant 0 : i32
    %dma_start3A_78 = arith.constant 0 : i32
    %dma_start3A_79 = tpu.memref_slice %arg9[%dma_start3A_67, %dma_start3A_77, %dma_start3A_78] : memref<8x32x128xf32, #tpu.memory_space<vmem>> -> memref<1x32x128xf32, #tpu.memory_space<vmem>>
    %dma_start3A_80 = tpu.memref_squeeze %dma_start3A_79 : memref<1x32x128xf32, #tpu.memory_space<vmem>> -> memref<32x128xf32, #tpu.memory_space<vmem>>
    %dma_start3A_81 = arith.constant 0 : i32
    %dma_start3A_82 = tpu.memref_slice %arg4[%dma_start3A_81, %multiple_of3A_66] : memref<32x1000000xf32, #tpu.memory_space<hbm>> -> memref<32x128xf32, #tpu.memory_space<hbm>>
    tpu.enqueue_dma source(%dma_start3A_82 : memref<32x128xf32, #tpu.memory_space<hbm>>) target(%dma_start3A_80 : memref<32x128xf32, #tpu.memory_space<vmem>>) target_semaphore(%dma_start3A_76 : memref<!tpu.dma_semaphore, #tpu.memory_space<semaphore_mem>>)
    %shift_right_arithmetic3A_83 = arith.constant 7 : i32
    %shift_right_arithmetic3A_84 = arith.shrsi %squeeze3A_61, %shift_right_arithmetic3A_83 : i32
    %mul3A_85 = arith.constant 128 : i32
    %mul3A_86 = arith.muli %shift_right_arithmetic3A_84, %mul3A_85 : i32
    %multiple_of3A_87 = tpu.assume_multiple %mul3A_86, 128 : i32
    %dma_start3A_88 = arith.constant 1 : i32
    %dma_start3A_89 = arith.constant 1 : i32
    %dma_start3A_90 = arith.constant 0 : i32
    %dma_start3A_91 = arith.constant 0 : i32
    %dma_start3A_92 = tpu.memref_slice %arg10[%dma_start3A_88, %dma_start3A_90, %dma_start3A_91] : memref<8x32x128xf32, #tpu.memory_space<vmem>> -> memref<1x32x128xf32, #tpu.memory_space<vmem>>
    %dma_start3A_93 = tpu.memref_squeeze %dma_start3A_92 : memref<1x32x128xf32, #tpu.memory_space<vmem>> -> memref<32x128xf32, #tpu.memory_space<vmem>>
    %dma_start3A_94 = arith.constant 0 : i32
    %dma_start3A_95 = tpu.memref_slice %arg5[%dma_start3A_94, %multiple_of3A_87] : memref<32x1000000xf32, #tpu.memory_space<hbm>> -> memref<32x128xf32, #tpu.memory_space<hbm>>
    %dma_start3A_96 = tpu.memref_slice %arg12[%dma_start3A_89] : memref<8x!tpu.dma_semaphore, #tpu.memory_space<semaphore_mem>> -> memref<1x!tpu.dma_semaphore, #tpu.memory_space<semaphore_mem>>
    %dma_start3A_97 = tpu.memref_squeeze %dma_start3A_96 : memref<1x!tpu.dma_semaphore, #tpu.memory_space<semaphore_mem>> -> memref<!tpu.dma_semaphore, #tpu.memory_space<semaphore_mem>>
    %dma_start3A_98 = arith.constant 0 : i32
    %dma_start3A_99 = arith.constant 0 : i32
    %dma_start3A_100 = tpu.memref_slice %arg10[%dma_start3A_88, %dma_start3A_98, %dma_start3A_99] : memref<8x32x128xf32, #tpu.memory_space<vmem>> -> memref<1x32x128xf32, #tpu.memory_space<vmem>>
    %dma_start3A_101 = tpu.memref_squeeze %dma_start3A_100 : memref<1x32x128xf32, #tpu.memory_space<vmem>> -> memref<32x128xf32, #tpu.memory_space<vmem>>
    %dma_start3A_102 = arith.constant 0 : i32
    %dma_start3A_103 = tpu.memref_slice %arg5[%dma_start3A_102, %multiple_of3A_87] : memref<32x1000000xf32, #tpu.memory_space<hbm>> -> memref<32x128xf32, #tpu.memory_space<hbm>>
    tpu.enqueue_dma source(%dma_start3A_103 : memref<32x128xf32, #tpu.memory_space<hbm>>) target(%dma_start3A_101 : memref<32x128xf32, #tpu.memory_space<vmem>>) target_semaphore(%dma_start3A_97 : memref<!tpu.dma_semaphore, #tpu.memory_space<semaphore_mem>>)
    %slice3A_104 = vector.extract_strided_slice %get3A_13 {offsets = [2], sizes = [1], strides = [1]} : vector<16xi32> to vector<1xi32>
    %squeeze3A_105 = vector.extract %slice3A_104[0] : i32 from vector<1xi32>
    %slice3A_106 = vector.extract_strided_slice %get3A_15 {offsets = [2], sizes = [1], strides = [1]} : vector<16xi32> to vector<1xi32>
    %squeeze3A_107 = vector.extract %slice3A_106[0] : i32 from vector<1xi32>
    %shift_right_arithmetic3A_108 = arith.constant 7 : i32
    %shift_right_arithmetic3A_109 = arith.shrsi %squeeze3A_105, %shift_right_arithmetic3A_108 : i32
    %mul3A_110 = arith.constant 128 : i32
    %mul3A_111 = arith.muli %shift_right_arithmetic3A_109, %mul3A_110 : i32
    %multiple_of3A_112 = tpu.assume_multiple %mul3A_111, 128 : i32
    %dma_start3A_113 = arith.constant 2 : i32
    %dma_start3A_114 = arith.constant 2 : i32
    %dma_start3A_115 = arith.constant 0 : i32
    %dma_start3A_116 = arith.constant 0 : i32
    %dma_start3A_117 = tpu.memref_slice %arg9[%dma_start3A_113, %dma_start3A_115, %dma_start3A_116] : memref<8x32x128xf32, #tpu.memory_space<vmem>> -> memref<1x32x128xf32, #tpu.memory_space<vmem>>
    %dma_start3A_118 = tpu.memref_squeeze %dma_start3A_117 : memref<1x32x128xf32, #tpu.memory_space<vmem>> -> memref<32x128xf32, #tpu.memory_space<vmem>>
    %dma_start3A_119 = arith.constant 0 : i32
    %dma_start3A_120 = tpu.memref_slice %arg4[%dma_start3A_119, %multiple_of3A_112] : memref<32x1000000xf32, #tpu.memory_space<hbm>> -> memref<32x128xf32, #tpu.memory_space<hbm>>
    %dma_start3A_121 = tpu.memref_slice %arg12[%dma_start3A_114] : memref<8x!tpu.dma_semaphore, #tpu.memory_space<semaphore_mem>> -> memref<1x!tpu.dma_semaphore, #tpu.memory_space<semaphore_mem>>
    %dma_start3A_122 = tpu.memref_squeeze %dma_start3A_121 : memref<1x!tpu.dma_semaphore, #tpu.memory_space<semaphore_mem>> -> memref<!tpu.dma_semaphore, #tpu.memory_space<semaphore_mem>>
    %dma_start3A_123 = arith.constant 0 : i32
    %dma_start3A_124 = arith.constant 0 : i32
    %dma_start3A_125 = tpu.memref_slice %arg9[%dma_start3A_113, %dma_start3A_123, %dma_start3A_124] : memref<8x32x128xf32, #tpu.memory_space<vmem>> -> memref<1x32x128xf32, #tpu.memory_space<vmem>>
    %dma_start3A_126 = tpu.memref_squeeze %dma_start3A_125 : memref<1x32x128xf32, #tpu.memory_space<vmem>> -> memref<32x128xf32, #tpu.memory_space<vmem>>
    %dma_start3A_127 = arith.constant 0 : i32
    %dma_start3A_128 = tpu.memref_slice %arg4[%dma_start3A_127, %multiple_of3A_112] : memref<32x1000000xf32, #tpu.memory_space<hbm>> -> memref<32x128xf32, #tpu.memory_space<hbm>>
    tpu.enqueue_dma source(%dma_start3A_128 : memref<32x128xf32, #tpu.memory_space<hbm>>) target(%dma_start3A_126 : memref<32x128xf32, #tpu.memory_space<vmem>>) target_semaphore(%dma_start3A_122 : memref<!tpu.dma_semaphore, #tpu.memory_space<semaphore_mem>>)
    %shift_right_arithmetic3A_129 = arith.constant 7 : i32
    %shift_right_arithmetic3A_130 = arith.shrsi %squeeze3A_107, %shift_right_arithmetic3A_129 : i32
    %mul3A_131 = arith.constant 128 : i32
    %mul3A_132 = arith.muli %shift_right_arithmetic3A_130, %mul3A_131 : i32
    %multiple_of3A_133 = tpu.assume_multiple %mul3A_132, 128 : i32
    %dma_start3A_134 = arith.constant 2 : i32
    %dma_start3A_135 = arith.constant 2 : i32
    %dma_start3A_136 = arith.constant 0 : i32
    %dma_start3A_137 = arith.constant 0 : i32
    %dma_start3A_138 = tpu.memref_slice %arg10[%dma_start3A_134, %dma_start3A_136, %dma_start3A_137] : memref<8x32x128xf32, #tpu.memory_space<vmem>> -> memref<1x32x128xf32, #tpu.memory_space<vmem>>
    %dma_start3A_139 = tpu.memref_squeeze %dma_start3A_138 : memref<1x32x128xf32, #tpu.memory_space<vmem>> -> memref<32x128xf32, #tpu.memory_space<vmem>>
    %dma_start3A_140 = arith.constant 0 : i32
    %dma_start3A_141 = tpu.memref_slice %arg5[%dma_start3A_140, %multiple_of3A_133] : memref<32x1000000xf32, #tpu.memory_space<hbm>> -> memref<32x128xf32, #tpu.memory_space<hbm>>
    %dma_start3A_142 = tpu.memref_slice %arg12[%dma_start3A_135] : memref<8x!tpu.dma_semaphore, #tpu.memory_space<semaphore_mem>> -> memref<1x!tpu.dma_semaphore, #tpu.memory_space<semaphore_mem>>
    %dma_start3A_143 = tpu.memref_squeeze %dma_start3A_142 : memref<1x!tpu.dma_semaphore, #tpu.memory_space<semaphore_mem>> -> memref<!tpu.dma_semaphore, #tpu.memory_space<semaphore_mem>>
    %dma_start3A_144 = arith.constant 0 : i32
    %dma_start3A_145 = arith.constant 0 : i32
    %dma_start3A_146 = tpu.memref_slice %arg10[%dma_start3A_134, %dma_start3A_144, %dma_start3A_145] : memref<8x32x128xf32, #tpu.memory_space<vmem>> -> memref<1x32x128xf32, #tpu.memory_space<vmem>>
    %dma_start3A_147 = tpu.memref_squeeze %dma_start3A_146 : memref<1x32x128xf32, #tpu.memory_space<vmem>> -> memref<32x128xf32, #tpu.memory_space<vmem>>
    %dma_start3A_148 = arith.constant 0 : i32
    %dma_start3A_149 = tpu.memref_slice %arg5[%dma_start3A_148, %multiple_of3A_133] : memref<32x1000000xf32, #tpu.memory_space<hbm>> -> memref<32x128xf32, #tpu.memory_space<hbm>>
    tpu.enqueue_dma source(%dma_start3A_149 : memref<32x128xf32, #tpu.memory_space<hbm>>) target(%dma_start3A_147 : memref<32x128xf32, #tpu.memory_space<vmem>>) target_semaphore(%dma_start3A_143 : memref<!tpu.dma_semaphore, #tpu.memory_space<semaphore_mem>>)
    %slice3A_150 = vector.extract_strided_slice %get3A_13 {offsets = [3], sizes = [1], strides = [1]} : vector<16xi32> to vector<1xi32>
    %squeeze3A_151 = vector.extract %slice3A_150[0] : i32 from vector<1xi32>
    %slice3A_152 = vector.extract_strided_slice %get3A_15 {offsets = [3], sizes = [1], strides = [1]} : vector<16xi32> to vector<1xi32>
    %squeeze3A_153 = vector.extract %slice3A_152[0] : i32 from vector<1xi32>
    %shift_right_arithmetic3A_154 = arith.constant 7 : i32
    %shift_right_arithmetic3A_155 = arith.shrsi %squeeze3A_151, %shift_right_arithmetic3A_154 : i32
    %mul3A_156 = arith.constant 128 : i32
    %mul3A_157 = arith.muli %shift_right_arithmetic3A_155, %mul3A_156 : i32
    %multiple_of3A_158 = tpu.assume_multiple %mul3A_157, 128 : i32
    %dma_start3A_159 = arith.constant 3 : i32
    %dma_start3A_160 = arith.constant 3 : i32
    %dma_start3A_161 = arith.constant 0 : i32
    %dma_start3A_162 = arith.constant 0 : i32
    %dma_start3A_163 = tpu.memref_slice %arg9[%dma_start3A_159, %dma_start3A_161, %dma_start3A_162] : memref<8x32x128xf32, #tpu.memory_space<vmem>> -> memref<1x32x128xf32, #tpu.memory_space<vmem>>
    %dma_start3A_164 = tpu.memref_squeeze %dma_start3A_163 : memref<1x32x128xf32, #tpu.memory_space<vmem>> -> memref<32x128xf32, #tpu.memory_space<vmem>>
    %dma_start3A_165 = arith.constant 0 : i32
    %dma_start3A_166 = tpu.memref_slice %arg4[%dma_start3A_165, %multiple_of3A_158] : memref<32x1000000xf32, #tpu.memory_space<hbm>> -> memref<32x128xf32, #tpu.memory_space<hbm>>
    %dma_start3A_167 = tpu.memref_slice %arg12[%dma_start3A_160] : memref<8x!tpu.dma_semaphore, #tpu.memory_space<semaphore_mem>> -> memref<1x!tpu.dma_semaphore, #tpu.memory_space<semaphore_mem>>
    %dma_start3A_168 = tpu.memref_squeeze %dma_start3A_167 : memref<1x!tpu.dma_semaphore, #tpu.memory_space<semaphore_mem>> -> memref<!tpu.dma_semaphore, #tpu.memory_space<semaphore_mem>>
    %dma_start3A_169 = arith.constant 0 : i32
    %dma_start3A_170 = arith.constant 0 : i32
    %dma_start3A_171 = tpu.memref_slice %arg9[%dma_start3A_159, %dma_start3A_169, %dma_start3A_170] : memref<8x32x128xf32, #tpu.memory_space<vmem>> -> memref<1x32x128xf32, #tpu.memory_space<vmem>>
    %dma_start3A_172 = tpu.memref_squeeze %dma_start3A_171 : memref<1x32x128xf32, #tpu.memory_space<vmem>> -> memref<32x128xf32, #tpu.memory_space<vmem>>
    %dma_start3A_173 = arith.constant 0 : i32
    %dma_start3A_174 = tpu.memref_slice %arg4[%dma_start3A_173, %multiple_of3A_158] : memref<32x1000000xf32, #tpu.memory_space<hbm>> -> memref<32x128xf32, #tpu.memory_space<hbm>>
    tpu.enqueue_dma source(%dma_start3A_174 : memref<32x128xf32, #tpu.memory_space<hbm>>) target(%dma_start3A_172 : memref<32x128xf32, #tpu.memory_space<vmem>>) target_semaphore(%dma_start3A_168 : memref<!tpu.dma_semaphore, #tpu.memory_space<semaphore_mem>>)
    %shift_right_arithmetic3A_175 = arith.constant 7 : i32
    %shift_right_arithmetic3A_176 = arith.shrsi %squeeze3A_153, %shift_right_arithmetic3A_175 : i32
    %mul3A_177 = arith.constant 128 : i32
    %mul3A_178 = arith.muli %shift_right_arithmetic3A_176, %mul3A_177 : i32
    %multiple_of3A_179 = tpu.assume_multiple %mul3A_178, 128 : i32
    %dma_start3A_180 = arith.constant 3 : i32
    %dma_start3A_181 = arith.constant 3 : i32
    %dma_start3A_182 = arith.constant 0 : i32
    %dma_start3A_183 = arith.constant 0 : i32
    %dma_start3A_184 = tpu.memref_slice %arg10[%dma_start3A_180, %dma_start3A_182, %dma_start3A_183] : memref<8x32x128xf32, #tpu.memory_space<vmem>> -> memref<1x32x128xf32, #tpu.memory_space<vmem>>
    %dma_start3A_185 = tpu.memref_squeeze %dma_start3A_184 : memref<1x32x128xf32, #tpu.memory_space<vmem>> -> memref<32x128xf32, #tpu.memory_space<vmem>>
    %dma_start3A_186 = arith.constant 0 : i32
    %dma_start3A_187 = tpu.memref_slice %arg5[%dma_start3A_186, %multiple_of3A_179] : memref<32x1000000xf32, #tpu.memory_space<hbm>> -> memref<32x128xf32, #tpu.memory_space<hbm>>
    %dma_start3A_188 = tpu.memref_slice %arg12[%dma_start3A_181] : memref<8x!tpu.dma_semaphore, #tpu.memory_space<semaphore_mem>> -> memref<1x!tpu.dma_semaphore, #tpu.memory_space<semaphore_mem>>
    %dma_start3A_189 = tpu.memref_squeeze %dma_start3A_188 : memref<1x!tpu.dma_semaphore, #tpu.memory_space<semaphore_mem>> -> memref<!tpu.dma_semaphore, #tpu.memory_space<semaphore_mem>>
    %dma_start3A_190 = arith.constant 0 : i32
    %dma_start3A_191 = arith.constant 0 : i32
    %dma_start3A_192 = tpu.memref_slice %arg10[%dma_start3A_180, %dma_start3A_190, %dma_start3A_191] : memref<8x32x128xf32, #tpu.memory_space<vmem>> -> memref<1x32x128xf32, #tpu.memory_space<vmem>>
    %dma_start3A_193 = tpu.memref_squeeze %dma_start3A_192 : memref<1x32x128xf32, #tpu.memory_space<vmem>> -> memref<32x128xf32, #tpu.memory_space<vmem>>
    %dma_start3A_194 = arith.constant 0 : i32
    %dma_start3A_195 = tpu.memref_slice %arg5[%dma_start3A_194, %multiple_of3A_179] : memref<32x1000000xf32, #tpu.memory_space<hbm>> -> memref<32x128xf32, #tpu.memory_space<hbm>>
    tpu.enqueue_dma source(%dma_start3A_195 : memref<32x128xf32, #tpu.memory_space<hbm>>) target(%dma_start3A_193 : memref<32x128xf32, #tpu.memory_space<vmem>>) target_semaphore(%dma_start3A_189 : memref<!tpu.dma_semaphore, #tpu.memory_space<semaphore_mem>>)
    %slice3A_196 = vector.extract_strided_slice %get3A_13 {offsets = [4], sizes = [1], strides = [1]} : vector<16xi32> to vector<1xi32>
    %squeeze3A_197 = vector.extract %slice3A_196[0] : i32 from vector<1xi32>
    %slice3A_198 = vector.extract_strided_slice %get3A_15 {offsets = [4], sizes = [1], strides = [1]} : vector<16xi32> to vector<1xi32>
    %squeeze3A_199 = vector.extract %slice3A_198[0] : i32 from vector<1xi32>
    %shift_right_arithmetic3A_200 = arith.constant 7 : i32
    %shift_right_arithmetic3A_201 = arith.shrsi %squeeze3A_197, %shift_right_arithmetic3A_200 : i32
    %mul3A_202 = arith.constant 128 : i32
    %mul3A_203 = arith.muli %shift_right_arithmetic3A_201, %mul3A_202 : i32
    %multiple_of3A_204 = tpu.assume_multiple %mul3A_203, 128 : i32
    %dma_start3A_205 = arith.constant 4 : i32
    %dma_start3A_206 = arith.constant 4 : i32
    %dma_start3A_207 = arith.constant 0 : i32
    %dma_start3A_208 = arith.constant 0 : i32
    %dma_start3A_209 = tpu.memref_slice %arg9[%dma_start3A_205, %dma_start3A_207, %dma_start3A_208] : memref<8x32x128xf32, #tpu.memory_space<vmem>> -> memref<1x32x128xf32, #tpu.memory_space<vmem>>
    %dma_start3A_210 = tpu.memref_squeeze %dma_start3A_209 : memref<1x32x128xf32, #tpu.memory_space<vmem>> -> memref<32x128xf32, #tpu.memory_space<vmem>>
    %dma_start3A_211 = arith.constant 0 : i32
    %dma_start3A_212 = tpu.memref_slice %arg4[%dma_start3A_211, %multiple_of3A_204] : memref<32x1000000xf32, #tpu.memory_space<hbm>> -> memref<32x128xf32, #tpu.memory_space<hbm>>
    %dma_start3A_213 = tpu.memref_slice %arg12[%dma_start3A_206] : memref<8x!tpu.dma_semaphore, #tpu.memory_space<semaphore_mem>> -> memref<1x!tpu.dma_semaphore, #tpu.memory_space<semaphore_mem>>
    %dma_start3A_214 = tpu.memref_squeeze %dma_start3A_213 : memref<1x!tpu.dma_semaphore, #tpu.memory_space<semaphore_mem>> -> memref<!tpu.dma_semaphore, #tpu.memory_space<semaphore_mem>>
    %dma_start3A_215 = arith.constant 0 : i32
    %dma_start3A_216 = arith.constant 0 : i32
    %dma_start3A_217 = tpu.memref_slice %arg9[%dma_start3A_205, %dma_start3A_215, %dma_start3A_216] : memref<8x32x128xf32, #tpu.memory_space<vmem>> -> memref<1x32x128xf32, #tpu.memory_space<vmem>>
    %dma_start3A_218 = tpu.memref_squeeze %dma_start3A_217 : memref<1x32x128xf32, #tpu.memory_space<vmem>> -> memref<32x128xf32, #tpu.memory_space<vmem>>
    %dma_start3A_219 = arith.constant 0 : i32
    %dma_start3A_220 = tpu.memref_slice %arg4[%dma_start3A_219, %multiple_of3A_204] : memref<32x1000000xf32, #tpu.memory_space<hbm>> -> memref<32x128xf32, #tpu.memory_space<hbm>>
    tpu.enqueue_dma source(%dma_start3A_220 : memref<32x128xf32, #tpu.memory_space<hbm>>) target(%dma_start3A_218 : memref<32x128xf32, #tpu.memory_space<vmem>>) target_semaphore(%dma_start3A_214 : memref<!tpu.dma_semaphore, #tpu.memory_space<semaphore_mem>>)
    %shift_right_arithmetic3A_221 = arith.constant 7 : i32
    %shift_right_arithmetic3A_222 = arith.shrsi %squeeze3A_199, %shift_right_arithmetic3A_221 : i32
    %mul3A_223 = arith.constant 128 : i32
    %mul3A_224 = arith.muli %shift_right_arithmetic3A_222, %mul3A_223 : i32
    %multiple_of3A_225 = tpu.assume_multiple %mul3A_224, 128 : i32
    %dma_start3A_226 = arith.constant 4 : i32
    %dma_start3A_227 = arith.constant 4 : i32
    %dma_start3A_228 = arith.constant 0 : i32
    %dma_start3A_229 = arith.constant 0 : i32
    %dma_start3A_230 = tpu.memref_slice %arg10[%dma_start3A_226, %dma_start3A_228, %dma_start3A_229] : memref<8x32x128xf32, #tpu.memory_space<vmem>> -> memref<1x32x128xf32, #tpu.memory_space<vmem>>
    %dma_start3A_231 = tpu.memref_squeeze %dma_start3A_230 : memref<1x32x128xf32, #tpu.memory_space<vmem>> -> memref<32x128xf32, #tpu.memory_space<vmem>>
    %dma_start3A_232 = arith.constant 0 : i32
    %dma_start3A_233 = tpu.memref_slice %arg5[%dma_start3A_232, %multiple_of3A_225] : memref<32x1000000xf32, #tpu.memory_space<hbm>> -> memref<32x128xf32, #tpu.memory_space<hbm>>
    %dma_start3A_234 = tpu.memref_slice %arg12[%dma_start3A_227] : memref<8x!tpu.dma_semaphore, #tpu.memory_space<semaphore_mem>> -> memref<1x!tpu.dma_semaphore, #tpu.memory_space<semaphore_mem>>
    %dma_start3A_235 = tpu.memref_squeeze %dma_start3A_234 : memref<1x!tpu.dma_semaphore, #tpu.memory_space<semaphore_mem>> -> memref<!tpu.dma_semaphore, #tpu.memory_space<semaphore_mem>>
    %dma_start3A_236 = arith.constant 0 : i32
    %dma_start3A_237 = arith.constant 0 : i32
    %dma_start3A_238 = tpu.memref_slice %arg10[%dma_start3A_226, %dma_start3A_236, %dma_start3A_237] : memref<8x32x128xf32, #tpu.memory_space<vmem>> -> memref<1x32x128xf32, #tpu.memory_space<vmem>>
    %dma_start3A_239 = tpu.memref_squeeze %dma_start3A_238 : memref<1x32x128xf32, #tpu.memory_space<vmem>> -> memref<32x128xf32, #tpu.memory_space<vmem>>
    %dma_start3A_240 = arith.constant 0 : i32
    %dma_start3A_241 = tpu.memref_slice %arg5[%dma_start3A_240, %multiple_of3A_225] : memref<32x1000000xf32, #tpu.memory_space<hbm>> -> memref<32x128xf32, #tpu.memory_space<hbm>>
    tpu.enqueue_dma source(%dma_start3A_241 : memref<32x128xf32, #tpu.memory_space<hbm>>) target(%dma_start3A_239 : memref<32x128xf32, #tpu.memory_space<vmem>>) target_semaphore(%dma_start3A_235 : memref<!tpu.dma_semaphore, #tpu.memory_space<semaphore_mem>>)
    %slice3A_242 = vector.extract_strided_slice %get3A_13 {offsets = [5], sizes = [1], strides = [1]} : vector<16xi32> to vector<1xi32>
    %squeeze3A_243 = vector.extract %slice3A_242[0] : i32 from vector<1xi32>
    %slice3A_244 = vector.extract_strided_slice %get3A_15 {offsets = [5], sizes = [1], strides = [1]} : vector<16xi32> to vector<1xi32>
    %squeeze3A_245 = vector.extract %slice3A_244[0] : i32 from vector<1xi32>
    %shift_right_arithmetic3A_246 = arith.constant 7 : i32
    %shift_right_arithmetic3A_247 = arith.shrsi %squeeze3A_243, %shift_right_arithmetic3A_246 : i32
    %mul3A_248 = arith.constant 128 : i32
    %mul3A_249 = arith.muli %shift_right_arithmetic3A_247, %mul3A_248 : i32
    %multiple_of3A_250 = tpu.assume_multiple %mul3A_249, 128 : i32
    %dma_start3A_251 = arith.constant 5 : i32
    %dma_start3A_252 = arith.constant 5 : i32
    %dma_start3A_253 = arith.constant 0 : i32
    %dma_start3A_254 = arith.constant 0 : i32
    %dma_start3A_255 = tpu.memref_slice %arg9[%dma_start3A_251, %dma_start3A_253, %dma_start3A_254] : memref<8x32x128xf32, #tpu.memory_space<vmem>> -> memref<1x32x128xf32, #tpu.memory_space<vmem>>
    %dma_start3A_256 = tpu.memref_squeeze %dma_start3A_255 : memref<1x32x128xf32, #tpu.memory_space<vmem>> -> memref<32x128xf32, #tpu.memory_space<vmem>>
    %dma_start3A_257 = arith.constant 0 : i32
    %dma_start3A_258 = tpu.memref_slice %arg4[%dma_start3A_257, %multiple_of3A_250] : memref<32x1000000xf32, #tpu.memory_space<hbm>> -> memref<32x128xf32, #tpu.memory_space<hbm>>
    %dma_start3A_259 = tpu.memref_slice %arg12[%dma_start3A_252] : memref<8x!tpu.dma_semaphore, #tpu.memory_space<semaphore_mem>> -> memref<1x!tpu.dma_semaphore, #tpu.memory_space<semaphore_mem>>
    %dma_start3A_260 = tpu.memref_squeeze %dma_start3A_259 : memref<1x!tpu.dma_semaphore, #tpu.memory_space<semaphore_mem>> -> memref<!tpu.dma_semaphore, #tpu.memory_space<semaphore_mem>>
    %dma_start3A_261 = arith.constant 0 : i32
    %dma_start3A_262 = arith.constant 0 : i32
    %dma_start3A_263 = tpu.memref_slice %arg9[%dma_start3A_251, %dma_start3A_261, %dma_start3A_262] : memref<8x32x128xf32, #tpu.memory_space<vmem>> -> memref<1x32x128xf32, #tpu.memory_space<vmem>>
    %dma_start3A_264 = tpu.memref_squeeze %dma_start3A_263 : memref<1x32x128xf32, #tpu.memory_space<vmem>> -> memref<32x128xf32, #tpu.memory_space<vmem>>
    %dma_start3A_265 = arith.constant 0 : i32
    %dma_start3A_266 = tpu.memref_slice %arg4[%dma_start3A_265, %multiple_of3A_250] : memref<32x1000000xf32, #tpu.memory_space<hbm>> -> memref<32x128xf32, #tpu.memory_space<hbm>>
    tpu.enqueue_dma source(%dma_start3A_266 : memref<32x128xf32, #tpu.memory_space<hbm>>) target(%dma_start3A_264 : memref<32x128xf32, #tpu.memory_space<vmem>>) target_semaphore(%dma_start3A_260 : memref<!tpu.dma_semaphore, #tpu.memory_space<semaphore_mem>>)
    %shift_right_arithmetic3A_267 = arith.constant 7 : i32
    %shift_right_arithmetic3A_268 = arith.shrsi %squeeze3A_245, %shift_right_arithmetic3A_267 : i32
    %mul3A_269 = arith.constant 128 : i32
    %mul3A_270 = arith.muli %shift_right_arithmetic3A_268, %mul3A_269 : i32
    %multiple_of3A_271 = tpu.assume_multiple %mul3A_270, 128 : i32
    %dma_start3A_272 = arith.constant 5 : i32
    %dma_start3A_273 = arith.constant 5 : i32
    %dma_start3A_274 = arith.constant 0 : i32
    %dma_start3A_275 = arith.constant 0 : i32
    %dma_start3A_276 = tpu.memref_slice %arg10[%dma_start3A_272, %dma_start3A_274, %dma_start3A_275] : memref<8x32x128xf32, #tpu.memory_space<vmem>> -> memref<1x32x128xf32, #tpu.memory_space<vmem>>
    %dma_start3A_277 = tpu.memref_squeeze %dma_start3A_276 : memref<1x32x128xf32, #tpu.memory_space<vmem>> -> memref<32x128xf32, #tpu.memory_space<vmem>>
    %dma_start3A_278 = arith.constant 0 : i32
    %dma_start3A_279 = tpu.memref_slice %arg5[%dma_start3A_278, %multiple_of3A_271] : memref<32x1000000xf32, #tpu.memory_space<hbm>> -> memref<32x128xf32, #tpu.memory_space<hbm>>
    %dma_start3A_280 = tpu.memref_slice %arg12[%dma_start3A_273] : memref<8x!tpu.dma_semaphore, #tpu.memory_space<semaphore_mem>> -> memref<1x!tpu.dma_semaphore, #tpu.memory_space<semaphore_mem>>
    %dma_start3A_281 = tpu.memref_squeeze %dma_start3A_280 : memref<1x!tpu.dma_semaphore, #tpu.memory_space<semaphore_mem>> -> memref<!tpu.dma_semaphore, #tpu.memory_space<semaphore_mem>>
    %dma_start3A_282 = arith.constant 0 : i32
    %dma_start3A_283 = arith.constant 0 : i32
    %dma_start3A_284 = tpu.memref_slice %arg10[%dma_start3A_272, %dma_start3A_282, %dma_start3A_283] : memref<8x32x128xf32, #tpu.memory_space<vmem>> -> memref<1x32x128xf32, #tpu.memory_space<vmem>>
    %dma_start3A_285 = tpu.memref_squeeze %dma_start3A_284 : memref<1x32x128xf32, #tpu.memory_space<vmem>> -> memref<32x128xf32, #tpu.memory_space<vmem>>
    %dma_start3A_286 = arith.constant 0 : i32
    %dma_start3A_287 = tpu.memref_slice %arg5[%dma_start3A_286, %multiple_of3A_271] : memref<32x1000000xf32, #tpu.memory_space<hbm>> -> memref<32x128xf32, #tpu.memory_space<hbm>>
    tpu.enqueue_dma source(%dma_start3A_287 : memref<32x128xf32, #tpu.memory_space<hbm>>) target(%dma_start3A_285 : memref<32x128xf32, #tpu.memory_space<vmem>>) target_semaphore(%dma_start3A_281 : memref<!tpu.dma_semaphore, #tpu.memory_space<semaphore_mem>>)
    %slice3A_288 = vector.extract_strided_slice %get3A_13 {offsets = [6], sizes = [1], strides = [1]} : vector<16xi32> to vector<1xi32>
    %squeeze3A_289 = vector.extract %slice3A_288[0] : i32 from vector<1xi32>
    %slice3A_290 = vector.extract_strided_slice %get3A_15 {offsets = [6], sizes = [1], strides = [1]} : vector<16xi32> to vector<1xi32>
    %squeeze3A_291 = vector.extract %slice3A_290[0] : i32 from vector<1xi32>
    %shift_right_arithmetic3A_292 = arith.constant 7 : i32
    %shift_right_arithmetic3A_293 = arith.shrsi %squeeze3A_289, %shift_right_arithmetic3A_292 : i32
    %mul3A_294 = arith.constant 128 : i32
    %mul3A_295 = arith.muli %shift_right_arithmetic3A_293, %mul3A_294 : i32
    %multiple_of3A_296 = tpu.assume_multiple %mul3A_295, 128 : i32
    %dma_start3A_297 = arith.constant 6 : i32
    %dma_start3A_298 = arith.constant 6 : i32
    %dma_start3A_299 = arith.constant 0 : i32
    %dma_start3A_300 = arith.constant 0 : i32
    %dma_start3A_301 = tpu.memref_slice %arg9[%dma_start3A_297, %dma_start3A_299, %dma_start3A_300] : memref<8x32x128xf32, #tpu.memory_space<vmem>> -> memref<1x32x128xf32, #tpu.memory_space<vmem>>
    %dma_start3A_302 = tpu.memref_squeeze %dma_start3A_301 : memref<1x32x128xf32, #tpu.memory_space<vmem>> -> memref<32x128xf32, #tpu.memory_space<vmem>>
    %dma_start3A_303 = arith.constant 0 : i32
    %dma_start3A_304 = tpu.memref_slice %arg4[%dma_start3A_303, %multiple_of3A_296] : memref<32x1000000xf32, #tpu.memory_space<hbm>> -> memref<32x128xf32, #tpu.memory_space<hbm>>
    %dma_start3A_305 = tpu.memref_slice %arg12[%dma_start3A_298] : memref<8x!tpu.dma_semaphore, #tpu.memory_space<semaphore_mem>> -> memref<1x!tpu.dma_semaphore, #tpu.memory_space<semaphore_mem>>
    %dma_start3A_306 = tpu.memref_squeeze %dma_start3A_305 : memref<1x!tpu.dma_semaphore, #tpu.memory_space<semaphore_mem>> -> memref<!tpu.dma_semaphore, #tpu.memory_space<semaphore_mem>>
    %dma_start3A_307 = arith.constant 0 : i32
    %dma_start3A_308 = arith.constant 0 : i32
    %dma_start3A_309 = tpu.memref_slice %arg9[%dma_start3A_297, %dma_start3A_307, %dma_start3A_308] : memref<8x32x128xf32, #tpu.memory_space<vmem>> -> memref<1x32x128xf32, #tpu.memory_space<vmem>>
    %dma_start3A_310 = tpu.memref_squeeze %dma_start3A_309 : memref<1x32x128xf32, #tpu.memory_space<vmem>> -> memref<32x128xf32, #tpu.memory_space<vmem>>
    %dma_start3A_311 = arith.constant 0 : i32
    %dma_start3A_312 = tpu.memref_slice %arg4[%dma_start3A_311, %multiple_of3A_296] : memref<32x1000000xf32, #tpu.memory_space<hbm>> -> memref<32x128xf32, #tpu.memory_space<hbm>>
    tpu.enqueue_dma source(%dma_start3A_312 : memref<32x128xf32, #tpu.memory_space<hbm>>) target(%dma_start3A_310 : memref<32x128xf32, #tpu.memory_space<vmem>>) target_semaphore(%dma_start3A_306 : memref<!tpu.dma_semaphore, #tpu.memory_space<semaphore_mem>>)
    %shift_right_arithmetic3A_313 = arith.constant 7 : i32
    %shift_right_arithmetic3A_314 = arith.shrsi %squeeze3A_291, %shift_right_arithmetic3A_313 : i32
    %mul3A_315 = arith.constant 128 : i32
    %mul3A_316 = arith.muli %shift_right_arithmetic3A_314, %mul3A_315 : i32
    %multiple_of3A_317 = tpu.assume_multiple %mul3A_316, 128 : i32
    %dma_start3A_318 = arith.constant 6 : i32
    %dma_start3A_319 = arith.constant 6 : i32
    %dma_start3A_320 = arith.constant 0 : i32
    %dma_start3A_321 = arith.constant 0 : i32
    %dma_start3A_322 = tpu.memref_slice %arg10[%dma_start3A_318, %dma_start3A_320, %dma_start3A_321] : memref<8x32x128xf32, #tpu.memory_space<vmem>> -> memref<1x32x128xf32, #tpu.memory_space<vmem>>
    %dma_start3A_323 = tpu.memref_squeeze %dma_start3A_322 : memref<1x32x128xf32, #tpu.memory_space<vmem>> -> memref<32x128xf32, #tpu.memory_space<vmem>>
    %dma_start3A_324 = arith.constant 0 : i32
    %dma_start3A_325 = tpu.memref_slice %arg5[%dma_start3A_324, %multiple_of3A_317] : memref<32x1000000xf32, #tpu.memory_space<hbm>> -> memref<32x128xf32, #tpu.memory_space<hbm>>
    %dma_start3A_326 = tpu.memref_slice %arg12[%dma_start3A_319] : memref<8x!tpu.dma_semaphore, #tpu.memory_space<semaphore_mem>> -> memref<1x!tpu.dma_semaphore, #tpu.memory_space<semaphore_mem>>
    %dma_start3A_327 = tpu.memref_squeeze %dma_start3A_326 : memref<1x!tpu.dma_semaphore, #tpu.memory_space<semaphore_mem>> -> memref<!tpu.dma_semaphore, #tpu.memory_space<semaphore_mem>>
    %dma_start3A_328 = arith.constant 0 : i32
    %dma_start3A_329 = arith.constant 0 : i32
    %dma_start3A_330 = tpu.memref_slice %arg10[%dma_start3A_318, %dma_start3A_328, %dma_start3A_329] : memref<8x32x128xf32, #tpu.memory_space<vmem>> -> memref<1x32x128xf32, #tpu.memory_space<vmem>>
    %dma_start3A_331 = tpu.memref_squeeze %dma_start3A_330 : memref<1x32x128xf32, #tpu.memory_space<vmem>> -> memref<32x128xf32, #tpu.memory_space<vmem>>
    %dma_start3A_332 = arith.constant 0 : i32
    %dma_start3A_333 = tpu.memref_slice %arg5[%dma_start3A_332, %multiple_of3A_317] : memref<32x1000000xf32, #tpu.memory_space<hbm>> -> memref<32x128xf32, #tpu.memory_space<hbm>>
    tpu.enqueue_dma source(%dma_start3A_333 : memref<32x128xf32, #tpu.memory_space<hbm>>) target(%dma_start3A_331 : memref<32x128xf32, #tpu.memory_space<vmem>>) target_semaphore(%dma_start3A_327 : memref<!tpu.dma_semaphore, #tpu.memory_space<semaphore_mem>>)
    %slice3A_334 = vector.extract_strided_slice %get3A_13 {offsets = [7], sizes = [1], strides = [1]} : vector<16xi32> to vector<1xi32>
    %squeeze3A_335 = vector.extract %slice3A_334[0] : i32 from vector<1xi32>
    %slice3A_336 = vector.extract_strided_slice %get3A_15 {offsets = [7], sizes = [1], strides = [1]} : vector<16xi32> to vector<1xi32>
    %squeeze3A_337 = vector.extract %slice3A_336[0] : i32 from vector<1xi32>
    %shift_right_arithmetic3A_338 = arith.constant 7 : i32
    %shift_right_arithmetic3A_339 = arith.shrsi %squeeze3A_335, %shift_right_arithmetic3A_338 : i32
    %mul3A_340 = arith.constant 128 : i32
    %mul3A_341 = arith.muli %shift_right_arithmetic3A_339, %mul3A_340 : i32
    %multiple_of3A_342 = tpu.assume_multiple %mul3A_341, 128 : i32
    %dma_start3A_343 = arith.constant 7 : i32
    %dma_start3A_344 = arith.constant 7 : i32
    %dma_start3A_345 = arith.constant 0 : i32
    %dma_start3A_346 = arith.constant 0 : i32
    %dma_start3A_347 = tpu.memref_slice %arg9[%dma_start3A_343, %dma_start3A_345, %dma_start3A_346] : memref<8x32x128xf32, #tpu.memory_space<vmem>> -> memref<1x32x128xf32, #tpu.memory_space<vmem>>
    %dma_start3A_348 = tpu.memref_squeeze %dma_start3A_347 : memref<1x32x128xf32, #tpu.memory_space<vmem>> -> memref<32x128xf32, #tpu.memory_space<vmem>>
    %dma_start3A_349 = arith.constant 0 : i32
    %dma_start3A_350 = tpu.memref_slice %arg4[%dma_start3A_349, %multiple_of3A_342] : memref<32x1000000xf32, #tpu.memory_space<hbm>> -> memref<32x128xf32, #tpu.memory_space<hbm>>
    %dma_start3A_351 = tpu.memref_slice %arg12[%dma_start3A_344] : memref<8x!tpu.dma_semaphore, #tpu.memory_space<semaphore_mem>> -> memref<1x!tpu.dma_semaphore, #tpu.memory_space<semaphore_mem>>
    %dma_start3A_352 = tpu.memref_squeeze %dma_start3A_351 : memref<1x!tpu.dma_semaphore, #tpu.memory_space<semaphore_mem>> -> memref<!tpu.dma_semaphore, #tpu.memory_space<semaphore_mem>>
    %dma_start3A_353 = arith.constant 0 : i32
    %dma_start3A_354 = arith.constant 0 : i32
    %dma_start3A_355 = tpu.memref_slice %arg9[%dma_start3A_343, %dma_start3A_353, %dma_start3A_354] : memref<8x32x128xf32, #tpu.memory_space<vmem>> -> memref<1x32x128xf32, #tpu.memory_space<vmem>>
    %dma_start3A_356 = tpu.memref_squeeze %dma_start3A_355 : memref<1x32x128xf32, #tpu.memory_space<vmem>> -> memref<32x128xf32, #tpu.memory_space<vmem>>
    %dma_start3A_357 = arith.constant 0 : i32
    %dma_start3A_358 = tpu.memref_slice %arg4[%dma_start3A_357, %multiple_of3A_342] : memref<32x1000000xf32, #tpu.memory_space<hbm>> -> memref<32x128xf32, #tpu.memory_space<hbm>>
    tpu.enqueue_dma source(%dma_start3A_358 : memref<32x128xf32, #tpu.memory_space<hbm>>) target(%dma_start3A_356 : memref<32x128xf32, #tpu.memory_space<vmem>>) target_semaphore(%dma_start3A_352 : memref<!tpu.dma_semaphore, #tpu.memory_space<semaphore_mem>>)
    %shift_right_arithmetic3A_359 = arith.constant 7 : i32
    %shift_right_arithmetic3A_360 = arith.shrsi %squeeze3A_337, %shift_right_arithmetic3A_359 : i32
    %mul3A_361 = arith.constant 128 : i32
    %mul3A_362 = arith.muli %shift_right_arithmetic3A_360, %mul3A_361 : i32
    %multiple_of3A_363 = tpu.assume_multiple %mul3A_362, 128 : i32
    %dma_start3A_364 = arith.constant 7 : i32
    %dma_start3A_365 = arith.constant 7 : i32
    %dma_start3A_366 = arith.constant 0 : i32
    %dma_start3A_367 = arith.constant 0 : i32
    %dma_start3A_368 = tpu.memref_slice %arg10[%dma_start3A_364, %dma_start3A_366, %dma_start3A_367] : memref<8x32x128xf32, #tpu.memory_space<vmem>> -> memref<1x32x128xf32, #tpu.memory_space<vmem>>
    %dma_start3A_369 = tpu.memref_squeeze %dma_start3A_368 : memref<1x32x128xf32, #tpu.memory_space<vmem>> -> memref<32x128xf32, #tpu.memory_space<vmem>>
    %dma_start3A_370 = arith.constant 0 : i32
    %dma_start3A_371 = tpu.memref_slice %arg5[%dma_start3A_370, %multiple_of3A_363] : memref<32x1000000xf32, #tpu.memory_space<hbm>> -> memref<32x128xf32, #tpu.memory_space<hbm>>
    %dma_start3A_372 = tpu.memref_slice %arg12[%dma_start3A_365] : memref<8x!tpu.dma_semaphore, #tpu.memory_space<semaphore_mem>> -> memref<1x!tpu.dma_semaphore, #tpu.memory_space<semaphore_mem>>
    %dma_start3A_373 = tpu.memref_squeeze %dma_start3A_372 : memref<1x!tpu.dma_semaphore, #tpu.memory_space<semaphore_mem>> -> memref<!tpu.dma_semaphore, #tpu.memory_space<semaphore_mem>>
    %dma_start3A_374 = arith.constant 0 : i32
    %dma_start3A_375 = arith.constant 0 : i32
    %dma_start3A_376 = tpu.memref_slice %arg10[%dma_start3A_364, %dma_start3A_374, %dma_start3A_375] : memref<8x32x128xf32, #tpu.memory_space<vmem>> -> memref<1x32x128xf32, #tpu.memory_space<vmem>>
    %dma_start3A_377 = tpu.memref_squeeze %dma_start3A_376 : memref<1x32x128xf32, #tpu.memory_space<vmem>> -> memref<32x128xf32, #tpu.memory_space<vmem>>
    %dma_start3A_378 = arith.constant 0 : i32
    %dma_start3A_379 = tpu.memref_slice %arg5[%dma_start3A_378, %multiple_of3A_363] : memref<32x1000000xf32, #tpu.memory_space<hbm>> -> memref<32x128xf32, #tpu.memory_space<hbm>>
    tpu.enqueue_dma source(%dma_start3A_379 : memref<32x128xf32, #tpu.memory_space<hbm>>) target(%dma_start3A_377 : memref<32x128xf32, #tpu.memory_space<vmem>>) target_semaphore(%dma_start3A_373 : memref<!tpu.dma_semaphore, #tpu.memory_space<semaphore_mem>>)
    %scan3A = arith.constant 0 : i32
    %scan3A_380 = arith.constant 0 : i32
    %scan3A_381 = arith.constant 32 : i32
    %scan3A_382 = arith.addi %scan3A_380, %scan3A_381 : i32
    %scan3A_383 = arith.constant 1 : i32
    scf.for %scan3A_400 = %scan3A_380 to %scan3A_382 step %scan3A_383  : i32 {
      %mul3A_401 = arith.constant 16 : i32
      %mul3A_402 = arith.muli %scan3A_400, %mul3A_401 : i32
      %get3A_403 = arith.index_cast %mul3A_402 : i32 to index
      %get3A_404 = tpu.vector_load %arg7[%get3A_403] {strides = array<i32>} : memref<512xi32, #tpu.memory_space<vmem>>, vector<16xi32>,
      %mul3A_405 = arith.constant 16 : i32
      %mul3A_406 = arith.muli %scan3A_400, %mul3A_405 : i32
      %get3A_407 = arith.index_cast %mul3A_406 : i32 to index
      %get3A_408 = tpu.vector_load %arg8[%get3A_407] {strides = array<i32>} : memref<512xi32, #tpu.memory_space<vmem>>, vector<16xi32>,
      %add3A_409 = arith.constant 1 : i32
      %add3A_410 = arith.addi %scan3A_400, %add3A_409 : i32
      %mul3A_411 = arith.constant 16 : i32
      %mul3A_412 = arith.muli %add3A_410, %mul3A_411 : i32
      %min3A = arith.constant 496 : i32
      %min3A_413 = arith.minsi %mul3A_412, %min3A : i32
      %get3A_414 = arith.index_cast %min3A_413 : i32 to index
      %get3A_415 = tpu.vector_load %arg7[%get3A_414] {strides = array<i32>} : memref<512xi32, #tpu.memory_space<vmem>>, vector<16xi32>,
      %get3A_416 = arith.index_cast %min3A_413 : i32 to index
      %get3A_417 = tpu.vector_load %arg8[%get3A_416] {strides = array<i32>} : memref<512xi32, #tpu.memory_space<vmem>>, vector<16xi32>,
      %mul3A_418 = arith.constant 16 : i32
      %mul3A_419 = arith.muli %scan3A_400, %mul3A_418 : i32
      %add3A_420 = arith.constant 0 : i32
      %add3A_421 = arith.addi %mul3A_419, %add3A_420 : i32
      %dma_wait3A = arith.constant 0 : i32
      %dma_wait3A_422 = arith.constant 0 : i32
      %dma_wait3A_423 = arith.constant 0 : i32
      %dma_wait3A_424 = arith.constant 0 : i32
      %dma_wait3A_425 = tpu.memref_slice %arg9[%dma_wait3A, %dma_wait3A_423, %dma_wait3A_424] : memref<8x32x128xf32, #tpu.memory_space<vmem>> -> memref<1x32x128xf32, #tpu.memory_space<vmem>>
      %dma_wait3A_426 = tpu.memref_squeeze %dma_wait3A_425 : memref<1x32x128xf32, #tpu.memory_space<vmem>> -> memref<32x128xf32, #tpu.memory_space<vmem>>
      %dma_wait3A_427 = arith.constant 0 : i32
      %dma_wait3A_428 = arith.constant 0 : i32
      %dma_wait3A_429 = tpu.memref_slice %arg4[%dma_wait3A_427, %dma_wait3A_428] : memref<32x1000000xf32, #tpu.memory_space<hbm>> -> memref<32x128xf32, #tpu.memory_space<hbm>>
      %dma_wait3A_430 = tpu.memref_slice %arg12[%dma_wait3A_422] : memref<8x!tpu.dma_semaphore, #tpu.memory_space<semaphore_mem>> -> memref<1x!tpu.dma_semaphore, #tpu.memory_space<semaphore_mem>>
      %dma_wait3A_431 = tpu.memref_squeeze %dma_wait3A_430 : memref<1x!tpu.dma_semaphore, #tpu.memory_space<semaphore_mem>> -> memref<!tpu.dma_semaphore, #tpu.memory_space<semaphore_mem>>
      %dma_wait3A_432 = arith.constant 0 : i32
      %dma_wait3A_433 = arith.constant 0 : i32
      %dma_wait3A_434 = tpu.memref_slice %arg9[%dma_wait3A, %dma_wait3A_432, %dma_wait3A_433] : memref<8x32x128xf32, #tpu.memory_space<vmem>> -> memref<1x32x128xf32, #tpu.memory_space<vmem>>
      %dma_wait3A_435 = tpu.memref_squeeze %dma_wait3A_434 : memref<1x32x128xf32, #tpu.memory_space<vmem>> -> memref<32x128xf32, #tpu.memory_space<vmem>>
      %dma_wait3A_436 = arith.constant 0 : i32
      %dma_wait3A_437 = arith.constant 0 : i32
      %dma_wait3A_438 = tpu.memref_slice %arg4[%dma_wait3A_436, %dma_wait3A_437] : memref<32x1000000xf32, #tpu.memory_space<hbm>> -> memref<32x128xf32, #tpu.memory_space<hbm>>
      tpu.wait_dma2 semaphore(%dma_wait3A_431 : memref<!tpu.dma_semaphore, #tpu.memory_space<semaphore_mem>>) src(%dma_wait3A_438 : memref<32x128xf32, #tpu.memory_space<hbm>>) dst(%dma_wait3A_435 : memref<32x128xf32, #tpu.memory_space<vmem>>)
      %dma_wait3A_439 = arith.constant 0 : i32
      %dma_wait3A_440 = arith.constant 0 : i32
      %dma_wait3A_441 = arith.constant 0 : i32
      %dma_wait3A_442 = arith.constant 0 : i32
      %dma_wait3A_443 = tpu.memref_slice %arg10[%dma_wait3A_439, %dma_wait3A_441, %dma_wait3A_442] : memref<8x32x128xf32, #tpu.memory_space<vmem>> -> memref<1x32x128xf32, #tpu.memory_space<vmem>>
      %dma_wait3A_444 = tpu.memref_squeeze %dma_wait3A_443 : memref<1x32x128xf32, #tpu.memory_space<vmem>> -> memref<32x128xf32, #tpu.memory_space<vmem>>
      %dma_wait3A_445 = arith.constant 0 : i32
      %dma_wait3A_446 = arith.constant 0 : i32
      %dma_wait3A_447 = tpu.memref_slice %arg5[%dma_wait3A_445, %dma_wait3A_446] : memref<32x1000000xf32, #tpu.memory_space<hbm>> -> memref<32x128xf32, #tpu.memory_space<hbm>>
      %dma_wait3A_448 = tpu.memref_slice %arg12[%dma_wait3A_440] : memref<8x!tpu.dma_semaphore, #tpu.memory_space<semaphore_mem>> -> memref<1x!tpu.dma_semaphore, #tpu.memory_space<semaphore_mem>>
      %dma_wait3A_449 = tpu.memref_squeeze %dma_wait3A_448 : memref<1x!tpu.dma_semaphore, #tpu.memory_space<semaphore_mem>> -> memref<!tpu.dma_semaphore, #tpu.memory_space<semaphore_mem>>
      %dma_wait3A_450 = arith.constant 0 : i32
      %dma_wait3A_451 = arith.constant 0 : i32
      %dma_wait3A_452 = tpu.memref_slice %arg10[%dma_wait3A_439, %dma_wait3A_450, %dma_wait3A_451] : memref<8x32x128xf32, #tpu.memory_space<vmem>> -> memref<1x32x128xf32, #tpu.memory_space<vmem>>
      %dma_wait3A_453 = tpu.memref_squeeze %dma_wait3A_452 : memref<1x32x128xf32, #tpu.memory_space<vmem>> -> memref<32x128xf32, #tpu.memory_space<vmem>>
      %dma_wait3A_454 = arith.constant 0 : i32
      %dma_wait3A_455 = arith.constant 0 : i32
      %dma_wait3A_456 = tpu.memref_slice %arg5[%dma_wait3A_454, %dma_wait3A_455] : memref<32x1000000xf32, #tpu.memory_space<hbm>> -> memref<32x128xf32, #tpu.memory_space<hbm>>
      tpu.wait_dma2 semaphore(%dma_wait3A_449 : memref<!tpu.dma_semaphore, #tpu.memory_space<semaphore_mem>>) src(%dma_wait3A_456 : memref<32x128xf32, #tpu.memory_space<hbm>>) dst(%dma_wait3A_453 : memref<32x128xf32, #tpu.memory_space<vmem>>)
      %slice3A_457 = vector.extract_strided_slice %get3A_404 {offsets = [0], sizes = [1], strides = [1]} : vector<16xi32> to vector<1xi32>
      %squeeze3A_458 = vector.extract %slice3A_457[0] : i32 from vector<1xi32>
      %slice3A_459 = vector.extract_strided_slice %get3A_408 {offsets = [0], sizes = [1], strides = [1]} : vector<16xi32> to vector<1xi32>
      %squeeze3A_460 = vector.extract %slice3A_459[0] : i32 from vector<1xi32>
      %and3A_461 = arith.constant 127 : i32
      %and3A_462 = arith.andi %squeeze3A_458, %and3A_461 : i32
      %broadcast_in_dim3A = vector.broadcast %and3A_462 : i32 to vector<16xi32>
      %and3A_463 = arith.constant 127 : i32
      %and3A_464 = arith.andi %squeeze3A_460, %and3A_463 : i32
      %broadcast_in_dim3A_465 = vector.broadcast %and3A_464 : i32 to vector<16xi32>
      %broadcast_in_dim3A_466 = arith.constant 0 : i32
      %broadcast_in_dim3A_467 = vector.broadcast %broadcast_in_dim3A_466 : i32 to vector<16xi32>
      %gather3A = tpu.vector_load_idx %arg9[%broadcast_in_dim3A_467, %iota3A, %broadcast_in_dim3A] : memref<8x32x128xf32, #tpu.memory_space<vmem>>[vector<16xi32>, vector<16xi32>, vector<16xi32>], vector<16xf32>,
      %add3A_468 = arith.constant 16 : i32
      %add3A_469 = vector.broadcast %add3A_468 : i32 to vector<16xi32>
      %add3A_470 = arith.addi %iota3A, %add3A_469 : vector<16xi32>
      %gather3A_471 = tpu.vector_load_idx %arg9[%broadcast_in_dim3A_467, %add3A_470, %broadcast_in_dim3A] : memref<8x32x128xf32, #tpu.memory_space<vmem>>[vector<16xi32>, vector<16xi32>, vector<16xi32>], vector<16xf32>,
      %gather3A_472 = tpu.vector_load_idx %arg10[%broadcast_in_dim3A_467, %iota3A, %broadcast_in_dim3A_465] : memref<8x32x128xf32, #tpu.memory_space<vmem>>[vector<16xi32>, vector<16xi32>, vector<16xi32>], vector<16xf32>,
      %add3A_473 = arith.constant 16 : i32
      %add3A_474 = vector.broadcast %add3A_473 : i32 to vector<16xi32>
      %add3A_475 = arith.addi %iota3A, %add3A_474 : vector<16xi32>
      %gather3A_476 = tpu.vector_load_idx %arg10[%broadcast_in_dim3A_467, %add3A_475, %broadcast_in_dim3A_465] : memref<8x32x128xf32, #tpu.memory_space<vmem>>[vector<16xi32>, vector<16xi32>, vector<16xi32>], vector<16xf32>,
      %shift_right_arithmetic3A_477 = arith.constant 7 : i32
      %shift_right_arithmetic3A_478 = arith.shrsi %add3A_421, %shift_right_arithmetic3A_477 : i32
      %broadcast_in_dim3A_479 = vector.broadcast %shift_right_arithmetic3A_478 : i32 to vector<16xi32>
      %and3A_480 = arith.constant 127 : i32
      %and3A_481 = arith.andi %add3A_421, %and3A_480 : i32
      %broadcast_in_dim3A_482 = vector.broadcast %and3A_481 : i32 to vector<16xi32>
      %mul3A_483 = arith.mulf %gather3A, %gather3A_472 : vector<16xf32>
      tpu.vector_store_idx %arg11[%shift_right_arithmetic3A_4, %broadcast_in_dim3A_479, %and3A_6, %broadcast_in_dim3A_482], %mul3A_483 : memref<4x4x8x128xf32, #tpu.memory_space<vmem>>[vector<16xi32>, vector<16xi32>, vector<16xi32>, vector<16xi32>], vector<16xf32>,
      %mul3A_484 = arith.mulf %gather3A_471, %gather3A_476 : vector<16xf32>
      tpu.vector_store_idx %arg11[%shift_right_arithmetic3A_12, %broadcast_in_dim3A_479, %and3A_6, %broadcast_in_dim3A_482], %mul3A_484 : memref<4x4x8x128xf32, #tpu.memory_space<vmem>>[vector<16xi32>, vector<16xi32>, vector<16xi32>, vector<16xi32>], vector<16xf32>,
      %slice3A_485 = vector.extract_strided_slice %get3A_404 {offsets = [8], sizes = [1], strides = [1]} : vector<16xi32> to vector<1xi32>
      %squeeze3A_486 = vector.extract %slice3A_485[0] : i32 from vector<1xi32>
      %slice3A_487 = vector.extract_strided_slice %get3A_408 {offsets = [8], sizes = [1], strides = [1]} : vector<16xi32> to vector<1xi32>
      %squeeze3A_488 = vector.extract %slice3A_487[0] : i32 from vector<1xi32>
      %shift_right_arithmetic3A_489 = arith.constant 7 : i32
      %shift_right_arithmetic3A_490 = arith.shrsi %squeeze3A_486, %shift_right_arithmetic3A_489 : i32
      %mul3A_491 = arith.constant 128 : i32
      %mul3A_492 = arith.muli %shift_right_arithmetic3A_490, %mul3A_491 : i32
      %multiple_of3A_493 = tpu.assume_multiple %mul3A_492, 128 : i32
      %dma_start3A_494 = arith.constant 0 : i32
      %dma_start3A_495 = arith.constant 0 : i32
      %dma_start3A_496 = arith.constant 0 : i32
      %dma_start3A_497 = arith.constant 0 : i32
      %dma_start3A_498 = tpu.memref_slice %arg9[%dma_start3A_494, %dma_start3A_496, %dma_start3A_497] : memref<8x32x128xf32, #tpu.memory_space<vmem>> -> memref<1x32x128xf32, #tpu.memory_space<vmem>>
      %dma_start3A_499 = tpu.memref_squeeze %dma_start3A_498 : memref<1x32x128xf32, #tpu.memory_space<vmem>> -> memref<32x128xf32, #tpu.memory_space<vmem>>
      %dma_start3A_500 = arith.constant 0 : i32
      %dma_start3A_501 = tpu.memref_slice %arg4[%dma_start3A_500, %multiple_of3A_493] : memref<32x1000000xf32, #tpu.memory_space<hbm>> -> memref<32x128xf32, #tpu.memory_space<hbm>>
      %dma_start3A_502 = tpu.memref_slice %arg12[%dma_start3A_495] : memref<8x!tpu.dma_semaphore, #tpu.memory_space<semaphore_mem>> -> memref<1x!tpu.dma_semaphore, #tpu.memory_space<semaphore_mem>>
      %dma_start3A_503 = tpu.memref_squeeze %dma_start3A_502 : memref<1x!tpu.dma_semaphore, #tpu.memory_space<semaphore_mem>> -> memref<!tpu.dma_semaphore, #tpu.memory_space<semaphore_mem>>
      %dma_start3A_504 = arith.constant 0 : i32
      %dma_start3A_505 = arith.constant 0 : i32
      %dma_start3A_506 = tpu.memref_slice %arg9[%dma_start3A_494, %dma_start3A_504, %dma_start3A_505] : memref<8x32x128xf32, #tpu.memory_space<vmem>> -> memref<1x32x128xf32, #tpu.memory_space<vmem>>
      %dma_start3A_507 = tpu.memref_squeeze %dma_start3A_506 : memref<1x32x128xf32, #tpu.memory_space<vmem>> -> memref<32x128xf32, #tpu.memory_space<vmem>>
      %dma_start3A_508 = arith.constant 0 : i32
      %dma_start3A_509 = tpu.memref_slice %arg4[%dma_start3A_508, %multiple_of3A_493] : memref<32x1000000xf32, #tpu.memory_space<hbm>> -> memref<32x128xf32, #tpu.memory_space<hbm>>
      tpu.enqueue_dma source(%dma_start3A_509 : memref<32x128xf32, #tpu.memory_space<hbm>>) target(%dma_start3A_507 : memref<32x128xf32, #tpu.memory_space<vmem>>) target_semaphore(%dma_start3A_503 : memref<!tpu.dma_semaphore, #tpu.memory_space<semaphore_mem>>)
      %shift_right_arithmetic3A_510 = arith.constant 7 : i32
      %shift_right_arithmetic3A_511 = arith.shrsi %squeeze3A_488, %shift_right_arithmetic3A_510 : i32
      %mul3A_512 = arith.constant 128 : i32
      %mul3A_513 = arith.muli %shift_right_arithmetic3A_511, %mul3A_512 : i32
      %multiple_of3A_514 = tpu.assume_multiple %mul3A_513, 128 : i32
      %dma_start3A_515 = arith.constant 0 : i32
      %dma_start3A_516 = arith.constant 0 : i32
      %dma_start3A_517 = arith.constant 0 : i32
      %dma_start3A_518 = arith.constant 0 : i32
      %dma_start3A_519 = tpu.memref_slice %arg10[%dma_start3A_515, %dma_start3A_517, %dma_start3A_518] : memref<8x32x128xf32, #tpu.memory_space<vmem>> -> memref<1x32x128xf32, #tpu.memory_space<vmem>>
      %dma_start3A_520 = tpu.memref_squeeze %dma_start3A_519 : memref<1x32x128xf32, #tpu.memory_space<vmem>> -> memref<32x128xf32, #tpu.memory_space<vmem>>
      %dma_start3A_521 = arith.constant 0 : i32
      %dma_start3A_522 = tpu.memref_slice %arg5[%dma_start3A_521, %multiple_of3A_514] : memref<32x1000000xf32, #tpu.memory_space<hbm>> -> memref<32x128xf32, #tpu.memory_space<hbm>>
      %dma_start3A_523 = tpu.memref_slice %arg12[%dma_start3A_516] : memref<8x!tpu.dma_semaphore, #tpu.memory_space<semaphore_mem>> -> memref<1x!tpu.dma_semaphore, #tpu.memory_space<semaphore_mem>>
      %dma_start3A_524 = tpu.memref_squeeze %dma_start3A_523 : memref<1x!tpu.dma_semaphore, #tpu.memory_space<semaphore_mem>> -> memref<!tpu.dma_semaphore, #tpu.memory_space<semaphore_mem>>
      %dma_start3A_525 = arith.constant 0 : i32
      %dma_start3A_526 = arith.constant 0 : i32
      %dma_start3A_527 = tpu.memref_slice %arg10[%dma_start3A_515, %dma_start3A_525, %dma_start3A_526] : memref<8x32x128xf32, #tpu.memory_space<vmem>> -> memref<1x32x128xf32, #tpu.memory_space<vmem>>
      %dma_start3A_528 = tpu.memref_squeeze %dma_start3A_527 : memref<1x32x128xf32, #tpu.memory_space<vmem>> -> memref<32x128xf32, #tpu.memory_space<vmem>>
      %dma_start3A_529 = arith.constant 0 : i32
      %dma_start3A_530 = tpu.memref_slice %arg5[%dma_start3A_529, %multiple_of3A_514] : memref<32x1000000xf32, #tpu.memory_space<hbm>> -> memref<32x128xf32, #tpu.memory_space<hbm>>
      tpu.enqueue_dma source(%dma_start3A_530 : memref<32x128xf32, #tpu.memory_space<hbm>>) target(%dma_start3A_528 : memref<32x128xf32, #tpu.memory_space<vmem>>) target_semaphore(%dma_start3A_524 : memref<!tpu.dma_semaphore, #tpu.memory_space<semaphore_mem>>)
      %mul3A_531 = arith.constant 16 : i32
      %mul3A_532 = arith.muli %scan3A_400, %mul3A_531 : i32
      %add3A_533 = arith.constant 1 : i32
      %add3A_534 = arith.addi %mul3A_532, %add3A_533 : i32
      %dma_wait3A_535 = arith.constant 1 : i32
      %dma_wait3A_536 = arith.constant 1 : i32
      %dma_wait3A_537 = arith.constant 0 : i32
      %dma_wait3A_538 = arith.constant 0 : i32
      %dma_wait3A_539 = tpu.memref_slice %arg9[%dma_wait3A_535, %dma_wait3A_537, %dma_wait3A_538] : memref<8x32x128xf32, #tpu.memory_space<vmem>> -> memref<1x32x128xf32, #tpu.memory_space<vmem>>
      %dma_wait3A_540 = tpu.memref_squeeze %dma_wait3A_539 : memref<1x32x128xf32, #tpu.memory_space<vmem>> -> memref<32x128xf32, #tpu.memory_space<vmem>>
      %dma_wait3A_541 = arith.constant 0 : i32
      %dma_wait3A_542 = arith.constant 0 : i32
      %dma_wait3A_543 = tpu.memref_slice %arg4[%dma_wait3A_541, %dma_wait3A_542] : memref<32x1000000xf32, #tpu.memory_space<hbm>> -> memref<32x128xf32, #tpu.memory_space<hbm>>
      %dma_wait3A_544 = tpu.memref_slice %arg12[%dma_wait3A_536] : memref<8x!tpu.dma_semaphore, #tpu.memory_space<semaphore_mem>> -> memref<1x!tpu.dma_semaphore, #tpu.memory_space<semaphore_mem>>
      %dma_wait3A_545 = tpu.memref_squeeze %dma_wait3A_544 : memref<1x!tpu.dma_semaphore, #tpu.memory_space<semaphore_mem>> -> memref<!tpu.dma_semaphore, #tpu.memory_space<semaphore_mem>>
      %dma_wait3A_546 = arith.constant 0 : i32
      %dma_wait3A_547 = arith.constant 0 : i32
      %dma_wait3A_548 = tpu.memref_slice %arg9[%dma_wait3A_535, %dma_wait3A_546, %dma_wait3A_547] : memref<8x32x128xf32, #tpu.memory_space<vmem>> -> memref<1x32x128xf32, #tpu.memory_space<vmem>>
      %dma_wait3A_549 = tpu.memref_squeeze %dma_wait3A_548 : memref<1x32x128xf32, #tpu.memory_space<vmem>> -> memref<32x128xf32, #tpu.memory_space<vmem>>
      %dma_wait3A_550 = arith.constant 0 : i32
      %dma_wait3A_551 = arith.constant 0 : i32
      %dma_wait3A_552 = tpu.memref_slice %arg4[%dma_wait3A_550, %dma_wait3A_551] : memref<32x1000000xf32, #tpu.memory_space<hbm>> -> memref<32x128xf32, #tpu.memory_space<hbm>>
      tpu.wait_dma2 semaphore(%dma_wait3A_545 : memref<!tpu.dma_semaphore, #tpu.memory_space<semaphore_mem>>) src(%dma_wait3A_552 : memref<32x128xf32, #tpu.memory_space<hbm>>) dst(%dma_wait3A_549 : memref<32x128xf32, #tpu.memory_space<vmem>>)
      %dma_wait3A_553 = arith.constant 1 : i32
      %dma_wait3A_554 = arith.constant 1 : i32
      %dma_wait3A_555 = arith.constant 0 : i32
      %dma_wait3A_556 = arith.constant 0 : i32
      %dma_wait3A_557 = tpu.memref_slice %arg10[%dma_wait3A_553, %dma_wait3A_555, %dma_wait3A_556] : memref<8x32x128xf32, #tpu.memory_space<vmem>> -> memref<1x32x128xf32, #tpu.memory_space<vmem>>
      %dma_wait3A_558 = tpu.memref_squeeze %dma_wait3A_557 : memref<1x32x128xf32, #tpu.memory_space<vmem>> -> memref<32x128xf32, #tpu.memory_space<vmem>>
      %dma_wait3A_559 = arith.constant 0 : i32
      %dma_wait3A_560 = arith.constant 0 : i32
      %dma_wait3A_561 = tpu.memref_slice %arg5[%dma_wait3A_559, %dma_wait3A_560] : memref<32x1000000xf32, #tpu.memory_space<hbm>> -> memref<32x128xf32, #tpu.memory_space<hbm>>
      %dma_wait3A_562 = tpu.memref_slice %arg12[%dma_wait3A_554] : memref<8x!tpu.dma_semaphore, #tpu.memory_space<semaphore_mem>> -> memref<1x!tpu.dma_semaphore, #tpu.memory_space<semaphore_mem>>
      %dma_wait3A_563 = tpu.memref_squeeze %dma_wait3A_562 : memref<1x!tpu.dma_semaphore, #tpu.memory_space<semaphore_mem>> -> memref<!tpu.dma_semaphore, #tpu.memory_space<semaphore_mem>>
      %dma_wait3A_564 = arith.constant 0 : i32
      %dma_wait3A_565 = arith.constant 0 : i32
      %dma_wait3A_566 = tpu.memref_slice %arg10[%dma_wait3A_553, %dma_wait3A_564, %dma_wait3A_565] : memref<8x32x128xf32, #tpu.memory_space<vmem>> -> memref<1x32x128xf32, #tpu.memory_space<vmem>>
      %dma_wait3A_567 = tpu.memref_squeeze %dma_wait3A_566 : memref<1x32x128xf32, #tpu.memory_space<vmem>> -> memref<32x128xf32, #tpu.memory_space<vmem>>
      %dma_wait3A_568 = arith.constant 0 : i32
      %dma_wait3A_569 = arith.constant 0 : i32
      %dma_wait3A_570 = tpu.memref_slice %arg5[%dma_wait3A_568, %dma_wait3A_569] : memref<32x1000000xf32, #tpu.memory_space<hbm>> -> memref<32x128xf32, #tpu.memory_space<hbm>>
      tpu.wait_dma2 semaphore(%dma_wait3A_563 : memref<!tpu.dma_semaphore, #tpu.memory_space<semaphore_mem>>) src(%dma_wait3A_570 : memref<32x128xf32, #tpu.memory_space<hbm>>) dst(%dma_wait3A_567 : memref<32x128xf32, #tpu.memory_space<vmem>>)
      %slice3A_571 = vector.extract_strided_slice %get3A_404 {offsets = [1], sizes = [1], strides = [1]} : vector<16xi32> to vector<1xi32>
      %squeeze3A_572 = vector.extract %slice3A_571[0] : i32 from vector<1xi32>
      %slice3A_573 = vector.extract_strided_slice %get3A_408 {offsets = [1], sizes = [1], strides = [1]} : vector<16xi32> to vector<1xi32>
      %squeeze3A_574 = vector.extract %slice3A_573[0] : i32 from vector<1xi32>
      %and3A_575 = arith.constant 127 : i32
      %and3A_576 = arith.andi %squeeze3A_572, %and3A_575 : i32
      %broadcast_in_dim3A_577 = vector.broadcast %and3A_576 : i32 to vector<16xi32>
      %and3A_578 = arith.constant 127 : i32
      %and3A_579 = arith.andi %squeeze3A_574, %and3A_578 : i32
      %broadcast_in_dim3A_580 = vector.broadcast %and3A_579 : i32 to vector<16xi32>
      %broadcast_in_dim3A_581 = arith.constant 1 : i32
      %broadcast_in_dim3A_582 = vector.broadcast %broadcast_in_dim3A_581 : i32 to vector<16xi32>
      %gather3A_583 = tpu.vector_load_idx %arg9[%broadcast_in_dim3A_582, %iota3A, %broadcast_in_dim3A_577] : memref<8x32x128xf32, #tpu.memory_space<vmem>>[vector<16xi32>, vector<16xi32>, vector<16xi32>], vector<16xf32>,
      %add3A_584 = arith.constant 16 : i32
      %add3A_585 = vector.broadcast %add3A_584 : i32 to vector<16xi32>
      %add3A_586 = arith.addi %iota3A, %add3A_585 : vector<16xi32>
      %gather3A_587 = tpu.vector_load_idx %arg9[%broadcast_in_dim3A_582, %add3A_586, %broadcast_in_dim3A_577] : memref<8x32x128xf32, #tpu.memory_space<vmem>>[vector<16xi32>, vector<16xi32>, vector<16xi32>], vector<16xf32>,
      %gather3A_588 = tpu.vector_load_idx %arg10[%broadcast_in_dim3A_582, %iota3A, %broadcast_in_dim3A_580] : memref<8x32x128xf32, #tpu.memory_space<vmem>>[vector<16xi32>, vector<16xi32>, vector<16xi32>], vector<16xf32>,
      %add3A_589 = arith.constant 16 : i32
      %add3A_590 = vector.broadcast %add3A_589 : i32 to vector<16xi32>
      %add3A_591 = arith.addi %iota3A, %add3A_590 : vector<16xi32>
      %gather3A_592 = tpu.vector_load_idx %arg10[%broadcast_in_dim3A_582, %add3A_591, %broadcast_in_dim3A_580] : memref<8x32x128xf32, #tpu.memory_space<vmem>>[vector<16xi32>, vector<16xi32>, vector<16xi32>], vector<16xf32>,
      %shift_right_arithmetic3A_593 = arith.constant 7 : i32
      %shift_right_arithmetic3A_594 = arith.shrsi %add3A_534, %shift_right_arithmetic3A_593 : i32
      %broadcast_in_dim3A_595 = vector.broadcast %shift_right_arithmetic3A_594 : i32 to vector<16xi32>
      %and3A_596 = arith.constant 127 : i32
      %and3A_597 = arith.andi %add3A_534, %and3A_596 : i32
      %broadcast_in_dim3A_598 = vector.broadcast %and3A_597 : i32 to vector<16xi32>
      %mul3A_599 = arith.mulf %gather3A_583, %gather3A_588 : vector<16xf32>
      tpu.vector_store_idx %arg11[%shift_right_arithmetic3A_4, %broadcast_in_dim3A_595, %and3A_6, %broadcast_in_dim3A_598], %mul3A_599 : memref<4x4x8x128xf32, #tpu.memory_space<vmem>>[vector<16xi32>, vector<16xi32>, vector<16xi32>, vector<16xi32>], vector<16xf32>,
      %mul3A_600 = arith.mulf %gather3A_587, %gather3A_592 : vector<16xf32>
      tpu.vector_store_idx %arg11[%shift_right_arithmetic3A_12, %broadcast_in_dim3A_595, %and3A_6, %broadcast_in_dim3A_598], %mul3A_600 : memref<4x4x8x128xf32, #tpu.memory_space<vmem>>[vector<16xi32>, vector<16xi32>, vector<16xi32>, vector<16xi32>], vector<16xf32>,
      %slice3A_601 = vector.extract_strided_slice %get3A_404 {offsets = [9], sizes = [1], strides = [1]} : vector<16xi32> to vector<1xi32>
      %squeeze3A_602 = vector.extract %slice3A_601[0] : i32 from vector<1xi32>
      %slice3A_603 = vector.extract_strided_slice %get3A_408 {offsets = [9], sizes = [1], strides = [1]} : vector<16xi32> to vector<1xi32>
      %squeeze3A_604 = vector.extract %slice3A_603[0] : i32 from vector<1xi32>
      %shift_right_arithmetic3A_605 = arith.constant 7 : i32
      %shift_right_arithmetic3A_606 = arith.shrsi %squeeze3A_602, %shift_right_arithmetic3A_605 : i32
      %mul3A_607 = arith.constant 128 : i32
      %mul3A_608 = arith.muli %shift_right_arithmetic3A_606, %mul3A_607 : i32
      %multiple_of3A_609 = tpu.assume_multiple %mul3A_608, 128 : i32
      %dma_start3A_610 = arith.constant 1 : i32
      %dma_start3A_611 = arith.constant 1 : i32
      %dma_start3A_612 = arith.constant 0 : i32
      %dma_start3A_613 = arith.constant 0 : i32
      %dma_start3A_614 = tpu.memref_slice %arg9[%dma_start3A_610, %dma_start3A_612, %dma_start3A_613] : memref<8x32x128xf32, #tpu.memory_space<vmem>> -> memref<1x32x128xf32, #tpu.memory_space<vmem>>
      %dma_start3A_615 = tpu.memref_squeeze %dma_start3A_614 : memref<1x32x128xf32, #tpu.memory_space<vmem>> -> memref<32x128xf32, #tpu.memory_space<vmem>>
      %dma_start3A_616 = arith.constant 0 : i32
      %dma_start3A_617 = tpu.memref_slice %arg4[%dma_start3A_616, %multiple_of3A_609] : memref<32x1000000xf32, #tpu.memory_space<hbm>> -> memref<32x128xf32, #tpu.memory_space<hbm>>
      %dma_start3A_618 = tpu.memref_slice %arg12[%dma_start3A_611] : memref<8x!tpu.dma_semaphore, #tpu.memory_space<semaphore_mem>> -> memref<1x!tpu.dma_semaphore, #tpu.memory_space<semaphore_mem>>
      %dma_start3A_619 = tpu.memref_squeeze %dma_start3A_618 : memref<1x!tpu.dma_semaphore, #tpu.memory_space<semaphore_mem>> -> memref<!tpu.dma_semaphore, #tpu.memory_space<semaphore_mem>>
      %dma_start3A_620 = arith.constant 0 : i32
      %dma_start3A_621 = arith.constant 0 : i32
      %dma_start3A_622 = tpu.memref_slice %arg9[%dma_start3A_610, %dma_start3A_620, %dma_start3A_621] : memref<8x32x128xf32, #tpu.memory_space<vmem>> -> memref<1x32x128xf32, #tpu.memory_space<vmem>>
      %dma_start3A_623 = tpu.memref_squeeze %dma_start3A_622 : memref<1x32x128xf32, #tpu.memory_space<vmem>> -> memref<32x128xf32, #tpu.memory_space<vmem>>
      %dma_start3A_624 = arith.constant 0 : i32
      %dma_start3A_625 = tpu.memref_slice %arg4[%dma_start3A_624, %multiple_of3A_609] : memref<32x1000000xf32, #tpu.memory_space<hbm>> -> memref<32x128xf32, #tpu.memory_space<hbm>>
      tpu.enqueue_dma source(%dma_start3A_625 : memref<32x128xf32, #tpu.memory_space<hbm>>) target(%dma_start3A_623 : memref<32x128xf32, #tpu.memory_space<vmem>>) target_semaphore(%dma_start3A_619 : memref<!tpu.dma_semaphore, #tpu.memory_space<semaphore_mem>>)
      %shift_right_arithmetic3A_626 = arith.constant 7 : i32
      %shift_right_arithmetic3A_627 = arith.shrsi %squeeze3A_604, %shift_right_arithmetic3A_626 : i32
      %mul3A_628 = arith.constant 128 : i32
      %mul3A_629 = arith.muli %shift_right_arithmetic3A_627, %mul3A_628 : i32
      %multiple_of3A_630 = tpu.assume_multiple %mul3A_629, 128 : i32
      %dma_start3A_631 = arith.constant 1 : i32
      %dma_start3A_632 = arith.constant 1 : i32
      %dma_start3A_633 = arith.constant 0 : i32
      %dma_start3A_634 = arith.constant 0 : i32
      %dma_start3A_635 = tpu.memref_slice %arg10[%dma_start3A_631, %dma_start3A_633, %dma_start3A_634] : memref<8x32x128xf32, #tpu.memory_space<vmem>> -> memref<1x32x128xf32, #tpu.memory_space<vmem>>
      %dma_start3A_636 = tpu.memref_squeeze %dma_start3A_635 : memref<1x32x128xf32, #tpu.memory_space<vmem>> -> memref<32x128xf32, #tpu.memory_space<vmem>>
      %dma_start3A_637 = arith.constant 0 : i32
      %dma_start3A_638 = tpu.memref_slice %arg5[%dma_start3A_637, %multiple_of3A_630] : memref<32x1000000xf32, #tpu.memory_space<hbm>> -> memref<32x128xf32, #tpu.memory_space<hbm>>
      %dma_start3A_639 = tpu.memref_slice %arg12[%dma_start3A_632] : memref<8x!tpu.dma_semaphore, #tpu.memory_space<semaphore_mem>> -> memref<1x!tpu.dma_semaphore, #tpu.memory_space<semaphore_mem>>
      %dma_start3A_640 = tpu.memref_squeeze %dma_start3A_639 : memref<1x!tpu.dma_semaphore, #tpu.memory_space<semaphore_mem>> -> memref<!tpu.dma_semaphore, #tpu.memory_space<semaphore_mem>>
      %dma_start3A_641 = arith.constant 0 : i32
      %dma_start3A_642 = arith.constant 0 : i32
      %dma_start3A_643 = tpu.memref_slice %arg10[%dma_start3A_631, %dma_start3A_641, %dma_start3A_642] : memref<8x32x128xf32, #tpu.memory_space<vmem>> -> memref<1x32x128xf32, #tpu.memory_space<vmem>>
      %dma_start3A_644 = tpu.memref_squeeze %dma_start3A_643 : memref<1x32x128xf32, #tpu.memory_space<vmem>> -> memref<32x128xf32, #tpu.memory_space<vmem>>
      %dma_start3A_645 = arith.constant 0 : i32
      %dma_start3A_646 = tpu.memref_slice %arg5[%dma_start3A_645, %multiple_of3A_630] : memref<32x1000000xf32, #tpu.memory_space<hbm>> -> memref<32x128xf32, #tpu.memory_space<hbm>>
      tpu.enqueue_dma source(%dma_start3A_646 : memref<32x128xf32, #tpu.memory_space<hbm>>) target(%dma_start3A_644 : memref<32x128xf32, #tpu.memory_space<vmem>>) target_semaphore(%dma_start3A_640 : memref<!tpu.dma_semaphore, #tpu.memory_space<semaphore_mem>>)
      %mul3A_647 = arith.constant 16 : i32
      %mul3A_648 = arith.muli %scan3A_400, %mul3A_647 : i32
      %add3A_649 = arith.constant 2 : i32
      %add3A_650 = arith.addi %mul3A_648, %add3A_649 : i32
      %dma_wait3A_651 = arith.constant 2 : i32
      %dma_wait3A_652 = arith.constant 2 : i32
      %dma_wait3A_653 = arith.constant 0 : i32
      %dma_wait3A_654 = arith.constant 0 : i32
      %dma_wait3A_655 = tpu.memref_slice %arg9[%dma_wait3A_651, %dma_wait3A_653, %dma_wait3A_654] : memref<8x32x128xf32, #tpu.memory_space<vmem>> -> memref<1x32x128xf32, #tpu.memory_space<vmem>>
      %dma_wait3A_656 = tpu.memref_squeeze %dma_wait3A_655 : memref<1x32x128xf32, #tpu.memory_space<vmem>> -> memref<32x128xf32, #tpu.memory_space<vmem>>
      %dma_wait3A_657 = arith.constant 0 : i32
      %dma_wait3A_658 = arith.constant 0 : i32
      %dma_wait3A_659 = tpu.memref_slice %arg4[%dma_wait3A_657, %dma_wait3A_658] : memref<32x1000000xf32, #tpu.memory_space<hbm>> -> memref<32x128xf32, #tpu.memory_space<hbm>>
      %dma_wait3A_660 = tpu.memref_slice %arg12[%dma_wait3A_652] : memref<8x!tpu.dma_semaphore, #tpu.memory_space<semaphore_mem>> -> memref<1x!tpu.dma_semaphore, #tpu.memory_space<semaphore_mem>>
      %dma_wait3A_661 = tpu.memref_squeeze %dma_wait3A_660 : memref<1x!tpu.dma_semaphore, #tpu.memory_space<semaphore_mem>> -> memref<!tpu.dma_semaphore, #tpu.memory_space<semaphore_mem>>
      %dma_wait3A_662 = arith.constant 0 : i32
      %dma_wait3A_663 = arith.constant 0 : i32
      %dma_wait3A_664 = tpu.memref_slice %arg9[%dma_wait3A_651, %dma_wait3A_662, %dma_wait3A_663] : memref<8x32x128xf32, #tpu.memory_space<vmem>> -> memref<1x32x128xf32, #tpu.memory_space<vmem>>
      %dma_wait3A_665 = tpu.memref_squeeze %dma_wait3A_664 : memref<1x32x128xf32, #tpu.memory_space<vmem>> -> memref<32x128xf32, #tpu.memory_space<vmem>>
      %dma_wait3A_666 = arith.constant 0 : i32
      %dma_wait3A_667 = arith.constant 0 : i32
      %dma_wait3A_668 = tpu.memref_slice %arg4[%dma_wait3A_666, %dma_wait3A_667] : memref<32x1000000xf32, #tpu.memory_space<hbm>> -> memref<32x128xf32, #tpu.memory_space<hbm>>
      tpu.wait_dma2 semaphore(%dma_wait3A_661 : memref<!tpu.dma_semaphore, #tpu.memory_space<semaphore_mem>>) src(%dma_wait3A_668 : memref<32x128xf32, #tpu.memory_space<hbm>>) dst(%dma_wait3A_665 : memref<32x128xf32, #tpu.memory_space<vmem>>)
      %dma_wait3A_669 = arith.constant 2 : i32
      %dma_wait3A_670 = arith.constant 2 : i32
      %dma_wait3A_671 = arith.constant 0 : i32
      %dma_wait3A_672 = arith.constant 0 : i32
      %dma_wait3A_673 = tpu.memref_slice %arg10[%dma_wait3A_669, %dma_wait3A_671, %dma_wait3A_672] : memref<8x32x128xf32, #tpu.memory_space<vmem>> -> memref<1x32x128xf32, #tpu.memory_space<vmem>>
      %dma_wait3A_674 = tpu.memref_squeeze %dma_wait3A_673 : memref<1x32x128xf32, #tpu.memory_space<vmem>> -> memref<32x128xf32, #tpu.memory_space<vmem>>
      %dma_wait3A_675 = arith.constant 0 : i32
      %dma_wait3A_676 = arith.constant 0 : i32
      %dma_wait3A_677 = tpu.memref_slice %arg5[%dma_wait3A_675, %dma_wait3A_676] : memref<32x1000000xf32, #tpu.memory_space<hbm>> -> memref<32x128xf32, #tpu.memory_space<hbm>>
      %dma_wait3A_678 = tpu.memref_slice %arg12[%dma_wait3A_670] : memref<8x!tpu.dma_semaphore, #tpu.memory_space<semaphore_mem>> -> memref<1x!tpu.dma_semaphore, #tpu.memory_space<semaphore_mem>>
      %dma_wait3A_679 = tpu.memref_squeeze %dma_wait3A_678 : memref<1x!tpu.dma_semaphore, #tpu.memory_space<semaphore_mem>> -> memref<!tpu.dma_semaphore, #tpu.memory_space<semaphore_mem>>
      %dma_wait3A_680 = arith.constant 0 : i32
      %dma_wait3A_681 = arith.constant 0 : i32
      %dma_wait3A_682 = tpu.memref_slice %arg10[%dma_wait3A_669, %dma_wait3A_680, %dma_wait3A_681] : memref<8x32x128xf32, #tpu.memory_space<vmem>> -> memref<1x32x128xf32, #tpu.memory_space<vmem>>
      %dma_wait3A_683 = tpu.memref_squeeze %dma_wait3A_682 : memref<1x32x128xf32, #tpu.memory_space<vmem>> -> memref<32x128xf32, #tpu.memory_space<vmem>>
      %dma_wait3A_684 = arith.constant 0 : i32
      %dma_wait3A_685 = arith.constant 0 : i32
      %dma_wait3A_686 = tpu.memref_slice %arg5[%dma_wait3A_684, %dma_wait3A_685] : memref<32x1000000xf32, #tpu.memory_space<hbm>> -> memref<32x128xf32, #tpu.memory_space<hbm>>
      tpu.wait_dma2 semaphore(%dma_wait3A_679 : memref<!tpu.dma_semaphore, #tpu.memory_space<semaphore_mem>>) src(%dma_wait3A_686 : memref<32x128xf32, #tpu.memory_space<hbm>>) dst(%dma_wait3A_683 : memref<32x128xf32, #tpu.memory_space<vmem>>)
      %slice3A_687 = vector.extract_strided_slice %get3A_404 {offsets = [2], sizes = [1], strides = [1]} : vector<16xi32> to vector<1xi32>
      %squeeze3A_688 = vector.extract %slice3A_687[0] : i32 from vector<1xi32>
      %slice3A_689 = vector.extract_strided_slice %get3A_408 {offsets = [2], sizes = [1], strides = [1]} : vector<16xi32> to vector<1xi32>
      %squeeze3A_690 = vector.extract %slice3A_689[0] : i32 from vector<1xi32>
      %and3A_691 = arith.constant 127 : i32
      %and3A_692 = arith.andi %squeeze3A_688, %and3A_691 : i32
      %broadcast_in_dim3A_693 = vector.broadcast %and3A_692 : i32 to vector<16xi32>
      %and3A_694 = arith.constant 127 : i32
      %and3A_695 = arith.andi %squeeze3A_690, %and3A_694 : i32
      %broadcast_in_dim3A_696 = vector.broadcast %and3A_695 : i32 to vector<16xi32>
      %broadcast_in_dim3A_697 = arith.constant 2 : i32
      %broadcast_in_dim3A_698 = vector.broadcast %broadcast_in_dim3A_697 : i32 to vector<16xi32>
      %gather3A_699 = tpu.vector_load_idx %arg9[%broadcast_in_dim3A_698, %iota3A, %broadcast_in_dim3A_693] : memref<8x32x128xf32, #tpu.memory_space<vmem>>[vector<16xi32>, vector<16xi32>, vector<16xi32>], vector<16xf32>,
      %add3A_700 = arith.constant 16 : i32
      %add3A_701 = vector.broadcast %add3A_700 : i32 to vector<16xi32>
      %add3A_702 = arith.addi %iota3A, %add3A_701 : vector<16xi32>
      %gather3A_703 = tpu.vector_load_idx %arg9[%broadcast_in_dim3A_698, %add3A_702, %broadcast_in_dim3A_693] : memref<8x32x128xf32, #tpu.memory_space<vmem>>[vector<16xi32>, vector<16xi32>, vector<16xi32>], vector<16xf32>,
      %gather3A_704 = tpu.vector_load_idx %arg10[%broadcast_in_dim3A_698, %iota3A, %broadcast_in_dim3A_696] : memref<8x32x128xf32, #tpu.memory_space<vmem>>[vector<16xi32>, vector<16xi32>, vector<16xi32>], vector<16xf32>,
      %add3A_705 = arith.constant 16 : i32
      %add3A_706 = vector.broadcast %add3A_705 : i32 to vector<16xi32>
      %add3A_707 = arith.addi %iota3A, %add3A_706 : vector<16xi32>
      %gather3A_708 = tpu.vector_load_idx %arg10[%broadcast_in_dim3A_698, %add3A_707, %broadcast_in_dim3A_696] : memref<8x32x128xf32, #tpu.memory_space<vmem>>[vector<16xi32>, vector<16xi32>, vector<16xi32>], vector<16xf32>,
      %shift_right_arithmetic3A_709 = arith.constant 7 : i32
      %shift_right_arithmetic3A_710 = arith.shrsi %add3A_650, %shift_right_arithmetic3A_709 : i32
      %broadcast_in_dim3A_711 = vector.broadcast %shift_right_arithmetic3A_710 : i32 to vector<16xi32>
      %and3A_712 = arith.constant 127 : i32
      %and3A_713 = arith.andi %add3A_650, %and3A_712 : i32
      %broadcast_in_dim3A_714 = vector.broadcast %and3A_713 : i32 to vector<16xi32>
      %mul3A_715 = arith.mulf %gather3A_699, %gather3A_704 : vector<16xf32>
      tpu.vector_store_idx %arg11[%shift_right_arithmetic3A_4, %broadcast_in_dim3A_711, %and3A_6, %broadcast_in_dim3A_714], %mul3A_715 : memref<4x4x8x128xf32, #tpu.memory_space<vmem>>[vector<16xi32>, vector<16xi32>, vector<16xi32>, vector<16xi32>], vector<16xf32>,
      %mul3A_716 = arith.mulf %gather3A_703, %gather3A_708 : vector<16xf32>
      tpu.vector_store_idx %arg11[%shift_right_arithmetic3A_12, %broadcast_in_dim3A_711, %and3A_6, %broadcast_in_dim3A_714], %mul3A_716 : memref<4x4x8x128xf32, #tpu.memory_space<vmem>>[vector<16xi32>, vector<16xi32>, vector<16xi32>, vector<16xi32>], vector<16xf32>,
      %slice3A_717 = vector.extract_strided_slice %get3A_404 {offsets = [10], sizes = [1], strides = [1]} : vector<16xi32> to vector<1xi32>
      %squeeze3A_718 = vector.extract %slice3A_717[0] : i32 from vector<1xi32>
      %slice3A_719 = vector.extract_strided_slice %get3A_408 {offsets = [10], sizes = [1], strides = [1]} : vector<16xi32> to vector<1xi32>
      %squeeze3A_720 = vector.extract %slice3A_719[0] : i32 from vector<1xi32>
      %shift_right_arithmetic3A_721 = arith.constant 7 : i32
      %shift_right_arithmetic3A_722 = arith.shrsi %squeeze3A_718, %shift_right_arithmetic3A_721 : i32
      %mul3A_723 = arith.constant 128 : i32
      %mul3A_724 = arith.muli %shift_right_arithmetic3A_722, %mul3A_723 : i32
      %multiple_of3A_725 = tpu.assume_multiple %mul3A_724, 128 : i32
      %dma_start3A_726 = arith.constant 2 : i32
      %dma_start3A_727 = arith.constant 2 : i32
      %dma_start3A_728 = arith.constant 0 : i32
      %dma_start3A_729 = arith.constant 0 : i32
      %dma_start3A_730 = tpu.memref_slice %arg9[%dma_start3A_726, %dma_start3A_728, %dma_start3A_729] : memref<8x32x128xf32, #tpu.memory_space<vmem>> -> memref<1x32x128xf32, #tpu.memory_space<vmem>>
      %dma_start3A_731 = tpu.memref_squeeze %dma_start3A_730 : memref<1x32x128xf32, #tpu.memory_space<vmem>> -> memref<32x128xf32, #tpu.memory_space<vmem>>
      %dma_start3A_732 = arith.constant 0 : i32
      %dma_start3A_733 = tpu.memref_slice %arg4[%dma_start3A_732, %multiple_of3A_725] : memref<32x1000000xf32, #tpu.memory_space<hbm>> -> memref<32x128xf32, #tpu.memory_space<hbm>>
      %dma_start3A_734 = tpu.memref_slice %arg12[%dma_start3A_727] : memref<8x!tpu.dma_semaphore, #tpu.memory_space<semaphore_mem>> -> memref<1x!tpu.dma_semaphore, #tpu.memory_space<semaphore_mem>>
      %dma_start3A_735 = tpu.memref_squeeze %dma_start3A_734 : memref<1x!tpu.dma_semaphore, #tpu.memory_space<semaphore_mem>> -> memref<!tpu.dma_semaphore, #tpu.memory_space<semaphore_mem>>
      %dma_start3A_736 = arith.constant 0 : i32
      %dma_start3A_737 = arith.constant 0 : i32
      %dma_start3A_738 = tpu.memref_slice %arg9[%dma_start3A_726, %dma_start3A_736, %dma_start3A_737] : memref<8x32x128xf32, #tpu.memory_space<vmem>> -> memref<1x32x128xf32, #tpu.memory_space<vmem>>
      %dma_start3A_739 = tpu.memref_squeeze %dma_start3A_738 : memref<1x32x128xf32, #tpu.memory_space<vmem>> -> memref<32x128xf32, #tpu.memory_space<vmem>>
      %dma_start3A_740 = arith.constant 0 : i32
      %dma_start3A_741 = tpu.memref_slice %arg4[%dma_start3A_740, %multiple_of3A_725] : memref<32x1000000xf32, #tpu.memory_space<hbm>> -> memref<32x128xf32, #tpu.memory_space<hbm>>
      tpu.enqueue_dma source(%dma_start3A_741 : memref<32x128xf32, #tpu.memory_space<hbm>>) target(%dma_start3A_739 : memref<32x128xf32, #tpu.memory_space<vmem>>) target_semaphore(%dma_start3A_735 : memref<!tpu.dma_semaphore, #tpu.memory_space<semaphore_mem>>)
      %shift_right_arithmetic3A_742 = arith.constant 7 : i32
      %shift_right_arithmetic3A_743 = arith.shrsi %squeeze3A_720, %shift_right_arithmetic3A_742 : i32
      %mul3A_744 = arith.constant 128 : i32
      %mul3A_745 = arith.muli %shift_right_arithmetic3A_743, %mul3A_744 : i32
      %multiple_of3A_746 = tpu.assume_multiple %mul3A_745, 128 : i32
      %dma_start3A_747 = arith.constant 2 : i32
      %dma_start3A_748 = arith.constant 2 : i32
      %dma_start3A_749 = arith.constant 0 : i32
      %dma_start3A_750 = arith.constant 0 : i32
      %dma_start3A_751 = tpu.memref_slice %arg10[%dma_start3A_747, %dma_start3A_749, %dma_start3A_750] : memref<8x32x128xf32, #tpu.memory_space<vmem>> -> memref<1x32x128xf32, #tpu.memory_space<vmem>>
      %dma_start3A_752 = tpu.memref_squeeze %dma_start3A_751 : memref<1x32x128xf32, #tpu.memory_space<vmem>> -> memref<32x128xf32, #tpu.memory_space<vmem>>
      %dma_start3A_753 = arith.constant 0 : i32
      %dma_start3A_754 = tpu.memref_slice %arg5[%dma_start3A_753, %multiple_of3A_746] : memref<32x1000000xf32, #tpu.memory_space<hbm>> -> memref<32x128xf32, #tpu.memory_space<hbm>>
      %dma_start3A_755 = tpu.memref_slice %arg12[%dma_start3A_748] : memref<8x!tpu.dma_semaphore, #tpu.memory_space<semaphore_mem>> -> memref<1x!tpu.dma_semaphore, #tpu.memory_space<semaphore_mem>>
      %dma_start3A_756 = tpu.memref_squeeze %dma_start3A_755 : memref<1x!tpu.dma_semaphore, #tpu.memory_space<semaphore_mem>> -> memref<!tpu.dma_semaphore, #tpu.memory_space<semaphore_mem>>
      %dma_start3A_757 = arith.constant 0 : i32
      %dma_start3A_758 = arith.constant 0 : i32
      %dma_start3A_759 = tpu.memref_slice %arg10[%dma_start3A_747, %dma_start3A_757, %dma_start3A_758] : memref<8x32x128xf32, #tpu.memory_space<vmem>> -> memref<1x32x128xf32, #tpu.memory_space<vmem>>
      %dma_start3A_760 = tpu.memref_squeeze %dma_start3A_759 : memref<1x32x128xf32, #tpu.memory_space<vmem>> -> memref<32x128xf32, #tpu.memory_space<vmem>>
      %dma_start3A_761 = arith.constant 0 : i32
      %dma_start3A_762 = tpu.memref_slice %arg5[%dma_start3A_761, %multiple_of3A_746] : memref<32x1000000xf32, #tpu.memory_space<hbm>> -> memref<32x128xf32, #tpu.memory_space<hbm>>
      tpu.enqueue_dma source(%dma_start3A_762 : memref<32x128xf32, #tpu.memory_space<hbm>>) target(%dma_start3A_760 : memref<32x128xf32, #tpu.memory_space<vmem>>) target_semaphore(%dma_start3A_756 : memref<!tpu.dma_semaphore, #tpu.memory_space<semaphore_mem>>)
      %mul3A_763 = arith.constant 16 : i32
      %mul3A_764 = arith.muli %scan3A_400, %mul3A_763 : i32
      %add3A_765 = arith.constant 3 : i32
      %add3A_766 = arith.addi %mul3A_764, %add3A_765 : i32
      %dma_wait3A_767 = arith.constant 3 : i32
      %dma_wait3A_768 = arith.constant 3 : i32
      %dma_wait3A_769 = arith.constant 0 : i32
      %dma_wait3A_770 = arith.constant 0 : i32
      %dma_wait3A_771 = tpu.memref_slice %arg9[%dma_wait3A_767, %dma_wait3A_769, %dma_wait3A_770] : memref<8x32x128xf32, #tpu.memory_space<vmem>> -> memref<1x32x128xf32, #tpu.memory_space<vmem>>
      %dma_wait3A_772 = tpu.memref_squeeze %dma_wait3A_771 : memref<1x32x128xf32, #tpu.memory_space<vmem>> -> memref<32x128xf32, #tpu.memory_space<vmem>>
      %dma_wait3A_773 = arith.constant 0 : i32
      %dma_wait3A_774 = arith.constant 0 : i32
      %dma_wait3A_775 = tpu.memref_slice %arg4[%dma_wait3A_773, %dma_wait3A_774] : memref<32x1000000xf32, #tpu.memory_space<hbm>> -> memref<32x128xf32, #tpu.memory_space<hbm>>
      %dma_wait3A_776 = tpu.memref_slice %arg12[%dma_wait3A_768] : memref<8x!tpu.dma_semaphore, #tpu.memory_space<semaphore_mem>> -> memref<1x!tpu.dma_semaphore, #tpu.memory_space<semaphore_mem>>
      %dma_wait3A_777 = tpu.memref_squeeze %dma_wait3A_776 : memref<1x!tpu.dma_semaphore, #tpu.memory_space<semaphore_mem>> -> memref<!tpu.dma_semaphore, #tpu.memory_space<semaphore_mem>>
      %dma_wait3A_778 = arith.constant 0 : i32
      %dma_wait3A_779 = arith.constant 0 : i32
      %dma_wait3A_780 = tpu.memref_slice %arg9[%dma_wait3A_767, %dma_wait3A_778, %dma_wait3A_779] : memref<8x32x128xf32, #tpu.memory_space<vmem>> -> memref<1x32x128xf32, #tpu.memory_space<vmem>>
      %dma_wait3A_781 = tpu.memref_squeeze %dma_wait3A_780 : memref<1x32x128xf32, #tpu.memory_space<vmem>> -> memref<32x128xf32, #tpu.memory_space<vmem>>
      %dma_wait3A_782 = arith.constant 0 : i32
      %dma_wait3A_783 = arith.constant 0 : i32
      %dma_wait3A_784 = tpu.memref_slice %arg4[%dma_wait3A_782, %dma_wait3A_783] : memref<32x1000000xf32, #tpu.memory_space<hbm>> -> memref<32x128xf32, #tpu.memory_space<hbm>>
      tpu.wait_dma2 semaphore(%dma_wait3A_777 : memref<!tpu.dma_semaphore, #tpu.memory_space<semaphore_mem>>) src(%dma_wait3A_784 : memref<32x128xf32, #tpu.memory_space<hbm>>) dst(%dma_wait3A_781 : memref<32x128xf32, #tpu.memory_space<vmem>>)
      %dma_wait3A_785 = arith.constant 3 : i32
      %dma_wait3A_786 = arith.constant 3 : i32
      %dma_wait3A_787 = arith.constant 0 : i32
      %dma_wait3A_788 = arith.constant 0 : i32
      %dma_wait3A_789 = tpu.memref_slice %arg10[%dma_wait3A_785, %dma_wait3A_787, %dma_wait3A_788] : memref<8x32x128xf32, #tpu.memory_space<vmem>> -> memref<1x32x128xf32, #tpu.memory_space<vmem>>
      %dma_wait3A_790 = tpu.memref_squeeze %dma_wait3A_789 : memref<1x32x128xf32, #tpu.memory_space<vmem>> -> memref<32x128xf32, #tpu.memory_space<vmem>>
      %dma_wait3A_791 = arith.constant 0 : i32
      %dma_wait3A_792 = arith.constant 0 : i32
      %dma_wait3A_793 = tpu.memref_slice %arg5[%dma_wait3A_791, %dma_wait3A_792] : memref<32x1000000xf32, #tpu.memory_space<hbm>> -> memref<32x128xf32, #tpu.memory_space<hbm>>
      %dma_wait3A_794 = tpu.memref_slice %arg12[%dma_wait3A_786] : memref<8x!tpu.dma_semaphore, #tpu.memory_space<semaphore_mem>> -> memref<1x!tpu.dma_semaphore, #tpu.memory_space<semaphore_mem>>
      %dma_wait3A_795 = tpu.memref_squeeze %dma_wait3A_794 : memref<1x!tpu.dma_semaphore, #tpu.memory_space<semaphore_mem>> -> memref<!tpu.dma_semaphore, #tpu.memory_space<semaphore_mem>>
      %dma_wait3A_796 = arith.constant 0 : i32
      %dma_wait3A_797 = arith.constant 0 : i32
      %dma_wait3A_798 = tpu.memref_slice %arg10[%dma_wait3A_785, %dma_wait3A_796, %dma_wait3A_797] : memref<8x32x128xf32, #tpu.memory_space<vmem>> -> memref<1x32x128xf32, #tpu.memory_space<vmem>>
      %dma_wait3A_799 = tpu.memref_squeeze %dma_wait3A_798 : memref<1x32x128xf32, #tpu.memory_space<vmem>> -> memref<32x128xf32, #tpu.memory_space<vmem>>
      %dma_wait3A_800 = arith.constant 0 : i32
      %dma_wait3A_801 = arith.constant 0 : i32
      %dma_wait3A_802 = tpu.memref_slice %arg5[%dma_wait3A_800, %dma_wait3A_801] : memref<32x1000000xf32, #tpu.memory_space<hbm>> -> memref<32x128xf32, #tpu.memory_space<hbm>>
      tpu.wait_dma2 semaphore(%dma_wait3A_795 : memref<!tpu.dma_semaphore, #tpu.memory_space<semaphore_mem>>) src(%dma_wait3A_802 : memref<32x128xf32, #tpu.memory_space<hbm>>) dst(%dma_wait3A_799 : memref<32x128xf32, #tpu.memory_space<vmem>>)
      %slice3A_803 = vector.extract_strided_slice %get3A_404 {offsets = [3], sizes = [1], strides = [1]} : vector<16xi32> to vector<1xi32>
      %squeeze3A_804 = vector.extract %slice3A_803[0] : i32 from vector<1xi32>
      %slice3A_805 = vector.extract_strided_slice %get3A_408 {offsets = [3], sizes = [1], strides = [1]} : vector<16xi32> to vector<1xi32>
      %squeeze3A_806 = vector.extract %slice3A_805[0] : i32 from vector<1xi32>
      %and3A_807 = arith.constant 127 : i32
      %and3A_808 = arith.andi %squeeze3A_804, %and3A_807 : i32
      %broadcast_in_dim3A_809 = vector.broadcast %and3A_808 : i32 to vector<16xi32>
      %and3A_810 = arith.constant 127 : i32
      %and3A_811 = arith.andi %squeeze3A_806, %and3A_810 : i32
      %broadcast_in_dim3A_812 = vector.broadcast %and3A_811 : i32 to vector<16xi32>
      %broadcast_in_dim3A_813 = arith.constant 3 : i32
      %broadcast_in_dim3A_814 = vector.broadcast %broadcast_in_dim3A_813 : i32 to vector<16xi32>
      %gather3A_815 = tpu.vector_load_idx %arg9[%broadcast_in_dim3A_814, %iota3A, %broadcast_in_dim3A_809] : memref<8x32x128xf32, #tpu.memory_space<vmem>>[vector<16xi32>, vector<16xi32>, vector<16xi32>], vector<16xf32>,
      %add3A_816 = arith.constant 16 : i32
      %add3A_817 = vector.broadcast %add3A_816 : i32 to vector<16xi32>
      %add3A_818 = arith.addi %iota3A, %add3A_817 : vector<16xi32>
      %gather3A_819 = tpu.vector_load_idx %arg9[%broadcast_in_dim3A_814, %add3A_818, %broadcast_in_dim3A_809] : memref<8x32x128xf32, #tpu.memory_space<vmem>>[vector<16xi32>, vector<16xi32>, vector<16xi32>], vector<16xf32>,
      %gather3A_820 = tpu.vector_load_idx %arg10[%broadcast_in_dim3A_814, %iota3A, %broadcast_in_dim3A_812] : memref<8x32x128xf32, #tpu.memory_space<vmem>>[vector<16xi32>, vector<16xi32>, vector<16xi32>], vector<16xf32>,
      %add3A_821 = arith.constant 16 : i32
      %add3A_822 = vector.broadcast %add3A_821 : i32 to vector<16xi32>
      %add3A_823 = arith.addi %iota3A, %add3A_822 : vector<16xi32>
      %gather3A_824 = tpu.vector_load_idx %arg10[%broadcast_in_dim3A_814, %add3A_823, %broadcast_in_dim3A_812] : memref<8x32x128xf32, #tpu.memory_space<vmem>>[vector<16xi32>, vector<16xi32>, vector<16xi32>], vector<16xf32>,
      %shift_right_arithmetic3A_825 = arith.constant 7 : i32
      %shift_right_arithmetic3A_826 = arith.shrsi %add3A_766, %shift_right_arithmetic3A_825 : i32
      %broadcast_in_dim3A_827 = vector.broadcast %shift_right_arithmetic3A_826 : i32 to vector<16xi32>
      %and3A_828 = arith.constant 127 : i32
      %and3A_829 = arith.andi %add3A_766, %and3A_828 : i32
      %broadcast_in_dim3A_830 = vector.broadcast %and3A_829 : i32 to vector<16xi32>
      %mul3A_831 = arith.mulf %gather3A_815, %gather3A_820 : vector<16xf32>
      tpu.vector_store_idx %arg11[%shift_right_arithmetic3A_4, %broadcast_in_dim3A_827, %and3A_6, %broadcast_in_dim3A_830], %mul3A_831 : memref<4x4x8x128xf32, #tpu.memory_space<vmem>>[vector<16xi32>, vector<16xi32>, vector<16xi32>, vector<16xi32>], vector<16xf32>,
      %mul3A_832 = arith.mulf %gather3A_819, %gather3A_824 : vector<16xf32>
      tpu.vector_store_idx %arg11[%shift_right_arithmetic3A_12, %broadcast_in_dim3A_827, %and3A_6, %broadcast_in_dim3A_830], %mul3A_832 : memref<4x4x8x128xf32, #tpu.memory_space<vmem>>[vector<16xi32>, vector<16xi32>, vector<16xi32>, vector<16xi32>], vector<16xf32>,
      %slice3A_833 = vector.extract_strided_slice %get3A_404 {offsets = [11], sizes = [1], strides = [1]} : vector<16xi32> to vector<1xi32>
      %squeeze3A_834 = vector.extract %slice3A_833[0] : i32 from vector<1xi32>
      %slice3A_835 = vector.extract_strided_slice %get3A_408 {offsets = [11], sizes = [1], strides = [1]} : vector<16xi32> to vector<1xi32>
      %squeeze3A_836 = vector.extract %slice3A_835[0] : i32 from vector<1xi32>
      %shift_right_arithmetic3A_837 = arith.constant 7 : i32
      %shift_right_arithmetic3A_838 = arith.shrsi %squeeze3A_834, %shift_right_arithmetic3A_837 : i32
      %mul3A_839 = arith.constant 128 : i32
      %mul3A_840 = arith.muli %shift_right_arithmetic3A_838, %mul3A_839 : i32
      %multiple_of3A_841 = tpu.assume_multiple %mul3A_840, 128 : i32
      %dma_start3A_842 = arith.constant 3 : i32
      %dma_start3A_843 = arith.constant 3 : i32
      %dma_start3A_844 = arith.constant 0 : i32
      %dma_start3A_845 = arith.constant 0 : i32
      %dma_start3A_846 = tpu.memref_slice %arg9[%dma_start3A_842, %dma_start3A_844, %dma_start3A_845] : memref<8x32x128xf32, #tpu.memory_space<vmem>> -> memref<1x32x128xf32, #tpu.memory_space<vmem>>
      %dma_start3A_847 = tpu.memref_squeeze %dma_start3A_846 : memref<1x32x128xf32, #tpu.memory_space<vmem>> -> memref<32x128xf32, #tpu.memory_space<vmem>>
      %dma_start3A_848 = arith.constant 0 : i32
      %dma_start3A_849 = tpu.memref_slice %arg4[%dma_start3A_848, %multiple_of3A_841] : memref<32x1000000xf32, #tpu.memory_space<hbm>> -> memref<32x128xf32, #tpu.memory_space<hbm>>
      %dma_start3A_850 = tpu.memref_slice %arg12[%dma_start3A_843] : memref<8x!tpu.dma_semaphore, #tpu.memory_space<semaphore_mem>> -> memref<1x!tpu.dma_semaphore, #tpu.memory_space<semaphore_mem>>
      %dma_start3A_851 = tpu.memref_squeeze %dma_start3A_850 : memref<1x!tpu.dma_semaphore, #tpu.memory_space<semaphore_mem>> -> memref<!tpu.dma_semaphore, #tpu.memory_space<semaphore_mem>>
      %dma_start3A_852 = arith.constant 0 : i32
      %dma_start3A_853 = arith.constant 0 : i32
      %dma_start3A_854 = tpu.memref_slice %arg9[%dma_start3A_842, %dma_start3A_852, %dma_start3A_853] : memref<8x32x128xf32, #tpu.memory_space<vmem>> -> memref<1x32x128xf32, #tpu.memory_space<vmem>>
      %dma_start3A_855 = tpu.memref_squeeze %dma_start3A_854 : memref<1x32x128xf32, #tpu.memory_space<vmem>> -> memref<32x128xf32, #tpu.memory_space<vmem>>
      %dma_start3A_856 = arith.constant 0 : i32
      %dma_start3A_857 = tpu.memref_slice %arg4[%dma_start3A_856, %multiple_of3A_841] : memref<32x1000000xf32, #tpu.memory_space<hbm>> -> memref<32x128xf32, #tpu.memory_space<hbm>>
      tpu.enqueue_dma source(%dma_start3A_857 : memref<32x128xf32, #tpu.memory_space<hbm>>) target(%dma_start3A_855 : memref<32x128xf32, #tpu.memory_space<vmem>>) target_semaphore(%dma_start3A_851 : memref<!tpu.dma_semaphore, #tpu.memory_space<semaphore_mem>>)
      %shift_right_arithmetic3A_858 = arith.constant 7 : i32
      %shift_right_arithmetic3A_859 = arith.shrsi %squeeze3A_836, %shift_right_arithmetic3A_858 : i32
      %mul3A_860 = arith.constant 128 : i32
      %mul3A_861 = arith.muli %shift_right_arithmetic3A_859, %mul3A_860 : i32
      %multiple_of3A_862 = tpu.assume_multiple %mul3A_861, 128 : i32
      %dma_start3A_863 = arith.constant 3 : i32
      %dma_start3A_864 = arith.constant 3 : i32
      %dma_start3A_865 = arith.constant 0 : i32
      %dma_start3A_866 = arith.constant 0 : i32
      %dma_start3A_867 = tpu.memref_slice %arg10[%dma_start3A_863, %dma_start3A_865, %dma_start3A_866] : memref<8x32x128xf32, #tpu.memory_space<vmem>> -> memref<1x32x128xf32, #tpu.memory_space<vmem>>
      %dma_start3A_868 = tpu.memref_squeeze %dma_start3A_867 : memref<1x32x128xf32, #tpu.memory_space<vmem>> -> memref<32x128xf32, #tpu.memory_space<vmem>>
      %dma_start3A_869 = arith.constant 0 : i32
      %dma_start3A_870 = tpu.memref_slice %arg5[%dma_start3A_869, %multiple_of3A_862] : memref<32x1000000xf32, #tpu.memory_space<hbm>> -> memref<32x128xf32, #tpu.memory_space<hbm>>
      %dma_start3A_871 = tpu.memref_slice %arg12[%dma_start3A_864] : memref<8x!tpu.dma_semaphore, #tpu.memory_space<semaphore_mem>> -> memref<1x!tpu.dma_semaphore, #tpu.memory_space<semaphore_mem>>
      %dma_start3A_872 = tpu.memref_squeeze %dma_start3A_871 : memref<1x!tpu.dma_semaphore, #tpu.memory_space<semaphore_mem>> -> memref<!tpu.dma_semaphore, #tpu.memory_space<semaphore_mem>>
      %dma_start3A_873 = arith.constant 0 : i32
      %dma_start3A_874 = arith.constant 0 : i32
      %dma_start3A_875 = tpu.memref_slice %arg10[%dma_start3A_863, %dma_start3A_873, %dma_start3A_874] : memref<8x32x128xf32, #tpu.memory_space<vmem>> -> memref<1x32x128xf32, #tpu.memory_space<vmem>>
      %dma_start3A_876 = tpu.memref_squeeze %dma_start3A_875 : memref<1x32x128xf32, #tpu.memory_space<vmem>> -> memref<32x128xf32, #tpu.memory_space<vmem>>
      %dma_start3A_877 = arith.constant 0 : i32
      %dma_start3A_878 = tpu.memref_slice %arg5[%dma_start3A_877, %multiple_of3A_862] : memref<32x1000000xf32, #tpu.memory_space<hbm>> -> memref<32x128xf32, #tpu.memory_space<hbm>>
      tpu.enqueue_dma source(%dma_start3A_878 : memref<32x128xf32, #tpu.memory_space<hbm>>) target(%dma_start3A_876 : memref<32x128xf32, #tpu.memory_space<vmem>>) target_semaphore(%dma_start3A_872 : memref<!tpu.dma_semaphore, #tpu.memory_space<semaphore_mem>>)
      %mul3A_879 = arith.constant 16 : i32
      %mul3A_880 = arith.muli %scan3A_400, %mul3A_879 : i32
      %add3A_881 = arith.constant 4 : i32
      %add3A_882 = arith.addi %mul3A_880, %add3A_881 : i32
      %dma_wait3A_883 = arith.constant 4 : i32
      %dma_wait3A_884 = arith.constant 4 : i32
      %dma_wait3A_885 = arith.constant 0 : i32
      %dma_wait3A_886 = arith.constant 0 : i32
      %dma_wait3A_887 = tpu.memref_slice %arg9[%dma_wait3A_883, %dma_wait3A_885, %dma_wait3A_886] : memref<8x32x128xf32, #tpu.memory_space<vmem>> -> memref<1x32x128xf32, #tpu.memory_space<vmem>>
      %dma_wait3A_888 = tpu.memref_squeeze %dma_wait3A_887 : memref<1x32x128xf32, #tpu.memory_space<vmem>> -> memref<32x128xf32, #tpu.memory_space<vmem>>
      %dma_wait3A_889 = arith.constant 0 : i32
      %dma_wait3A_890 = arith.constant 0 : i32
      %dma_wait3A_891 = tpu.memref_slice %arg4[%dma_wait3A_889, %dma_wait3A_890] : memref<32x1000000xf32, #tpu.memory_space<hbm>> -> memref<32x128xf32, #tpu.memory_space<hbm>>
      %dma_wait3A_892 = tpu.memref_slice %arg12[%dma_wait3A_884] : memref<8x!tpu.dma_semaphore, #tpu.memory_space<semaphore_mem>> -> memref<1x!tpu.dma_semaphore, #tpu.memory_space<semaphore_mem>>
      %dma_wait3A_893 = tpu.memref_squeeze %dma_wait3A_892 : memref<1x!tpu.dma_semaphore, #tpu.memory_space<semaphore_mem>> -> memref<!tpu.dma_semaphore, #tpu.memory_space<semaphore_mem>>
      %dma_wait3A_894 = arith.constant 0 : i32
      %dma_wait3A_895 = arith.constant 0 : i32
      %dma_wait3A_896 = tpu.memref_slice %arg9[%dma_wait3A_883, %dma_wait3A_894, %dma_wait3A_895] : memref<8x32x128xf32, #tpu.memory_space<vmem>> -> memref<1x32x128xf32, #tpu.memory_space<vmem>>
      %dma_wait3A_897 = tpu.memref_squeeze %dma_wait3A_896 : memref<1x32x128xf32, #tpu.memory_space<vmem>> -> memref<32x128xf32, #tpu.memory_space<vmem>>
      %dma_wait3A_898 = arith.constant 0 : i32
      %dma_wait3A_899 = arith.constant 0 : i32
      %dma_wait3A_900 = tpu.memref_slice %arg4[%dma_wait3A_898, %dma_wait3A_899] : memref<32x1000000xf32, #tpu.memory_space<hbm>> -> memref<32x128xf32, #tpu.memory_space<hbm>>
      tpu.wait_dma2 semaphore(%dma_wait3A_893 : memref<!tpu.dma_semaphore, #tpu.memory_space<semaphore_mem>>) src(%dma_wait3A_900 : memref<32x128xf32, #tpu.memory_space<hbm>>) dst(%dma_wait3A_897 : memref<32x128xf32, #tpu.memory_space<vmem>>)
      %dma_wait3A_901 = arith.constant 4 : i32
      %dma_wait3A_902 = arith.constant 4 : i32
      %dma_wait3A_903 = arith.constant 0 : i32
      %dma_wait3A_904 = arith.constant 0 : i32
      %dma_wait3A_905 = tpu.memref_slice %arg10[%dma_wait3A_901, %dma_wait3A_903, %dma_wait3A_904] : memref<8x32x128xf32, #tpu.memory_space<vmem>> -> memref<1x32x128xf32, #tpu.memory_space<vmem>>
      %dma_wait3A_906 = tpu.memref_squeeze %dma_wait3A_905 : memref<1x32x128xf32, #tpu.memory_space<vmem>> -> memref<32x128xf32, #tpu.memory_space<vmem>>
      %dma_wait3A_907 = arith.constant 0 : i32
      %dma_wait3A_908 = arith.constant 0 : i32
      %dma_wait3A_909 = tpu.memref_slice %arg5[%dma_wait3A_907, %dma_wait3A_908] : memref<32x1000000xf32, #tpu.memory_space<hbm>> -> memref<32x128xf32, #tpu.memory_space<hbm>>
      %dma_wait3A_910 = tpu.memref_slice %arg12[%dma_wait3A_902] : memref<8x!tpu.dma_semaphore, #tpu.memory_space<semaphore_mem>> -> memref<1x!tpu.dma_semaphore, #tpu.memory_space<semaphore_mem>>
      %dma_wait3A_911 = tpu.memref_squeeze %dma_wait3A_910 : memref<1x!tpu.dma_semaphore, #tpu.memory_space<semaphore_mem>> -> memref<!tpu.dma_semaphore, #tpu.memory_space<semaphore_mem>>
      %dma_wait3A_912 = arith.constant 0 : i32
      %dma_wait3A_913 = arith.constant 0 : i32
      %dma_wait3A_914 = tpu.memref_slice %arg10[%dma_wait3A_901, %dma_wait3A_912, %dma_wait3A_913] : memref<8x32x128xf32, #tpu.memory_space<vmem>> -> memref<1x32x128xf32, #tpu.memory_space<vmem>>
      %dma_wait3A_915 = tpu.memref_squeeze %dma_wait3A_914 : memref<1x32x128xf32, #tpu.memory_space<vmem>> -> memref<32x128xf32, #tpu.memory_space<vmem>>
      %dma_wait3A_916 = arith.constant 0 : i32
      %dma_wait3A_917 = arith.constant 0 : i32
      %dma_wait3A_918 = tpu.memref_slice %arg5[%dma_wait3A_916, %dma_wait3A_917] : memref<32x1000000xf32, #tpu.memory_space<hbm>> -> memref<32x128xf32, #tpu.memory_space<hbm>>
      tpu.wait_dma2 semaphore(%dma_wait3A_911 : memref<!tpu.dma_semaphore, #tpu.memory_space<semaphore_mem>>) src(%dma_wait3A_918 : memref<32x128xf32, #tpu.memory_space<hbm>>) dst(%dma_wait3A_915 : memref<32x128xf32, #tpu.memory_space<vmem>>)
      %slice3A_919 = vector.extract_strided_slice %get3A_404 {offsets = [4], sizes = [1], strides = [1]} : vector<16xi32> to vector<1xi32>
      %squeeze3A_920 = vector.extract %slice3A_919[0] : i32 from vector<1xi32>
      %slice3A_921 = vector.extract_strided_slice %get3A_408 {offsets = [4], sizes = [1], strides = [1]} : vector<16xi32> to vector<1xi32>
      %squeeze3A_922 = vector.extract %slice3A_921[0] : i32 from vector<1xi32>
      %and3A_923 = arith.constant 127 : i32
      %and3A_924 = arith.andi %squeeze3A_920, %and3A_923 : i32
      %broadcast_in_dim3A_925 = vector.broadcast %and3A_924 : i32 to vector<16xi32>
      %and3A_926 = arith.constant 127 : i32
      %and3A_927 = arith.andi %squeeze3A_922, %and3A_926 : i32
      %broadcast_in_dim3A_928 = vector.broadcast %and3A_927 : i32 to vector<16xi32>
      %broadcast_in_dim3A_929 = arith.constant 4 : i32
      %broadcast_in_dim3A_930 = vector.broadcast %broadcast_in_dim3A_929 : i32 to vector<16xi32>
      %gather3A_931 = tpu.vector_load_idx %arg9[%broadcast_in_dim3A_930, %iota3A, %broadcast_in_dim3A_925] : memref<8x32x128xf32, #tpu.memory_space<vmem>>[vector<16xi32>, vector<16xi32>, vector<16xi32>], vector<16xf32>,
      %add3A_932 = arith.constant 16 : i32
      %add3A_933 = vector.broadcast %add3A_932 : i32 to vector<16xi32>
      %add3A_934 = arith.addi %iota3A, %add3A_933 : vector<16xi32>
      %gather3A_935 = tpu.vector_load_idx %arg9[%broadcast_in_dim3A_930, %add3A_934, %broadcast_in_dim3A_925] : memref<8x32x128xf32, #tpu.memory_space<vmem>>[vector<16xi32>, vector<16xi32>, vector<16xi32>], vector<16xf32>,
      %gather3A_936 = tpu.vector_load_idx %arg10[%broadcast_in_dim3A_930, %iota3A, %broadcast_in_dim3A_928] : memref<8x32x128xf32, #tpu.memory_space<vmem>>[vector<16xi32>, vector<16xi32>, vector<16xi32>], vector<16xf32>,
      %add3A_937 = arith.constant 16 : i32
      %add3A_938 = vector.broadcast %add3A_937 : i32 to vector<16xi32>
      %add3A_939 = arith.addi %iota3A, %add3A_938 : vector<16xi32>
      %gather3A_940 = tpu.vector_load_idx %arg10[%broadcast_in_dim3A_930, %add3A_939, %broadcast_in_dim3A_928] : memref<8x32x128xf32, #tpu.memory_space<vmem>>[vector<16xi32>, vector<16xi32>, vector<16xi32>], vector<16xf32>,
      %shift_right_arithmetic3A_941 = arith.constant 7 : i32
      %shift_right_arithmetic3A_942 = arith.shrsi %add3A_882, %shift_right_arithmetic3A_941 : i32
      %broadcast_in_dim3A_943 = vector.broadcast %shift_right_arithmetic3A_942 : i32 to vector<16xi32>
      %and3A_944 = arith.constant 127 : i32
      %and3A_945 = arith.andi %add3A_882, %and3A_944 : i32
      %broadcast_in_dim3A_946 = vector.broadcast %and3A_945 : i32 to vector<16xi32>
      %mul3A_947 = arith.mulf %gather3A_931, %gather3A_936 : vector<16xf32>
      tpu.vector_store_idx %arg11[%shift_right_arithmetic3A_4, %broadcast_in_dim3A_943, %and3A_6, %broadcast_in_dim3A_946], %mul3A_947 : memref<4x4x8x128xf32, #tpu.memory_space<vmem>>[vector<16xi32>, vector<16xi32>, vector<16xi32>, vector<16xi32>], vector<16xf32>,
      %mul3A_948 = arith.mulf %gather3A_935, %gather3A_940 : vector<16xf32>
      tpu.vector_store_idx %arg11[%shift_right_arithmetic3A_12, %broadcast_in_dim3A_943, %and3A_6, %broadcast_in_dim3A_946], %mul3A_948 : memref<4x4x8x128xf32, #tpu.memory_space<vmem>>[vector<16xi32>, vector<16xi32>, vector<16xi32>, vector<16xi32>], vector<16xf32>,
      %slice3A_949 = vector.extract_strided_slice %get3A_404 {offsets = [12], sizes = [1], strides = [1]} : vector<16xi32> to vector<1xi32>
      %squeeze3A_950 = vector.extract %slice3A_949[0] : i32 from vector<1xi32>
      %slice3A_951 = vector.extract_strided_slice %get3A_408 {offsets = [12], sizes = [1], strides = [1]} : vector<16xi32> to vector<1xi32>
      %squeeze3A_952 = vector.extract %slice3A_951[0] : i32 from vector<1xi32>
      %shift_right_arithmetic3A_953 = arith.constant 7 : i32
      %shift_right_arithmetic3A_954 = arith.shrsi %squeeze3A_950, %shift_right_arithmetic3A_953 : i32
      %mul3A_955 = arith.constant 128 : i32
      %mul3A_956 = arith.muli %shift_right_arithmetic3A_954, %mul3A_955 : i32
      %multiple_of3A_957 = tpu.assume_multiple %mul3A_956, 128 : i32
      %dma_start3A_958 = arith.constant 4 : i32
      %dma_start3A_959 = arith.constant 4 : i32
      %dma_start3A_960 = arith.constant 0 : i32
      %dma_start3A_961 = arith.constant 0 : i32
      %dma_start3A_962 = tpu.memref_slice %arg9[%dma_start3A_958, %dma_start3A_960, %dma_start3A_961] : memref<8x32x128xf32, #tpu.memory_space<vmem>> -> memref<1x32x128xf32, #tpu.memory_space<vmem>>
      %dma_start3A_963 = tpu.memref_squeeze %dma_start3A_962 : memref<1x32x128xf32, #tpu.memory_space<vmem>> -> memref<32x128xf32, #tpu.memory_space<vmem>>
      %dma_start3A_964 = arith.constant 0 : i32
      %dma_start3A_965 = tpu.memref_slice %arg4[%dma_start3A_964, %multiple_of3A_957] : memref<32x1000000xf32, #tpu.memory_space<hbm>> -> memref<32x128xf32, #tpu.memory_space<hbm>>
      %dma_start3A_966 = tpu.memref_slice %arg12[%dma_start3A_959] : memref<8x!tpu.dma_semaphore, #tpu.memory_space<semaphore_mem>> -> memref<1x!tpu.dma_semaphore, #tpu.memory_space<semaphore_mem>>
      %dma_start3A_967 = tpu.memref_squeeze %dma_start3A_966 : memref<1x!tpu.dma_semaphore, #tpu.memory_space<semaphore_mem>> -> memref<!tpu.dma_semaphore, #tpu.memory_space<semaphore_mem>>
      %dma_start3A_968 = arith.constant 0 : i32
      %dma_start3A_969 = arith.constant 0 : i32
      %dma_start3A_970 = tpu.memref_slice %arg9[%dma_start3A_958, %dma_start3A_968, %dma_start3A_969] : memref<8x32x128xf32, #tpu.memory_space<vmem>> -> memref<1x32x128xf32, #tpu.memory_space<vmem>>
      %dma_start3A_971 = tpu.memref_squeeze %dma_start3A_970 : memref<1x32x128xf32, #tpu.memory_space<vmem>> -> memref<32x128xf32, #tpu.memory_space<vmem>>
      %dma_start3A_972 = arith.constant 0 : i32
      %dma_start3A_973 = tpu.memref_slice %arg4[%dma_start3A_972, %multiple_of3A_957] : memref<32x1000000xf32, #tpu.memory_space<hbm>> -> memref<32x128xf32, #tpu.memory_space<hbm>>
      tpu.enqueue_dma source(%dma_start3A_973 : memref<32x128xf32, #tpu.memory_space<hbm>>) target(%dma_start3A_971 : memref<32x128xf32, #tpu.memory_space<vmem>>) target_semaphore(%dma_start3A_967 : memref<!tpu.dma_semaphore, #tpu.memory_space<semaphore_mem>>)
      %shift_right_arithmetic3A_974 = arith.constant 7 : i32
      %shift_right_arithmetic3A_975 = arith.shrsi %squeeze3A_952, %shift_right_arithmetic3A_974 : i32
      %mul3A_976 = arith.constant 128 : i32
      %mul3A_977 = arith.muli %shift_right_arithmetic3A_975, %mul3A_976 : i32
      %multiple_of3A_978 = tpu.assume_multiple %mul3A_977, 128 : i32
      %dma_start3A_979 = arith.constant 4 : i32
      %dma_start3A_980 = arith.constant 4 : i32
      %dma_start3A_981 = arith.constant 0 : i32
      %dma_start3A_982 = arith.constant 0 : i32
      %dma_start3A_983 = tpu.memref_slice %arg10[%dma_start3A_979, %dma_start3A_981, %dma_start3A_982] : memref<8x32x128xf32, #tpu.memory_space<vmem>> -> memref<1x32x128xf32, #tpu.memory_space<vmem>>
      %dma_start3A_984 = tpu.memref_squeeze %dma_start3A_983 : memref<1x32x128xf32, #tpu.memory_space<vmem>> -> memref<32x128xf32, #tpu.memory_space<vmem>>
      %dma_start3A_985 = arith.constant 0 : i32
      %dma_start3A_986 = tpu.memref_slice %arg5[%dma_start3A_985, %multiple_of3A_978] : memref<32x1000000xf32, #tpu.memory_space<hbm>> -> memref<32x128xf32, #tpu.memory_space<hbm>>
      %dma_start3A_987 = tpu.memref_slice %arg12[%dma_start3A_980] : memref<8x!tpu.dma_semaphore, #tpu.memory_space<semaphore_mem>> -> memref<1x!tpu.dma_semaphore, #tpu.memory_space<semaphore_mem>>
      %dma_start3A_988 = tpu.memref_squeeze %dma_start3A_987 : memref<1x!tpu.dma_semaphore, #tpu.memory_space<semaphore_mem>> -> memref<!tpu.dma_semaphore, #tpu.memory_space<semaphore_mem>>
      %dma_start3A_989 = arith.constant 0 : i32
      %dma_start3A_990 = arith.constant 0 : i32
      %dma_start3A_991 = tpu.memref_slice %arg10[%dma_start3A_979, %dma_start3A_989, %dma_start3A_990] : memref<8x32x128xf32, #tpu.memory_space<vmem>> -> memref<1x32x128xf32, #tpu.memory_space<vmem>>
      %dma_start3A_992 = tpu.memref_squeeze %dma_start3A_991 : memref<1x32x128xf32, #tpu.memory_space<vmem>> -> memref<32x128xf32, #tpu.memory_space<vmem>>
      %dma_start3A_993 = arith.constant 0 : i32
      %dma_start3A_994 = tpu.memref_slice %arg5[%dma_start3A_993, %multiple_of3A_978] : memref<32x1000000xf32, #tpu.memory_space<hbm>> -> memref<32x128xf32, #tpu.memory_space<hbm>>
      tpu.enqueue_dma source(%dma_start3A_994 : memref<32x128xf32, #tpu.memory_space<hbm>>) target(%dma_start3A_992 : memref<32x128xf32, #tpu.memory_space<vmem>>) target_semaphore(%dma_start3A_988 : memref<!tpu.dma_semaphore, #tpu.memory_space<semaphore_mem>>)
      %mul3A_995 = arith.constant 16 : i32
      %mul3A_996 = arith.muli %scan3A_400, %mul3A_995 : i32
      %add3A_997 = arith.constant 5 : i32
      %add3A_998 = arith.addi %mul3A_996, %add3A_997 : i32
      %dma_wait3A_999 = arith.constant 5 : i32
      %dma_wait3A_1000 = arith.constant 5 : i32
      %dma_wait3A_1001 = arith.constant 0 : i32
      %dma_wait3A_1002 = arith.constant 0 : i32
      %dma_wait3A_1003 = tpu.memref_slice %arg9[%dma_wait3A_999, %dma_wait3A_1001, %dma_wait3A_1002] : memref<8x32x128xf32, #tpu.memory_space<vmem>> -> memref<1x32x128xf32, #tpu.memory_space<vmem>>
      %dma_wait3A_1004 = tpu.memref_squeeze %dma_wait3A_1003 : memref<1x32x128xf32, #tpu.memory_space<vmem>> -> memref<32x128xf32, #tpu.memory_space<vmem>>
      %dma_wait3A_1005 = arith.constant 0 : i32
      %dma_wait3A_1006 = arith.constant 0 : i32
      %dma_wait3A_1007 = tpu.memref_slice %arg4[%dma_wait3A_1005, %dma_wait3A_1006] : memref<32x1000000xf32, #tpu.memory_space<hbm>> -> memref<32x128xf32, #tpu.memory_space<hbm>>
      %dma_wait3A_1008 = tpu.memref_slice %arg12[%dma_wait3A_1000] : memref<8x!tpu.dma_semaphore, #tpu.memory_space<semaphore_mem>> -> memref<1x!tpu.dma_semaphore, #tpu.memory_space<semaphore_mem>>
      %dma_wait3A_1009 = tpu.memref_squeeze %dma_wait3A_1008 : memref<1x!tpu.dma_semaphore, #tpu.memory_space<semaphore_mem>> -> memref<!tpu.dma_semaphore, #tpu.memory_space<semaphore_mem>>
      %dma_wait3A_1010 = arith.constant 0 : i32
      %dma_wait3A_1011 = arith.constant 0 : i32
      %dma_wait3A_1012 = tpu.memref_slice %arg9[%dma_wait3A_999, %dma_wait3A_1010, %dma_wait3A_1011] : memref<8x32x128xf32, #tpu.memory_space<vmem>> -> memref<1x32x128xf32, #tpu.memory_space<vmem>>
      %dma_wait3A_1013 = tpu.memref_squeeze %dma_wait3A_1012 : memref<1x32x128xf32, #tpu.memory_space<vmem>> -> memref<32x128xf32, #tpu.memory_space<vmem>>
      %dma_wait3A_1014 = arith.constant 0 : i32
      %dma_wait3A_1015 = arith.constant 0 : i32
      %dma_wait3A_1016 = tpu.memref_slice %arg4[%dma_wait3A_1014, %dma_wait3A_1015] : memref<32x1000000xf32, #tpu.memory_space<hbm>> -> memref<32x128xf32, #tpu.memory_space<hbm>>
      tpu.wait_dma2 semaphore(%dma_wait3A_1009 : memref<!tpu.dma_semaphore, #tpu.memory_space<semaphore_mem>>) src(%dma_wait3A_1016 : memref<32x128xf32, #tpu.memory_space<hbm>>) dst(%dma_wait3A_1013 : memref<32x128xf32, #tpu.memory_space<vmem>>)
      %dma_wait3A_1017 = arith.constant 5 : i32
      %dma_wait3A_1018 = arith.constant 5 : i32
      %dma_wait3A_1019 = arith.constant 0 : i32
      %dma_wait3A_1020 = arith.constant 0 : i32
      %dma_wait3A_1021 = tpu.memref_slice %arg10[%dma_wait3A_1017, %dma_wait3A_1019, %dma_wait3A_1020] : memref<8x32x128xf32, #tpu.memory_space<vmem>> -> memref<1x32x128xf32, #tpu.memory_space<vmem>>
      %dma_wait3A_1022 = tpu.memref_squeeze %dma_wait3A_1021 : memref<1x32x128xf32, #tpu.memory_space<vmem>> -> memref<32x128xf32, #tpu.memory_space<vmem>>
      %dma_wait3A_1023 = arith.constant 0 : i32
      %dma_wait3A_1024 = arith.constant 0 : i32
      %dma_wait3A_1025 = tpu.memref_slice %arg5[%dma_wait3A_1023, %dma_wait3A_1024] : memref<32x1000000xf32, #tpu.memory_space<hbm>> -> memref<32x128xf32, #tpu.memory_space<hbm>>
      %dma_wait3A_1026 = tpu.memref_slice %arg12[%dma_wait3A_1018] : memref<8x!tpu.dma_semaphore, #tpu.memory_space<semaphore_mem>> -> memref<1x!tpu.dma_semaphore, #tpu.memory_space<semaphore_mem>>
      %dma_wait3A_1027 = tpu.memref_squeeze %dma_wait3A_1026 : memref<1x!tpu.dma_semaphore, #tpu.memory_space<semaphore_mem>> -> memref<!tpu.dma_semaphore, #tpu.memory_space<semaphore_mem>>
      %dma_wait3A_1028 = arith.constant 0 : i32
      %dma_wait3A_1029 = arith.constant 0 : i32
      %dma_wait3A_1030 = tpu.memref_slice %arg10[%dma_wait3A_1017, %dma_wait3A_1028, %dma_wait3A_1029] : memref<8x32x128xf32, #tpu.memory_space<vmem>> -> memref<1x32x128xf32, #tpu.memory_space<vmem>>
      %dma_wait3A_1031 = tpu.memref_squeeze %dma_wait3A_1030 : memref<1x32x128xf32, #tpu.memory_space<vmem>> -> memref<32x128xf32, #tpu.memory_space<vmem>>
      %dma_wait3A_1032 = arith.constant 0 : i32
      %dma_wait3A_1033 = arith.constant 0 : i32
      %dma_wait3A_1034 = tpu.memref_slice %arg5[%dma_wait3A_1032, %dma_wait3A_1033] : memref<32x1000000xf32, #tpu.memory_space<hbm>> -> memref<32x128xf32, #tpu.memory_space<hbm>>
      tpu.wait_dma2 semaphore(%dma_wait3A_1027 : memref<!tpu.dma_semaphore, #tpu.memory_space<semaphore_mem>>) src(%dma_wait3A_1034 : memref<32x128xf32, #tpu.memory_space<hbm>>) dst(%dma_wait3A_1031 : memref<32x128xf32, #tpu.memory_space<vmem>>)
      %slice3A_1035 = vector.extract_strided_slice %get3A_404 {offsets = [5], sizes = [1], strides = [1]} : vector<16xi32> to vector<1xi32>
      %squeeze3A_1036 = vector.extract %slice3A_1035[0] : i32 from vector<1xi32>
      %slice3A_1037 = vector.extract_strided_slice %get3A_408 {offsets = [5], sizes = [1], strides = [1]} : vector<16xi32> to vector<1xi32>
      %squeeze3A_1038 = vector.extract %slice3A_1037[0] : i32 from vector<1xi32>
      %and3A_1039 = arith.constant 127 : i32
      %and3A_1040 = arith.andi %squeeze3A_1036, %and3A_1039 : i32
      %broadcast_in_dim3A_1041 = vector.broadcast %and3A_1040 : i32 to vector<16xi32>
      %and3A_1042 = arith.constant 127 : i32
      %and3A_1043 = arith.andi %squeeze3A_1038, %and3A_1042 : i32
      %broadcast_in_dim3A_1044 = vector.broadcast %and3A_1043 : i32 to vector<16xi32>
      %broadcast_in_dim3A_1045 = arith.constant 5 : i32
      %broadcast_in_dim3A_1046 = vector.broadcast %broadcast_in_dim3A_1045 : i32 to vector<16xi32>
      %gather3A_1047 = tpu.vector_load_idx %arg9[%broadcast_in_dim3A_1046, %iota3A, %broadcast_in_dim3A_1041] : memref<8x32x128xf32, #tpu.memory_space<vmem>>[vector<16xi32>, vector<16xi32>, vector<16xi32>], vector<16xf32>,
      %add3A_1048 = arith.constant 16 : i32
      %add3A_1049 = vector.broadcast %add3A_1048 : i32 to vector<16xi32>
      %add3A_1050 = arith.addi %iota3A, %add3A_1049 : vector<16xi32>
      %gather3A_1051 = tpu.vector_load_idx %arg9[%broadcast_in_dim3A_1046, %add3A_1050, %broadcast_in_dim3A_1041] : memref<8x32x128xf32, #tpu.memory_space<vmem>>[vector<16xi32>, vector<16xi32>, vector<16xi32>], vector<16xf32>,
      %gather3A_1052 = tpu.vector_load_idx %arg10[%broadcast_in_dim3A_1046, %iota3A, %broadcast_in_dim3A_1044] : memref<8x32x128xf32, #tpu.memory_space<vmem>>[vector<16xi32>, vector<16xi32>, vector<16xi32>], vector<16xf32>,
      %add3A_1053 = arith.constant 16 : i32
      %add3A_1054 = vector.broadcast %add3A_1053 : i32 to vector<16xi32>
      %add3A_1055 = arith.addi %iota3A, %add3A_1054 : vector<16xi32>
      %gather3A_1056 = tpu.vector_load_idx %arg10[%broadcast_in_dim3A_1046, %add3A_1055, %broadcast_in_dim3A_1044] : memref<8x32x128xf32, #tpu.memory_space<vmem>>[vector<16xi32>, vector<16xi32>, vector<16xi32>], vector<16xf32>,
      %shift_right_arithmetic3A_1057 = arith.constant 7 : i32
      %shift_right_arithmetic3A_1058 = arith.shrsi %add3A_998, %shift_right_arithmetic3A_1057 : i32
      %broadcast_in_dim3A_1059 = vector.broadcast %shift_right_arithmetic3A_1058 : i32 to vector<16xi32>
      %and3A_1060 = arith.constant 127 : i32
      %and3A_1061 = arith.andi %add3A_998, %and3A_1060 : i32
      %broadcast_in_dim3A_1062 = vector.broadcast %and3A_1061 : i32 to vector<16xi32>
      %mul3A_1063 = arith.mulf %gather3A_1047, %gather3A_1052 : vector<16xf32>
      tpu.vector_store_idx %arg11[%shift_right_arithmetic3A_4, %broadcast_in_dim3A_1059, %and3A_6, %broadcast_in_dim3A_1062], %mul3A_1063 : memref<4x4x8x128xf32, #tpu.memory_space<vmem>>[vector<16xi32>, vector<16xi32>, vector<16xi32>, vector<16xi32>], vector<16xf32>,
      %mul3A_1064 = arith.mulf %gather3A_1051, %gather3A_1056 : vector<16xf32>
      tpu.vector_store_idx %arg11[%shift_right_arithmetic3A_12, %broadcast_in_dim3A_1059, %and3A_6, %broadcast_in_dim3A_1062], %mul3A_1064 : memref<4x4x8x128xf32, #tpu.memory_space<vmem>>[vector<16xi32>, vector<16xi32>, vector<16xi32>, vector<16xi32>], vector<16xf32>,
      %slice3A_1065 = vector.extract_strided_slice %get3A_404 {offsets = [13], sizes = [1], strides = [1]} : vector<16xi32> to vector<1xi32>
      %squeeze3A_1066 = vector.extract %slice3A_1065[0] : i32 from vector<1xi32>
      %slice3A_1067 = vector.extract_strided_slice %get3A_408 {offsets = [13], sizes = [1], strides = [1]} : vector<16xi32> to vector<1xi32>
      %squeeze3A_1068 = vector.extract %slice3A_1067[0] : i32 from vector<1xi32>
      %shift_right_arithmetic3A_1069 = arith.constant 7 : i32
      %shift_right_arithmetic3A_1070 = arith.shrsi %squeeze3A_1066, %shift_right_arithmetic3A_1069 : i32
      %mul3A_1071 = arith.constant 128 : i32
      %mul3A_1072 = arith.muli %shift_right_arithmetic3A_1070, %mul3A_1071 : i32
      %multiple_of3A_1073 = tpu.assume_multiple %mul3A_1072, 128 : i32
      %dma_start3A_1074 = arith.constant 5 : i32
      %dma_start3A_1075 = arith.constant 5 : i32
      %dma_start3A_1076 = arith.constant 0 : i32
      %dma_start3A_1077 = arith.constant 0 : i32
      %dma_start3A_1078 = tpu.memref_slice %arg9[%dma_start3A_1074, %dma_start3A_1076, %dma_start3A_1077] : memref<8x32x128xf32, #tpu.memory_space<vmem>> -> memref<1x32x128xf32, #tpu.memory_space<vmem>>
      %dma_start3A_1079 = tpu.memref_squeeze %dma_start3A_1078 : memref<1x32x128xf32, #tpu.memory_space<vmem>> -> memref<32x128xf32, #tpu.memory_space<vmem>>
      %dma_start3A_1080 = arith.constant 0 : i32
      %dma_start3A_1081 = tpu.memref_slice %arg4[%dma_start3A_1080, %multiple_of3A_1073] : memref<32x1000000xf32, #tpu.memory_space<hbm>> -> memref<32x128xf32, #tpu.memory_space<hbm>>
      %dma_start3A_1082 = tpu.memref_slice %arg12[%dma_start3A_1075] : memref<8x!tpu.dma_semaphore, #tpu.memory_space<semaphore_mem>> -> memref<1x!tpu.dma_semaphore, #tpu.memory_space<semaphore_mem>>
      %dma_start3A_1083 = tpu.memref_squeeze %dma_start3A_1082 : memref<1x!tpu.dma_semaphore, #tpu.memory_space<semaphore_mem>> -> memref<!tpu.dma_semaphore, #tpu.memory_space<semaphore_mem>>
      %dma_start3A_1084 = arith.constant 0 : i32
      %dma_start3A_1085 = arith.constant 0 : i32
      %dma_start3A_1086 = tpu.memref_slice %arg9[%dma_start3A_1074, %dma_start3A_1084, %dma_start3A_1085] : memref<8x32x128xf32, #tpu.memory_space<vmem>> -> memref<1x32x128xf32, #tpu.memory_space<vmem>>
      %dma_start3A_1087 = tpu.memref_squeeze %dma_start3A_1086 : memref<1x32x128xf32, #tpu.memory_space<vmem>> -> memref<32x128xf32, #tpu.memory_space<vmem>>
      %dma_start3A_1088 = arith.constant 0 : i32
      %dma_start3A_1089 = tpu.memref_slice %arg4[%dma_start3A_1088, %multiple_of3A_1073] : memref<32x1000000xf32, #tpu.memory_space<hbm>> -> memref<32x128xf32, #tpu.memory_space<hbm>>
      tpu.enqueue_dma source(%dma_start3A_1089 : memref<32x128xf32, #tpu.memory_space<hbm>>) target(%dma_start3A_1087 : memref<32x128xf32, #tpu.memory_space<vmem>>) target_semaphore(%dma_start3A_1083 : memref<!tpu.dma_semaphore, #tpu.memory_space<semaphore_mem>>)
      %shift_right_arithmetic3A_1090 = arith.constant 7 : i32
      %shift_right_arithmetic3A_1091 = arith.shrsi %squeeze3A_1068, %shift_right_arithmetic3A_1090 : i32
      %mul3A_1092 = arith.constant 128 : i32
      %mul3A_1093 = arith.muli %shift_right_arithmetic3A_1091, %mul3A_1092 : i32
      %multiple_of3A_1094 = tpu.assume_multiple %mul3A_1093, 128 : i32
      %dma_start3A_1095 = arith.constant 5 : i32
      %dma_start3A_1096 = arith.constant 5 : i32
      %dma_start3A_1097 = arith.constant 0 : i32
      %dma_start3A_1098 = arith.constant 0 : i32
      %dma_start3A_1099 = tpu.memref_slice %arg10[%dma_start3A_1095, %dma_start3A_1097, %dma_start3A_1098] : memref<8x32x128xf32, #tpu.memory_space<vmem>> -> memref<1x32x128xf32, #tpu.memory_space<vmem>>
      %dma_start3A_1100 = tpu.memref_squeeze %dma_start3A_1099 : memref<1x32x128xf32, #tpu.memory_space<vmem>> -> memref<32x128xf32, #tpu.memory_space<vmem>>
      %dma_start3A_1101 = arith.constant 0 : i32
      %dma_start3A_1102 = tpu.memref_slice %arg5[%dma_start3A_1101, %multiple_of3A_1094] : memref<32x1000000xf32, #tpu.memory_space<hbm>> -> memref<32x128xf32, #tpu.memory_space<hbm>>
      %dma_start3A_1103 = tpu.memref_slice %arg12[%dma_start3A_1096] : memref<8x!tpu.dma_semaphore, #tpu.memory_space<semaphore_mem>> -> memref<1x!tpu.dma_semaphore, #tpu.memory_space<semaphore_mem>>
      %dma_start3A_1104 = tpu.memref_squeeze %dma_start3A_1103 : memref<1x!tpu.dma_semaphore, #tpu.memory_space<semaphore_mem>> -> memref<!tpu.dma_semaphore, #tpu.memory_space<semaphore_mem>>
      %dma_start3A_1105 = arith.constant 0 : i32
      %dma_start3A_1106 = arith.constant 0 : i32
      %dma_start3A_1107 = tpu.memref_slice %arg10[%dma_start3A_1095, %dma_start3A_1105, %dma_start3A_1106] : memref<8x32x128xf32, #tpu.memory_space<vmem>> -> memref<1x32x128xf32, #tpu.memory_space<vmem>>
      %dma_start3A_1108 = tpu.memref_squeeze %dma_start3A_1107 : memref<1x32x128xf32, #tpu.memory_space<vmem>> -> memref<32x128xf32, #tpu.memory_space<vmem>>
      %dma_start3A_1109 = arith.constant 0 : i32
      %dma_start3A_1110 = tpu.memref_slice %arg5[%dma_start3A_1109, %multiple_of3A_1094] : memref<32x1000000xf32, #tpu.memory_space<hbm>> -> memref<32x128xf32, #tpu.memory_space<hbm>>
      tpu.enqueue_dma source(%dma_start3A_1110 : memref<32x128xf32, #tpu.memory_space<hbm>>) target(%dma_start3A_1108 : memref<32x128xf32, #tpu.memory_space<vmem>>) target_semaphore(%dma_start3A_1104 : memref<!tpu.dma_semaphore, #tpu.memory_space<semaphore_mem>>)
      %mul3A_1111 = arith.constant 16 : i32
      %mul3A_1112 = arith.muli %scan3A_400, %mul3A_1111 : i32
      %add3A_1113 = arith.constant 6 : i32
      %add3A_1114 = arith.addi %mul3A_1112, %add3A_1113 : i32
      %dma_wait3A_1115 = arith.constant 6 : i32
      %dma_wait3A_1116 = arith.constant 6 : i32
      %dma_wait3A_1117 = arith.constant 0 : i32
      %dma_wait3A_1118 = arith.constant 0 : i32
      %dma_wait3A_1119 = tpu.memref_slice %arg9[%dma_wait3A_1115, %dma_wait3A_1117, %dma_wait3A_1118] : memref<8x32x128xf32, #tpu.memory_space<vmem>> -> memref<1x32x128xf32, #tpu.memory_space<vmem>>
      %dma_wait3A_1120 = tpu.memref_squeeze %dma_wait3A_1119 : memref<1x32x128xf32, #tpu.memory_space<vmem>> -> memref<32x128xf32, #tpu.memory_space<vmem>>
      %dma_wait3A_1121 = arith.constant 0 : i32
      %dma_wait3A_1122 = arith.constant 0 : i32
      %dma_wait3A_1123 = tpu.memref_slice %arg4[%dma_wait3A_1121, %dma_wait3A_1122] : memref<32x1000000xf32, #tpu.memory_space<hbm>> -> memref<32x128xf32, #tpu.memory_space<hbm>>
      %dma_wait3A_1124 = tpu.memref_slice %arg12[%dma_wait3A_1116] : memref<8x!tpu.dma_semaphore, #tpu.memory_space<semaphore_mem>> -> memref<1x!tpu.dma_semaphore, #tpu.memory_space<semaphore_mem>>
      %dma_wait3A_1125 = tpu.memref_squeeze %dma_wait3A_1124 : memref<1x!tpu.dma_semaphore, #tpu.memory_space<semaphore_mem>> -> memref<!tpu.dma_semaphore, #tpu.memory_space<semaphore_mem>>
      %dma_wait3A_1126 = arith.constant 0 : i32
      %dma_wait3A_1127 = arith.constant 0 : i32
      %dma_wait3A_1128 = tpu.memref_slice %arg9[%dma_wait3A_1115, %dma_wait3A_1126, %dma_wait3A_1127] : memref<8x32x128xf32, #tpu.memory_space<vmem>> -> memref<1x32x128xf32, #tpu.memory_space<vmem>>
      %dma_wait3A_1129 = tpu.memref_squeeze %dma_wait3A_1128 : memref<1x32x128xf32, #tpu.memory_space<vmem>> -> memref<32x128xf32, #tpu.memory_space<vmem>>
      %dma_wait3A_1130 = arith.constant 0 : i32
      %dma_wait3A_1131 = arith.constant 0 : i32
      %dma_wait3A_1132 = tpu.memref_slice %arg4[%dma_wait3A_1130, %dma_wait3A_1131] : memref<32x1000000xf32, #tpu.memory_space<hbm>> -> memref<32x128xf32, #tpu.memory_space<hbm>>
      tpu.wait_dma2 semaphore(%dma_wait3A_1125 : memref<!tpu.dma_semaphore, #tpu.memory_space<semaphore_mem>>) src(%dma_wait3A_1132 : memref<32x128xf32, #tpu.memory_space<hbm>>) dst(%dma_wait3A_1129 : memref<32x128xf32, #tpu.memory_space<vmem>>)
      %dma_wait3A_1133 = arith.constant 6 : i32
      %dma_wait3A_1134 = arith.constant 6 : i32
      %dma_wait3A_1135 = arith.constant 0 : i32
      %dma_wait3A_1136 = arith.constant 0 : i32
      %dma_wait3A_1137 = tpu.memref_slice %arg10[%dma_wait3A_1133, %dma_wait3A_1135, %dma_wait3A_1136] : memref<8x32x128xf32, #tpu.memory_space<vmem>> -> memref<1x32x128xf32, #tpu.memory_space<vmem>>
      %dma_wait3A_1138 = tpu.memref_squeeze %dma_wait3A_1137 : memref<1x32x128xf32, #tpu.memory_space<vmem>> -> memref<32x128xf32, #tpu.memory_space<vmem>>
      %dma_wait3A_1139 = arith.constant 0 : i32
      %dma_wait3A_1140 = arith.constant 0 : i32
      %dma_wait3A_1141 = tpu.memref_slice %arg5[%dma_wait3A_1139, %dma_wait3A_1140] : memref<32x1000000xf32, #tpu.memory_space<hbm>> -> memref<32x128xf32, #tpu.memory_space<hbm>>
      %dma_wait3A_1142 = tpu.memref_slice %arg12[%dma_wait3A_1134] : memref<8x!tpu.dma_semaphore, #tpu.memory_space<semaphore_mem>> -> memref<1x!tpu.dma_semaphore, #tpu.memory_space<semaphore_mem>>
      %dma_wait3A_1143 = tpu.memref_squeeze %dma_wait3A_1142 : memref<1x!tpu.dma_semaphore, #tpu.memory_space<semaphore_mem>> -> memref<!tpu.dma_semaphore, #tpu.memory_space<semaphore_mem>>
      %dma_wait3A_1144 = arith.constant 0 : i32
      %dma_wait3A_1145 = arith.constant 0 : i32
      %dma_wait3A_1146 = tpu.memref_slice %arg10[%dma_wait3A_1133, %dma_wait3A_1144, %dma_wait3A_1145] : memref<8x32x128xf32, #tpu.memory_space<vmem>> -> memref<1x32x128xf32, #tpu.memory_space<vmem>>
      %dma_wait3A_1147 = tpu.memref_squeeze %dma_wait3A_1146 : memref<1x32x128xf32, #tpu.memory_space<vmem>> -> memref<32x128xf32, #tpu.memory_space<vmem>>
      %dma_wait3A_1148 = arith.constant 0 : i32
      %dma_wait3A_1149 = arith.constant 0 : i32
      %dma_wait3A_1150 = tpu.memref_slice %arg5[%dma_wait3A_1148, %dma_wait3A_1149] : memref<32x1000000xf32, #tpu.memory_space<hbm>> -> memref<32x128xf32, #tpu.memory_space<hbm>>
      tpu.wait_dma2 semaphore(%dma_wait3A_1143 : memref<!tpu.dma_semaphore, #tpu.memory_space<semaphore_mem>>) src(%dma_wait3A_1150 : memref<32x128xf32, #tpu.memory_space<hbm>>) dst(%dma_wait3A_1147 : memref<32x128xf32, #tpu.memory_space<vmem>>)
      %slice3A_1151 = vector.extract_strided_slice %get3A_404 {offsets = [6], sizes = [1], strides = [1]} : vector<16xi32> to vector<1xi32>
      %squeeze3A_1152 = vector.extract %slice3A_1151[0] : i32 from vector<1xi32>
      %slice3A_1153 = vector.extract_strided_slice %get3A_408 {offsets = [6], sizes = [1], strides = [1]} : vector<16xi32> to vector<1xi32>
      %squeeze3A_1154 = vector.extract %slice3A_1153[0] : i32 from vector<1xi32>
      %and3A_1155 = arith.constant 127 : i32
      %and3A_1156 = arith.andi %squeeze3A_1152, %and3A_1155 : i32
      %broadcast_in_dim3A_1157 = vector.broadcast %and3A_1156 : i32 to vector<16xi32>
      %and3A_1158 = arith.constant 127 : i32
      %and3A_1159 = arith.andi %squeeze3A_1154, %and3A_1158 : i32
      %broadcast_in_dim3A_1160 = vector.broadcast %and3A_1159 : i32 to vector<16xi32>
      %broadcast_in_dim3A_1161 = arith.constant 6 : i32
      %broadcast_in_dim3A_1162 = vector.broadcast %broadcast_in_dim3A_1161 : i32 to vector<16xi32>
      %gather3A_1163 = tpu.vector_load_idx %arg9[%broadcast_in_dim3A_1162, %iota3A, %broadcast_in_dim3A_1157] : memref<8x32x128xf32, #tpu.memory_space<vmem>>[vector<16xi32>, vector<16xi32>, vector<16xi32>], vector<16xf32>,
      %add3A_1164 = arith.constant 16 : i32
      %add3A_1165 = vector.broadcast %add3A_1164 : i32 to vector<16xi32>
      %add3A_1166 = arith.addi %iota3A, %add3A_1165 : vector<16xi32>
      %gather3A_1167 = tpu.vector_load_idx %arg9[%broadcast_in_dim3A_1162, %add3A_1166, %broadcast_in_dim3A_1157] : memref<8x32x128xf32, #tpu.memory_space<vmem>>[vector<16xi32>, vector<16xi32>, vector<16xi32>], vector<16xf32>,
      %gather3A_1168 = tpu.vector_load_idx %arg10[%broadcast_in_dim3A_1162, %iota3A, %broadcast_in_dim3A_1160] : memref<8x32x128xf32, #tpu.memory_space<vmem>>[vector<16xi32>, vector<16xi32>, vector<16xi32>], vector<16xf32>,
      %add3A_1169 = arith.constant 16 : i32
      %add3A_1170 = vector.broadcast %add3A_1169 : i32 to vector<16xi32>
      %add3A_1171 = arith.addi %iota3A, %add3A_1170 : vector<16xi32>
      %gather3A_1172 = tpu.vector_load_idx %arg10[%broadcast_in_dim3A_1162, %add3A_1171, %broadcast_in_dim3A_1160] : memref<8x32x128xf32, #tpu.memory_space<vmem>>[vector<16xi32>, vector<16xi32>, vector<16xi32>], vector<16xf32>,
      %shift_right_arithmetic3A_1173 = arith.constant 7 : i32
      %shift_right_arithmetic3A_1174 = arith.shrsi %add3A_1114, %shift_right_arithmetic3A_1173 : i32
      %broadcast_in_dim3A_1175 = vector.broadcast %shift_right_arithmetic3A_1174 : i32 to vector<16xi32>
      %and3A_1176 = arith.constant 127 : i32
      %and3A_1177 = arith.andi %add3A_1114, %and3A_1176 : i32
      %broadcast_in_dim3A_1178 = vector.broadcast %and3A_1177 : i32 to vector<16xi32>
      %mul3A_1179 = arith.mulf %gather3A_1163, %gather3A_1168 : vector<16xf32>
      tpu.vector_store_idx %arg11[%shift_right_arithmetic3A_4, %broadcast_in_dim3A_1175, %and3A_6, %broadcast_in_dim3A_1178], %mul3A_1179 : memref<4x4x8x128xf32, #tpu.memory_space<vmem>>[vector<16xi32>, vector<16xi32>, vector<16xi32>, vector<16xi32>], vector<16xf32>,
      %mul3A_1180 = arith.mulf %gather3A_1167, %gather3A_1172 : vector<16xf32>
      tpu.vector_store_idx %arg11[%shift_right_arithmetic3A_12, %broadcast_in_dim3A_1175, %and3A_6, %broadcast_in_dim3A_1178], %mul3A_1180 : memref<4x4x8x128xf32, #tpu.memory_space<vmem>>[vector<16xi32>, vector<16xi32>, vector<16xi32>, vector<16xi32>], vector<16xf32>,
      %slice3A_1181 = vector.extract_strided_slice %get3A_404 {offsets = [14], sizes = [1], strides = [1]} : vector<16xi32> to vector<1xi32>
      %squeeze3A_1182 = vector.extract %slice3A_1181[0] : i32 from vector<1xi32>
      %slice3A_1183 = vector.extract_strided_slice %get3A_408 {offsets = [14], sizes = [1], strides = [1]} : vector<16xi32> to vector<1xi32>
      %squeeze3A_1184 = vector.extract %slice3A_1183[0] : i32 from vector<1xi32>
      %shift_right_arithmetic3A_1185 = arith.constant 7 : i32
      %shift_right_arithmetic3A_1186 = arith.shrsi %squeeze3A_1182, %shift_right_arithmetic3A_1185 : i32
      %mul3A_1187 = arith.constant 128 : i32
      %mul3A_1188 = arith.muli %shift_right_arithmetic3A_1186, %mul3A_1187 : i32
      %multiple_of3A_1189 = tpu.assume_multiple %mul3A_1188, 128 : i32
      %dma_start3A_1190 = arith.constant 6 : i32
      %dma_start3A_1191 = arith.constant 6 : i32
      %dma_start3A_1192 = arith.constant 0 : i32
      %dma_start3A_1193 = arith.constant 0 : i32
      %dma_start3A_1194 = tpu.memref_slice %arg9[%dma_start3A_1190, %dma_start3A_1192, %dma_start3A_1193] : memref<8x32x128xf32, #tpu.memory_space<vmem>> -> memref<1x32x128xf32, #tpu.memory_space<vmem>>
      %dma_start3A_1195 = tpu.memref_squeeze %dma_start3A_1194 : memref<1x32x128xf32, #tpu.memory_space<vmem>> -> memref<32x128xf32, #tpu.memory_space<vmem>>
      %dma_start3A_1196 = arith.constant 0 : i32
      %dma_start3A_1197 = tpu.memref_slice %arg4[%dma_start3A_1196, %multiple_of3A_1189] : memref<32x1000000xf32, #tpu.memory_space<hbm>> -> memref<32x128xf32, #tpu.memory_space<hbm>>
      %dma_start3A_1198 = tpu.memref_slice %arg12[%dma_start3A_1191] : memref<8x!tpu.dma_semaphore, #tpu.memory_space<semaphore_mem>> -> memref<1x!tpu.dma_semaphore, #tpu.memory_space<semaphore_mem>>
      %dma_start3A_1199 = tpu.memref_squeeze %dma_start3A_1198 : memref<1x!tpu.dma_semaphore, #tpu.memory_space<semaphore_mem>> -> memref<!tpu.dma_semaphore, #tpu.memory_space<semaphore_mem>>
      %dma_start3A_1200 = arith.constant 0 : i32
      %dma_start3A_1201 = arith.constant 0 : i32
      %dma_start3A_1202 = tpu.memref_slice %arg9[%dma_start3A_1190, %dma_start3A_1200, %dma_start3A_1201] : memref<8x32x128xf32, #tpu.memory_space<vmem>> -> memref<1x32x128xf32, #tpu.memory_space<vmem>>
      %dma_start3A_1203 = tpu.memref_squeeze %dma_start3A_1202 : memref<1x32x128xf32, #tpu.memory_space<vmem>> -> memref<32x128xf32, #tpu.memory_space<vmem>>
      %dma_start3A_1204 = arith.constant 0 : i32
      %dma_start3A_1205 = tpu.memref_slice %arg4[%dma_start3A_1204, %multiple_of3A_1189] : memref<32x1000000xf32, #tpu.memory_space<hbm>> -> memref<32x128xf32, #tpu.memory_space<hbm>>
      tpu.enqueue_dma source(%dma_start3A_1205 : memref<32x128xf32, #tpu.memory_space<hbm>>) target(%dma_start3A_1203 : memref<32x128xf32, #tpu.memory_space<vmem>>) target_semaphore(%dma_start3A_1199 : memref<!tpu.dma_semaphore, #tpu.memory_space<semaphore_mem>>)
      %shift_right_arithmetic3A_1206 = arith.constant 7 : i32
      %shift_right_arithmetic3A_1207 = arith.shrsi %squeeze3A_1184, %shift_right_arithmetic3A_1206 : i32
      %mul3A_1208 = arith.constant 128 : i32
      %mul3A_1209 = arith.muli %shift_right_arithmetic3A_1207, %mul3A_1208 : i32
      %multiple_of3A_1210 = tpu.assume_multiple %mul3A_1209, 128 : i32
      %dma_start3A_1211 = arith.constant 6 : i32
      %dma_start3A_1212 = arith.constant 6 : i32
      %dma_start3A_1213 = arith.constant 0 : i32
      %dma_start3A_1214 = arith.constant 0 : i32
      %dma_start3A_1215 = tpu.memref_slice %arg10[%dma_start3A_1211, %dma_start3A_1213, %dma_start3A_1214] : memref<8x32x128xf32, #tpu.memory_space<vmem>> -> memref<1x32x128xf32, #tpu.memory_space<vmem>>
      %dma_start3A_1216 = tpu.memref_squeeze %dma_start3A_1215 : memref<1x32x128xf32, #tpu.memory_space<vmem>> -> memref<32x128xf32, #tpu.memory_space<vmem>>
      %dma_start3A_1217 = arith.constant 0 : i32
      %dma_start3A_1218 = tpu.memref_slice %arg5[%dma_start3A_1217, %multiple_of3A_1210] : memref<32x1000000xf32, #tpu.memory_space<hbm>> -> memref<32x128xf32, #tpu.memory_space<hbm>>
      %dma_start3A_1219 = tpu.memref_slice %arg12[%dma_start3A_1212] : memref<8x!tpu.dma_semaphore, #tpu.memory_space<semaphore_mem>> -> memref<1x!tpu.dma_semaphore, #tpu.memory_space<semaphore_mem>>
      %dma_start3A_1220 = tpu.memref_squeeze %dma_start3A_1219 : memref<1x!tpu.dma_semaphore, #tpu.memory_space<semaphore_mem>> -> memref<!tpu.dma_semaphore, #tpu.memory_space<semaphore_mem>>
      %dma_start3A_1221 = arith.constant 0 : i32
      %dma_start3A_1222 = arith.constant 0 : i32
      %dma_start3A_1223 = tpu.memref_slice %arg10[%dma_start3A_1211, %dma_start3A_1221, %dma_start3A_1222] : memref<8x32x128xf32, #tpu.memory_space<vmem>> -> memref<1x32x128xf32, #tpu.memory_space<vmem>>
      %dma_start3A_1224 = tpu.memref_squeeze %dma_start3A_1223 : memref<1x32x128xf32, #tpu.memory_space<vmem>> -> memref<32x128xf32, #tpu.memory_space<vmem>>
      %dma_start3A_1225 = arith.constant 0 : i32
      %dma_start3A_1226 = tpu.memref_slice %arg5[%dma_start3A_1225, %multiple_of3A_1210] : memref<32x1000000xf32, #tpu.memory_space<hbm>> -> memref<32x128xf32, #tpu.memory_space<hbm>>
      tpu.enqueue_dma source(%dma_start3A_1226 : memref<32x128xf32, #tpu.memory_space<hbm>>) target(%dma_start3A_1224 : memref<32x128xf32, #tpu.memory_space<vmem>>) target_semaphore(%dma_start3A_1220 : memref<!tpu.dma_semaphore, #tpu.memory_space<semaphore_mem>>)
      %mul3A_1227 = arith.constant 16 : i32
      %mul3A_1228 = arith.muli %scan3A_400, %mul3A_1227 : i32
      %add3A_1229 = arith.constant 7 : i32
      %add3A_1230 = arith.addi %mul3A_1228, %add3A_1229 : i32
      %dma_wait3A_1231 = arith.constant 7 : i32
      %dma_wait3A_1232 = arith.constant 7 : i32
      %dma_wait3A_1233 = arith.constant 0 : i32
      %dma_wait3A_1234 = arith.constant 0 : i32
      %dma_wait3A_1235 = tpu.memref_slice %arg9[%dma_wait3A_1231, %dma_wait3A_1233, %dma_wait3A_1234] : memref<8x32x128xf32, #tpu.memory_space<vmem>> -> memref<1x32x128xf32, #tpu.memory_space<vmem>>
      %dma_wait3A_1236 = tpu.memref_squeeze %dma_wait3A_1235 : memref<1x32x128xf32, #tpu.memory_space<vmem>> -> memref<32x128xf32, #tpu.memory_space<vmem>>
      %dma_wait3A_1237 = arith.constant 0 : i32
      %dma_wait3A_1238 = arith.constant 0 : i32
      %dma_wait3A_1239 = tpu.memref_slice %arg4[%dma_wait3A_1237, %dma_wait3A_1238] : memref<32x1000000xf32, #tpu.memory_space<hbm>> -> memref<32x128xf32, #tpu.memory_space<hbm>>
      %dma_wait3A_1240 = tpu.memref_slice %arg12[%dma_wait3A_1232] : memref<8x!tpu.dma_semaphore, #tpu.memory_space<semaphore_mem>> -> memref<1x!tpu.dma_semaphore, #tpu.memory_space<semaphore_mem>>
      %dma_wait3A_1241 = tpu.memref_squeeze %dma_wait3A_1240 : memref<1x!tpu.dma_semaphore, #tpu.memory_space<semaphore_mem>> -> memref<!tpu.dma_semaphore, #tpu.memory_space<semaphore_mem>>
      %dma_wait3A_1242 = arith.constant 0 : i32
      %dma_wait3A_1243 = arith.constant 0 : i32
      %dma_wait3A_1244 = tpu.memref_slice %arg9[%dma_wait3A_1231, %dma_wait3A_1242, %dma_wait3A_1243] : memref<8x32x128xf32, #tpu.memory_space<vmem>> -> memref<1x32x128xf32, #tpu.memory_space<vmem>>
      %dma_wait3A_1245 = tpu.memref_squeeze %dma_wait3A_1244 : memref<1x32x128xf32, #tpu.memory_space<vmem>> -> memref<32x128xf32, #tpu.memory_space<vmem>>
      %dma_wait3A_1246 = arith.constant 0 : i32
      %dma_wait3A_1247 = arith.constant 0 : i32
      %dma_wait3A_1248 = tpu.memref_slice %arg4[%dma_wait3A_1246, %dma_wait3A_1247] : memref<32x1000000xf32, #tpu.memory_space<hbm>> -> memref<32x128xf32, #tpu.memory_space<hbm>>
      tpu.wait_dma2 semaphore(%dma_wait3A_1241 : memref<!tpu.dma_semaphore, #tpu.memory_space<semaphore_mem>>) src(%dma_wait3A_1248 : memref<32x128xf32, #tpu.memory_space<hbm>>) dst(%dma_wait3A_1245 : memref<32x128xf32, #tpu.memory_space<vmem>>)
      %dma_wait3A_1249 = arith.constant 7 : i32
      %dma_wait3A_1250 = arith.constant 7 : i32
      %dma_wait3A_1251 = arith.constant 0 : i32
      %dma_wait3A_1252 = arith.constant 0 : i32
      %dma_wait3A_1253 = tpu.memref_slice %arg10[%dma_wait3A_1249, %dma_wait3A_1251, %dma_wait3A_1252] : memref<8x32x128xf32, #tpu.memory_space<vmem>> -> memref<1x32x128xf32, #tpu.memory_space<vmem>>
      %dma_wait3A_1254 = tpu.memref_squeeze %dma_wait3A_1253 : memref<1x32x128xf32, #tpu.memory_space<vmem>> -> memref<32x128xf32, #tpu.memory_space<vmem>>
      %dma_wait3A_1255 = arith.constant 0 : i32
      %dma_wait3A_1256 = arith.constant 0 : i32
      %dma_wait3A_1257 = tpu.memref_slice %arg5[%dma_wait3A_1255, %dma_wait3A_1256] : memref<32x1000000xf32, #tpu.memory_space<hbm>> -> memref<32x128xf32, #tpu.memory_space<hbm>>
      %dma_wait3A_1258 = tpu.memref_slice %arg12[%dma_wait3A_1250] : memref<8x!tpu.dma_semaphore, #tpu.memory_space<semaphore_mem>> -> memref<1x!tpu.dma_semaphore, #tpu.memory_space<semaphore_mem>>
      %dma_wait3A_1259 = tpu.memref_squeeze %dma_wait3A_1258 : memref<1x!tpu.dma_semaphore, #tpu.memory_space<semaphore_mem>> -> memref<!tpu.dma_semaphore, #tpu.memory_space<semaphore_mem>>
      %dma_wait3A_1260 = arith.constant 0 : i32
      %dma_wait3A_1261 = arith.constant 0 : i32
      %dma_wait3A_1262 = tpu.memref_slice %arg10[%dma_wait3A_1249, %dma_wait3A_1260, %dma_wait3A_1261] : memref<8x32x128xf32, #tpu.memory_space<vmem>> -> memref<1x32x128xf32, #tpu.memory_space<vmem>>
      %dma_wait3A_1263 = tpu.memref_squeeze %dma_wait3A_1262 : memref<1x32x128xf32, #tpu.memory_space<vmem>> -> memref<32x128xf32, #tpu.memory_space<vmem>>
      %dma_wait3A_1264 = arith.constant 0 : i32
      %dma_wait3A_1265 = arith.constant 0 : i32
      %dma_wait3A_1266 = tpu.memref_slice %arg5[%dma_wait3A_1264, %dma_wait3A_1265] : memref<32x1000000xf32, #tpu.memory_space<hbm>> -> memref<32x128xf32, #tpu.memory_space<hbm>>
      tpu.wait_dma2 semaphore(%dma_wait3A_1259 : memref<!tpu.dma_semaphore, #tpu.memory_space<semaphore_mem>>) src(%dma_wait3A_1266 : memref<32x128xf32, #tpu.memory_space<hbm>>) dst(%dma_wait3A_1263 : memref<32x128xf32, #tpu.memory_space<vmem>>)
      %slice3A_1267 = vector.extract_strided_slice %get3A_404 {offsets = [7], sizes = [1], strides = [1]} : vector<16xi32> to vector<1xi32>
      %squeeze3A_1268 = vector.extract %slice3A_1267[0] : i32 from vector<1xi32>
      %slice3A_1269 = vector.extract_strided_slice %get3A_408 {offsets = [7], sizes = [1], strides = [1]} : vector<16xi32> to vector<1xi32>
      %squeeze3A_1270 = vector.extract %slice3A_1269[0] : i32 from vector<1xi32>
      %and3A_1271 = arith.constant 127 : i32
      %and3A_1272 = arith.andi %squeeze3A_1268, %and3A_1271 : i32
      %broadcast_in_dim3A_1273 = vector.broadcast %and3A_1272 : i32 to vector<16xi32>
      %and3A_1274 = arith.constant 127 : i32
      %and3A_1275 = arith.andi %squeeze3A_1270, %and3A_1274 : i32
      %broadcast_in_dim3A_1276 = vector.broadcast %and3A_1275 : i32 to vector<16xi32>
      %broadcast_in_dim3A_1277 = arith.constant 7 : i32
      %broadcast_in_dim3A_1278 = vector.broadcast %broadcast_in_dim3A_1277 : i32 to vector<16xi32>
      %gather3A_1279 = tpu.vector_load_idx %arg9[%broadcast_in_dim3A_1278, %iota3A, %broadcast_in_dim3A_1273] : memref<8x32x128xf32, #tpu.memory_space<vmem>>[vector<16xi32>, vector<16xi32>, vector<16xi32>], vector<16xf32>,
      %add3A_1280 = arith.constant 16 : i32
      %add3A_1281 = vector.broadcast %add3A_1280 : i32 to vector<16xi32>
      %add3A_1282 = arith.addi %iota3A, %add3A_1281 : vector<16xi32>
      %gather3A_1283 = tpu.vector_load_idx %arg9[%broadcast_in_dim3A_1278, %add3A_1282, %broadcast_in_dim3A_1273] : memref<8x32x128xf32, #tpu.memory_space<vmem>>[vector<16xi32>, vector<16xi32>, vector<16xi32>], vector<16xf32>,
      %gather3A_1284 = tpu.vector_load_idx %arg10[%broadcast_in_dim3A_1278, %iota3A, %broadcast_in_dim3A_1276] : memref<8x32x128xf32, #tpu.memory_space<vmem>>[vector<16xi32>, vector<16xi32>, vector<16xi32>], vector<16xf32>,
      %add3A_1285 = arith.constant 16 : i32
      %add3A_1286 = vector.broadcast %add3A_1285 : i32 to vector<16xi32>
      %add3A_1287 = arith.addi %iota3A, %add3A_1286 : vector<16xi32>
      %gather3A_1288 = tpu.vector_load_idx %arg10[%broadcast_in_dim3A_1278, %add3A_1287, %broadcast_in_dim3A_1276] : memref<8x32x128xf32, #tpu.memory_space<vmem>>[vector<16xi32>, vector<16xi32>, vector<16xi32>], vector<16xf32>,
      %shift_right_arithmetic3A_1289 = arith.constant 7 : i32
      %shift_right_arithmetic3A_1290 = arith.shrsi %add3A_1230, %shift_right_arithmetic3A_1289 : i32
      %broadcast_in_dim3A_1291 = vector.broadcast %shift_right_arithmetic3A_1290 : i32 to vector<16xi32>
      %and3A_1292 = arith.constant 127 : i32
      %and3A_1293 = arith.andi %add3A_1230, %and3A_1292 : i32
      %broadcast_in_dim3A_1294 = vector.broadcast %and3A_1293 : i32 to vector<16xi32>
      %mul3A_1295 = arith.mulf %gather3A_1279, %gather3A_1284 : vector<16xf32>
      tpu.vector_store_idx %arg11[%shift_right_arithmetic3A_4, %broadcast_in_dim3A_1291, %and3A_6, %broadcast_in_dim3A_1294], %mul3A_1295 : memref<4x4x8x128xf32, #tpu.memory_space<vmem>>[vector<16xi32>, vector<16xi32>, vector<16xi32>, vector<16xi32>], vector<16xf32>,
      %mul3A_1296 = arith.mulf %gather3A_1283, %gather3A_1288 : vector<16xf32>
      tpu.vector_store_idx %arg11[%shift_right_arithmetic3A_12, %broadcast_in_dim3A_1291, %and3A_6, %broadcast_in_dim3A_1294], %mul3A_1296 : memref<4x4x8x128xf32, #tpu.memory_space<vmem>>[vector<16xi32>, vector<16xi32>, vector<16xi32>, vector<16xi32>], vector<16xf32>,
      %slice3A_1297 = vector.extract_strided_slice %get3A_404 {offsets = [15], sizes = [1], strides = [1]} : vector<16xi32> to vector<1xi32>
      %squeeze3A_1298 = vector.extract %slice3A_1297[0] : i32 from vector<1xi32>
      %slice3A_1299 = vector.extract_strided_slice %get3A_408 {offsets = [15], sizes = [1], strides = [1]} : vector<16xi32> to vector<1xi32>
      %squeeze3A_1300 = vector.extract %slice3A_1299[0] : i32 from vector<1xi32>
      %shift_right_arithmetic3A_1301 = arith.constant 7 : i32
      %shift_right_arithmetic3A_1302 = arith.shrsi %squeeze3A_1298, %shift_right_arithmetic3A_1301 : i32
      %mul3A_1303 = arith.constant 128 : i32
      %mul3A_1304 = arith.muli %shift_right_arithmetic3A_1302, %mul3A_1303 : i32
      %multiple_of3A_1305 = tpu.assume_multiple %mul3A_1304, 128 : i32
      %dma_start3A_1306 = arith.constant 7 : i32
      %dma_start3A_1307 = arith.constant 7 : i32
      %dma_start3A_1308 = arith.constant 0 : i32
      %dma_start3A_1309 = arith.constant 0 : i32
      %dma_start3A_1310 = tpu.memref_slice %arg9[%dma_start3A_1306, %dma_start3A_1308, %dma_start3A_1309] : memref<8x32x128xf32, #tpu.memory_space<vmem>> -> memref<1x32x128xf32, #tpu.memory_space<vmem>>
      %dma_start3A_1311 = tpu.memref_squeeze %dma_start3A_1310 : memref<1x32x128xf32, #tpu.memory_space<vmem>> -> memref<32x128xf32, #tpu.memory_space<vmem>>
      %dma_start3A_1312 = arith.constant 0 : i32
      %dma_start3A_1313 = tpu.memref_slice %arg4[%dma_start3A_1312, %multiple_of3A_1305] : memref<32x1000000xf32, #tpu.memory_space<hbm>> -> memref<32x128xf32, #tpu.memory_space<hbm>>
      %dma_start3A_1314 = tpu.memref_slice %arg12[%dma_start3A_1307] : memref<8x!tpu.dma_semaphore, #tpu.memory_space<semaphore_mem>> -> memref<1x!tpu.dma_semaphore, #tpu.memory_space<semaphore_mem>>
      %dma_start3A_1315 = tpu.memref_squeeze %dma_start3A_1314 : memref<1x!tpu.dma_semaphore, #tpu.memory_space<semaphore_mem>> -> memref<!tpu.dma_semaphore, #tpu.memory_space<semaphore_mem>>
      %dma_start3A_1316 = arith.constant 0 : i32
      %dma_start3A_1317 = arith.constant 0 : i32
      %dma_start3A_1318 = tpu.memref_slice %arg9[%dma_start3A_1306, %dma_start3A_1316, %dma_start3A_1317] : memref<8x32x128xf32, #tpu.memory_space<vmem>> -> memref<1x32x128xf32, #tpu.memory_space<vmem>>
      %dma_start3A_1319 = tpu.memref_squeeze %dma_start3A_1318 : memref<1x32x128xf32, #tpu.memory_space<vmem>> -> memref<32x128xf32, #tpu.memory_space<vmem>>
      %dma_start3A_1320 = arith.constant 0 : i32
      %dma_start3A_1321 = tpu.memref_slice %arg4[%dma_start3A_1320, %multiple_of3A_1305] : memref<32x1000000xf32, #tpu.memory_space<hbm>> -> memref<32x128xf32, #tpu.memory_space<hbm>>
      tpu.enqueue_dma source(%dma_start3A_1321 : memref<32x128xf32, #tpu.memory_space<hbm>>) target(%dma_start3A_1319 : memref<32x128xf32, #tpu.memory_space<vmem>>) target_semaphore(%dma_start3A_1315 : memref<!tpu.dma_semaphore, #tpu.memory_space<semaphore_mem>>)
      %shift_right_arithmetic3A_1322 = arith.constant 7 : i32
      %shift_right_arithmetic3A_1323 = arith.shrsi %squeeze3A_1300, %shift_right_arithmetic3A_1322 : i32
      %mul3A_1324 = arith.constant 128 : i32
      %mul3A_1325 = arith.muli %shift_right_arithmetic3A_1323, %mul3A_1324 : i32
      %multiple_of3A_1326 = tpu.assume_multiple %mul3A_1325, 128 : i32
      %dma_start3A_1327 = arith.constant 7 : i32
      %dma_start3A_1328 = arith.constant 7 : i32
      %dma_start3A_1329 = arith.constant 0 : i32
      %dma_start3A_1330 = arith.constant 0 : i32
      %dma_start3A_1331 = tpu.memref_slice %arg10[%dma_start3A_1327, %dma_start3A_1329, %dma_start3A_1330] : memref<8x32x128xf32, #tpu.memory_space<vmem>> -> memref<1x32x128xf32, #tpu.memory_space<vmem>>
      %dma_start3A_1332 = tpu.memref_squeeze %dma_start3A_1331 : memref<1x32x128xf32, #tpu.memory_space<vmem>> -> memref<32x128xf32, #tpu.memory_space<vmem>>
      %dma_start3A_1333 = arith.constant 0 : i32
      %dma_start3A_1334 = tpu.memref_slice %arg5[%dma_start3A_1333, %multiple_of3A_1326] : memref<32x1000000xf32, #tpu.memory_space<hbm>> -> memref<32x128xf32, #tpu.memory_space<hbm>>
      %dma_start3A_1335 = tpu.memref_slice %arg12[%dma_start3A_1328] : memref<8x!tpu.dma_semaphore, #tpu.memory_space<semaphore_mem>> -> memref<1x!tpu.dma_semaphore, #tpu.memory_space<semaphore_mem>>
      %dma_start3A_1336 = tpu.memref_squeeze %dma_start3A_1335 : memref<1x!tpu.dma_semaphore, #tpu.memory_space<semaphore_mem>> -> memref<!tpu.dma_semaphore, #tpu.memory_space<semaphore_mem>>
      %dma_start3A_1337 = arith.constant 0 : i32
      %dma_start3A_1338 = arith.constant 0 : i32
      %dma_start3A_1339 = tpu.memref_slice %arg10[%dma_start3A_1327, %dma_start3A_1337, %dma_start3A_1338] : memref<8x32x128xf32, #tpu.memory_space<vmem>> -> memref<1x32x128xf32, #tpu.memory_space<vmem>>
      %dma_start3A_1340 = tpu.memref_squeeze %dma_start3A_1339 : memref<1x32x128xf32, #tpu.memory_space<vmem>> -> memref<32x128xf32, #tpu.memory_space<vmem>>
      %dma_start3A_1341 = arith.constant 0 : i32
      %dma_start3A_1342 = tpu.memref_slice %arg5[%dma_start3A_1341, %multiple_of3A_1326] : memref<32x1000000xf32, #tpu.memory_space<hbm>> -> memref<32x128xf32, #tpu.memory_space<hbm>>
      tpu.enqueue_dma source(%dma_start3A_1342 : memref<32x128xf32, #tpu.memory_space<hbm>>) target(%dma_start3A_1340 : memref<32x128xf32, #tpu.memory_space<vmem>>) target_semaphore(%dma_start3A_1336 : memref<!tpu.dma_semaphore, #tpu.memory_space<semaphore_mem>>)
      %mul3A_1343 = arith.constant 16 : i32
      %mul3A_1344 = arith.muli %scan3A_400, %mul3A_1343 : i32
      %add3A_1345 = arith.constant 8 : i32
      %add3A_1346 = arith.addi %mul3A_1344, %add3A_1345 : i32
      %dma_wait3A_1347 = arith.constant 0 : i32
      %dma_wait3A_1348 = arith.constant 0 : i32
      %dma_wait3A_1349 = arith.constant 0 : i32
      %dma_wait3A_1350 = arith.constant 0 : i32
      %dma_wait3A_1351 = tpu.memref_slice %arg9[%dma_wait3A_1347, %dma_wait3A_1349, %dma_wait3A_1350] : memref<8x32x128xf32, #tpu.memory_space<vmem>> -> memref<1x32x128xf32, #tpu.memory_space<vmem>>
      %dma_wait3A_1352 = tpu.memref_squeeze %dma_wait3A_1351 : memref<1x32x128xf32, #tpu.memory_space<vmem>> -> memref<32x128xf32, #tpu.memory_space<vmem>>
      %dma_wait3A_1353 = arith.constant 0 : i32
      %dma_wait3A_1354 = arith.constant 0 : i32
      %dma_wait3A_1355 = tpu.memref_slice %arg4[%dma_wait3A_1353, %dma_wait3A_1354] : memref<32x1000000xf32, #tpu.memory_space<hbm>> -> memref<32x128xf32, #tpu.memory_space<hbm>>
      %dma_wait3A_1356 = tpu.memref_slice %arg12[%dma_wait3A_1348] : memref<8x!tpu.dma_semaphore, #tpu.memory_space<semaphore_mem>> -> memref<1x!tpu.dma_semaphore, #tpu.memory_space<semaphore_mem>>
      %dma_wait3A_1357 = tpu.memref_squeeze %dma_wait3A_1356 : memref<1x!tpu.dma_semaphore, #tpu.memory_space<semaphore_mem>> -> memref<!tpu.dma_semaphore, #tpu.memory_space<semaphore_mem>>
      %dma_wait3A_1358 = arith.constant 0 : i32
      %dma_wait3A_1359 = arith.constant 0 : i32
      %dma_wait3A_1360 = tpu.memref_slice %arg9[%dma_wait3A_1347, %dma_wait3A_1358, %dma_wait3A_1359] : memref<8x32x128xf32, #tpu.memory_space<vmem>> -> memref<1x32x128xf32, #tpu.memory_space<vmem>>
      %dma_wait3A_1361 = tpu.memref_squeeze %dma_wait3A_1360 : memref<1x32x128xf32, #tpu.memory_space<vmem>> -> memref<32x128xf32, #tpu.memory_space<vmem>>
      %dma_wait3A_1362 = arith.constant 0 : i32
      %dma_wait3A_1363 = arith.constant 0 : i32
      %dma_wait3A_1364 = tpu.memref_slice %arg4[%dma_wait3A_1362, %dma_wait3A_1363] : memref<32x1000000xf32, #tpu.memory_space<hbm>> -> memref<32x128xf32, #tpu.memory_space<hbm>>
      tpu.wait_dma2 semaphore(%dma_wait3A_1357 : memref<!tpu.dma_semaphore, #tpu.memory_space<semaphore_mem>>) src(%dma_wait3A_1364 : memref<32x128xf32, #tpu.memory_space<hbm>>) dst(%dma_wait3A_1361 : memref<32x128xf32, #tpu.memory_space<vmem>>)
      %dma_wait3A_1365 = arith.constant 0 : i32
      %dma_wait3A_1366 = arith.constant 0 : i32
      %dma_wait3A_1367 = arith.constant 0 : i32
      %dma_wait3A_1368 = arith.constant 0 : i32
      %dma_wait3A_1369 = tpu.memref_slice %arg10[%dma_wait3A_1365, %dma_wait3A_1367, %dma_wait3A_1368] : memref<8x32x128xf32, #tpu.memory_space<vmem>> -> memref<1x32x128xf32, #tpu.memory_space<vmem>>
      %dma_wait3A_1370 = tpu.memref_squeeze %dma_wait3A_1369 : memref<1x32x128xf32, #tpu.memory_space<vmem>> -> memref<32x128xf32, #tpu.memory_space<vmem>>
      %dma_wait3A_1371 = arith.constant 0 : i32
      %dma_wait3A_1372 = arith.constant 0 : i32
      %dma_wait3A_1373 = tpu.memref_slice %arg5[%dma_wait3A_1371, %dma_wait3A_1372] : memref<32x1000000xf32, #tpu.memory_space<hbm>> -> memref<32x128xf32, #tpu.memory_space<hbm>>
      %dma_wait3A_1374 = tpu.memref_slice %arg12[%dma_wait3A_1366] : memref<8x!tpu.dma_semaphore, #tpu.memory_space<semaphore_mem>> -> memref<1x!tpu.dma_semaphore, #tpu.memory_space<semaphore_mem>>
      %dma_wait3A_1375 = tpu.memref_squeeze %dma_wait3A_1374 : memref<1x!tpu.dma_semaphore, #tpu.memory_space<semaphore_mem>> -> memref<!tpu.dma_semaphore, #tpu.memory_space<semaphore_mem>>
      %dma_wait3A_1376 = arith.constant 0 : i32
      %dma_wait3A_1377 = arith.constant 0 : i32
      %dma_wait3A_1378 = tpu.memref_slice %arg10[%dma_wait3A_1365, %dma_wait3A_1376, %dma_wait3A_1377] : memref<8x32x128xf32, #tpu.memory_space<vmem>> -> memref<1x32x128xf32, #tpu.memory_space<vmem>>
      %dma_wait3A_1379 = tpu.memref_squeeze %dma_wait3A_1378 : memref<1x32x128xf32, #tpu.memory_space<vmem>> -> memref<32x128xf32, #tpu.memory_space<vmem>>
      %dma_wait3A_1380 = arith.constant 0 : i32
      %dma_wait3A_1381 = arith.constant 0 : i32
      %dma_wait3A_1382 = tpu.memref_slice %arg5[%dma_wait3A_1380, %dma_wait3A_1381] : memref<32x1000000xf32, #tpu.memory_space<hbm>> -> memref<32x128xf32, #tpu.memory_space<hbm>>
      tpu.wait_dma2 semaphore(%dma_wait3A_1375 : memref<!tpu.dma_semaphore, #tpu.memory_space<semaphore_mem>>) src(%dma_wait3A_1382 : memref<32x128xf32, #tpu.memory_space<hbm>>) dst(%dma_wait3A_1379 : memref<32x128xf32, #tpu.memory_space<vmem>>)
      %slice3A_1383 = vector.extract_strided_slice %get3A_404 {offsets = [8], sizes = [1], strides = [1]} : vector<16xi32> to vector<1xi32>
      %squeeze3A_1384 = vector.extract %slice3A_1383[0] : i32 from vector<1xi32>
      %slice3A_1385 = vector.extract_strided_slice %get3A_408 {offsets = [8], sizes = [1], strides = [1]} : vector<16xi32> to vector<1xi32>
      %squeeze3A_1386 = vector.extract %slice3A_1385[0] : i32 from vector<1xi32>
      %and3A_1387 = arith.constant 127 : i32
      %and3A_1388 = arith.andi %squeeze3A_1384, %and3A_1387 : i32
      %broadcast_in_dim3A_1389 = vector.broadcast %and3A_1388 : i32 to vector<16xi32>
      %and3A_1390 = arith.constant 127 : i32
      %and3A_1391 = arith.andi %squeeze3A_1386, %and3A_1390 : i32
      %broadcast_in_dim3A_1392 = vector.broadcast %and3A_1391 : i32 to vector<16xi32>
      %broadcast_in_dim3A_1393 = arith.constant 0 : i32
      %broadcast_in_dim3A_1394 = vector.broadcast %broadcast_in_dim3A_1393 : i32 to vector<16xi32>
      %gather3A_1395 = tpu.vector_load_idx %arg9[%broadcast_in_dim3A_1394, %iota3A, %broadcast_in_dim3A_1389] : memref<8x32x128xf32, #tpu.memory_space<vmem>>[vector<16xi32>, vector<16xi32>, vector<16xi32>], vector<16xf32>,
      %add3A_1396 = arith.constant 16 : i32
      %add3A_1397 = vector.broadcast %add3A_1396 : i32 to vector<16xi32>
      %add3A_1398 = arith.addi %iota3A, %add3A_1397 : vector<16xi32>
      %gather3A_1399 = tpu.vector_load_idx %arg9[%broadcast_in_dim3A_1394, %add3A_1398, %broadcast_in_dim3A_1389] : memref<8x32x128xf32, #tpu.memory_space<vmem>>[vector<16xi32>, vector<16xi32>, vector<16xi32>], vector<16xf32>,
      %gather3A_1400 = tpu.vector_load_idx %arg10[%broadcast_in_dim3A_1394, %iota3A, %broadcast_in_dim3A_1392] : memref<8x32x128xf32, #tpu.memory_space<vmem>>[vector<16xi32>, vector<16xi32>, vector<16xi32>], vector<16xf32>,
      %add3A_1401 = arith.constant 16 : i32
      %add3A_1402 = vector.broadcast %add3A_1401 : i32 to vector<16xi32>
      %add3A_1403 = arith.addi %iota3A, %add3A_1402 : vector<16xi32>
      %gather3A_1404 = tpu.vector_load_idx %arg10[%broadcast_in_dim3A_1394, %add3A_1403, %broadcast_in_dim3A_1392] : memref<8x32x128xf32, #tpu.memory_space<vmem>>[vector<16xi32>, vector<16xi32>, vector<16xi32>], vector<16xf32>,
      %shift_right_arithmetic3A_1405 = arith.constant 7 : i32
      %shift_right_arithmetic3A_1406 = arith.shrsi %add3A_1346, %shift_right_arithmetic3A_1405 : i32
      %broadcast_in_dim3A_1407 = vector.broadcast %shift_right_arithmetic3A_1406 : i32 to vector<16xi32>
      %and3A_1408 = arith.constant 127 : i32
      %and3A_1409 = arith.andi %add3A_1346, %and3A_1408 : i32
      %broadcast_in_dim3A_1410 = vector.broadcast %and3A_1409 : i32 to vector<16xi32>
      %mul3A_1411 = arith.mulf %gather3A_1395, %gather3A_1400 : vector<16xf32>
      tpu.vector_store_idx %arg11[%shift_right_arithmetic3A_4, %broadcast_in_dim3A_1407, %and3A_6, %broadcast_in_dim3A_1410], %mul3A_1411 : memref<4x4x8x128xf32, #tpu.memory_space<vmem>>[vector<16xi32>, vector<16xi32>, vector<16xi32>, vector<16xi32>], vector<16xf32>,
      %mul3A_1412 = arith.mulf %gather3A_1399, %gather3A_1404 : vector<16xf32>
      tpu.vector_store_idx %arg11[%shift_right_arithmetic3A_12, %broadcast_in_dim3A_1407, %and3A_6, %broadcast_in_dim3A_1410], %mul3A_1412 : memref<4x4x8x128xf32, #tpu.memory_space<vmem>>[vector<16xi32>, vector<16xi32>, vector<16xi32>, vector<16xi32>], vector<16xf32>,
      %lt3A = arith.constant 31 : i32
      %lt3A_1413 = arith.cmpi slt, %scan3A_400, %lt3A : i32
      %convert_element_type3A = arith.extui %lt3A_1413 : i1 to i32
      %cond3A = arith.constant 0 : i32
      %cond3A_1414 = arith.cmpi ne, %convert_element_type3A, %cond3A : i32
      scf.if %cond3A_1414 {
        %slice3A_1940 = vector.extract_strided_slice %get3A_415 {offsets = [0], sizes = [1], strides = [1]} : vector<16xi32> to vector<1xi32>
        %squeeze3A_1941 = vector.extract %slice3A_1940[0] : i32 from vector<1xi32>
        %slice3A_1942 = vector.extract_strided_slice %get3A_417 {offsets = [0], sizes = [1], strides = [1]} : vector<16xi32> to vector<1xi32>
        %squeeze3A_1943 = vector.extract %slice3A_1942[0] : i32 from vector<1xi32>
        %shift_right_arithmetic3A_1944 = arith.constant 7 : i32
        %shift_right_arithmetic3A_1945 = arith.shrsi %squeeze3A_1941, %shift_right_arithmetic3A_1944 : i32
        %mul3A_1946 = arith.constant 128 : i32
        %mul3A_1947 = arith.muli %shift_right_arithmetic3A_1945, %mul3A_1946 : i32
        %multiple_of3A_1948 = tpu.assume_multiple %mul3A_1947, 128 : i32
        %dma_start3A_1949 = arith.constant 0 : i32
        %dma_start3A_1950 = arith.constant 0 : i32
        %dma_start3A_1951 = arith.constant 0 : i32
        %dma_start3A_1952 = arith.constant 0 : i32
        %dma_start3A_1953 = tpu.memref_slice %arg9[%dma_start3A_1949, %dma_start3A_1951, %dma_start3A_1952] : memref<8x32x128xf32, #tpu.memory_space<vmem>> -> memref<1x32x128xf32, #tpu.memory_space<vmem>>
        %dma_start3A_1954 = tpu.memref_squeeze %dma_start3A_1953 : memref<1x32x128xf32, #tpu.memory_space<vmem>> -> memref<32x128xf32, #tpu.memory_space<vmem>>
        %dma_start3A_1955 = arith.constant 0 : i32
        %dma_start3A_1956 = tpu.memref_slice %arg4[%dma_start3A_1955, %multiple_of3A_1948] : memref<32x1000000xf32, #tpu.memory_space<hbm>> -> memref<32x128xf32, #tpu.memory_space<hbm>>
        %dma_start3A_1957 = tpu.memref_slice %arg12[%dma_start3A_1950] : memref<8x!tpu.dma_semaphore, #tpu.memory_space<semaphore_mem>> -> memref<1x!tpu.dma_semaphore, #tpu.memory_space<semaphore_mem>>
        %dma_start3A_1958 = tpu.memref_squeeze %dma_start3A_1957 : memref<1x!tpu.dma_semaphore, #tpu.memory_space<semaphore_mem>> -> memref<!tpu.dma_semaphore, #tpu.memory_space<semaphore_mem>>
        %dma_start3A_1959 = arith.constant 0 : i32
        %dma_start3A_1960 = arith.constant 0 : i32
        %dma_start3A_1961 = tpu.memref_slice %arg9[%dma_start3A_1949, %dma_start3A_1959, %dma_start3A_1960] : memref<8x32x128xf32, #tpu.memory_space<vmem>> -> memref<1x32x128xf32, #tpu.memory_space<vmem>>
        %dma_start3A_1962 = tpu.memref_squeeze %dma_start3A_1961 : memref<1x32x128xf32, #tpu.memory_space<vmem>> -> memref<32x128xf32, #tpu.memory_space<vmem>>
        %dma_start3A_1963 = arith.constant 0 : i32
        %dma_start3A_1964 = tpu.memref_slice %arg4[%dma_start3A_1963, %multiple_of3A_1948] : memref<32x1000000xf32, #tpu.memory_space<hbm>> -> memref<32x128xf32, #tpu.memory_space<hbm>>
        tpu.enqueue_dma source(%dma_start3A_1964 : memref<32x128xf32, #tpu.memory_space<hbm>>) target(%dma_start3A_1962 : memref<32x128xf32, #tpu.memory_space<vmem>>) target_semaphore(%dma_start3A_1958 : memref<!tpu.dma_semaphore, #tpu.memory_space<semaphore_mem>>)
        %shift_right_arithmetic3A_1965 = arith.constant 7 : i32
        %shift_right_arithmetic3A_1966 = arith.shrsi %squeeze3A_1943, %shift_right_arithmetic3A_1965 : i32
        %mul3A_1967 = arith.constant 128 : i32
        %mul3A_1968 = arith.muli %shift_right_arithmetic3A_1966, %mul3A_1967 : i32
        %multiple_of3A_1969 = tpu.assume_multiple %mul3A_1968, 128 : i32
        %dma_start3A_1970 = arith.constant 0 : i32
        %dma_start3A_1971 = arith.constant 0 : i32
        %dma_start3A_1972 = arith.constant 0 : i32
        %dma_start3A_1973 = arith.constant 0 : i32
        %dma_start3A_1974 = tpu.memref_slice %arg10[%dma_start3A_1970, %dma_start3A_1972, %dma_start3A_1973] : memref<8x32x128xf32, #tpu.memory_space<vmem>> -> memref<1x32x128xf32, #tpu.memory_space<vmem>>
        %dma_start3A_1975 = tpu.memref_squeeze %dma_start3A_1974 : memref<1x32x128xf32, #tpu.memory_space<vmem>> -> memref<32x128xf32, #tpu.memory_space<vmem>>
        %dma_start3A_1976 = arith.constant 0 : i32
        %dma_start3A_1977 = tpu.memref_slice %arg5[%dma_start3A_1976, %multiple_of3A_1969] : memref<32x1000000xf32, #tpu.memory_space<hbm>> -> memref<32x128xf32, #tpu.memory_space<hbm>>
        %dma_start3A_1978 = tpu.memref_slice %arg12[%dma_start3A_1971] : memref<8x!tpu.dma_semaphore, #tpu.memory_space<semaphore_mem>> -> memref<1x!tpu.dma_semaphore, #tpu.memory_space<semaphore_mem>>
        %dma_start3A_1979 = tpu.memref_squeeze %dma_start3A_1978 : memref<1x!tpu.dma_semaphore, #tpu.memory_space<semaphore_mem>> -> memref<!tpu.dma_semaphore, #tpu.memory_space<semaphore_mem>>
        %dma_start3A_1980 = arith.constant 0 : i32
        %dma_start3A_1981 = arith.constant 0 : i32
        %dma_start3A_1982 = tpu.memref_slice %arg10[%dma_start3A_1970, %dma_start3A_1980, %dma_start3A_1981] : memref<8x32x128xf32, #tpu.memory_space<vmem>> -> memref<1x32x128xf32, #tpu.memory_space<vmem>>
        %dma_start3A_1983 = tpu.memref_squeeze %dma_start3A_1982 : memref<1x32x128xf32, #tpu.memory_space<vmem>> -> memref<32x128xf32, #tpu.memory_space<vmem>>
        %dma_start3A_1984 = arith.constant 0 : i32
        %dma_start3A_1985 = tpu.memref_slice %arg5[%dma_start3A_1984, %multiple_of3A_1969] : memref<32x1000000xf32, #tpu.memory_space<hbm>> -> memref<32x128xf32, #tpu.memory_space<hbm>>
        tpu.enqueue_dma source(%dma_start3A_1985 : memref<32x128xf32, #tpu.memory_space<hbm>>) target(%dma_start3A_1983 : memref<32x128xf32, #tpu.memory_space<vmem>>) target_semaphore(%dma_start3A_1979 : memref<!tpu.dma_semaphore, #tpu.memory_space<semaphore_mem>>)
      } else {
      }
      %mul3A_1415 = arith.constant 16 : i32
      %mul3A_1416 = arith.muli %scan3A_400, %mul3A_1415 : i32
      %add3A_1417 = arith.constant 9 : i32
      %add3A_1418 = arith.addi %mul3A_1416, %add3A_1417 : i32
      %dma_wait3A_1419 = arith.constant 1 : i32
      %dma_wait3A_1420 = arith.constant 1 : i32
      %dma_wait3A_1421 = arith.constant 0 : i32
      %dma_wait3A_1422 = arith.constant 0 : i32
      %dma_wait3A_1423 = tpu.memref_slice %arg9[%dma_wait3A_1419, %dma_wait3A_1421, %dma_wait3A_1422] : memref<8x32x128xf32, #tpu.memory_space<vmem>> -> memref<1x32x128xf32, #tpu.memory_space<vmem>>
      %dma_wait3A_1424 = tpu.memref_squeeze %dma_wait3A_1423 : memref<1x32x128xf32, #tpu.memory_space<vmem>> -> memref<32x128xf32, #tpu.memory_space<vmem>>
      %dma_wait3A_1425 = arith.constant 0 : i32
      %dma_wait3A_1426 = arith.constant 0 : i32
      %dma_wait3A_1427 = tpu.memref_slice %arg4[%dma_wait3A_1425, %dma_wait3A_1426] : memref<32x1000000xf32, #tpu.memory_space<hbm>> -> memref<32x128xf32, #tpu.memory_space<hbm>>
      %dma_wait3A_1428 = tpu.memref_slice %arg12[%dma_wait3A_1420] : memref<8x!tpu.dma_semaphore, #tpu.memory_space<semaphore_mem>> -> memref<1x!tpu.dma_semaphore, #tpu.memory_space<semaphore_mem>>
      %dma_wait3A_1429 = tpu.memref_squeeze %dma_wait3A_1428 : memref<1x!tpu.dma_semaphore, #tpu.memory_space<semaphore_mem>> -> memref<!tpu.dma_semaphore, #tpu.memory_space<semaphore_mem>>
      %dma_wait3A_1430 = arith.constant 0 : i32
      %dma_wait3A_1431 = arith.constant 0 : i32
      %dma_wait3A_1432 = tpu.memref_slice %arg9[%dma_wait3A_1419, %dma_wait3A_1430, %dma_wait3A_1431] : memref<8x32x128xf32, #tpu.memory_space<vmem>> -> memref<1x32x128xf32, #tpu.memory_space<vmem>>
      %dma_wait3A_1433 = tpu.memref_squeeze %dma_wait3A_1432 : memref<1x32x128xf32, #tpu.memory_space<vmem>> -> memref<32x128xf32, #tpu.memory_space<vmem>>
      %dma_wait3A_1434 = arith.constant 0 : i32
      %dma_wait3A_1435 = arith.constant 0 : i32
      %dma_wait3A_1436 = tpu.memref_slice %arg4[%dma_wait3A_1434, %dma_wait3A_1435] : memref<32x1000000xf32, #tpu.memory_space<hbm>> -> memref<32x128xf32, #tpu.memory_space<hbm>>
      tpu.wait_dma2 semaphore(%dma_wait3A_1429 : memref<!tpu.dma_semaphore, #tpu.memory_space<semaphore_mem>>) src(%dma_wait3A_1436 : memref<32x128xf32, #tpu.memory_space<hbm>>) dst(%dma_wait3A_1433 : memref<32x128xf32, #tpu.memory_space<vmem>>)
      %dma_wait3A_1437 = arith.constant 1 : i32
      %dma_wait3A_1438 = arith.constant 1 : i32
      %dma_wait3A_1439 = arith.constant 0 : i32
      %dma_wait3A_1440 = arith.constant 0 : i32
      %dma_wait3A_1441 = tpu.memref_slice %arg10[%dma_wait3A_1437, %dma_wait3A_1439, %dma_wait3A_1440] : memref<8x32x128xf32, #tpu.memory_space<vmem>> -> memref<1x32x128xf32, #tpu.memory_space<vmem>>
      %dma_wait3A_1442 = tpu.memref_squeeze %dma_wait3A_1441 : memref<1x32x128xf32, #tpu.memory_space<vmem>> -> memref<32x128xf32, #tpu.memory_space<vmem>>
      %dma_wait3A_1443 = arith.constant 0 : i32
      %dma_wait3A_1444 = arith.constant 0 : i32
      %dma_wait3A_1445 = tpu.memref_slice %arg5[%dma_wait3A_1443, %dma_wait3A_1444] : memref<32x1000000xf32, #tpu.memory_space<hbm>> -> memref<32x128xf32, #tpu.memory_space<hbm>>
      %dma_wait3A_1446 = tpu.memref_slice %arg12[%dma_wait3A_1438] : memref<8x!tpu.dma_semaphore, #tpu.memory_space<semaphore_mem>> -> memref<1x!tpu.dma_semaphore, #tpu.memory_space<semaphore_mem>>
      %dma_wait3A_1447 = tpu.memref_squeeze %dma_wait3A_1446 : memref<1x!tpu.dma_semaphore, #tpu.memory_space<semaphore_mem>> -> memref<!tpu.dma_semaphore, #tpu.memory_space<semaphore_mem>>
      %dma_wait3A_1448 = arith.constant 0 : i32
      %dma_wait3A_1449 = arith.constant 0 : i32
      %dma_wait3A_1450 = tpu.memref_slice %arg10[%dma_wait3A_1437, %dma_wait3A_1448, %dma_wait3A_1449] : memref<8x32x128xf32, #tpu.memory_space<vmem>> -> memref<1x32x128xf32, #tpu.memory_space<vmem>>
      %dma_wait3A_1451 = tpu.memref_squeeze %dma_wait3A_1450 : memref<1x32x128xf32, #tpu.memory_space<vmem>> -> memref<32x128xf32, #tpu.memory_space<vmem>>
      %dma_wait3A_1452 = arith.constant 0 : i32
      %dma_wait3A_1453 = arith.constant 0 : i32
      %dma_wait3A_1454 = tpu.memref_slice %arg5[%dma_wait3A_1452, %dma_wait3A_1453] : memref<32x1000000xf32, #tpu.memory_space<hbm>> -> memref<32x128xf32, #tpu.memory_space<hbm>>
      tpu.wait_dma2 semaphore(%dma_wait3A_1447 : memref<!tpu.dma_semaphore, #tpu.memory_space<semaphore_mem>>) src(%dma_wait3A_1454 : memref<32x128xf32, #tpu.memory_space<hbm>>) dst(%dma_wait3A_1451 : memref<32x128xf32, #tpu.memory_space<vmem>>)
      %slice3A_1455 = vector.extract_strided_slice %get3A_404 {offsets = [9], sizes = [1], strides = [1]} : vector<16xi32> to vector<1xi32>
      %squeeze3A_1456 = vector.extract %slice3A_1455[0] : i32 from vector<1xi32>
      %slice3A_1457 = vector.extract_strided_slice %get3A_408 {offsets = [9], sizes = [1], strides = [1]} : vector<16xi32> to vector<1xi32>
      %squeeze3A_1458 = vector.extract %slice3A_1457[0] : i32 from vector<1xi32>
      %and3A_1459 = arith.constant 127 : i32
      %and3A_1460 = arith.andi %squeeze3A_1456, %and3A_1459 : i32
      %broadcast_in_dim3A_1461 = vector.broadcast %and3A_1460 : i32 to vector<16xi32>
      %and3A_1462 = arith.constant 127 : i32
      %and3A_1463 = arith.andi %squeeze3A_1458, %and3A_1462 : i32
      %broadcast_in_dim3A_1464 = vector.broadcast %and3A_1463 : i32 to vector<16xi32>
      %broadcast_in_dim3A_1465 = arith.constant 1 : i32
      %broadcast_in_dim3A_1466 = vector.broadcast %broadcast_in_dim3A_1465 : i32 to vector<16xi32>
      %gather3A_1467 = tpu.vector_load_idx %arg9[%broadcast_in_dim3A_1466, %iota3A, %broadcast_in_dim3A_1461] : memref<8x32x128xf32, #tpu.memory_space<vmem>>[vector<16xi32>, vector<16xi32>, vector<16xi32>], vector<16xf32>,
      %add3A_1468 = arith.constant 16 : i32
      %add3A_1469 = vector.broadcast %add3A_1468 : i32 to vector<16xi32>
      %add3A_1470 = arith.addi %iota3A, %add3A_1469 : vector<16xi32>
      %gather3A_1471 = tpu.vector_load_idx %arg9[%broadcast_in_dim3A_1466, %add3A_1470, %broadcast_in_dim3A_1461] : memref<8x32x128xf32, #tpu.memory_space<vmem>>[vector<16xi32>, vector<16xi32>, vector<16xi32>], vector<16xf32>,
      %gather3A_1472 = tpu.vector_load_idx %arg10[%broadcast_in_dim3A_1466, %iota3A, %broadcast_in_dim3A_1464] : memref<8x32x128xf32, #tpu.memory_space<vmem>>[vector<16xi32>, vector<16xi32>, vector<16xi32>], vector<16xf32>,
      %add3A_1473 = arith.constant 16 : i32
      %add3A_1474 = vector.broadcast %add3A_1473 : i32 to vector<16xi32>
      %add3A_1475 = arith.addi %iota3A, %add3A_1474 : vector<16xi32>
      %gather3A_1476 = tpu.vector_load_idx %arg10[%broadcast_in_dim3A_1466, %add3A_1475, %broadcast_in_dim3A_1464] : memref<8x32x128xf32, #tpu.memory_space<vmem>>[vector<16xi32>, vector<16xi32>, vector<16xi32>], vector<16xf32>,
      %shift_right_arithmetic3A_1477 = arith.constant 7 : i32
      %shift_right_arithmetic3A_1478 = arith.shrsi %add3A_1418, %shift_right_arithmetic3A_1477 : i32
      %broadcast_in_dim3A_1479 = vector.broadcast %shift_right_arithmetic3A_1478 : i32 to vector<16xi32>
      %and3A_1480 = arith.constant 127 : i32
      %and3A_1481 = arith.andi %add3A_1418, %and3A_1480 : i32
      %broadcast_in_dim3A_1482 = vector.broadcast %and3A_1481 : i32 to vector<16xi32>
      %mul3A_1483 = arith.mulf %gather3A_1467, %gather3A_1472 : vector<16xf32>
      tpu.vector_store_idx %arg11[%shift_right_arithmetic3A_4, %broadcast_in_dim3A_1479, %and3A_6, %broadcast_in_dim3A_1482], %mul3A_1483 : memref<4x4x8x128xf32, #tpu.memory_space<vmem>>[vector<16xi32>, vector<16xi32>, vector<16xi32>, vector<16xi32>], vector<16xf32>,
      %mul3A_1484 = arith.mulf %gather3A_1471, %gather3A_1476 : vector<16xf32>
      tpu.vector_store_idx %arg11[%shift_right_arithmetic3A_12, %broadcast_in_dim3A_1479, %and3A_6, %broadcast_in_dim3A_1482], %mul3A_1484 : memref<4x4x8x128xf32, #tpu.memory_space<vmem>>[vector<16xi32>, vector<16xi32>, vector<16xi32>, vector<16xi32>], vector<16xf32>,
      %lt3A_1485 = arith.constant 31 : i32
      %lt3A_1486 = arith.cmpi slt, %scan3A_400, %lt3A_1485 : i32
      %convert_element_type3A_1487 = arith.extui %lt3A_1486 : i1 to i32
      %cond3A_1488 = arith.constant 0 : i32
      %cond3A_1489 = arith.cmpi ne, %convert_element_type3A_1487, %cond3A_1488 : i32
      scf.if %cond3A_1489 {
        %slice3A_1940 = vector.extract_strided_slice %get3A_415 {offsets = [1], sizes = [1], strides = [1]} : vector<16xi32> to vector<1xi32>
        %squeeze3A_1941 = vector.extract %slice3A_1940[0] : i32 from vector<1xi32>
        %slice3A_1942 = vector.extract_strided_slice %get3A_417 {offsets = [1], sizes = [1], strides = [1]} : vector<16xi32> to vector<1xi32>
        %squeeze3A_1943 = vector.extract %slice3A_1942[0] : i32 from vector<1xi32>
        %shift_right_arithmetic3A_1944 = arith.constant 7 : i32
        %shift_right_arithmetic3A_1945 = arith.shrsi %squeeze3A_1941, %shift_right_arithmetic3A_1944 : i32
        %mul3A_1946 = arith.constant 128 : i32
        %mul3A_1947 = arith.muli %shift_right_arithmetic3A_1945, %mul3A_1946 : i32
        %multiple_of3A_1948 = tpu.assume_multiple %mul3A_1947, 128 : i32
        %dma_start3A_1949 = arith.constant 1 : i32
        %dma_start3A_1950 = arith.constant 1 : i32
        %dma_start3A_1951 = arith.constant 0 : i32
        %dma_start3A_1952 = arith.constant 0 : i32
        %dma_start3A_1953 = tpu.memref_slice %arg9[%dma_start3A_1949, %dma_start3A_1951, %dma_start3A_1952] : memref<8x32x128xf32, #tpu.memory_space<vmem>> -> memref<1x32x128xf32, #tpu.memory_space<vmem>>
        %dma_start3A_1954 = tpu.memref_squeeze %dma_start3A_1953 : memref<1x32x128xf32, #tpu.memory_space<vmem>> -> memref<32x128xf32, #tpu.memory_space<vmem>>
        %dma_start3A_1955 = arith.constant 0 : i32
        %dma_start3A_1956 = tpu.memref_slice %arg4[%dma_start3A_1955, %multiple_of3A_1948] : memref<32x1000000xf32, #tpu.memory_space<hbm>> -> memref<32x128xf32, #tpu.memory_space<hbm>>
        %dma_start3A_1957 = tpu.memref_slice %arg12[%dma_start3A_1950] : memref<8x!tpu.dma_semaphore, #tpu.memory_space<semaphore_mem>> -> memref<1x!tpu.dma_semaphore, #tpu.memory_space<semaphore_mem>>
        %dma_start3A_1958 = tpu.memref_squeeze %dma_start3A_1957 : memref<1x!tpu.dma_semaphore, #tpu.memory_space<semaphore_mem>> -> memref<!tpu.dma_semaphore, #tpu.memory_space<semaphore_mem>>
        %dma_start3A_1959 = arith.constant 0 : i32
        %dma_start3A_1960 = arith.constant 0 : i32
        %dma_start3A_1961 = tpu.memref_slice %arg9[%dma_start3A_1949, %dma_start3A_1959, %dma_start3A_1960] : memref<8x32x128xf32, #tpu.memory_space<vmem>> -> memref<1x32x128xf32, #tpu.memory_space<vmem>>
        %dma_start3A_1962 = tpu.memref_squeeze %dma_start3A_1961 : memref<1x32x128xf32, #tpu.memory_space<vmem>> -> memref<32x128xf32, #tpu.memory_space<vmem>>
        %dma_start3A_1963 = arith.constant 0 : i32
        %dma_start3A_1964 = tpu.memref_slice %arg4[%dma_start3A_1963, %multiple_of3A_1948] : memref<32x1000000xf32, #tpu.memory_space<hbm>> -> memref<32x128xf32, #tpu.memory_space<hbm>>
        tpu.enqueue_dma source(%dma_start3A_1964 : memref<32x128xf32, #tpu.memory_space<hbm>>) target(%dma_start3A_1962 : memref<32x128xf32, #tpu.memory_space<vmem>>) target_semaphore(%dma_start3A_1958 : memref<!tpu.dma_semaphore, #tpu.memory_space<semaphore_mem>>)
        %shift_right_arithmetic3A_1965 = arith.constant 7 : i32
        %shift_right_arithmetic3A_1966 = arith.shrsi %squeeze3A_1943, %shift_right_arithmetic3A_1965 : i32
        %mul3A_1967 = arith.constant 128 : i32
        %mul3A_1968 = arith.muli %shift_right_arithmetic3A_1966, %mul3A_1967 : i32
        %multiple_of3A_1969 = tpu.assume_multiple %mul3A_1968, 128 : i32
        %dma_start3A_1970 = arith.constant 1 : i32
        %dma_start3A_1971 = arith.constant 1 : i32
        %dma_start3A_1972 = arith.constant 0 : i32
        %dma_start3A_1973 = arith.constant 0 : i32
        %dma_start3A_1974 = tpu.memref_slice %arg10[%dma_start3A_1970, %dma_start3A_1972, %dma_start3A_1973] : memref<8x32x128xf32, #tpu.memory_space<vmem>> -> memref<1x32x128xf32, #tpu.memory_space<vmem>>
        %dma_start3A_1975 = tpu.memref_squeeze %dma_start3A_1974 : memref<1x32x128xf32, #tpu.memory_space<vmem>> -> memref<32x128xf32, #tpu.memory_space<vmem>>
        %dma_start3A_1976 = arith.constant 0 : i32
        %dma_start3A_1977 = tpu.memref_slice %arg5[%dma_start3A_1976, %multiple_of3A_1969] : memref<32x1000000xf32, #tpu.memory_space<hbm>> -> memref<32x128xf32, #tpu.memory_space<hbm>>
        %dma_start3A_1978 = tpu.memref_slice %arg12[%dma_start3A_1971] : memref<8x!tpu.dma_semaphore, #tpu.memory_space<semaphore_mem>> -> memref<1x!tpu.dma_semaphore, #tpu.memory_space<semaphore_mem>>
        %dma_start3A_1979 = tpu.memref_squeeze %dma_start3A_1978 : memref<1x!tpu.dma_semaphore, #tpu.memory_space<semaphore_mem>> -> memref<!tpu.dma_semaphore, #tpu.memory_space<semaphore_mem>>
        %dma_start3A_1980 = arith.constant 0 : i32
        %dma_start3A_1981 = arith.constant 0 : i32
        %dma_start3A_1982 = tpu.memref_slice %arg10[%dma_start3A_1970, %dma_start3A_1980, %dma_start3A_1981] : memref<8x32x128xf32, #tpu.memory_space<vmem>> -> memref<1x32x128xf32, #tpu.memory_space<vmem>>
        %dma_start3A_1983 = tpu.memref_squeeze %dma_start3A_1982 : memref<1x32x128xf32, #tpu.memory_space<vmem>> -> memref<32x128xf32, #tpu.memory_space<vmem>>
        %dma_start3A_1984 = arith.constant 0 : i32
        %dma_start3A_1985 = tpu.memref_slice %arg5[%dma_start3A_1984, %multiple_of3A_1969] : memref<32x1000000xf32, #tpu.memory_space<hbm>> -> memref<32x128xf32, #tpu.memory_space<hbm>>
        tpu.enqueue_dma source(%dma_start3A_1985 : memref<32x128xf32, #tpu.memory_space<hbm>>) target(%dma_start3A_1983 : memref<32x128xf32, #tpu.memory_space<vmem>>) target_semaphore(%dma_start3A_1979 : memref<!tpu.dma_semaphore, #tpu.memory_space<semaphore_mem>>)
      } else {
      }
      %mul3A_1490 = arith.constant 16 : i32
      %mul3A_1491 = arith.muli %scan3A_400, %mul3A_1490 : i32
      %add3A_1492 = arith.constant 10 : i32
      %add3A_1493 = arith.addi %mul3A_1491, %add3A_1492 : i32
      %dma_wait3A_1494 = arith.constant 2 : i32
      %dma_wait3A_1495 = arith.constant 2 : i32
      %dma_wait3A_1496 = arith.constant 0 : i32
      %dma_wait3A_1497 = arith.constant 0 : i32
      %dma_wait3A_1498 = tpu.memref_slice %arg9[%dma_wait3A_1494, %dma_wait3A_1496, %dma_wait3A_1497] : memref<8x32x128xf32, #tpu.memory_space<vmem>> -> memref<1x32x128xf32, #tpu.memory_space<vmem>>
      %dma_wait3A_1499 = tpu.memref_squeeze %dma_wait3A_1498 : memref<1x32x128xf32, #tpu.memory_space<vmem>> -> memref<32x128xf32, #tpu.memory_space<vmem>>
      %dma_wait3A_1500 = arith.constant 0 : i32
      %dma_wait3A_1501 = arith.constant 0 : i32
      %dma_wait3A_1502 = tpu.memref_slice %arg4[%dma_wait3A_1500, %dma_wait3A_1501] : memref<32x1000000xf32, #tpu.memory_space<hbm>> -> memref<32x128xf32, #tpu.memory_space<hbm>>
      %dma_wait3A_1503 = tpu.memref_slice %arg12[%dma_wait3A_1495] : memref<8x!tpu.dma_semaphore, #tpu.memory_space<semaphore_mem>> -> memref<1x!tpu.dma_semaphore, #tpu.memory_space<semaphore_mem>>
      %dma_wait3A_1504 = tpu.memref_squeeze %dma_wait3A_1503 : memref<1x!tpu.dma_semaphore, #tpu.memory_space<semaphore_mem>> -> memref<!tpu.dma_semaphore, #tpu.memory_space<semaphore_mem>>
      %dma_wait3A_1505 = arith.constant 0 : i32
      %dma_wait3A_1506 = arith.constant 0 : i32
      %dma_wait3A_1507 = tpu.memref_slice %arg9[%dma_wait3A_1494, %dma_wait3A_1505, %dma_wait3A_1506] : memref<8x32x128xf32, #tpu.memory_space<vmem>> -> memref<1x32x128xf32, #tpu.memory_space<vmem>>
      %dma_wait3A_1508 = tpu.memref_squeeze %dma_wait3A_1507 : memref<1x32x128xf32, #tpu.memory_space<vmem>> -> memref<32x128xf32, #tpu.memory_space<vmem>>
      %dma_wait3A_1509 = arith.constant 0 : i32
      %dma_wait3A_1510 = arith.constant 0 : i32
      %dma_wait3A_1511 = tpu.memref_slice %arg4[%dma_wait3A_1509, %dma_wait3A_1510] : memref<32x1000000xf32, #tpu.memory_space<hbm>> -> memref<32x128xf32, #tpu.memory_space<hbm>>
      tpu.wait_dma2 semaphore(%dma_wait3A_1504 : memref<!tpu.dma_semaphore, #tpu.memory_space<semaphore_mem>>) src(%dma_wait3A_1511 : memref<32x128xf32, #tpu.memory_space<hbm>>) dst(%dma_wait3A_1508 : memref<32x128xf32, #tpu.memory_space<vmem>>)
      %dma_wait3A_1512 = arith.constant 2 : i32
      %dma_wait3A_1513 = arith.constant 2 : i32
      %dma_wait3A_1514 = arith.constant 0 : i32
      %dma_wait3A_1515 = arith.constant 0 : i32
      %dma_wait3A_1516 = tpu.memref_slice %arg10[%dma_wait3A_1512, %dma_wait3A_1514, %dma_wait3A_1515] : memref<8x32x128xf32, #tpu.memory_space<vmem>> -> memref<1x32x128xf32, #tpu.memory_space<vmem>>
      %dma_wait3A_1517 = tpu.memref_squeeze %dma_wait3A_1516 : memref<1x32x128xf32, #tpu.memory_space<vmem>> -> memref<32x128xf32, #tpu.memory_space<vmem>>
      %dma_wait3A_1518 = arith.constant 0 : i32
      %dma_wait3A_1519 = arith.constant 0 : i32
      %dma_wait3A_1520 = tpu.memref_slice %arg5[%dma_wait3A_1518, %dma_wait3A_1519] : memref<32x1000000xf32, #tpu.memory_space<hbm>> -> memref<32x128xf32, #tpu.memory_space<hbm>>
      %dma_wait3A_1521 = tpu.memref_slice %arg12[%dma_wait3A_1513] : memref<8x!tpu.dma_semaphore, #tpu.memory_space<semaphore_mem>> -> memref<1x!tpu.dma_semaphore, #tpu.memory_space<semaphore_mem>>
      %dma_wait3A_1522 = tpu.memref_squeeze %dma_wait3A_1521 : memref<1x!tpu.dma_semaphore, #tpu.memory_space<semaphore_mem>> -> memref<!tpu.dma_semaphore, #tpu.memory_space<semaphore_mem>>
      %dma_wait3A_1523 = arith.constant 0 : i32
      %dma_wait3A_1524 = arith.constant 0 : i32
      %dma_wait3A_1525 = tpu.memref_slice %arg10[%dma_wait3A_1512, %dma_wait3A_1523, %dma_wait3A_1524] : memref<8x32x128xf32, #tpu.memory_space<vmem>> -> memref<1x32x128xf32, #tpu.memory_space<vmem>>
      %dma_wait3A_1526 = tpu.memref_squeeze %dma_wait3A_1525 : memref<1x32x128xf32, #tpu.memory_space<vmem>> -> memref<32x128xf32, #tpu.memory_space<vmem>>
      %dma_wait3A_1527 = arith.constant 0 : i32
      %dma_wait3A_1528 = arith.constant 0 : i32
      %dma_wait3A_1529 = tpu.memref_slice %arg5[%dma_wait3A_1527, %dma_wait3A_1528] : memref<32x1000000xf32, #tpu.memory_space<hbm>> -> memref<32x128xf32, #tpu.memory_space<hbm>>
      tpu.wait_dma2 semaphore(%dma_wait3A_1522 : memref<!tpu.dma_semaphore, #tpu.memory_space<semaphore_mem>>) src(%dma_wait3A_1529 : memref<32x128xf32, #tpu.memory_space<hbm>>) dst(%dma_wait3A_1526 : memref<32x128xf32, #tpu.memory_space<vmem>>)
      %slice3A_1530 = vector.extract_strided_slice %get3A_404 {offsets = [10], sizes = [1], strides = [1]} : vector<16xi32> to vector<1xi32>
      %squeeze3A_1531 = vector.extract %slice3A_1530[0] : i32 from vector<1xi32>
      %slice3A_1532 = vector.extract_strided_slice %get3A_408 {offsets = [10], sizes = [1], strides = [1]} : vector<16xi32> to vector<1xi32>
      %squeeze3A_1533 = vector.extract %slice3A_1532[0] : i32 from vector<1xi32>
      %and3A_1534 = arith.constant 127 : i32
      %and3A_1535 = arith.andi %squeeze3A_1531, %and3A_1534 : i32
      %broadcast_in_dim3A_1536 = vector.broadcast %and3A_1535 : i32 to vector<16xi32>
      %and3A_1537 = arith.constant 127 : i32
      %and3A_1538 = arith.andi %squeeze3A_1533, %and3A_1537 : i32
      %broadcast_in_dim3A_1539 = vector.broadcast %and3A_1538 : i32 to vector<16xi32>
      %broadcast_in_dim3A_1540 = arith.constant 2 : i32
      %broadcast_in_dim3A_1541 = vector.broadcast %broadcast_in_dim3A_1540 : i32 to vector<16xi32>
      %gather3A_1542 = tpu.vector_load_idx %arg9[%broadcast_in_dim3A_1541, %iota3A, %broadcast_in_dim3A_1536] : memref<8x32x128xf32, #tpu.memory_space<vmem>>[vector<16xi32>, vector<16xi32>, vector<16xi32>], vector<16xf32>,
      %add3A_1543 = arith.constant 16 : i32
      %add3A_1544 = vector.broadcast %add3A_1543 : i32 to vector<16xi32>
      %add3A_1545 = arith.addi %iota3A, %add3A_1544 : vector<16xi32>
      %gather3A_1546 = tpu.vector_load_idx %arg9[%broadcast_in_dim3A_1541, %add3A_1545, %broadcast_in_dim3A_1536] : memref<8x32x128xf32, #tpu.memory_space<vmem>>[vector<16xi32>, vector<16xi32>, vector<16xi32>], vector<16xf32>,
      %gather3A_1547 = tpu.vector_load_idx %arg10[%broadcast_in_dim3A_1541, %iota3A, %broadcast_in_dim3A_1539] : memref<8x32x128xf32, #tpu.memory_space<vmem>>[vector<16xi32>, vector<16xi32>, vector<16xi32>], vector<16xf32>,
      %add3A_1548 = arith.constant 16 : i32
      %add3A_1549 = vector.broadcast %add3A_1548 : i32 to vector<16xi32>
      %add3A_1550 = arith.addi %iota3A, %add3A_1549 : vector<16xi32>
      %gather3A_1551 = tpu.vector_load_idx %arg10[%broadcast_in_dim3A_1541, %add3A_1550, %broadcast_in_dim3A_1539] : memref<8x32x128xf32, #tpu.memory_space<vmem>>[vector<16xi32>, vector<16xi32>, vector<16xi32>], vector<16xf32>,
      %shift_right_arithmetic3A_1552 = arith.constant 7 : i32
      %shift_right_arithmetic3A_1553 = arith.shrsi %add3A_1493, %shift_right_arithmetic3A_1552 : i32
      %broadcast_in_dim3A_1554 = vector.broadcast %shift_right_arithmetic3A_1553 : i32 to vector<16xi32>
      %and3A_1555 = arith.constant 127 : i32
      %and3A_1556 = arith.andi %add3A_1493, %and3A_1555 : i32
      %broadcast_in_dim3A_1557 = vector.broadcast %and3A_1556 : i32 to vector<16xi32>
      %mul3A_1558 = arith.mulf %gather3A_1542, %gather3A_1547 : vector<16xf32>
      tpu.vector_store_idx %arg11[%shift_right_arithmetic3A_4, %broadcast_in_dim3A_1554, %and3A_6, %broadcast_in_dim3A_1557], %mul3A_1558 : memref<4x4x8x128xf32, #tpu.memory_space<vmem>>[vector<16xi32>, vector<16xi32>, vector<16xi32>, vector<16xi32>], vector<16xf32>,
      %mul3A_1559 = arith.mulf %gather3A_1546, %gather3A_1551 : vector<16xf32>
      tpu.vector_store_idx %arg11[%shift_right_arithmetic3A_12, %broadcast_in_dim3A_1554, %and3A_6, %broadcast_in_dim3A_1557], %mul3A_1559 : memref<4x4x8x128xf32, #tpu.memory_space<vmem>>[vector<16xi32>, vector<16xi32>, vector<16xi32>, vector<16xi32>], vector<16xf32>,
      %lt3A_1560 = arith.constant 31 : i32
      %lt3A_1561 = arith.cmpi slt, %scan3A_400, %lt3A_1560 : i32
      %convert_element_type3A_1562 = arith.extui %lt3A_1561 : i1 to i32
      %cond3A_1563 = arith.constant 0 : i32
      %cond3A_1564 = arith.cmpi ne, %convert_element_type3A_1562, %cond3A_1563 : i32
      scf.if %cond3A_1564 {
        %slice3A_1940 = vector.extract_strided_slice %get3A_415 {offsets = [2], sizes = [1], strides = [1]} : vector<16xi32> to vector<1xi32>
        %squeeze3A_1941 = vector.extract %slice3A_1940[0] : i32 from vector<1xi32>
        %slice3A_1942 = vector.extract_strided_slice %get3A_417 {offsets = [2], sizes = [1], strides = [1]} : vector<16xi32> to vector<1xi32>
        %squeeze3A_1943 = vector.extract %slice3A_1942[0] : i32 from vector<1xi32>
        %shift_right_arithmetic3A_1944 = arith.constant 7 : i32
        %shift_right_arithmetic3A_1945 = arith.shrsi %squeeze3A_1941, %shift_right_arithmetic3A_1944 : i32
        %mul3A_1946 = arith.constant 128 : i32
        %mul3A_1947 = arith.muli %shift_right_arithmetic3A_1945, %mul3A_1946 : i32
        %multiple_of3A_1948 = tpu.assume_multiple %mul3A_1947, 128 : i32
        %dma_start3A_1949 = arith.constant 2 : i32
        %dma_start3A_1950 = arith.constant 2 : i32
        %dma_start3A_1951 = arith.constant 0 : i32
        %dma_start3A_1952 = arith.constant 0 : i32
        %dma_start3A_1953 = tpu.memref_slice %arg9[%dma_start3A_1949, %dma_start3A_1951, %dma_start3A_1952] : memref<8x32x128xf32, #tpu.memory_space<vmem>> -> memref<1x32x128xf32, #tpu.memory_space<vmem>>
        %dma_start3A_1954 = tpu.memref_squeeze %dma_start3A_1953 : memref<1x32x128xf32, #tpu.memory_space<vmem>> -> memref<32x128xf32, #tpu.memory_space<vmem>>
        %dma_start3A_1955 = arith.constant 0 : i32
        %dma_start3A_1956 = tpu.memref_slice %arg4[%dma_start3A_1955, %multiple_of3A_1948] : memref<32x1000000xf32, #tpu.memory_space<hbm>> -> memref<32x128xf32, #tpu.memory_space<hbm>>
        %dma_start3A_1957 = tpu.memref_slice %arg12[%dma_start3A_1950] : memref<8x!tpu.dma_semaphore, #tpu.memory_space<semaphore_mem>> -> memref<1x!tpu.dma_semaphore, #tpu.memory_space<semaphore_mem>>
        %dma_start3A_1958 = tpu.memref_squeeze %dma_start3A_1957 : memref<1x!tpu.dma_semaphore, #tpu.memory_space<semaphore_mem>> -> memref<!tpu.dma_semaphore, #tpu.memory_space<semaphore_mem>>
        %dma_start3A_1959 = arith.constant 0 : i32
        %dma_start3A_1960 = arith.constant 0 : i32
        %dma_start3A_1961 = tpu.memref_slice %arg9[%dma_start3A_1949, %dma_start3A_1959, %dma_start3A_1960] : memref<8x32x128xf32, #tpu.memory_space<vmem>> -> memref<1x32x128xf32, #tpu.memory_space<vmem>>
        %dma_start3A_1962 = tpu.memref_squeeze %dma_start3A_1961 : memref<1x32x128xf32, #tpu.memory_space<vmem>> -> memref<32x128xf32, #tpu.memory_space<vmem>>
        %dma_start3A_1963 = arith.constant 0 : i32
        %dma_start3A_1964 = tpu.memref_slice %arg4[%dma_start3A_1963, %multiple_of3A_1948] : memref<32x1000000xf32, #tpu.memory_space<hbm>> -> memref<32x128xf32, #tpu.memory_space<hbm>>
        tpu.enqueue_dma source(%dma_start3A_1964 : memref<32x128xf32, #tpu.memory_space<hbm>>) target(%dma_start3A_1962 : memref<32x128xf32, #tpu.memory_space<vmem>>) target_semaphore(%dma_start3A_1958 : memref<!tpu.dma_semaphore, #tpu.memory_space<semaphore_mem>>)
        %shift_right_arithmetic3A_1965 = arith.constant 7 : i32
        %shift_right_arithmetic3A_1966 = arith.shrsi %squeeze3A_1943, %shift_right_arithmetic3A_1965 : i32
        %mul3A_1967 = arith.constant 128 : i32
        %mul3A_1968 = arith.muli %shift_right_arithmetic3A_1966, %mul3A_1967 : i32
        %multiple_of3A_1969 = tpu.assume_multiple %mul3A_1968, 128 : i32
        %dma_start3A_1970 = arith.constant 2 : i32
        %dma_start3A_1971 = arith.constant 2 : i32
        %dma_start3A_1972 = arith.constant 0 : i32
        %dma_start3A_1973 = arith.constant 0 : i32
        %dma_start3A_1974 = tpu.memref_slice %arg10[%dma_start3A_1970, %dma_start3A_1972, %dma_start3A_1973] : memref<8x32x128xf32, #tpu.memory_space<vmem>> -> memref<1x32x128xf32, #tpu.memory_space<vmem>>
        %dma_start3A_1975 = tpu.memref_squeeze %dma_start3A_1974 : memref<1x32x128xf32, #tpu.memory_space<vmem>> -> memref<32x128xf32, #tpu.memory_space<vmem>>
        %dma_start3A_1976 = arith.constant 0 : i32
        %dma_start3A_1977 = tpu.memref_slice %arg5[%dma_start3A_1976, %multiple_of3A_1969] : memref<32x1000000xf32, #tpu.memory_space<hbm>> -> memref<32x128xf32, #tpu.memory_space<hbm>>
        %dma_start3A_1978 = tpu.memref_slice %arg12[%dma_start3A_1971] : memref<8x!tpu.dma_semaphore, #tpu.memory_space<semaphore_mem>> -> memref<1x!tpu.dma_semaphore, #tpu.memory_space<semaphore_mem>>
        %dma_start3A_1979 = tpu.memref_squeeze %dma_start3A_1978 : memref<1x!tpu.dma_semaphore, #tpu.memory_space<semaphore_mem>> -> memref<!tpu.dma_semaphore, #tpu.memory_space<semaphore_mem>>
        %dma_start3A_1980 = arith.constant 0 : i32
        %dma_start3A_1981 = arith.constant 0 : i32
        %dma_start3A_1982 = tpu.memref_slice %arg10[%dma_start3A_1970, %dma_start3A_1980, %dma_start3A_1981] : memref<8x32x128xf32, #tpu.memory_space<vmem>> -> memref<1x32x128xf32, #tpu.memory_space<vmem>>
        %dma_start3A_1983 = tpu.memref_squeeze %dma_start3A_1982 : memref<1x32x128xf32, #tpu.memory_space<vmem>> -> memref<32x128xf32, #tpu.memory_space<vmem>>
        %dma_start3A_1984 = arith.constant 0 : i32
        %dma_start3A_1985 = tpu.memref_slice %arg5[%dma_start3A_1984, %multiple_of3A_1969] : memref<32x1000000xf32, #tpu.memory_space<hbm>> -> memref<32x128xf32, #tpu.memory_space<hbm>>
        tpu.enqueue_dma source(%dma_start3A_1985 : memref<32x128xf32, #tpu.memory_space<hbm>>) target(%dma_start3A_1983 : memref<32x128xf32, #tpu.memory_space<vmem>>) target_semaphore(%dma_start3A_1979 : memref<!tpu.dma_semaphore, #tpu.memory_space<semaphore_mem>>)
      } else {
      }
      %mul3A_1565 = arith.constant 16 : i32
      %mul3A_1566 = arith.muli %scan3A_400, %mul3A_1565 : i32
      %add3A_1567 = arith.constant 11 : i32
      %add3A_1568 = arith.addi %mul3A_1566, %add3A_1567 : i32
      %dma_wait3A_1569 = arith.constant 3 : i32
      %dma_wait3A_1570 = arith.constant 3 : i32
      %dma_wait3A_1571 = arith.constant 0 : i32
      %dma_wait3A_1572 = arith.constant 0 : i32
      %dma_wait3A_1573 = tpu.memref_slice %arg9[%dma_wait3A_1569, %dma_wait3A_1571, %dma_wait3A_1572] : memref<8x32x128xf32, #tpu.memory_space<vmem>> -> memref<1x32x128xf32, #tpu.memory_space<vmem>>
      %dma_wait3A_1574 = tpu.memref_squeeze %dma_wait3A_1573 : memref<1x32x128xf32, #tpu.memory_space<vmem>> -> memref<32x128xf32, #tpu.memory_space<vmem>>
      %dma_wait3A_1575 = arith.constant 0 : i32
      %dma_wait3A_1576 = arith.constant 0 : i32
      %dma_wait3A_1577 = tpu.memref_slice %arg4[%dma_wait3A_1575, %dma_wait3A_1576] : memref<32x1000000xf32, #tpu.memory_space<hbm>> -> memref<32x128xf32, #tpu.memory_space<hbm>>
      %dma_wait3A_1578 = tpu.memref_slice %arg12[%dma_wait3A_1570] : memref<8x!tpu.dma_semaphore, #tpu.memory_space<semaphore_mem>> -> memref<1x!tpu.dma_semaphore, #tpu.memory_space<semaphore_mem>>
      %dma_wait3A_1579 = tpu.memref_squeeze %dma_wait3A_1578 : memref<1x!tpu.dma_semaphore, #tpu.memory_space<semaphore_mem>> -> memref<!tpu.dma_semaphore, #tpu.memory_space<semaphore_mem>>
      %dma_wait3A_1580 = arith.constant 0 : i32
      %dma_wait3A_1581 = arith.constant 0 : i32
      %dma_wait3A_1582 = tpu.memref_slice %arg9[%dma_wait3A_1569, %dma_wait3A_1580, %dma_wait3A_1581] : memref<8x32x128xf32, #tpu.memory_space<vmem>> -> memref<1x32x128xf32, #tpu.memory_space<vmem>>
      %dma_wait3A_1583 = tpu.memref_squeeze %dma_wait3A_1582 : memref<1x32x128xf32, #tpu.memory_space<vmem>> -> memref<32x128xf32, #tpu.memory_space<vmem>>
      %dma_wait3A_1584 = arith.constant 0 : i32
      %dma_wait3A_1585 = arith.constant 0 : i32
      %dma_wait3A_1586 = tpu.memref_slice %arg4[%dma_wait3A_1584, %dma_wait3A_1585] : memref<32x1000000xf32, #tpu.memory_space<hbm>> -> memref<32x128xf32, #tpu.memory_space<hbm>>
      tpu.wait_dma2 semaphore(%dma_wait3A_1579 : memref<!tpu.dma_semaphore, #tpu.memory_space<semaphore_mem>>) src(%dma_wait3A_1586 : memref<32x128xf32, #tpu.memory_space<hbm>>) dst(%dma_wait3A_1583 : memref<32x128xf32, #tpu.memory_space<vmem>>)
      %dma_wait3A_1587 = arith.constant 3 : i32
      %dma_wait3A_1588 = arith.constant 3 : i32
      %dma_wait3A_1589 = arith.constant 0 : i32
      %dma_wait3A_1590 = arith.constant 0 : i32
      %dma_wait3A_1591 = tpu.memref_slice %arg10[%dma_wait3A_1587, %dma_wait3A_1589, %dma_wait3A_1590] : memref<8x32x128xf32, #tpu.memory_space<vmem>> -> memref<1x32x128xf32, #tpu.memory_space<vmem>>
      %dma_wait3A_1592 = tpu.memref_squeeze %dma_wait3A_1591 : memref<1x32x128xf32, #tpu.memory_space<vmem>> -> memref<32x128xf32, #tpu.memory_space<vmem>>
      %dma_wait3A_1593 = arith.constant 0 : i32
      %dma_wait3A_1594 = arith.constant 0 : i32
      %dma_wait3A_1595 = tpu.memref_slice %arg5[%dma_wait3A_1593, %dma_wait3A_1594] : memref<32x1000000xf32, #tpu.memory_space<hbm>> -> memref<32x128xf32, #tpu.memory_space<hbm>>
      %dma_wait3A_1596 = tpu.memref_slice %arg12[%dma_wait3A_1588] : memref<8x!tpu.dma_semaphore, #tpu.memory_space<semaphore_mem>> -> memref<1x!tpu.dma_semaphore, #tpu.memory_space<semaphore_mem>>
      %dma_wait3A_1597 = tpu.memref_squeeze %dma_wait3A_1596 : memref<1x!tpu.dma_semaphore, #tpu.memory_space<semaphore_mem>> -> memref<!tpu.dma_semaphore, #tpu.memory_space<semaphore_mem>>
      %dma_wait3A_1598 = arith.constant 0 : i32
      %dma_wait3A_1599 = arith.constant 0 : i32
      %dma_wait3A_1600 = tpu.memref_slice %arg10[%dma_wait3A_1587, %dma_wait3A_1598, %dma_wait3A_1599] : memref<8x32x128xf32, #tpu.memory_space<vmem>> -> memref<1x32x128xf32, #tpu.memory_space<vmem>>
      %dma_wait3A_1601 = tpu.memref_squeeze %dma_wait3A_1600 : memref<1x32x128xf32, #tpu.memory_space<vmem>> -> memref<32x128xf32, #tpu.memory_space<vmem>>
      %dma_wait3A_1602 = arith.constant 0 : i32
      %dma_wait3A_1603 = arith.constant 0 : i32
      %dma_wait3A_1604 = tpu.memref_slice %arg5[%dma_wait3A_1602, %dma_wait3A_1603] : memref<32x1000000xf32, #tpu.memory_space<hbm>> -> memref<32x128xf32, #tpu.memory_space<hbm>>
      tpu.wait_dma2 semaphore(%dma_wait3A_1597 : memref<!tpu.dma_semaphore, #tpu.memory_space<semaphore_mem>>) src(%dma_wait3A_1604 : memref<32x128xf32, #tpu.memory_space<hbm>>) dst(%dma_wait3A_1601 : memref<32x128xf32, #tpu.memory_space<vmem>>)
      %slice3A_1605 = vector.extract_strided_slice %get3A_404 {offsets = [11], sizes = [1], strides = [1]} : vector<16xi32> to vector<1xi32>
      %squeeze3A_1606 = vector.extract %slice3A_1605[0] : i32 from vector<1xi32>
      %slice3A_1607 = vector.extract_strided_slice %get3A_408 {offsets = [11], sizes = [1], strides = [1]} : vector<16xi32> to vector<1xi32>
      %squeeze3A_1608 = vector.extract %slice3A_1607[0] : i32 from vector<1xi32>
      %and3A_1609 = arith.constant 127 : i32
      %and3A_1610 = arith.andi %squeeze3A_1606, %and3A_1609 : i32
      %broadcast_in_dim3A_1611 = vector.broadcast %and3A_1610 : i32 to vector<16xi32>
      %and3A_1612 = arith.constant 127 : i32
      %and3A_1613 = arith.andi %squeeze3A_1608, %and3A_1612 : i32
      %broadcast_in_dim3A_1614 = vector.broadcast %and3A_1613 : i32 to vector<16xi32>
      %broadcast_in_dim3A_1615 = arith.constant 3 : i32
      %broadcast_in_dim3A_1616 = vector.broadcast %broadcast_in_dim3A_1615 : i32 to vector<16xi32>
      %gather3A_1617 = tpu.vector_load_idx %arg9[%broadcast_in_dim3A_1616, %iota3A, %broadcast_in_dim3A_1611] : memref<8x32x128xf32, #tpu.memory_space<vmem>>[vector<16xi32>, vector<16xi32>, vector<16xi32>], vector<16xf32>,
      %add3A_1618 = arith.constant 16 : i32
      %add3A_1619 = vector.broadcast %add3A_1618 : i32 to vector<16xi32>
      %add3A_1620 = arith.addi %iota3A, %add3A_1619 : vector<16xi32>
      %gather3A_1621 = tpu.vector_load_idx %arg9[%broadcast_in_dim3A_1616, %add3A_1620, %broadcast_in_dim3A_1611] : memref<8x32x128xf32, #tpu.memory_space<vmem>>[vector<16xi32>, vector<16xi32>, vector<16xi32>], vector<16xf32>,
      %gather3A_1622 = tpu.vector_load_idx %arg10[%broadcast_in_dim3A_1616, %iota3A, %broadcast_in_dim3A_1614] : memref<8x32x128xf32, #tpu.memory_space<vmem>>[vector<16xi32>, vector<16xi32>, vector<16xi32>], vector<16xf32>,
      %add3A_1623 = arith.constant 16 : i32
      %add3A_1624 = vector.broadcast %add3A_1623 : i32 to vector<16xi32>
      %add3A_1625 = arith.addi %iota3A, %add3A_1624 : vector<16xi32>
      %gather3A_1626 = tpu.vector_load_idx %arg10[%broadcast_in_dim3A_1616, %add3A_1625, %broadcast_in_dim3A_1614] : memref<8x32x128xf32, #tpu.memory_space<vmem>>[vector<16xi32>, vector<16xi32>, vector<16xi32>], vector<16xf32>,
      %shift_right_arithmetic3A_1627 = arith.constant 7 : i32
      %shift_right_arithmetic3A_1628 = arith.shrsi %add3A_1568, %shift_right_arithmetic3A_1627 : i32
      %broadcast_in_dim3A_1629 = vector.broadcast %shift_right_arithmetic3A_1628 : i32 to vector<16xi32>
      %and3A_1630 = arith.constant 127 : i32
      %and3A_1631 = arith.andi %add3A_1568, %and3A_1630 : i32
      %broadcast_in_dim3A_1632 = vector.broadcast %and3A_1631 : i32 to vector<16xi32>
      %mul3A_1633 = arith.mulf %gather3A_1617, %gather3A_1622 : vector<16xf32>
      tpu.vector_store_idx %arg11[%shift_right_arithmetic3A_4, %broadcast_in_dim3A_1629, %and3A_6, %broadcast_in_dim3A_1632], %mul3A_1633 : memref<4x4x8x128xf32, #tpu.memory_space<vmem>>[vector<16xi32>, vector<16xi32>, vector<16xi32>, vector<16xi32>], vector<16xf32>,
      %mul3A_1634 = arith.mulf %gather3A_1621, %gather3A_1626 : vector<16xf32>
      tpu.vector_store_idx %arg11[%shift_right_arithmetic3A_12, %broadcast_in_dim3A_1629, %and3A_6, %broadcast_in_dim3A_1632], %mul3A_1634 : memref<4x4x8x128xf32, #tpu.memory_space<vmem>>[vector<16xi32>, vector<16xi32>, vector<16xi32>, vector<16xi32>], vector<16xf32>,
      %lt3A_1635 = arith.constant 31 : i32
      %lt3A_1636 = arith.cmpi slt, %scan3A_400, %lt3A_1635 : i32
      %convert_element_type3A_1637 = arith.extui %lt3A_1636 : i1 to i32
      %cond3A_1638 = arith.constant 0 : i32
      %cond3A_1639 = arith.cmpi ne, %convert_element_type3A_1637, %cond3A_1638 : i32
      scf.if %cond3A_1639 {
        %slice3A_1940 = vector.extract_strided_slice %get3A_415 {offsets = [3], sizes = [1], strides = [1]} : vector<16xi32> to vector<1xi32>
        %squeeze3A_1941 = vector.extract %slice3A_1940[0] : i32 from vector<1xi32>
        %slice3A_1942 = vector.extract_strided_slice %get3A_417 {offsets = [3], sizes = [1], strides = [1]} : vector<16xi32> to vector<1xi32>
        %squeeze3A_1943 = vector.extract %slice3A_1942[0] : i32 from vector<1xi32>
        %shift_right_arithmetic3A_1944 = arith.constant 7 : i32
        %shift_right_arithmetic3A_1945 = arith.shrsi %squeeze3A_1941, %shift_right_arithmetic3A_1944 : i32
        %mul3A_1946 = arith.constant 128 : i32
        %mul3A_1947 = arith.muli %shift_right_arithmetic3A_1945, %mul3A_1946 : i32
        %multiple_of3A_1948 = tpu.assume_multiple %mul3A_1947, 128 : i32
        %dma_start3A_1949 = arith.constant 3 : i32
        %dma_start3A_1950 = arith.constant 3 : i32
        %dma_start3A_1951 = arith.constant 0 : i32
        %dma_start3A_1952 = arith.constant 0 : i32
        %dma_start3A_1953 = tpu.memref_slice %arg9[%dma_start3A_1949, %dma_start3A_1951, %dma_start3A_1952] : memref<8x32x128xf32, #tpu.memory_space<vmem>> -> memref<1x32x128xf32, #tpu.memory_space<vmem>>
        %dma_start3A_1954 = tpu.memref_squeeze %dma_start3A_1953 : memref<1x32x128xf32, #tpu.memory_space<vmem>> -> memref<32x128xf32, #tpu.memory_space<vmem>>
        %dma_start3A_1955 = arith.constant 0 : i32
        %dma_start3A_1956 = tpu.memref_slice %arg4[%dma_start3A_1955, %multiple_of3A_1948] : memref<32x1000000xf32, #tpu.memory_space<hbm>> -> memref<32x128xf32, #tpu.memory_space<hbm>>
        %dma_start3A_1957 = tpu.memref_slice %arg12[%dma_start3A_1950] : memref<8x!tpu.dma_semaphore, #tpu.memory_space<semaphore_mem>> -> memref<1x!tpu.dma_semaphore, #tpu.memory_space<semaphore_mem>>
        %dma_start3A_1958 = tpu.memref_squeeze %dma_start3A_1957 : memref<1x!tpu.dma_semaphore, #tpu.memory_space<semaphore_mem>> -> memref<!tpu.dma_semaphore, #tpu.memory_space<semaphore_mem>>
        %dma_start3A_1959 = arith.constant 0 : i32
        %dma_start3A_1960 = arith.constant 0 : i32
        %dma_start3A_1961 = tpu.memref_slice %arg9[%dma_start3A_1949, %dma_start3A_1959, %dma_start3A_1960] : memref<8x32x128xf32, #tpu.memory_space<vmem>> -> memref<1x32x128xf32, #tpu.memory_space<vmem>>
        %dma_start3A_1962 = tpu.memref_squeeze %dma_start3A_1961 : memref<1x32x128xf32, #tpu.memory_space<vmem>> -> memref<32x128xf32, #tpu.memory_space<vmem>>
        %dma_start3A_1963 = arith.constant 0 : i32
        %dma_start3A_1964 = tpu.memref_slice %arg4[%dma_start3A_1963, %multiple_of3A_1948] : memref<32x1000000xf32, #tpu.memory_space<hbm>> -> memref<32x128xf32, #tpu.memory_space<hbm>>
        tpu.enqueue_dma source(%dma_start3A_1964 : memref<32x128xf32, #tpu.memory_space<hbm>>) target(%dma_start3A_1962 : memref<32x128xf32, #tpu.memory_space<vmem>>) target_semaphore(%dma_start3A_1958 : memref<!tpu.dma_semaphore, #tpu.memory_space<semaphore_mem>>)
        %shift_right_arithmetic3A_1965 = arith.constant 7 : i32
        %shift_right_arithmetic3A_1966 = arith.shrsi %squeeze3A_1943, %shift_right_arithmetic3A_1965 : i32
        %mul3A_1967 = arith.constant 128 : i32
        %mul3A_1968 = arith.muli %shift_right_arithmetic3A_1966, %mul3A_1967 : i32
        %multiple_of3A_1969 = tpu.assume_multiple %mul3A_1968, 128 : i32
        %dma_start3A_1970 = arith.constant 3 : i32
        %dma_start3A_1971 = arith.constant 3 : i32
        %dma_start3A_1972 = arith.constant 0 : i32
        %dma_start3A_1973 = arith.constant 0 : i32
        %dma_start3A_1974 = tpu.memref_slice %arg10[%dma_start3A_1970, %dma_start3A_1972, %dma_start3A_1973] : memref<8x32x128xf32, #tpu.memory_space<vmem>> -> memref<1x32x128xf32, #tpu.memory_space<vmem>>
        %dma_start3A_1975 = tpu.memref_squeeze %dma_start3A_1974 : memref<1x32x128xf32, #tpu.memory_space<vmem>> -> memref<32x128xf32, #tpu.memory_space<vmem>>
        %dma_start3A_1976 = arith.constant 0 : i32
        %dma_start3A_1977 = tpu.memref_slice %arg5[%dma_start3A_1976, %multiple_of3A_1969] : memref<32x1000000xf32, #tpu.memory_space<hbm>> -> memref<32x128xf32, #tpu.memory_space<hbm>>
        %dma_start3A_1978 = tpu.memref_slice %arg12[%dma_start3A_1971] : memref<8x!tpu.dma_semaphore, #tpu.memory_space<semaphore_mem>> -> memref<1x!tpu.dma_semaphore, #tpu.memory_space<semaphore_mem>>
        %dma_start3A_1979 = tpu.memref_squeeze %dma_start3A_1978 : memref<1x!tpu.dma_semaphore, #tpu.memory_space<semaphore_mem>> -> memref<!tpu.dma_semaphore, #tpu.memory_space<semaphore_mem>>
        %dma_start3A_1980 = arith.constant 0 : i32
        %dma_start3A_1981 = arith.constant 0 : i32
        %dma_start3A_1982 = tpu.memref_slice %arg10[%dma_start3A_1970, %dma_start3A_1980, %dma_start3A_1981] : memref<8x32x128xf32, #tpu.memory_space<vmem>> -> memref<1x32x128xf32, #tpu.memory_space<vmem>>
        %dma_start3A_1983 = tpu.memref_squeeze %dma_start3A_1982 : memref<1x32x128xf32, #tpu.memory_space<vmem>> -> memref<32x128xf32, #tpu.memory_space<vmem>>
        %dma_start3A_1984 = arith.constant 0 : i32
        %dma_start3A_1985 = tpu.memref_slice %arg5[%dma_start3A_1984, %multiple_of3A_1969] : memref<32x1000000xf32, #tpu.memory_space<hbm>> -> memref<32x128xf32, #tpu.memory_space<hbm>>
        tpu.enqueue_dma source(%dma_start3A_1985 : memref<32x128xf32, #tpu.memory_space<hbm>>) target(%dma_start3A_1983 : memref<32x128xf32, #tpu.memory_space<vmem>>) target_semaphore(%dma_start3A_1979 : memref<!tpu.dma_semaphore, #tpu.memory_space<semaphore_mem>>)
      } else {
      }
      %mul3A_1640 = arith.constant 16 : i32
      %mul3A_1641 = arith.muli %scan3A_400, %mul3A_1640 : i32
      %add3A_1642 = arith.constant 12 : i32
      %add3A_1643 = arith.addi %mul3A_1641, %add3A_1642 : i32
      %dma_wait3A_1644 = arith.constant 4 : i32
      %dma_wait3A_1645 = arith.constant 4 : i32
      %dma_wait3A_1646 = arith.constant 0 : i32
      %dma_wait3A_1647 = arith.constant 0 : i32
      %dma_wait3A_1648 = tpu.memref_slice %arg9[%dma_wait3A_1644, %dma_wait3A_1646, %dma_wait3A_1647] : memref<8x32x128xf32, #tpu.memory_space<vmem>> -> memref<1x32x128xf32, #tpu.memory_space<vmem>>
      %dma_wait3A_1649 = tpu.memref_squeeze %dma_wait3A_1648 : memref<1x32x128xf32, #tpu.memory_space<vmem>> -> memref<32x128xf32, #tpu.memory_space<vmem>>
      %dma_wait3A_1650 = arith.constant 0 : i32
      %dma_wait3A_1651 = arith.constant 0 : i32
      %dma_wait3A_1652 = tpu.memref_slice %arg4[%dma_wait3A_1650, %dma_wait3A_1651] : memref<32x1000000xf32, #tpu.memory_space<hbm>> -> memref<32x128xf32, #tpu.memory_space<hbm>>
      %dma_wait3A_1653 = tpu.memref_slice %arg12[%dma_wait3A_1645] : memref<8x!tpu.dma_semaphore, #tpu.memory_space<semaphore_mem>> -> memref<1x!tpu.dma_semaphore, #tpu.memory_space<semaphore_mem>>
      %dma_wait3A_1654 = tpu.memref_squeeze %dma_wait3A_1653 : memref<1x!tpu.dma_semaphore, #tpu.memory_space<semaphore_mem>> -> memref<!tpu.dma_semaphore, #tpu.memory_space<semaphore_mem>>
      %dma_wait3A_1655 = arith.constant 0 : i32
      %dma_wait3A_1656 = arith.constant 0 : i32
      %dma_wait3A_1657 = tpu.memref_slice %arg9[%dma_wait3A_1644, %dma_wait3A_1655, %dma_wait3A_1656] : memref<8x32x128xf32, #tpu.memory_space<vmem>> -> memref<1x32x128xf32, #tpu.memory_space<vmem>>
      %dma_wait3A_1658 = tpu.memref_squeeze %dma_wait3A_1657 : memref<1x32x128xf32, #tpu.memory_space<vmem>> -> memref<32x128xf32, #tpu.memory_space<vmem>>
      %dma_wait3A_1659 = arith.constant 0 : i32
      %dma_wait3A_1660 = arith.constant 0 : i32
      %dma_wait3A_1661 = tpu.memref_slice %arg4[%dma_wait3A_1659, %dma_wait3A_1660] : memref<32x1000000xf32, #tpu.memory_space<hbm>> -> memref<32x128xf32, #tpu.memory_space<hbm>>
      tpu.wait_dma2 semaphore(%dma_wait3A_1654 : memref<!tpu.dma_semaphore, #tpu.memory_space<semaphore_mem>>) src(%dma_wait3A_1661 : memref<32x128xf32, #tpu.memory_space<hbm>>) dst(%dma_wait3A_1658 : memref<32x128xf32, #tpu.memory_space<vmem>>)
      %dma_wait3A_1662 = arith.constant 4 : i32
      %dma_wait3A_1663 = arith.constant 4 : i32
      %dma_wait3A_1664 = arith.constant 0 : i32
      %dma_wait3A_1665 = arith.constant 0 : i32
      %dma_wait3A_1666 = tpu.memref_slice %arg10[%dma_wait3A_1662, %dma_wait3A_1664, %dma_wait3A_1665] : memref<8x32x128xf32, #tpu.memory_space<vmem>> -> memref<1x32x128xf32, #tpu.memory_space<vmem>>
      %dma_wait3A_1667 = tpu.memref_squeeze %dma_wait3A_1666 : memref<1x32x128xf32, #tpu.memory_space<vmem>> -> memref<32x128xf32, #tpu.memory_space<vmem>>
      %dma_wait3A_1668 = arith.constant 0 : i32
      %dma_wait3A_1669 = arith.constant 0 : i32
      %dma_wait3A_1670 = tpu.memref_slice %arg5[%dma_wait3A_1668, %dma_wait3A_1669] : memref<32x1000000xf32, #tpu.memory_space<hbm>> -> memref<32x128xf32, #tpu.memory_space<hbm>>
      %dma_wait3A_1671 = tpu.memref_slice %arg12[%dma_wait3A_1663] : memref<8x!tpu.dma_semaphore, #tpu.memory_space<semaphore_mem>> -> memref<1x!tpu.dma_semaphore, #tpu.memory_space<semaphore_mem>>
      %dma_wait3A_1672 = tpu.memref_squeeze %dma_wait3A_1671 : memref<1x!tpu.dma_semaphore, #tpu.memory_space<semaphore_mem>> -> memref<!tpu.dma_semaphore, #tpu.memory_space<semaphore_mem>>
      %dma_wait3A_1673 = arith.constant 0 : i32
      %dma_wait3A_1674 = arith.constant 0 : i32
      %dma_wait3A_1675 = tpu.memref_slice %arg10[%dma_wait3A_1662, %dma_wait3A_1673, %dma_wait3A_1674] : memref<8x32x128xf32, #tpu.memory_space<vmem>> -> memref<1x32x128xf32, #tpu.memory_space<vmem>>
      %dma_wait3A_1676 = tpu.memref_squeeze %dma_wait3A_1675 : memref<1x32x128xf32, #tpu.memory_space<vmem>> -> memref<32x128xf32, #tpu.memory_space<vmem>>
      %dma_wait3A_1677 = arith.constant 0 : i32
      %dma_wait3A_1678 = arith.constant 0 : i32
      %dma_wait3A_1679 = tpu.memref_slice %arg5[%dma_wait3A_1677, %dma_wait3A_1678] : memref<32x1000000xf32, #tpu.memory_space<hbm>> -> memref<32x128xf32, #tpu.memory_space<hbm>>
      tpu.wait_dma2 semaphore(%dma_wait3A_1672 : memref<!tpu.dma_semaphore, #tpu.memory_space<semaphore_mem>>) src(%dma_wait3A_1679 : memref<32x128xf32, #tpu.memory_space<hbm>>) dst(%dma_wait3A_1676 : memref<32x128xf32, #tpu.memory_space<vmem>>)
      %slice3A_1680 = vector.extract_strided_slice %get3A_404 {offsets = [12], sizes = [1], strides = [1]} : vector<16xi32> to vector<1xi32>
      %squeeze3A_1681 = vector.extract %slice3A_1680[0] : i32 from vector<1xi32>
      %slice3A_1682 = vector.extract_strided_slice %get3A_408 {offsets = [12], sizes = [1], strides = [1]} : vector<16xi32> to vector<1xi32>
      %squeeze3A_1683 = vector.extract %slice3A_1682[0] : i32 from vector<1xi32>
      %and3A_1684 = arith.constant 127 : i32
      %and3A_1685 = arith.andi %squeeze3A_1681, %and3A_1684 : i32
      %broadcast_in_dim3A_1686 = vector.broadcast %and3A_1685 : i32 to vector<16xi32>
      %and3A_1687 = arith.constant 127 : i32
      %and3A_1688 = arith.andi %squeeze3A_1683, %and3A_1687 : i32
      %broadcast_in_dim3A_1689 = vector.broadcast %and3A_1688 : i32 to vector<16xi32>
      %broadcast_in_dim3A_1690 = arith.constant 4 : i32
      %broadcast_in_dim3A_1691 = vector.broadcast %broadcast_in_dim3A_1690 : i32 to vector<16xi32>
      %gather3A_1692 = tpu.vector_load_idx %arg9[%broadcast_in_dim3A_1691, %iota3A, %broadcast_in_dim3A_1686] : memref<8x32x128xf32, #tpu.memory_space<vmem>>[vector<16xi32>, vector<16xi32>, vector<16xi32>], vector<16xf32>,
      %add3A_1693 = arith.constant 16 : i32
      %add3A_1694 = vector.broadcast %add3A_1693 : i32 to vector<16xi32>
      %add3A_1695 = arith.addi %iota3A, %add3A_1694 : vector<16xi32>
      %gather3A_1696 = tpu.vector_load_idx %arg9[%broadcast_in_dim3A_1691, %add3A_1695, %broadcast_in_dim3A_1686] : memref<8x32x128xf32, #tpu.memory_space<vmem>>[vector<16xi32>, vector<16xi32>, vector<16xi32>], vector<16xf32>,
      %gather3A_1697 = tpu.vector_load_idx %arg10[%broadcast_in_dim3A_1691, %iota3A, %broadcast_in_dim3A_1689] : memref<8x32x128xf32, #tpu.memory_space<vmem>>[vector<16xi32>, vector<16xi32>, vector<16xi32>], vector<16xf32>,
      %add3A_1698 = arith.constant 16 : i32
      %add3A_1699 = vector.broadcast %add3A_1698 : i32 to vector<16xi32>
      %add3A_1700 = arith.addi %iota3A, %add3A_1699 : vector<16xi32>
      %gather3A_1701 = tpu.vector_load_idx %arg10[%broadcast_in_dim3A_1691, %add3A_1700, %broadcast_in_dim3A_1689] : memref<8x32x128xf32, #tpu.memory_space<vmem>>[vector<16xi32>, vector<16xi32>, vector<16xi32>], vector<16xf32>,
      %shift_right_arithmetic3A_1702 = arith.constant 7 : i32
      %shift_right_arithmetic3A_1703 = arith.shrsi %add3A_1643, %shift_right_arithmetic3A_1702 : i32
      %broadcast_in_dim3A_1704 = vector.broadcast %shift_right_arithmetic3A_1703 : i32 to vector<16xi32>
      %and3A_1705 = arith.constant 127 : i32
      %and3A_1706 = arith.andi %add3A_1643, %and3A_1705 : i32
      %broadcast_in_dim3A_1707 = vector.broadcast %and3A_1706 : i32 to vector<16xi32>
      %mul3A_1708 = arith.mulf %gather3A_1692, %gather3A_1697 : vector<16xf32>
      tpu.vector_store_idx %arg11[%shift_right_arithmetic3A_4, %broadcast_in_dim3A_1704, %and3A_6, %broadcast_in_dim3A_1707], %mul3A_1708 : memref<4x4x8x128xf32, #tpu.memory_space<vmem>>[vector<16xi32>, vector<16xi32>, vector<16xi32>, vector<16xi32>], vector<16xf32>,
      %mul3A_1709 = arith.mulf %gather3A_1696, %gather3A_1701 : vector<16xf32>
      tpu.vector_store_idx %arg11[%shift_right_arithmetic3A_12, %broadcast_in_dim3A_1704, %and3A_6, %broadcast_in_dim3A_1707], %mul3A_1709 : memref<4x4x8x128xf32, #tpu.memory_space<vmem>>[vector<16xi32>, vector<16xi32>, vector<16xi32>, vector<16xi32>], vector<16xf32>,
      %lt3A_1710 = arith.constant 31 : i32
      %lt3A_1711 = arith.cmpi slt, %scan3A_400, %lt3A_1710 : i32
      %convert_element_type3A_1712 = arith.extui %lt3A_1711 : i1 to i32
      %cond3A_1713 = arith.constant 0 : i32
      %cond3A_1714 = arith.cmpi ne, %convert_element_type3A_1712, %cond3A_1713 : i32
      scf.if %cond3A_1714 {
        %slice3A_1940 = vector.extract_strided_slice %get3A_415 {offsets = [4], sizes = [1], strides = [1]} : vector<16xi32> to vector<1xi32>
        %squeeze3A_1941 = vector.extract %slice3A_1940[0] : i32 from vector<1xi32>
        %slice3A_1942 = vector.extract_strided_slice %get3A_417 {offsets = [4], sizes = [1], strides = [1]} : vector<16xi32> to vector<1xi32>
        %squeeze3A_1943 = vector.extract %slice3A_1942[0] : i32 from vector<1xi32>
        %shift_right_arithmetic3A_1944 = arith.constant 7 : i32
        %shift_right_arithmetic3A_1945 = arith.shrsi %squeeze3A_1941, %shift_right_arithmetic3A_1944 : i32
        %mul3A_1946 = arith.constant 128 : i32
        %mul3A_1947 = arith.muli %shift_right_arithmetic3A_1945, %mul3A_1946 : i32
        %multiple_of3A_1948 = tpu.assume_multiple %mul3A_1947, 128 : i32
        %dma_start3A_1949 = arith.constant 4 : i32
        %dma_start3A_1950 = arith.constant 4 : i32
        %dma_start3A_1951 = arith.constant 0 : i32
        %dma_start3A_1952 = arith.constant 0 : i32
        %dma_start3A_1953 = tpu.memref_slice %arg9[%dma_start3A_1949, %dma_start3A_1951, %dma_start3A_1952] : memref<8x32x128xf32, #tpu.memory_space<vmem>> -> memref<1x32x128xf32, #tpu.memory_space<vmem>>
        %dma_start3A_1954 = tpu.memref_squeeze %dma_start3A_1953 : memref<1x32x128xf32, #tpu.memory_space<vmem>> -> memref<32x128xf32, #tpu.memory_space<vmem>>
        %dma_start3A_1955 = arith.constant 0 : i32
        %dma_start3A_1956 = tpu.memref_slice %arg4[%dma_start3A_1955, %multiple_of3A_1948] : memref<32x1000000xf32, #tpu.memory_space<hbm>> -> memref<32x128xf32, #tpu.memory_space<hbm>>
        %dma_start3A_1957 = tpu.memref_slice %arg12[%dma_start3A_1950] : memref<8x!tpu.dma_semaphore, #tpu.memory_space<semaphore_mem>> -> memref<1x!tpu.dma_semaphore, #tpu.memory_space<semaphore_mem>>
        %dma_start3A_1958 = tpu.memref_squeeze %dma_start3A_1957 : memref<1x!tpu.dma_semaphore, #tpu.memory_space<semaphore_mem>> -> memref<!tpu.dma_semaphore, #tpu.memory_space<semaphore_mem>>
        %dma_start3A_1959 = arith.constant 0 : i32
        %dma_start3A_1960 = arith.constant 0 : i32
        %dma_start3A_1961 = tpu.memref_slice %arg9[%dma_start3A_1949, %dma_start3A_1959, %dma_start3A_1960] : memref<8x32x128xf32, #tpu.memory_space<vmem>> -> memref<1x32x128xf32, #tpu.memory_space<vmem>>
        %dma_start3A_1962 = tpu.memref_squeeze %dma_start3A_1961 : memref<1x32x128xf32, #tpu.memory_space<vmem>> -> memref<32x128xf32, #tpu.memory_space<vmem>>
        %dma_start3A_1963 = arith.constant 0 : i32
        %dma_start3A_1964 = tpu.memref_slice %arg4[%dma_start3A_1963, %multiple_of3A_1948] : memref<32x1000000xf32, #tpu.memory_space<hbm>> -> memref<32x128xf32, #tpu.memory_space<hbm>>
        tpu.enqueue_dma source(%dma_start3A_1964 : memref<32x128xf32, #tpu.memory_space<hbm>>) target(%dma_start3A_1962 : memref<32x128xf32, #tpu.memory_space<vmem>>) target_semaphore(%dma_start3A_1958 : memref<!tpu.dma_semaphore, #tpu.memory_space<semaphore_mem>>)
        %shift_right_arithmetic3A_1965 = arith.constant 7 : i32
        %shift_right_arithmetic3A_1966 = arith.shrsi %squeeze3A_1943, %shift_right_arithmetic3A_1965 : i32
        %mul3A_1967 = arith.constant 128 : i32
        %mul3A_1968 = arith.muli %shift_right_arithmetic3A_1966, %mul3A_1967 : i32
        %multiple_of3A_1969 = tpu.assume_multiple %mul3A_1968, 128 : i32
        %dma_start3A_1970 = arith.constant 4 : i32
        %dma_start3A_1971 = arith.constant 4 : i32
        %dma_start3A_1972 = arith.constant 0 : i32
        %dma_start3A_1973 = arith.constant 0 : i32
        %dma_start3A_1974 = tpu.memref_slice %arg10[%dma_start3A_1970, %dma_start3A_1972, %dma_start3A_1973] : memref<8x32x128xf32, #tpu.memory_space<vmem>> -> memref<1x32x128xf32, #tpu.memory_space<vmem>>
        %dma_start3A_1975 = tpu.memref_squeeze %dma_start3A_1974 : memref<1x32x128xf32, #tpu.memory_space<vmem>> -> memref<32x128xf32, #tpu.memory_space<vmem>>
        %dma_start3A_1976 = arith.constant 0 : i32
        %dma_start3A_1977 = tpu.memref_slice %arg5[%dma_start3A_1976, %multiple_of3A_1969] : memref<32x1000000xf32, #tpu.memory_space<hbm>> -> memref<32x128xf32, #tpu.memory_space<hbm>>
        %dma_start3A_1978 = tpu.memref_slice %arg12[%dma_start3A_1971] : memref<8x!tpu.dma_semaphore, #tpu.memory_space<semaphore_mem>> -> memref<1x!tpu.dma_semaphore, #tpu.memory_space<semaphore_mem>>
        %dma_start3A_1979 = tpu.memref_squeeze %dma_start3A_1978 : memref<1x!tpu.dma_semaphore, #tpu.memory_space<semaphore_mem>> -> memref<!tpu.dma_semaphore, #tpu.memory_space<semaphore_mem>>
        %dma_start3A_1980 = arith.constant 0 : i32
        %dma_start3A_1981 = arith.constant 0 : i32
        %dma_start3A_1982 = tpu.memref_slice %arg10[%dma_start3A_1970, %dma_start3A_1980, %dma_start3A_1981] : memref<8x32x128xf32, #tpu.memory_space<vmem>> -> memref<1x32x128xf32, #tpu.memory_space<vmem>>
        %dma_start3A_1983 = tpu.memref_squeeze %dma_start3A_1982 : memref<1x32x128xf32, #tpu.memory_space<vmem>> -> memref<32x128xf32, #tpu.memory_space<vmem>>
        %dma_start3A_1984 = arith.constant 0 : i32
        %dma_start3A_1985 = tpu.memref_slice %arg5[%dma_start3A_1984, %multiple_of3A_1969] : memref<32x1000000xf32, #tpu.memory_space<hbm>> -> memref<32x128xf32, #tpu.memory_space<hbm>>
        tpu.enqueue_dma source(%dma_start3A_1985 : memref<32x128xf32, #tpu.memory_space<hbm>>) target(%dma_start3A_1983 : memref<32x128xf32, #tpu.memory_space<vmem>>) target_semaphore(%dma_start3A_1979 : memref<!tpu.dma_semaphore, #tpu.memory_space<semaphore_mem>>)
      } else {
      }
      %mul3A_1715 = arith.constant 16 : i32
      %mul3A_1716 = arith.muli %scan3A_400, %mul3A_1715 : i32
      %add3A_1717 = arith.constant 13 : i32
      %add3A_1718 = arith.addi %mul3A_1716, %add3A_1717 : i32
      %dma_wait3A_1719 = arith.constant 5 : i32
      %dma_wait3A_1720 = arith.constant 5 : i32
      %dma_wait3A_1721 = arith.constant 0 : i32
      %dma_wait3A_1722 = arith.constant 0 : i32
      %dma_wait3A_1723 = tpu.memref_slice %arg9[%dma_wait3A_1719, %dma_wait3A_1721, %dma_wait3A_1722] : memref<8x32x128xf32, #tpu.memory_space<vmem>> -> memref<1x32x128xf32, #tpu.memory_space<vmem>>
      %dma_wait3A_1724 = tpu.memref_squeeze %dma_wait3A_1723 : memref<1x32x128xf32, #tpu.memory_space<vmem>> -> memref<32x128xf32, #tpu.memory_space<vmem>>
      %dma_wait3A_1725 = arith.constant 0 : i32
      %dma_wait3A_1726 = arith.constant 0 : i32
      %dma_wait3A_1727 = tpu.memref_slice %arg4[%dma_wait3A_1725, %dma_wait3A_1726] : memref<32x1000000xf32, #tpu.memory_space<hbm>> -> memref<32x128xf32, #tpu.memory_space<hbm>>
      %dma_wait3A_1728 = tpu.memref_slice %arg12[%dma_wait3A_1720] : memref<8x!tpu.dma_semaphore, #tpu.memory_space<semaphore_mem>> -> memref<1x!tpu.dma_semaphore, #tpu.memory_space<semaphore_mem>>
      %dma_wait3A_1729 = tpu.memref_squeeze %dma_wait3A_1728 : memref<1x!tpu.dma_semaphore, #tpu.memory_space<semaphore_mem>> -> memref<!tpu.dma_semaphore, #tpu.memory_space<semaphore_mem>>
      %dma_wait3A_1730 = arith.constant 0 : i32
      %dma_wait3A_1731 = arith.constant 0 : i32
      %dma_wait3A_1732 = tpu.memref_slice %arg9[%dma_wait3A_1719, %dma_wait3A_1730, %dma_wait3A_1731] : memref<8x32x128xf32, #tpu.memory_space<vmem>> -> memref<1x32x128xf32, #tpu.memory_space<vmem>>
      %dma_wait3A_1733 = tpu.memref_squeeze %dma_wait3A_1732 : memref<1x32x128xf32, #tpu.memory_space<vmem>> -> memref<32x128xf32, #tpu.memory_space<vmem>>
      %dma_wait3A_1734 = arith.constant 0 : i32
      %dma_wait3A_1735 = arith.constant 0 : i32
      %dma_wait3A_1736 = tpu.memref_slice %arg4[%dma_wait3A_1734, %dma_wait3A_1735] : memref<32x1000000xf32, #tpu.memory_space<hbm>> -> memref<32x128xf32, #tpu.memory_space<hbm>>
      tpu.wait_dma2 semaphore(%dma_wait3A_1729 : memref<!tpu.dma_semaphore, #tpu.memory_space<semaphore_mem>>) src(%dma_wait3A_1736 : memref<32x128xf32, #tpu.memory_space<hbm>>) dst(%dma_wait3A_1733 : memref<32x128xf32, #tpu.memory_space<vmem>>)
      %dma_wait3A_1737 = arith.constant 5 : i32
      %dma_wait3A_1738 = arith.constant 5 : i32
      %dma_wait3A_1739 = arith.constant 0 : i32
      %dma_wait3A_1740 = arith.constant 0 : i32
      %dma_wait3A_1741 = tpu.memref_slice %arg10[%dma_wait3A_1737, %dma_wait3A_1739, %dma_wait3A_1740] : memref<8x32x128xf32, #tpu.memory_space<vmem>> -> memref<1x32x128xf32, #tpu.memory_space<vmem>>
      %dma_wait3A_1742 = tpu.memref_squeeze %dma_wait3A_1741 : memref<1x32x128xf32, #tpu.memory_space<vmem>> -> memref<32x128xf32, #tpu.memory_space<vmem>>
      %dma_wait3A_1743 = arith.constant 0 : i32
      %dma_wait3A_1744 = arith.constant 0 : i32
      %dma_wait3A_1745 = tpu.memref_slice %arg5[%dma_wait3A_1743, %dma_wait3A_1744] : memref<32x1000000xf32, #tpu.memory_space<hbm>> -> memref<32x128xf32, #tpu.memory_space<hbm>>
      %dma_wait3A_1746 = tpu.memref_slice %arg12[%dma_wait3A_1738] : memref<8x!tpu.dma_semaphore, #tpu.memory_space<semaphore_mem>> -> memref<1x!tpu.dma_semaphore, #tpu.memory_space<semaphore_mem>>
      %dma_wait3A_1747 = tpu.memref_squeeze %dma_wait3A_1746 : memref<1x!tpu.dma_semaphore, #tpu.memory_space<semaphore_mem>> -> memref<!tpu.dma_semaphore, #tpu.memory_space<semaphore_mem>>
      %dma_wait3A_1748 = arith.constant 0 : i32
      %dma_wait3A_1749 = arith.constant 0 : i32
      %dma_wait3A_1750 = tpu.memref_slice %arg10[%dma_wait3A_1737, %dma_wait3A_1748, %dma_wait3A_1749] : memref<8x32x128xf32, #tpu.memory_space<vmem>> -> memref<1x32x128xf32, #tpu.memory_space<vmem>>
      %dma_wait3A_1751 = tpu.memref_squeeze %dma_wait3A_1750 : memref<1x32x128xf32, #tpu.memory_space<vmem>> -> memref<32x128xf32, #tpu.memory_space<vmem>>
      %dma_wait3A_1752 = arith.constant 0 : i32
      %dma_wait3A_1753 = arith.constant 0 : i32
      %dma_wait3A_1754 = tpu.memref_slice %arg5[%dma_wait3A_1752, %dma_wait3A_1753] : memref<32x1000000xf32, #tpu.memory_space<hbm>> -> memref<32x128xf32, #tpu.memory_space<hbm>>
      tpu.wait_dma2 semaphore(%dma_wait3A_1747 : memref<!tpu.dma_semaphore, #tpu.memory_space<semaphore_mem>>) src(%dma_wait3A_1754 : memref<32x128xf32, #tpu.memory_space<hbm>>) dst(%dma_wait3A_1751 : memref<32x128xf32, #tpu.memory_space<vmem>>)
      %slice3A_1755 = vector.extract_strided_slice %get3A_404 {offsets = [13], sizes = [1], strides = [1]} : vector<16xi32> to vector<1xi32>
      %squeeze3A_1756 = vector.extract %slice3A_1755[0] : i32 from vector<1xi32>
      %slice3A_1757 = vector.extract_strided_slice %get3A_408 {offsets = [13], sizes = [1], strides = [1]} : vector<16xi32> to vector<1xi32>
      %squeeze3A_1758 = vector.extract %slice3A_1757[0] : i32 from vector<1xi32>
      %and3A_1759 = arith.constant 127 : i32
      %and3A_1760 = arith.andi %squeeze3A_1756, %and3A_1759 : i32
      %broadcast_in_dim3A_1761 = vector.broadcast %and3A_1760 : i32 to vector<16xi32>
      %and3A_1762 = arith.constant 127 : i32
      %and3A_1763 = arith.andi %squeeze3A_1758, %and3A_1762 : i32
      %broadcast_in_dim3A_1764 = vector.broadcast %and3A_1763 : i32 to vector<16xi32>
      %broadcast_in_dim3A_1765 = arith.constant 5 : i32
      %broadcast_in_dim3A_1766 = vector.broadcast %broadcast_in_dim3A_1765 : i32 to vector<16xi32>
      %gather3A_1767 = tpu.vector_load_idx %arg9[%broadcast_in_dim3A_1766, %iota3A, %broadcast_in_dim3A_1761] : memref<8x32x128xf32, #tpu.memory_space<vmem>>[vector<16xi32>, vector<16xi32>, vector<16xi32>], vector<16xf32>,
      %add3A_1768 = arith.constant 16 : i32
      %add3A_1769 = vector.broadcast %add3A_1768 : i32 to vector<16xi32>
      %add3A_1770 = arith.addi %iota3A, %add3A_1769 : vector<16xi32>
      %gather3A_1771 = tpu.vector_load_idx %arg9[%broadcast_in_dim3A_1766, %add3A_1770, %broadcast_in_dim3A_1761] : memref<8x32x128xf32, #tpu.memory_space<vmem>>[vector<16xi32>, vector<16xi32>, vector<16xi32>], vector<16xf32>,
      %gather3A_1772 = tpu.vector_load_idx %arg10[%broadcast_in_dim3A_1766, %iota3A, %broadcast_in_dim3A_1764] : memref<8x32x128xf32, #tpu.memory_space<vmem>>[vector<16xi32>, vector<16xi32>, vector<16xi32>], vector<16xf32>,
      %add3A_1773 = arith.constant 16 : i32
      %add3A_1774 = vector.broadcast %add3A_1773 : i32 to vector<16xi32>
      %add3A_1775 = arith.addi %iota3A, %add3A_1774 : vector<16xi32>
      %gather3A_1776 = tpu.vector_load_idx %arg10[%broadcast_in_dim3A_1766, %add3A_1775, %broadcast_in_dim3A_1764] : memref<8x32x128xf32, #tpu.memory_space<vmem>>[vector<16xi32>, vector<16xi32>, vector<16xi32>], vector<16xf32>,
      %shift_right_arithmetic3A_1777 = arith.constant 7 : i32
      %shift_right_arithmetic3A_1778 = arith.shrsi %add3A_1718, %shift_right_arithmetic3A_1777 : i32
      %broadcast_in_dim3A_1779 = vector.broadcast %shift_right_arithmetic3A_1778 : i32 to vector<16xi32>
      %and3A_1780 = arith.constant 127 : i32
      %and3A_1781 = arith.andi %add3A_1718, %and3A_1780 : i32
      %broadcast_in_dim3A_1782 = vector.broadcast %and3A_1781 : i32 to vector<16xi32>
      %mul3A_1783 = arith.mulf %gather3A_1767, %gather3A_1772 : vector<16xf32>
      tpu.vector_store_idx %arg11[%shift_right_arithmetic3A_4, %broadcast_in_dim3A_1779, %and3A_6, %broadcast_in_dim3A_1782], %mul3A_1783 : memref<4x4x8x128xf32, #tpu.memory_space<vmem>>[vector<16xi32>, vector<16xi32>, vector<16xi32>, vector<16xi32>], vector<16xf32>,
      %mul3A_1784 = arith.mulf %gather3A_1771, %gather3A_1776 : vector<16xf32>
      tpu.vector_store_idx %arg11[%shift_right_arithmetic3A_12, %broadcast_in_dim3A_1779, %and3A_6, %broadcast_in_dim3A_1782], %mul3A_1784 : memref<4x4x8x128xf32, #tpu.memory_space<vmem>>[vector<16xi32>, vector<16xi32>, vector<16xi32>, vector<16xi32>], vector<16xf32>,
      %lt3A_1785 = arith.constant 31 : i32
      %lt3A_1786 = arith.cmpi slt, %scan3A_400, %lt3A_1785 : i32
      %convert_element_type3A_1787 = arith.extui %lt3A_1786 : i1 to i32
      %cond3A_1788 = arith.constant 0 : i32
      %cond3A_1789 = arith.cmpi ne, %convert_element_type3A_1787, %cond3A_1788 : i32
      scf.if %cond3A_1789 {
        %slice3A_1940 = vector.extract_strided_slice %get3A_415 {offsets = [5], sizes = [1], strides = [1]} : vector<16xi32> to vector<1xi32>
        %squeeze3A_1941 = vector.extract %slice3A_1940[0] : i32 from vector<1xi32>
        %slice3A_1942 = vector.extract_strided_slice %get3A_417 {offsets = [5], sizes = [1], strides = [1]} : vector<16xi32> to vector<1xi32>
        %squeeze3A_1943 = vector.extract %slice3A_1942[0] : i32 from vector<1xi32>
        %shift_right_arithmetic3A_1944 = arith.constant 7 : i32
        %shift_right_arithmetic3A_1945 = arith.shrsi %squeeze3A_1941, %shift_right_arithmetic3A_1944 : i32
        %mul3A_1946 = arith.constant 128 : i32
        %mul3A_1947 = arith.muli %shift_right_arithmetic3A_1945, %mul3A_1946 : i32
        %multiple_of3A_1948 = tpu.assume_multiple %mul3A_1947, 128 : i32
        %dma_start3A_1949 = arith.constant 5 : i32
        %dma_start3A_1950 = arith.constant 5 : i32
        %dma_start3A_1951 = arith.constant 0 : i32
        %dma_start3A_1952 = arith.constant 0 : i32
        %dma_start3A_1953 = tpu.memref_slice %arg9[%dma_start3A_1949, %dma_start3A_1951, %dma_start3A_1952] : memref<8x32x128xf32, #tpu.memory_space<vmem>> -> memref<1x32x128xf32, #tpu.memory_space<vmem>>
        %dma_start3A_1954 = tpu.memref_squeeze %dma_start3A_1953 : memref<1x32x128xf32, #tpu.memory_space<vmem>> -> memref<32x128xf32, #tpu.memory_space<vmem>>
        %dma_start3A_1955 = arith.constant 0 : i32
        %dma_start3A_1956 = tpu.memref_slice %arg4[%dma_start3A_1955, %multiple_of3A_1948] : memref<32x1000000xf32, #tpu.memory_space<hbm>> -> memref<32x128xf32, #tpu.memory_space<hbm>>
        %dma_start3A_1957 = tpu.memref_slice %arg12[%dma_start3A_1950] : memref<8x!tpu.dma_semaphore, #tpu.memory_space<semaphore_mem>> -> memref<1x!tpu.dma_semaphore, #tpu.memory_space<semaphore_mem>>
        %dma_start3A_1958 = tpu.memref_squeeze %dma_start3A_1957 : memref<1x!tpu.dma_semaphore, #tpu.memory_space<semaphore_mem>> -> memref<!tpu.dma_semaphore, #tpu.memory_space<semaphore_mem>>
        %dma_start3A_1959 = arith.constant 0 : i32
        %dma_start3A_1960 = arith.constant 0 : i32
        %dma_start3A_1961 = tpu.memref_slice %arg9[%dma_start3A_1949, %dma_start3A_1959, %dma_start3A_1960] : memref<8x32x128xf32, #tpu.memory_space<vmem>> -> memref<1x32x128xf32, #tpu.memory_space<vmem>>
        %dma_start3A_1962 = tpu.memref_squeeze %dma_start3A_1961 : memref<1x32x128xf32, #tpu.memory_space<vmem>> -> memref<32x128xf32, #tpu.memory_space<vmem>>
        %dma_start3A_1963 = arith.constant 0 : i32
        %dma_start3A_1964 = tpu.memref_slice %arg4[%dma_start3A_1963, %multiple_of3A_1948] : memref<32x1000000xf32, #tpu.memory_space<hbm>> -> memref<32x128xf32, #tpu.memory_space<hbm>>
        tpu.enqueue_dma source(%dma_start3A_1964 : memref<32x128xf32, #tpu.memory_space<hbm>>) target(%dma_start3A_1962 : memref<32x128xf32, #tpu.memory_space<vmem>>) target_semaphore(%dma_start3A_1958 : memref<!tpu.dma_semaphore, #tpu.memory_space<semaphore_mem>>)
        %shift_right_arithmetic3A_1965 = arith.constant 7 : i32
        %shift_right_arithmetic3A_1966 = arith.shrsi %squeeze3A_1943, %shift_right_arithmetic3A_1965 : i32
        %mul3A_1967 = arith.constant 128 : i32
        %mul3A_1968 = arith.muli %shift_right_arithmetic3A_1966, %mul3A_1967 : i32
        %multiple_of3A_1969 = tpu.assume_multiple %mul3A_1968, 128 : i32
        %dma_start3A_1970 = arith.constant 5 : i32
        %dma_start3A_1971 = arith.constant 5 : i32
        %dma_start3A_1972 = arith.constant 0 : i32
        %dma_start3A_1973 = arith.constant 0 : i32
        %dma_start3A_1974 = tpu.memref_slice %arg10[%dma_start3A_1970, %dma_start3A_1972, %dma_start3A_1973] : memref<8x32x128xf32, #tpu.memory_space<vmem>> -> memref<1x32x128xf32, #tpu.memory_space<vmem>>
        %dma_start3A_1975 = tpu.memref_squeeze %dma_start3A_1974 : memref<1x32x128xf32, #tpu.memory_space<vmem>> -> memref<32x128xf32, #tpu.memory_space<vmem>>
        %dma_start3A_1976 = arith.constant 0 : i32
        %dma_start3A_1977 = tpu.memref_slice %arg5[%dma_start3A_1976, %multiple_of3A_1969] : memref<32x1000000xf32, #tpu.memory_space<hbm>> -> memref<32x128xf32, #tpu.memory_space<hbm>>
        %dma_start3A_1978 = tpu.memref_slice %arg12[%dma_start3A_1971] : memref<8x!tpu.dma_semaphore, #tpu.memory_space<semaphore_mem>> -> memref<1x!tpu.dma_semaphore, #tpu.memory_space<semaphore_mem>>
        %dma_start3A_1979 = tpu.memref_squeeze %dma_start3A_1978 : memref<1x!tpu.dma_semaphore, #tpu.memory_space<semaphore_mem>> -> memref<!tpu.dma_semaphore, #tpu.memory_space<semaphore_mem>>
        %dma_start3A_1980 = arith.constant 0 : i32
        %dma_start3A_1981 = arith.constant 0 : i32
        %dma_start3A_1982 = tpu.memref_slice %arg10[%dma_start3A_1970, %dma_start3A_1980, %dma_start3A_1981] : memref<8x32x128xf32, #tpu.memory_space<vmem>> -> memref<1x32x128xf32, #tpu.memory_space<vmem>>
        %dma_start3A_1983 = tpu.memref_squeeze %dma_start3A_1982 : memref<1x32x128xf32, #tpu.memory_space<vmem>> -> memref<32x128xf32, #tpu.memory_space<vmem>>
        %dma_start3A_1984 = arith.constant 0 : i32
        %dma_start3A_1985 = tpu.memref_slice %arg5[%dma_start3A_1984, %multiple_of3A_1969] : memref<32x1000000xf32, #tpu.memory_space<hbm>> -> memref<32x128xf32, #tpu.memory_space<hbm>>
        tpu.enqueue_dma source(%dma_start3A_1985 : memref<32x128xf32, #tpu.memory_space<hbm>>) target(%dma_start3A_1983 : memref<32x128xf32, #tpu.memory_space<vmem>>) target_semaphore(%dma_start3A_1979 : memref<!tpu.dma_semaphore, #tpu.memory_space<semaphore_mem>>)
      } else {
      }
      %mul3A_1790 = arith.constant 16 : i32
      %mul3A_1791 = arith.muli %scan3A_400, %mul3A_1790 : i32
      %add3A_1792 = arith.constant 14 : i32
      %add3A_1793 = arith.addi %mul3A_1791, %add3A_1792 : i32
      %dma_wait3A_1794 = arith.constant 6 : i32
      %dma_wait3A_1795 = arith.constant 6 : i32
      %dma_wait3A_1796 = arith.constant 0 : i32
      %dma_wait3A_1797 = arith.constant 0 : i32
      %dma_wait3A_1798 = tpu.memref_slice %arg9[%dma_wait3A_1794, %dma_wait3A_1796, %dma_wait3A_1797] : memref<8x32x128xf32, #tpu.memory_space<vmem>> -> memref<1x32x128xf32, #tpu.memory_space<vmem>>
      %dma_wait3A_1799 = tpu.memref_squeeze %dma_wait3A_1798 : memref<1x32x128xf32, #tpu.memory_space<vmem>> -> memref<32x128xf32, #tpu.memory_space<vmem>>
      %dma_wait3A_1800 = arith.constant 0 : i32
      %dma_wait3A_1801 = arith.constant 0 : i32
      %dma_wait3A_1802 = tpu.memref_slice %arg4[%dma_wait3A_1800, %dma_wait3A_1801] : memref<32x1000000xf32, #tpu.memory_space<hbm>> -> memref<32x128xf32, #tpu.memory_space<hbm>>
      %dma_wait3A_1803 = tpu.memref_slice %arg12[%dma_wait3A_1795] : memref<8x!tpu.dma_semaphore, #tpu.memory_space<semaphore_mem>> -> memref<1x!tpu.dma_semaphore, #tpu.memory_space<semaphore_mem>>
      %dma_wait3A_1804 = tpu.memref_squeeze %dma_wait3A_1803 : memref<1x!tpu.dma_semaphore, #tpu.memory_space<semaphore_mem>> -> memref<!tpu.dma_semaphore, #tpu.memory_space<semaphore_mem>>
      %dma_wait3A_1805 = arith.constant 0 : i32
      %dma_wait3A_1806 = arith.constant 0 : i32
      %dma_wait3A_1807 = tpu.memref_slice %arg9[%dma_wait3A_1794, %dma_wait3A_1805, %dma_wait3A_1806] : memref<8x32x128xf32, #tpu.memory_space<vmem>> -> memref<1x32x128xf32, #tpu.memory_space<vmem>>
      %dma_wait3A_1808 = tpu.memref_squeeze %dma_wait3A_1807 : memref<1x32x128xf32, #tpu.memory_space<vmem>> -> memref<32x128xf32, #tpu.memory_space<vmem>>
      %dma_wait3A_1809 = arith.constant 0 : i32
      %dma_wait3A_1810 = arith.constant 0 : i32
      %dma_wait3A_1811 = tpu.memref_slice %arg4[%dma_wait3A_1809, %dma_wait3A_1810] : memref<32x1000000xf32, #tpu.memory_space<hbm>> -> memref<32x128xf32, #tpu.memory_space<hbm>>
      tpu.wait_dma2 semaphore(%dma_wait3A_1804 : memref<!tpu.dma_semaphore, #tpu.memory_space<semaphore_mem>>) src(%dma_wait3A_1811 : memref<32x128xf32, #tpu.memory_space<hbm>>) dst(%dma_wait3A_1808 : memref<32x128xf32, #tpu.memory_space<vmem>>)
      %dma_wait3A_1812 = arith.constant 6 : i32
      %dma_wait3A_1813 = arith.constant 6 : i32
      %dma_wait3A_1814 = arith.constant 0 : i32
      %dma_wait3A_1815 = arith.constant 0 : i32
      %dma_wait3A_1816 = tpu.memref_slice %arg10[%dma_wait3A_1812, %dma_wait3A_1814, %dma_wait3A_1815] : memref<8x32x128xf32, #tpu.memory_space<vmem>> -> memref<1x32x128xf32, #tpu.memory_space<vmem>>
      %dma_wait3A_1817 = tpu.memref_squeeze %dma_wait3A_1816 : memref<1x32x128xf32, #tpu.memory_space<vmem>> -> memref<32x128xf32, #tpu.memory_space<vmem>>
      %dma_wait3A_1818 = arith.constant 0 : i32
      %dma_wait3A_1819 = arith.constant 0 : i32
      %dma_wait3A_1820 = tpu.memref_slice %arg5[%dma_wait3A_1818, %dma_wait3A_1819] : memref<32x1000000xf32, #tpu.memory_space<hbm>> -> memref<32x128xf32, #tpu.memory_space<hbm>>
      %dma_wait3A_1821 = tpu.memref_slice %arg12[%dma_wait3A_1813] : memref<8x!tpu.dma_semaphore, #tpu.memory_space<semaphore_mem>> -> memref<1x!tpu.dma_semaphore, #tpu.memory_space<semaphore_mem>>
      %dma_wait3A_1822 = tpu.memref_squeeze %dma_wait3A_1821 : memref<1x!tpu.dma_semaphore, #tpu.memory_space<semaphore_mem>> -> memref<!tpu.dma_semaphore, #tpu.memory_space<semaphore_mem>>
      %dma_wait3A_1823 = arith.constant 0 : i32
      %dma_wait3A_1824 = arith.constant 0 : i32
      %dma_wait3A_1825 = tpu.memref_slice %arg10[%dma_wait3A_1812, %dma_wait3A_1823, %dma_wait3A_1824] : memref<8x32x128xf32, #tpu.memory_space<vmem>> -> memref<1x32x128xf32, #tpu.memory_space<vmem>>
      %dma_wait3A_1826 = tpu.memref_squeeze %dma_wait3A_1825 : memref<1x32x128xf32, #tpu.memory_space<vmem>> -> memref<32x128xf32, #tpu.memory_space<vmem>>
      %dma_wait3A_1827 = arith.constant 0 : i32
      %dma_wait3A_1828 = arith.constant 0 : i32
      %dma_wait3A_1829 = tpu.memref_slice %arg5[%dma_wait3A_1827, %dma_wait3A_1828] : memref<32x1000000xf32, #tpu.memory_space<hbm>> -> memref<32x128xf32, #tpu.memory_space<hbm>>
      tpu.wait_dma2 semaphore(%dma_wait3A_1822 : memref<!tpu.dma_semaphore, #tpu.memory_space<semaphore_mem>>) src(%dma_wait3A_1829 : memref<32x128xf32, #tpu.memory_space<hbm>>) dst(%dma_wait3A_1826 : memref<32x128xf32, #tpu.memory_space<vmem>>)
      %slice3A_1830 = vector.extract_strided_slice %get3A_404 {offsets = [14], sizes = [1], strides = [1]} : vector<16xi32> to vector<1xi32>
      %squeeze3A_1831 = vector.extract %slice3A_1830[0] : i32 from vector<1xi32>
      %slice3A_1832 = vector.extract_strided_slice %get3A_408 {offsets = [14], sizes = [1], strides = [1]} : vector<16xi32> to vector<1xi32>
      %squeeze3A_1833 = vector.extract %slice3A_1832[0] : i32 from vector<1xi32>
      %and3A_1834 = arith.constant 127 : i32
      %and3A_1835 = arith.andi %squeeze3A_1831, %and3A_1834 : i32
      %broadcast_in_dim3A_1836 = vector.broadcast %and3A_1835 : i32 to vector<16xi32>
      %and3A_1837 = arith.constant 127 : i32
      %and3A_1838 = arith.andi %squeeze3A_1833, %and3A_1837 : i32
      %broadcast_in_dim3A_1839 = vector.broadcast %and3A_1838 : i32 to vector<16xi32>
      %broadcast_in_dim3A_1840 = arith.constant 6 : i32
      %broadcast_in_dim3A_1841 = vector.broadcast %broadcast_in_dim3A_1840 : i32 to vector<16xi32>
      %gather3A_1842 = tpu.vector_load_idx %arg9[%broadcast_in_dim3A_1841, %iota3A, %broadcast_in_dim3A_1836] : memref<8x32x128xf32, #tpu.memory_space<vmem>>[vector<16xi32>, vector<16xi32>, vector<16xi32>], vector<16xf32>,
      %add3A_1843 = arith.constant 16 : i32
      %add3A_1844 = vector.broadcast %add3A_1843 : i32 to vector<16xi32>
      %add3A_1845 = arith.addi %iota3A, %add3A_1844 : vector<16xi32>
      %gather3A_1846 = tpu.vector_load_idx %arg9[%broadcast_in_dim3A_1841, %add3A_1845, %broadcast_in_dim3A_1836] : memref<8x32x128xf32, #tpu.memory_space<vmem>>[vector<16xi32>, vector<16xi32>, vector<16xi32>], vector<16xf32>,
      %gather3A_1847 = tpu.vector_load_idx %arg10[%broadcast_in_dim3A_1841, %iota3A, %broadcast_in_dim3A_1839] : memref<8x32x128xf32, #tpu.memory_space<vmem>>[vector<16xi32>, vector<16xi32>, vector<16xi32>], vector<16xf32>,
      %add3A_1848 = arith.constant 16 : i32
      %add3A_1849 = vector.broadcast %add3A_1848 : i32 to vector<16xi32>
      %add3A_1850 = arith.addi %iota3A, %add3A_1849 : vector<16xi32>
      %gather3A_1851 = tpu.vector_load_idx %arg10[%broadcast_in_dim3A_1841, %add3A_1850, %broadcast_in_dim3A_1839] : memref<8x32x128xf32, #tpu.memory_space<vmem>>[vector<16xi32>, vector<16xi32>, vector<16xi32>], vector<16xf32>,
      %shift_right_arithmetic3A_1852 = arith.constant 7 : i32
      %shift_right_arithmetic3A_1853 = arith.shrsi %add3A_1793, %shift_right_arithmetic3A_1852 : i32
      %broadcast_in_dim3A_1854 = vector.broadcast %shift_right_arithmetic3A_1853 : i32 to vector<16xi32>
      %and3A_1855 = arith.constant 127 : i32
      %and3A_1856 = arith.andi %add3A_1793, %and3A_1855 : i32
      %broadcast_in_dim3A_1857 = vector.broadcast %and3A_1856 : i32 to vector<16xi32>
      %mul3A_1858 = arith.mulf %gather3A_1842, %gather3A_1847 : vector<16xf32>
      tpu.vector_store_idx %arg11[%shift_right_arithmetic3A_4, %broadcast_in_dim3A_1854, %and3A_6, %broadcast_in_dim3A_1857], %mul3A_1858 : memref<4x4x8x128xf32, #tpu.memory_space<vmem>>[vector<16xi32>, vector<16xi32>, vector<16xi32>, vector<16xi32>], vector<16xf32>,
      %mul3A_1859 = arith.mulf %gather3A_1846, %gather3A_1851 : vector<16xf32>
      tpu.vector_store_idx %arg11[%shift_right_arithmetic3A_12, %broadcast_in_dim3A_1854, %and3A_6, %broadcast_in_dim3A_1857], %mul3A_1859 : memref<4x4x8x128xf32, #tpu.memory_space<vmem>>[vector<16xi32>, vector<16xi32>, vector<16xi32>, vector<16xi32>], vector<16xf32>,
      %lt3A_1860 = arith.constant 31 : i32
      %lt3A_1861 = arith.cmpi slt, %scan3A_400, %lt3A_1860 : i32
      %convert_element_type3A_1862 = arith.extui %lt3A_1861 : i1 to i32
      %cond3A_1863 = arith.constant 0 : i32
      %cond3A_1864 = arith.cmpi ne, %convert_element_type3A_1862, %cond3A_1863 : i32
      scf.if %cond3A_1864 {
        %slice3A_1940 = vector.extract_strided_slice %get3A_415 {offsets = [6], sizes = [1], strides = [1]} : vector<16xi32> to vector<1xi32>
        %squeeze3A_1941 = vector.extract %slice3A_1940[0] : i32 from vector<1xi32>
        %slice3A_1942 = vector.extract_strided_slice %get3A_417 {offsets = [6], sizes = [1], strides = [1]} : vector<16xi32> to vector<1xi32>
        %squeeze3A_1943 = vector.extract %slice3A_1942[0] : i32 from vector<1xi32>
        %shift_right_arithmetic3A_1944 = arith.constant 7 : i32
        %shift_right_arithmetic3A_1945 = arith.shrsi %squeeze3A_1941, %shift_right_arithmetic3A_1944 : i32
        %mul3A_1946 = arith.constant 128 : i32
        %mul3A_1947 = arith.muli %shift_right_arithmetic3A_1945, %mul3A_1946 : i32
        %multiple_of3A_1948 = tpu.assume_multiple %mul3A_1947, 128 : i32
        %dma_start3A_1949 = arith.constant 6 : i32
        %dma_start3A_1950 = arith.constant 6 : i32
        %dma_start3A_1951 = arith.constant 0 : i32
        %dma_start3A_1952 = arith.constant 0 : i32
        %dma_start3A_1953 = tpu.memref_slice %arg9[%dma_start3A_1949, %dma_start3A_1951, %dma_start3A_1952] : memref<8x32x128xf32, #tpu.memory_space<vmem>> -> memref<1x32x128xf32, #tpu.memory_space<vmem>>
        %dma_start3A_1954 = tpu.memref_squeeze %dma_start3A_1953 : memref<1x32x128xf32, #tpu.memory_space<vmem>> -> memref<32x128xf32, #tpu.memory_space<vmem>>
        %dma_start3A_1955 = arith.constant 0 : i32
        %dma_start3A_1956 = tpu.memref_slice %arg4[%dma_start3A_1955, %multiple_of3A_1948] : memref<32x1000000xf32, #tpu.memory_space<hbm>> -> memref<32x128xf32, #tpu.memory_space<hbm>>
        %dma_start3A_1957 = tpu.memref_slice %arg12[%dma_start3A_1950] : memref<8x!tpu.dma_semaphore, #tpu.memory_space<semaphore_mem>> -> memref<1x!tpu.dma_semaphore, #tpu.memory_space<semaphore_mem>>
        %dma_start3A_1958 = tpu.memref_squeeze %dma_start3A_1957 : memref<1x!tpu.dma_semaphore, #tpu.memory_space<semaphore_mem>> -> memref<!tpu.dma_semaphore, #tpu.memory_space<semaphore_mem>>
        %dma_start3A_1959 = arith.constant 0 : i32
        %dma_start3A_1960 = arith.constant 0 : i32
        %dma_start3A_1961 = tpu.memref_slice %arg9[%dma_start3A_1949, %dma_start3A_1959, %dma_start3A_1960] : memref<8x32x128xf32, #tpu.memory_space<vmem>> -> memref<1x32x128xf32, #tpu.memory_space<vmem>>
        %dma_start3A_1962 = tpu.memref_squeeze %dma_start3A_1961 : memref<1x32x128xf32, #tpu.memory_space<vmem>> -> memref<32x128xf32, #tpu.memory_space<vmem>>
        %dma_start3A_1963 = arith.constant 0 : i32
        %dma_start3A_1964 = tpu.memref_slice %arg4[%dma_start3A_1963, %multiple_of3A_1948] : memref<32x1000000xf32, #tpu.memory_space<hbm>> -> memref<32x128xf32, #tpu.memory_space<hbm>>
        tpu.enqueue_dma source(%dma_start3A_1964 : memref<32x128xf32, #tpu.memory_space<hbm>>) target(%dma_start3A_1962 : memref<32x128xf32, #tpu.memory_space<vmem>>) target_semaphore(%dma_start3A_1958 : memref<!tpu.dma_semaphore, #tpu.memory_space<semaphore_mem>>)
        %shift_right_arithmetic3A_1965 = arith.constant 7 : i32
        %shift_right_arithmetic3A_1966 = arith.shrsi %squeeze3A_1943, %shift_right_arithmetic3A_1965 : i32
        %mul3A_1967 = arith.constant 128 : i32
        %mul3A_1968 = arith.muli %shift_right_arithmetic3A_1966, %mul3A_1967 : i32
        %multiple_of3A_1969 = tpu.assume_multiple %mul3A_1968, 128 : i32
        %dma_start3A_1970 = arith.constant 6 : i32
        %dma_start3A_1971 = arith.constant 6 : i32
        %dma_start3A_1972 = arith.constant 0 : i32
        %dma_start3A_1973 = arith.constant 0 : i32
        %dma_start3A_1974 = tpu.memref_slice %arg10[%dma_start3A_1970, %dma_start3A_1972, %dma_start3A_1973] : memref<8x32x128xf32, #tpu.memory_space<vmem>> -> memref<1x32x128xf32, #tpu.memory_space<vmem>>
        %dma_start3A_1975 = tpu.memref_squeeze %dma_start3A_1974 : memref<1x32x128xf32, #tpu.memory_space<vmem>> -> memref<32x128xf32, #tpu.memory_space<vmem>>
        %dma_start3A_1976 = arith.constant 0 : i32
        %dma_start3A_1977 = tpu.memref_slice %arg5[%dma_start3A_1976, %multiple_of3A_1969] : memref<32x1000000xf32, #tpu.memory_space<hbm>> -> memref<32x128xf32, #tpu.memory_space<hbm>>
        %dma_start3A_1978 = tpu.memref_slice %arg12[%dma_start3A_1971] : memref<8x!tpu.dma_semaphore, #tpu.memory_space<semaphore_mem>> -> memref<1x!tpu.dma_semaphore, #tpu.memory_space<semaphore_mem>>
        %dma_start3A_1979 = tpu.memref_squeeze %dma_start3A_1978 : memref<1x!tpu.dma_semaphore, #tpu.memory_space<semaphore_mem>> -> memref<!tpu.dma_semaphore, #tpu.memory_space<semaphore_mem>>
        %dma_start3A_1980 = arith.constant 0 : i32
        %dma_start3A_1981 = arith.constant 0 : i32
        %dma_start3A_1982 = tpu.memref_slice %arg10[%dma_start3A_1970, %dma_start3A_1980, %dma_start3A_1981] : memref<8x32x128xf32, #tpu.memory_space<vmem>> -> memref<1x32x128xf32, #tpu.memory_space<vmem>>
        %dma_start3A_1983 = tpu.memref_squeeze %dma_start3A_1982 : memref<1x32x128xf32, #tpu.memory_space<vmem>> -> memref<32x128xf32, #tpu.memory_space<vmem>>
        %dma_start3A_1984 = arith.constant 0 : i32
        %dma_start3A_1985 = tpu.memref_slice %arg5[%dma_start3A_1984, %multiple_of3A_1969] : memref<32x1000000xf32, #tpu.memory_space<hbm>> -> memref<32x128xf32, #tpu.memory_space<hbm>>
        tpu.enqueue_dma source(%dma_start3A_1985 : memref<32x128xf32, #tpu.memory_space<hbm>>) target(%dma_start3A_1983 : memref<32x128xf32, #tpu.memory_space<vmem>>) target_semaphore(%dma_start3A_1979 : memref<!tpu.dma_semaphore, #tpu.memory_space<semaphore_mem>>)
      } else {
      }
      %mul3A_1865 = arith.constant 16 : i32
      %mul3A_1866 = arith.muli %scan3A_400, %mul3A_1865 : i32
      %add3A_1867 = arith.constant 15 : i32
      %add3A_1868 = arith.addi %mul3A_1866, %add3A_1867 : i32
      %dma_wait3A_1869 = arith.constant 7 : i32
      %dma_wait3A_1870 = arith.constant 7 : i32
      %dma_wait3A_1871 = arith.constant 0 : i32
      %dma_wait3A_1872 = arith.constant 0 : i32
      %dma_wait3A_1873 = tpu.memref_slice %arg9[%dma_wait3A_1869, %dma_wait3A_1871, %dma_wait3A_1872] : memref<8x32x128xf32, #tpu.memory_space<vmem>> -> memref<1x32x128xf32, #tpu.memory_space<vmem>>
      %dma_wait3A_1874 = tpu.memref_squeeze %dma_wait3A_1873 : memref<1x32x128xf32, #tpu.memory_space<vmem>> -> memref<32x128xf32, #tpu.memory_space<vmem>>
      %dma_wait3A_1875 = arith.constant 0 : i32
      %dma_wait3A_1876 = arith.constant 0 : i32
      %dma_wait3A_1877 = tpu.memref_slice %arg4[%dma_wait3A_1875, %dma_wait3A_1876] : memref<32x1000000xf32, #tpu.memory_space<hbm>> -> memref<32x128xf32, #tpu.memory_space<hbm>>
      %dma_wait3A_1878 = tpu.memref_slice %arg12[%dma_wait3A_1870] : memref<8x!tpu.dma_semaphore, #tpu.memory_space<semaphore_mem>> -> memref<1x!tpu.dma_semaphore, #tpu.memory_space<semaphore_mem>>
      %dma_wait3A_1879 = tpu.memref_squeeze %dma_wait3A_1878 : memref<1x!tpu.dma_semaphore, #tpu.memory_space<semaphore_mem>> -> memref<!tpu.dma_semaphore, #tpu.memory_space<semaphore_mem>>
      %dma_wait3A_1880 = arith.constant 0 : i32
      %dma_wait3A_1881 = arith.constant 0 : i32
      %dma_wait3A_1882 = tpu.memref_slice %arg9[%dma_wait3A_1869, %dma_wait3A_1880, %dma_wait3A_1881] : memref<8x32x128xf32, #tpu.memory_space<vmem>> -> memref<1x32x128xf32, #tpu.memory_space<vmem>>
      %dma_wait3A_1883 = tpu.memref_squeeze %dma_wait3A_1882 : memref<1x32x128xf32, #tpu.memory_space<vmem>> -> memref<32x128xf32, #tpu.memory_space<vmem>>
      %dma_wait3A_1884 = arith.constant 0 : i32
      %dma_wait3A_1885 = arith.constant 0 : i32
      %dma_wait3A_1886 = tpu.memref_slice %arg4[%dma_wait3A_1884, %dma_wait3A_1885] : memref<32x1000000xf32, #tpu.memory_space<hbm>> -> memref<32x128xf32, #tpu.memory_space<hbm>>
      tpu.wait_dma2 semaphore(%dma_wait3A_1879 : memref<!tpu.dma_semaphore, #tpu.memory_space<semaphore_mem>>) src(%dma_wait3A_1886 : memref<32x128xf32, #tpu.memory_space<hbm>>) dst(%dma_wait3A_1883 : memref<32x128xf32, #tpu.memory_space<vmem>>)
      %dma_wait3A_1887 = arith.constant 7 : i32
      %dma_wait3A_1888 = arith.constant 7 : i32
      %dma_wait3A_1889 = arith.constant 0 : i32
      %dma_wait3A_1890 = arith.constant 0 : i32
      %dma_wait3A_1891 = tpu.memref_slice %arg10[%dma_wait3A_1887, %dma_wait3A_1889, %dma_wait3A_1890] : memref<8x32x128xf32, #tpu.memory_space<vmem>> -> memref<1x32x128xf32, #tpu.memory_space<vmem>>
      %dma_wait3A_1892 = tpu.memref_squeeze %dma_wait3A_1891 : memref<1x32x128xf32, #tpu.memory_space<vmem>> -> memref<32x128xf32, #tpu.memory_space<vmem>>
      %dma_wait3A_1893 = arith.constant 0 : i32
      %dma_wait3A_1894 = arith.constant 0 : i32
      %dma_wait3A_1895 = tpu.memref_slice %arg5[%dma_wait3A_1893, %dma_wait3A_1894] : memref<32x1000000xf32, #tpu.memory_space<hbm>> -> memref<32x128xf32, #tpu.memory_space<hbm>>
      %dma_wait3A_1896 = tpu.memref_slice %arg12[%dma_wait3A_1888] : memref<8x!tpu.dma_semaphore, #tpu.memory_space<semaphore_mem>> -> memref<1x!tpu.dma_semaphore, #tpu.memory_space<semaphore_mem>>
      %dma_wait3A_1897 = tpu.memref_squeeze %dma_wait3A_1896 : memref<1x!tpu.dma_semaphore, #tpu.memory_space<semaphore_mem>> -> memref<!tpu.dma_semaphore, #tpu.memory_space<semaphore_mem>>
      %dma_wait3A_1898 = arith.constant 0 : i32
      %dma_wait3A_1899 = arith.constant 0 : i32
      %dma_wait3A_1900 = tpu.memref_slice %arg10[%dma_wait3A_1887, %dma_wait3A_1898, %dma_wait3A_1899] : memref<8x32x128xf32, #tpu.memory_space<vmem>> -> memref<1x32x128xf32, #tpu.memory_space<vmem>>
      %dma_wait3A_1901 = tpu.memref_squeeze %dma_wait3A_1900 : memref<1x32x128xf32, #tpu.memory_space<vmem>> -> memref<32x128xf32, #tpu.memory_space<vmem>>
      %dma_wait3A_1902 = arith.constant 0 : i32
      %dma_wait3A_1903 = arith.constant 0 : i32
      %dma_wait3A_1904 = tpu.memref_slice %arg5[%dma_wait3A_1902, %dma_wait3A_1903] : memref<32x1000000xf32, #tpu.memory_space<hbm>> -> memref<32x128xf32, #tpu.memory_space<hbm>>
      tpu.wait_dma2 semaphore(%dma_wait3A_1897 : memref<!tpu.dma_semaphore, #tpu.memory_space<semaphore_mem>>) src(%dma_wait3A_1904 : memref<32x128xf32, #tpu.memory_space<hbm>>) dst(%dma_wait3A_1901 : memref<32x128xf32, #tpu.memory_space<vmem>>)
      %slice3A_1905 = vector.extract_strided_slice %get3A_404 {offsets = [15], sizes = [1], strides = [1]} : vector<16xi32> to vector<1xi32>
      %squeeze3A_1906 = vector.extract %slice3A_1905[0] : i32 from vector<1xi32>
      %slice3A_1907 = vector.extract_strided_slice %get3A_408 {offsets = [15], sizes = [1], strides = [1]} : vector<16xi32> to vector<1xi32>
      %squeeze3A_1908 = vector.extract %slice3A_1907[0] : i32 from vector<1xi32>
      %and3A_1909 = arith.constant 127 : i32
      %and3A_1910 = arith.andi %squeeze3A_1906, %and3A_1909 : i32
      %broadcast_in_dim3A_1911 = vector.broadcast %and3A_1910 : i32 to vector<16xi32>
      %and3A_1912 = arith.constant 127 : i32
      %and3A_1913 = arith.andi %squeeze3A_1908, %and3A_1912 : i32
      %broadcast_in_dim3A_1914 = vector.broadcast %and3A_1913 : i32 to vector<16xi32>
      %broadcast_in_dim3A_1915 = arith.constant 7 : i32
      %broadcast_in_dim3A_1916 = vector.broadcast %broadcast_in_dim3A_1915 : i32 to vector<16xi32>
      %gather3A_1917 = tpu.vector_load_idx %arg9[%broadcast_in_dim3A_1916, %iota3A, %broadcast_in_dim3A_1911] : memref<8x32x128xf32, #tpu.memory_space<vmem>>[vector<16xi32>, vector<16xi32>, vector<16xi32>], vector<16xf32>,
      %add3A_1918 = arith.constant 16 : i32
      %add3A_1919 = vector.broadcast %add3A_1918 : i32 to vector<16xi32>
      %add3A_1920 = arith.addi %iota3A, %add3A_1919 : vector<16xi32>
      %gather3A_1921 = tpu.vector_load_idx %arg9[%broadcast_in_dim3A_1916, %add3A_1920, %broadcast_in_dim3A_1911] : memref<8x32x128xf32, #tpu.memory_space<vmem>>[vector<16xi32>, vector<16xi32>, vector<16xi32>], vector<16xf32>,
      %gather3A_1922 = tpu.vector_load_idx %arg10[%broadcast_in_dim3A_1916, %iota3A, %broadcast_in_dim3A_1914] : memref<8x32x128xf32, #tpu.memory_space<vmem>>[vector<16xi32>, vector<16xi32>, vector<16xi32>], vector<16xf32>,
      %add3A_1923 = arith.constant 16 : i32
      %add3A_1924 = vector.broadcast %add3A_1923 : i32 to vector<16xi32>
      %add3A_1925 = arith.addi %iota3A, %add3A_1924 : vector<16xi32>
      %gather3A_1926 = tpu.vector_load_idx %arg10[%broadcast_in_dim3A_1916, %add3A_1925, %broadcast_in_dim3A_1914] : memref<8x32x128xf32, #tpu.memory_space<vmem>>[vector<16xi32>, vector<16xi32>, vector<16xi32>], vector<16xf32>,
      %shift_right_arithmetic3A_1927 = arith.constant 7 : i32
      %shift_right_arithmetic3A_1928 = arith.shrsi %add3A_1868, %shift_right_arithmetic3A_1927 : i32
      %broadcast_in_dim3A_1929 = vector.broadcast %shift_right_arithmetic3A_1928 : i32 to vector<16xi32>
      %and3A_1930 = arith.constant 127 : i32
      %and3A_1931 = arith.andi %add3A_1868, %and3A_1930 : i32
      %broadcast_in_dim3A_1932 = vector.broadcast %and3A_1931 : i32 to vector<16xi32>
      %mul3A_1933 = arith.mulf %gather3A_1917, %gather3A_1922 : vector<16xf32>
      tpu.vector_store_idx %arg11[%shift_right_arithmetic3A_4, %broadcast_in_dim3A_1929, %and3A_6, %broadcast_in_dim3A_1932], %mul3A_1933 : memref<4x4x8x128xf32, #tpu.memory_space<vmem>>[vector<16xi32>, vector<16xi32>, vector<16xi32>, vector<16xi32>], vector<16xf32>,
      %mul3A_1934 = arith.mulf %gather3A_1921, %gather3A_1926 : vector<16xf32>
      tpu.vector_store_idx %arg11[%shift_right_arithmetic3A_12, %broadcast_in_dim3A_1929, %and3A_6, %broadcast_in_dim3A_1932], %mul3A_1934 : memref<4x4x8x128xf32, #tpu.memory_space<vmem>>[vector<16xi32>, vector<16xi32>, vector<16xi32>, vector<16xi32>], vector<16xf32>,
      %lt3A_1935 = arith.constant 31 : i32
      %lt3A_1936 = arith.cmpi slt, %scan3A_400, %lt3A_1935 : i32
      %convert_element_type3A_1937 = arith.extui %lt3A_1936 : i1 to i32
      %cond3A_1938 = arith.constant 0 : i32
      %cond3A_1939 = arith.cmpi ne, %convert_element_type3A_1937, %cond3A_1938 : i32
      scf.if %cond3A_1939 {
        %slice3A_1940 = vector.extract_strided_slice %get3A_415 {offsets = [7], sizes = [1], strides = [1]} : vector<16xi32> to vector<1xi32>
        %squeeze3A_1941 = vector.extract %slice3A_1940[0] : i32 from vector<1xi32>
        %slice3A_1942 = vector.extract_strided_slice %get3A_417 {offsets = [7], sizes = [1], strides = [1]} : vector<16xi32> to vector<1xi32>
        %squeeze3A_1943 = vector.extract %slice3A_1942[0] : i32 from vector<1xi32>
        %shift_right_arithmetic3A_1944 = arith.constant 7 : i32
        %shift_right_arithmetic3A_1945 = arith.shrsi %squeeze3A_1941, %shift_right_arithmetic3A_1944 : i32
        %mul3A_1946 = arith.constant 128 : i32
        %mul3A_1947 = arith.muli %shift_right_arithmetic3A_1945, %mul3A_1946 : i32
        %multiple_of3A_1948 = tpu.assume_multiple %mul3A_1947, 128 : i32
        %dma_start3A_1949 = arith.constant 7 : i32
        %dma_start3A_1950 = arith.constant 7 : i32
        %dma_start3A_1951 = arith.constant 0 : i32
        %dma_start3A_1952 = arith.constant 0 : i32
        %dma_start3A_1953 = tpu.memref_slice %arg9[%dma_start3A_1949, %dma_start3A_1951, %dma_start3A_1952] : memref<8x32x128xf32, #tpu.memory_space<vmem>> -> memref<1x32x128xf32, #tpu.memory_space<vmem>>
        %dma_start3A_1954 = tpu.memref_squeeze %dma_start3A_1953 : memref<1x32x128xf32, #tpu.memory_space<vmem>> -> memref<32x128xf32, #tpu.memory_space<vmem>>
        %dma_start3A_1955 = arith.constant 0 : i32
        %dma_start3A_1956 = tpu.memref_slice %arg4[%dma_start3A_1955, %multiple_of3A_1948] : memref<32x1000000xf32, #tpu.memory_space<hbm>> -> memref<32x128xf32, #tpu.memory_space<hbm>>
        %dma_start3A_1957 = tpu.memref_slice %arg12[%dma_start3A_1950] : memref<8x!tpu.dma_semaphore, #tpu.memory_space<semaphore_mem>> -> memref<1x!tpu.dma_semaphore, #tpu.memory_space<semaphore_mem>>
        %dma_start3A_1958 = tpu.memref_squeeze %dma_start3A_1957 : memref<1x!tpu.dma_semaphore, #tpu.memory_space<semaphore_mem>> -> memref<!tpu.dma_semaphore, #tpu.memory_space<semaphore_mem>>
        %dma_start3A_1959 = arith.constant 0 : i32
        %dma_start3A_1960 = arith.constant 0 : i32
        %dma_start3A_1961 = tpu.memref_slice %arg9[%dma_start3A_1949, %dma_start3A_1959, %dma_start3A_1960] : memref<8x32x128xf32, #tpu.memory_space<vmem>> -> memref<1x32x128xf32, #tpu.memory_space<vmem>>
        %dma_start3A_1962 = tpu.memref_squeeze %dma_start3A_1961 : memref<1x32x128xf32, #tpu.memory_space<vmem>> -> memref<32x128xf32, #tpu.memory_space<vmem>>
        %dma_start3A_1963 = arith.constant 0 : i32
        %dma_start3A_1964 = tpu.memref_slice %arg4[%dma_start3A_1963, %multiple_of3A_1948] : memref<32x1000000xf32, #tpu.memory_space<hbm>> -> memref<32x128xf32, #tpu.memory_space<hbm>>
        tpu.enqueue_dma source(%dma_start3A_1964 : memref<32x128xf32, #tpu.memory_space<hbm>>) target(%dma_start3A_1962 : memref<32x128xf32, #tpu.memory_space<vmem>>) target_semaphore(%dma_start3A_1958 : memref<!tpu.dma_semaphore, #tpu.memory_space<semaphore_mem>>)
        %shift_right_arithmetic3A_1965 = arith.constant 7 : i32
        %shift_right_arithmetic3A_1966 = arith.shrsi %squeeze3A_1943, %shift_right_arithmetic3A_1965 : i32
        %mul3A_1967 = arith.constant 128 : i32
        %mul3A_1968 = arith.muli %shift_right_arithmetic3A_1966, %mul3A_1967 : i32
        %multiple_of3A_1969 = tpu.assume_multiple %mul3A_1968, 128 : i32
        %dma_start3A_1970 = arith.constant 7 : i32
        %dma_start3A_1971 = arith.constant 7 : i32
        %dma_start3A_1972 = arith.constant 0 : i32
        %dma_start3A_1973 = arith.constant 0 : i32
        %dma_start3A_1974 = tpu.memref_slice %arg10[%dma_start3A_1970, %dma_start3A_1972, %dma_start3A_1973] : memref<8x32x128xf32, #tpu.memory_space<vmem>> -> memref<1x32x128xf32, #tpu.memory_space<vmem>>
        %dma_start3A_1975 = tpu.memref_squeeze %dma_start3A_1974 : memref<1x32x128xf32, #tpu.memory_space<vmem>> -> memref<32x128xf32, #tpu.memory_space<vmem>>
        %dma_start3A_1976 = arith.constant 0 : i32
        %dma_start3A_1977 = tpu.memref_slice %arg5[%dma_start3A_1976, %multiple_of3A_1969] : memref<32x1000000xf32, #tpu.memory_space<hbm>> -> memref<32x128xf32, #tpu.memory_space<hbm>>
        %dma_start3A_1978 = tpu.memref_slice %arg12[%dma_start3A_1971] : memref<8x!tpu.dma_semaphore, #tpu.memory_space<semaphore_mem>> -> memref<1x!tpu.dma_semaphore, #tpu.memory_space<semaphore_mem>>
        %dma_start3A_1979 = tpu.memref_squeeze %dma_start3A_1978 : memref<1x!tpu.dma_semaphore, #tpu.memory_space<semaphore_mem>> -> memref<!tpu.dma_semaphore, #tpu.memory_space<semaphore_mem>>
        %dma_start3A_1980 = arith.constant 0 : i32
        %dma_start3A_1981 = arith.constant 0 : i32
        %dma_start3A_1982 = tpu.memref_slice %arg10[%dma_start3A_1970, %dma_start3A_1980, %dma_start3A_1981] : memref<8x32x128xf32, #tpu.memory_space<vmem>> -> memref<1x32x128xf32, #tpu.memory_space<vmem>>
        %dma_start3A_1983 = tpu.memref_squeeze %dma_start3A_1982 : memref<1x32x128xf32, #tpu.memory_space<vmem>> -> memref<32x128xf32, #tpu.memory_space<vmem>>
        %dma_start3A_1984 = arith.constant 0 : i32
        %dma_start3A_1985 = tpu.memref_slice %arg5[%dma_start3A_1984, %multiple_of3A_1969] : memref<32x1000000xf32, #tpu.memory_space<hbm>> -> memref<32x128xf32, #tpu.memory_space<hbm>>
        tpu.enqueue_dma source(%dma_start3A_1985 : memref<32x128xf32, #tpu.memory_space<hbm>>) target(%dma_start3A_1983 : memref<32x128xf32, #tpu.memory_space<vmem>>) target_semaphore(%dma_start3A_1979 : memref<!tpu.dma_semaphore, #tpu.memory_space<semaphore_mem>>)
      } else {
      }
    }
    %scan3A_384 = arith.constant 32 : i32
    %mul3A_385 = arith.constant 4 : i32
    %mul3A_386 = arith.muli %add3A, %mul3A_385 : i32
    %run_scoped3A = arith.constant 0 : i32
    %run_scoped3A_387 = arith.constant 0 : i32
    "tpu.region"() ({
      %run_scoped3A_400 = tpu.sem_alloc : memref<!tpu.dma_semaphore, #tpu.memory_space<semaphore_mem>>
      %dma_start3A_401 = arith.constant 0 : i32
      %dma_start3A_402 = arith.constant 0 : i32
      %dma_start3A_403 = arith.constant 0 : i32
      %dma_start3A_404 = tpu.memref_slice %arg11[%run_scoped3A, %dma_start3A_401, %dma_start3A_402, %dma_start3A_403] : memref<4x4x8x128xf32, #tpu.memory_space<vmem>> -> memref<1x4x8x128xf32, #tpu.memory_space<vmem>>
      %dma_start3A_405 = tpu.memref_squeeze %dma_start3A_404 : memref<1x4x8x128xf32, #tpu.memory_space<vmem>> -> memref<4x8x128xf32, #tpu.memory_space<vmem>>
      %dma_start3A_406 = arith.constant 0 : i32
      %dma_start3A_407 = arith.constant 0 : i32
      %dma_start3A_408 = tpu.memref_slice %arg6[%run_scoped3A_387, %mul3A_386, %dma_start3A_406, %dma_start3A_407] : memref<4x128x8x128xf32, #tpu.memory_space<hbm>> -> memref<1x4x8x128xf32, #tpu.memory_space<hbm>>
      %dma_start3A_409 = tpu.memref_squeeze %dma_start3A_408 : memref<1x4x8x128xf32, #tpu.memory_space<hbm>> -> memref<4x8x128xf32, #tpu.memory_space<hbm>>
      %dma_start3A_410 = arith.constant 0 : i32
      %dma_start3A_411 = arith.constant 0 : i32
      %dma_start3A_412 = tpu.memref_slice %arg6[%run_scoped3A_387, %mul3A_386, %dma_start3A_410, %dma_start3A_411] : memref<4x128x8x128xf32, #tpu.memory_space<hbm>> -> memref<1x4x8x128xf32, #tpu.memory_space<hbm>>
      %dma_start3A_413 = tpu.memref_squeeze %dma_start3A_412 : memref<1x4x8x128xf32, #tpu.memory_space<hbm>> -> memref<4x8x128xf32, #tpu.memory_space<hbm>>
      %dma_start3A_414 = arith.constant 0 : i32
      %dma_start3A_415 = arith.constant 0 : i32
      %dma_start3A_416 = arith.constant 0 : i32
      %dma_start3A_417 = tpu.memref_slice %arg11[%run_scoped3A, %dma_start3A_414, %dma_start3A_415, %dma_start3A_416] : memref<4x4x8x128xf32, #tpu.memory_space<vmem>> -> memref<1x4x8x128xf32, #tpu.memory_space<vmem>>
      %dma_start3A_418 = tpu.memref_squeeze %dma_start3A_417 : memref<1x4x8x128xf32, #tpu.memory_space<vmem>> -> memref<4x8x128xf32, #tpu.memory_space<vmem>>
      tpu.enqueue_dma source(%dma_start3A_418 : memref<4x8x128xf32, #tpu.memory_space<vmem>>) target(%dma_start3A_413 : memref<4x8x128xf32, #tpu.memory_space<hbm>>) target_semaphore(%run_scoped3A_400 : memref<!tpu.dma_semaphore, #tpu.memory_space<semaphore_mem>>)
      %dma_wait3A = arith.constant 0 : i32
      %dma_wait3A_419 = arith.constant 0 : i32
      %dma_wait3A_420 = arith.constant 0 : i32
      %dma_wait3A_421 = tpu.memref_slice %arg11[%run_scoped3A, %dma_wait3A, %dma_wait3A_419, %dma_wait3A_420] : memref<4x4x8x128xf32, #tpu.memory_space<vmem>> -> memref<1x4x8x128xf32, #tpu.memory_space<vmem>>
      %dma_wait3A_422 = tpu.memref_squeeze %dma_wait3A_421 : memref<1x4x8x128xf32, #tpu.memory_space<vmem>> -> memref<4x8x128xf32, #tpu.memory_space<vmem>>
      %dma_wait3A_423 = arith.constant 0 : i32
      %dma_wait3A_424 = arith.constant 0 : i32
      %dma_wait3A_425 = tpu.memref_slice %arg6[%run_scoped3A_387, %mul3A_386, %dma_wait3A_423, %dma_wait3A_424] : memref<4x128x8x128xf32, #tpu.memory_space<hbm>> -> memref<1x4x8x128xf32, #tpu.memory_space<hbm>>
      %dma_wait3A_426 = tpu.memref_squeeze %dma_wait3A_425 : memref<1x4x8x128xf32, #tpu.memory_space<hbm>> -> memref<4x8x128xf32, #tpu.memory_space<hbm>>
      %dma_wait3A_427 = arith.constant 0 : i32
      %dma_wait3A_428 = arith.constant 0 : i32
      %dma_wait3A_429 = tpu.memref_slice %arg6[%run_scoped3A_387, %mul3A_386, %dma_wait3A_427, %dma_wait3A_428] : memref<4x128x8x128xf32, #tpu.memory_space<hbm>> -> memref<1x4x8x128xf32, #tpu.memory_space<hbm>>
      %dma_wait3A_430 = tpu.memref_squeeze %dma_wait3A_429 : memref<1x4x8x128xf32, #tpu.memory_space<hbm>> -> memref<4x8x128xf32, #tpu.memory_space<hbm>>
      %dma_wait3A_431 = arith.constant 0 : i32
      %dma_wait3A_432 = arith.constant 0 : i32
      %dma_wait3A_433 = arith.constant 0 : i32
      %dma_wait3A_434 = tpu.memref_slice %arg11[%run_scoped3A, %dma_wait3A_431, %dma_wait3A_432, %dma_wait3A_433] : memref<4x4x8x128xf32, #tpu.memory_space<vmem>> -> memref<1x4x8x128xf32, #tpu.memory_space<vmem>>
      %dma_wait3A_435 = tpu.memref_squeeze %dma_wait3A_434 : memref<1x4x8x128xf32, #tpu.memory_space<vmem>> -> memref<4x8x128xf32, #tpu.memory_space<vmem>>
      tpu.wait_dma2 semaphore(%run_scoped3A_400 : memref<!tpu.dma_semaphore, #tpu.memory_space<semaphore_mem>>) src(%dma_wait3A_435 : memref<4x8x128xf32, #tpu.memory_space<vmem>>) dst(%dma_wait3A_430 : memref<4x8x128xf32, #tpu.memory_space<hbm>>)
      tpu.yield
    }) : () -> ()
    %mul3A_388 = arith.constant 4 : i32
    %mul3A_389 = arith.muli %add3A, %mul3A_388 : i32
    %run_scoped3A_390 = arith.constant 1 : i32
    %run_scoped3A_391 = arith.constant 1 : i32
    "tpu.region"() ({
      %run_scoped3A_400 = tpu.sem_alloc : memref<!tpu.dma_semaphore, #tpu.memory_space<semaphore_mem>>
      %dma_start3A_401 = arith.constant 0 : i32
      %dma_start3A_402 = arith.constant 0 : i32
      %dma_start3A_403 = arith.constant 0 : i32
      %dma_start3A_404 = tpu.memref_slice %arg11[%run_scoped3A_390, %dma_start3A_401, %dma_start3A_402, %dma_start3A_403] : memref<4x4x8x128xf32, #tpu.memory_space<vmem>> -> memref<1x4x8x128xf32, #tpu.memory_space<vmem>>
      %dma_start3A_405 = tpu.memref_squeeze %dma_start3A_404 : memref<1x4x8x128xf32, #tpu.memory_space<vmem>> -> memref<4x8x128xf32, #tpu.memory_space<vmem>>
      %dma_start3A_406 = arith.constant 0 : i32
      %dma_start3A_407 = arith.constant 0 : i32
      %dma_start3A_408 = tpu.memref_slice %arg6[%run_scoped3A_391, %mul3A_389, %dma_start3A_406, %dma_start3A_407] : memref<4x128x8x128xf32, #tpu.memory_space<hbm>> -> memref<1x4x8x128xf32, #tpu.memory_space<hbm>>
      %dma_start3A_409 = tpu.memref_squeeze %dma_start3A_408 : memref<1x4x8x128xf32, #tpu.memory_space<hbm>> -> memref<4x8x128xf32, #tpu.memory_space<hbm>>
      %dma_start3A_410 = arith.constant 0 : i32
      %dma_start3A_411 = arith.constant 0 : i32
      %dma_start3A_412 = tpu.memref_slice %arg6[%run_scoped3A_391, %mul3A_389, %dma_start3A_410, %dma_start3A_411] : memref<4x128x8x128xf32, #tpu.memory_space<hbm>> -> memref<1x4x8x128xf32, #tpu.memory_space<hbm>>
      %dma_start3A_413 = tpu.memref_squeeze %dma_start3A_412 : memref<1x4x8x128xf32, #tpu.memory_space<hbm>> -> memref<4x8x128xf32, #tpu.memory_space<hbm>>
      %dma_start3A_414 = arith.constant 0 : i32
      %dma_start3A_415 = arith.constant 0 : i32
      %dma_start3A_416 = arith.constant 0 : i32
      %dma_start3A_417 = tpu.memref_slice %arg11[%run_scoped3A_390, %dma_start3A_414, %dma_start3A_415, %dma_start3A_416] : memref<4x4x8x128xf32, #tpu.memory_space<vmem>> -> memref<1x4x8x128xf32, #tpu.memory_space<vmem>>
      %dma_start3A_418 = tpu.memref_squeeze %dma_start3A_417 : memref<1x4x8x128xf32, #tpu.memory_space<vmem>> -> memref<4x8x128xf32, #tpu.memory_space<vmem>>
      tpu.enqueue_dma source(%dma_start3A_418 : memref<4x8x128xf32, #tpu.memory_space<vmem>>) target(%dma_start3A_413 : memref<4x8x128xf32, #tpu.memory_space<hbm>>) target_semaphore(%run_scoped3A_400 : memref<!tpu.dma_semaphore, #tpu.memory_space<semaphore_mem>>)
      %dma_wait3A = arith.constant 0 : i32
      %dma_wait3A_419 = arith.constant 0 : i32
      %dma_wait3A_420 = arith.constant 0 : i32
      %dma_wait3A_421 = tpu.memref_slice %arg11[%run_scoped3A_390, %dma_wait3A, %dma_wait3A_419, %dma_wait3A_420] : memref<4x4x8x128xf32, #tpu.memory_space<vmem>> -> memref<1x4x8x128xf32, #tpu.memory_space<vmem>>
      %dma_wait3A_422 = tpu.memref_squeeze %dma_wait3A_421 : memref<1x4x8x128xf32, #tpu.memory_space<vmem>> -> memref<4x8x128xf32, #tpu.memory_space<vmem>>
      %dma_wait3A_423 = arith.constant 0 : i32
      %dma_wait3A_424 = arith.constant 0 : i32
      %dma_wait3A_425 = tpu.memref_slice %arg6[%run_scoped3A_391, %mul3A_389, %dma_wait3A_423, %dma_wait3A_424] : memref<4x128x8x128xf32, #tpu.memory_space<hbm>> -> memref<1x4x8x128xf32, #tpu.memory_space<hbm>>
      %dma_wait3A_426 = tpu.memref_squeeze %dma_wait3A_425 : memref<1x4x8x128xf32, #tpu.memory_space<hbm>> -> memref<4x8x128xf32, #tpu.memory_space<hbm>>
      %dma_wait3A_427 = arith.constant 0 : i32
      %dma_wait3A_428 = arith.constant 0 : i32
      %dma_wait3A_429 = tpu.memref_slice %arg6[%run_scoped3A_391, %mul3A_389, %dma_wait3A_427, %dma_wait3A_428] : memref<4x128x8x128xf32, #tpu.memory_space<hbm>> -> memref<1x4x8x128xf32, #tpu.memory_space<hbm>>
      %dma_wait3A_430 = tpu.memref_squeeze %dma_wait3A_429 : memref<1x4x8x128xf32, #tpu.memory_space<hbm>> -> memref<4x8x128xf32, #tpu.memory_space<hbm>>
      %dma_wait3A_431 = arith.constant 0 : i32
      %dma_wait3A_432 = arith.constant 0 : i32
      %dma_wait3A_433 = arith.constant 0 : i32
      %dma_wait3A_434 = tpu.memref_slice %arg11[%run_scoped3A_390, %dma_wait3A_431, %dma_wait3A_432, %dma_wait3A_433] : memref<4x4x8x128xf32, #tpu.memory_space<vmem>> -> memref<1x4x8x128xf32, #tpu.memory_space<vmem>>
      %dma_wait3A_435 = tpu.memref_squeeze %dma_wait3A_434 : memref<1x4x8x128xf32, #tpu.memory_space<vmem>> -> memref<4x8x128xf32, #tpu.memory_space<vmem>>
      tpu.wait_dma2 semaphore(%run_scoped3A_400 : memref<!tpu.dma_semaphore, #tpu.memory_space<semaphore_mem>>) src(%dma_wait3A_435 : memref<4x8x128xf32, #tpu.memory_space<vmem>>) dst(%dma_wait3A_430 : memref<4x8x128xf32, #tpu.memory_space<hbm>>)
      tpu.yield
    }) : () -> ()
    %mul3A_392 = arith.constant 4 : i32
    %mul3A_393 = arith.muli %add3A, %mul3A_392 : i32
    %run_scoped3A_394 = arith.constant 2 : i32
    %run_scoped3A_395 = arith.constant 2 : i32
    "tpu.region"() ({
      %run_scoped3A_400 = tpu.sem_alloc : memref<!tpu.dma_semaphore, #tpu.memory_space<semaphore_mem>>
      %dma_start3A_401 = arith.constant 0 : i32
      %dma_start3A_402 = arith.constant 0 : i32
      %dma_start3A_403 = arith.constant 0 : i32
      %dma_start3A_404 = tpu.memref_slice %arg11[%run_scoped3A_394, %dma_start3A_401, %dma_start3A_402, %dma_start3A_403] : memref<4x4x8x128xf32, #tpu.memory_space<vmem>> -> memref<1x4x8x128xf32, #tpu.memory_space<vmem>>
      %dma_start3A_405 = tpu.memref_squeeze %dma_start3A_404 : memref<1x4x8x128xf32, #tpu.memory_space<vmem>> -> memref<4x8x128xf32, #tpu.memory_space<vmem>>
      %dma_start3A_406 = arith.constant 0 : i32
      %dma_start3A_407 = arith.constant 0 : i32
      %dma_start3A_408 = tpu.memref_slice %arg6[%run_scoped3A_395, %mul3A_393, %dma_start3A_406, %dma_start3A_407] : memref<4x128x8x128xf32, #tpu.memory_space<hbm>> -> memref<1x4x8x128xf32, #tpu.memory_space<hbm>>
      %dma_start3A_409 = tpu.memref_squeeze %dma_start3A_408 : memref<1x4x8x128xf32, #tpu.memory_space<hbm>> -> memref<4x8x128xf32, #tpu.memory_space<hbm>>
      %dma_start3A_410 = arith.constant 0 : i32
      %dma_start3A_411 = arith.constant 0 : i32
      %dma_start3A_412 = tpu.memref_slice %arg6[%run_scoped3A_395, %mul3A_393, %dma_start3A_410, %dma_start3A_411] : memref<4x128x8x128xf32, #tpu.memory_space<hbm>> -> memref<1x4x8x128xf32, #tpu.memory_space<hbm>>
      %dma_start3A_413 = tpu.memref_squeeze %dma_start3A_412 : memref<1x4x8x128xf32, #tpu.memory_space<hbm>> -> memref<4x8x128xf32, #tpu.memory_space<hbm>>
      %dma_start3A_414 = arith.constant 0 : i32
      %dma_start3A_415 = arith.constant 0 : i32
      %dma_start3A_416 = arith.constant 0 : i32
      %dma_start3A_417 = tpu.memref_slice %arg11[%run_scoped3A_394, %dma_start3A_414, %dma_start3A_415, %dma_start3A_416] : memref<4x4x8x128xf32, #tpu.memory_space<vmem>> -> memref<1x4x8x128xf32, #tpu.memory_space<vmem>>
      %dma_start3A_418 = tpu.memref_squeeze %dma_start3A_417 : memref<1x4x8x128xf32, #tpu.memory_space<vmem>> -> memref<4x8x128xf32, #tpu.memory_space<vmem>>
      tpu.enqueue_dma source(%dma_start3A_418 : memref<4x8x128xf32, #tpu.memory_space<vmem>>) target(%dma_start3A_413 : memref<4x8x128xf32, #tpu.memory_space<hbm>>) target_semaphore(%run_scoped3A_400 : memref<!tpu.dma_semaphore, #tpu.memory_space<semaphore_mem>>)
      %dma_wait3A = arith.constant 0 : i32
      %dma_wait3A_419 = arith.constant 0 : i32
      %dma_wait3A_420 = arith.constant 0 : i32
      %dma_wait3A_421 = tpu.memref_slice %arg11[%run_scoped3A_394, %dma_wait3A, %dma_wait3A_419, %dma_wait3A_420] : memref<4x4x8x128xf32, #tpu.memory_space<vmem>> -> memref<1x4x8x128xf32, #tpu.memory_space<vmem>>
      %dma_wait3A_422 = tpu.memref_squeeze %dma_wait3A_421 : memref<1x4x8x128xf32, #tpu.memory_space<vmem>> -> memref<4x8x128xf32, #tpu.memory_space<vmem>>
      %dma_wait3A_423 = arith.constant 0 : i32
      %dma_wait3A_424 = arith.constant 0 : i32
      %dma_wait3A_425 = tpu.memref_slice %arg6[%run_scoped3A_395, %mul3A_393, %dma_wait3A_423, %dma_wait3A_424] : memref<4x128x8x128xf32, #tpu.memory_space<hbm>> -> memref<1x4x8x128xf32, #tpu.memory_space<hbm>>
      %dma_wait3A_426 = tpu.memref_squeeze %dma_wait3A_425 : memref<1x4x8x128xf32, #tpu.memory_space<hbm>> -> memref<4x8x128xf32, #tpu.memory_space<hbm>>
      %dma_wait3A_427 = arith.constant 0 : i32
      %dma_wait3A_428 = arith.constant 0 : i32
      %dma_wait3A_429 = tpu.memref_slice %arg6[%run_scoped3A_395, %mul3A_393, %dma_wait3A_427, %dma_wait3A_428] : memref<4x128x8x128xf32, #tpu.memory_space<hbm>> -> memref<1x4x8x128xf32, #tpu.memory_space<hbm>>
      %dma_wait3A_430 = tpu.memref_squeeze %dma_wait3A_429 : memref<1x4x8x128xf32, #tpu.memory_space<hbm>> -> memref<4x8x128xf32, #tpu.memory_space<hbm>>
      %dma_wait3A_431 = arith.constant 0 : i32
      %dma_wait3A_432 = arith.constant 0 : i32
      %dma_wait3A_433 = arith.constant 0 : i32
      %dma_wait3A_434 = tpu.memref_slice %arg11[%run_scoped3A_394, %dma_wait3A_431, %dma_wait3A_432, %dma_wait3A_433] : memref<4x4x8x128xf32, #tpu.memory_space<vmem>> -> memref<1x4x8x128xf32, #tpu.memory_space<vmem>>
      %dma_wait3A_435 = tpu.memref_squeeze %dma_wait3A_434 : memref<1x4x8x128xf32, #tpu.memory_space<vmem>> -> memref<4x8x128xf32, #tpu.memory_space<vmem>>
      tpu.wait_dma2 semaphore(%run_scoped3A_400 : memref<!tpu.dma_semaphore, #tpu.memory_space<semaphore_mem>>) src(%dma_wait3A_435 : memref<4x8x128xf32, #tpu.memory_space<vmem>>) dst(%dma_wait3A_430 : memref<4x8x128xf32, #tpu.memory_space<hbm>>)
      tpu.yield
    }) : () -> ()
    %mul3A_396 = arith.constant 4 : i32
    %mul3A_397 = arith.muli %add3A, %mul3A_396 : i32
    %run_scoped3A_398 = arith.constant 3 : i32
    %run_scoped3A_399 = arith.constant 3 : i32
    "tpu.region"() ({
      %run_scoped3A_400 = tpu.sem_alloc : memref<!tpu.dma_semaphore, #tpu.memory_space<semaphore_mem>>
      %dma_start3A_401 = arith.constant 0 : i32
      %dma_start3A_402 = arith.constant 0 : i32
      %dma_start3A_403 = arith.constant 0 : i32
      %dma_start3A_404 = tpu.memref_slice %arg11[%run_scoped3A_398, %dma_start3A_401, %dma_start3A_402, %dma_start3A_403] : memref<4x4x8x128xf32, #tpu.memory_space<vmem>> -> memref<1x4x8x128xf32, #tpu.memory_space<vmem>>
      %dma_start3A_405 = tpu.memref_squeeze %dma_start3A_404 : memref<1x4x8x128xf32, #tpu.memory_space<vmem>> -> memref<4x8x128xf32, #tpu.memory_space<vmem>>
      %dma_start3A_406 = arith.constant 0 : i32
      %dma_start3A_407 = arith.constant 0 : i32
      %dma_start3A_408 = tpu.memref_slice %arg6[%run_scoped3A_399, %mul3A_397, %dma_start3A_406, %dma_start3A_407] : memref<4x128x8x128xf32, #tpu.memory_space<hbm>> -> memref<1x4x8x128xf32, #tpu.memory_space<hbm>>
      %dma_start3A_409 = tpu.memref_squeeze %dma_start3A_408 : memref<1x4x8x128xf32, #tpu.memory_space<hbm>> -> memref<4x8x128xf32, #tpu.memory_space<hbm>>
      %dma_start3A_410 = arith.constant 0 : i32
      %dma_start3A_411 = arith.constant 0 : i32
      %dma_start3A_412 = tpu.memref_slice %arg6[%run_scoped3A_399, %mul3A_397, %dma_start3A_410, %dma_start3A_411] : memref<4x128x8x128xf32, #tpu.memory_space<hbm>> -> memref<1x4x8x128xf32, #tpu.memory_space<hbm>>
      %dma_start3A_413 = tpu.memref_squeeze %dma_start3A_412 : memref<1x4x8x128xf32, #tpu.memory_space<hbm>> -> memref<4x8x128xf32, #tpu.memory_space<hbm>>
      %dma_start3A_414 = arith.constant 0 : i32
      %dma_start3A_415 = arith.constant 0 : i32
      %dma_start3A_416 = arith.constant 0 : i32
      %dma_start3A_417 = tpu.memref_slice %arg11[%run_scoped3A_398, %dma_start3A_414, %dma_start3A_415, %dma_start3A_416] : memref<4x4x8x128xf32, #tpu.memory_space<vmem>> -> memref<1x4x8x128xf32, #tpu.memory_space<vmem>>
      %dma_start3A_418 = tpu.memref_squeeze %dma_start3A_417 : memref<1x4x8x128xf32, #tpu.memory_space<vmem>> -> memref<4x8x128xf32, #tpu.memory_space<vmem>>
      tpu.enqueue_dma source(%dma_start3A_418 : memref<4x8x128xf32, #tpu.memory_space<vmem>>) target(%dma_start3A_413 : memref<4x8x128xf32, #tpu.memory_space<hbm>>) target_semaphore(%run_scoped3A_400 : memref<!tpu.dma_semaphore, #tpu.memory_space<semaphore_mem>>)
      %dma_wait3A = arith.constant 0 : i32
      %dma_wait3A_419 = arith.constant 0 : i32
      %dma_wait3A_420 = arith.constant 0 : i32
      %dma_wait3A_421 = tpu.memref_slice %arg11[%run_scoped3A_398, %dma_wait3A, %dma_wait3A_419, %dma_wait3A_420] : memref<4x4x8x128xf32, #tpu.memory_space<vmem>> -> memref<1x4x8x128xf32, #tpu.memory_space<vmem>>
      %dma_wait3A_422 = tpu.memref_squeeze %dma_wait3A_421 : memref<1x4x8x128xf32, #tpu.memory_space<vmem>> -> memref<4x8x128xf32, #tpu.memory_space<vmem>>
      %dma_wait3A_423 = arith.constant 0 : i32
      %dma_wait3A_424 = arith.constant 0 : i32
      %dma_wait3A_425 = tpu.memref_slice %arg6[%run_scoped3A_399, %mul3A_397, %dma_wait3A_423, %dma_wait3A_424] : memref<4x128x8x128xf32, #tpu.memory_space<hbm>> -> memref<1x4x8x128xf32, #tpu.memory_space<hbm>>
      %dma_wait3A_426 = tpu.memref_squeeze %dma_wait3A_425 : memref<1x4x8x128xf32, #tpu.memory_space<hbm>> -> memref<4x8x128xf32, #tpu.memory_space<hbm>>
      %dma_wait3A_427 = arith.constant 0 : i32
      %dma_wait3A_428 = arith.constant 0 : i32
      %dma_wait3A_429 = tpu.memref_slice %arg6[%run_scoped3A_399, %mul3A_397, %dma_wait3A_427, %dma_wait3A_428] : memref<4x128x8x128xf32, #tpu.memory_space<hbm>> -> memref<1x4x8x128xf32, #tpu.memory_space<hbm>>
      %dma_wait3A_430 = tpu.memref_squeeze %dma_wait3A_429 : memref<1x4x8x128xf32, #tpu.memory_space<hbm>> -> memref<4x8x128xf32, #tpu.memory_space<hbm>>
      %dma_wait3A_431 = arith.constant 0 : i32
      %dma_wait3A_432 = arith.constant 0 : i32
      %dma_wait3A_433 = arith.constant 0 : i32
      %dma_wait3A_434 = tpu.memref_slice %arg11[%run_scoped3A_398, %dma_wait3A_431, %dma_wait3A_432, %dma_wait3A_433] : memref<4x4x8x128xf32, #tpu.memory_space<vmem>> -> memref<1x4x8x128xf32, #tpu.memory_space<vmem>>
      %dma_wait3A_435 = tpu.memref_squeeze %dma_wait3A_434 : memref<1x4x8x128xf32, #tpu.memory_space<vmem>> -> memref<4x8x128xf32, #tpu.memory_space<vmem>>
      tpu.wait_dma2 semaphore(%run_scoped3A_400 : memref<!tpu.dma_semaphore, #tpu.memory_space<semaphore_mem>>) src(%dma_wait3A_435 : memref<4x8x128xf32, #tpu.memory_space<vmem>>) dst(%dma_wait3A_430 : memref<4x8x128xf32, #tpu.memory_space<hbm>>)
      tpu.yield
    }) : () -> ()
    return
  }
}

</mosaic_0001>

<sc_bundles>
// kernel: _gmf.3.cloned.1.call-start
scs
__scs_entry_jumppad:
0x0: {  	(pc) =	sbr.rel $0x88, $3  }
0x1: {  	(tag) =	ssettag $0x0;
	lr =	simm.s32 $0x1  }
0x2: {  	[smem:$0x3F9D] =	sst lr;
	_ =	strace $0xD0000000  }
0x3: {  	_ = 	snop  }
0x4: {  	_ = 	snop  }
0x5: {  	_ = 	snop  }
0x6: {  	_ = 	snop  }
0x7: {  	_ = 	snop  }
__scs_overlays_trampoline_lowered:
0x8: {  	[smem:$0x3FAC] =	sst s0  }
0x9: {  	[smem:$0x3FAD] =	sst s1  }
0xa: {  	[smem:$0x3FAE] =	sst s2  }
0xb: {  	[smem:$0x3FAF] =	sst s3  }
0xc: {  	[smem:$0x3FB0] =	sst s4  }
0xd: {  	[smem:$0x3FB1] =	sst s5  }
0xe: {  	[smem:$0x3FB2] =	sst s6  }
0xf: {  	[smem:$0x3FB3] =	sst s7  }
0x10: {  	[smem:$0x3FB4] =	sst s8  }
0x11: {  	[smem:$0x3FB5] =	sst s9;
	s0 =	simm.s32 @!p0 $0x0  }
0x12: {  	s1 =	sld [smem:$0x3F9B];
	s0 =	simm.s32 @p0 $0x1  }
0x13: {  	[smem:$0x3FB6] =	sst s0;
	s0 =	simm.s32 @!p1 $0x0  }
0x14: {  	s2 =	sld [smem:$0x3F9A];
	s0 =	simm.s32 @p1 $0x1  }
0x15: {  	[smem:$0x3FB7] =	sst s0;
	s0 =	simm.s32 @!p2 $0x0  }
0x16: {  	s3 =	sld [smem:$0x3FDB];
	s0 =	simm.s32 @p2 $0x1  }
0x17: {  	s4 =	simm.s32 $0x1BF5;
	[smem:$0x3FB9] =	sst s0  }
0x18: {  	s0 =	sld [smem:$0x3F9C];
	_ =	swait.ge [sflag:s4], $0x0  }
0x19: {  	s7 =	sld [smem:$0x3F9D]  }
0x1a: {  	s8 =	sadd.s32 $0xFFFFE003, lr  }
0x1b: {  	s9 =	sadd.s32 $0xFFFFFEF7, lr;
	s5 =	simm.s32 $0xFFFFFFFF;
	p2 =	slt.u32 s8, $0xFFFFF086  }
0x1c: {  	p1 =	slt.u32 s9, $0xF7A;
	s5 =	simm.s32 @!p2 $0x0  }
0x1d: {  	s5 =	simm.s32 @p1 $0x1;
	p0 =	seq.s32 s7, s2  }
0x1e: {  	s7 =	smul.u32 @!p0 $0xF7A, s2;
	p2 =	seq.s32 @!p0 s5, $0x0  }
0x1f: {  	s9 =	smul.u32 $0xF7A, s1;
	s8 =	simm.s32 @!p0 $0x1BF5;
	p2 =	por !p2, p0  }
0x20: {  	[sflag:s8] =	ssyncset.s32 @!p0 $0xFFFFF086;
	s6 =	sadd.s32 @!p0 s3, s7;
	s7 =	simm.s32 @!p0 $0x108  }
0x21: {  	s3 =	sadd.s32 s3, s9;
	s6 =	sadd.s32 @!p0 $0x88, s6;
	s7 =	simm.s32 @p2 $0x1082  }
0x22: {  	[simem:s7], [sflag:s8] =	dma.local @!p0 [hbm:s6], $0xF7A  }
0x23: {  	s9 =	sor.u32 $0xD0000000, s2;
	s6 =	simm.s32 $0x108;
	_ =	swait.ge @!p0 [sflag:s8], $0x0  }
0x24: {  	s3 =	sadd.s32 $0x88, s3;
	s6 =	simm.s32 @!p1 $0x1082;
	[sflag:s4] =	ssyncset.s32 $0xFFFFF086  }
0x25: {  	[simem:s6], [sflag:s4] =	dma.local [hbm:s3], $0xF7A  }
0x26: {  	[smem:$0x3F9D] =	sst s1;
	(tag) =	ssettag s2;
	_ =	strace s9  }
0x27: {  	s1 =	sld [smem:$0x3FAD]  }
0x28: {  	s2 =	sld [smem:$0x3FAE]  }
0x29: {  	s4 =	sld [smem:$0x3FB0]  }
0x2a: {  	p0 =	seq.s32 s5, $0x0;
	s5 =	sld [smem:$0x3FB1]  }
0x2b: {  	s6 =	sld [smem:$0x3FB2]  }
0x2c: {  	s7 =	sld [smem:$0x3FB3]  }
0x2d: {  	s3 =	simm.s32 $0x108;
	s8 =	sld [smem:$0x3FB4]  }
0x2e: {  	s3 =	simm.s32 @!p0 $0x1082;
	s9 =	sld [smem:$0x3FB5]  }
0x2f: {  	lr =	sadd.s32 s0, s3;
	s0 =	sld [smem:$0x3FAC]  }
0x30: {  	s3 =	sld [smem:$0x3FAF]  }
0x31: {  	[smem:$0x3FB8] =	sst s10  }
0x32: {  	s10 =	sld [smem:$0x3FB6];
	_ =	sdelay $0x3  }
0x33: {  	p0 =	seq.s32 s10, $0x1;
	s10 =	sld [smem:$0x3FB8];
	_ =	sdelay $0x3  }
0x34: {  	[smem:$0x3FB8] =	sst s10  }
0x35: {  	s10 =	sld [smem:$0x3FB7];
	_ =	sdelay $0x3  }
0x36: {  	p1 =	seq.s32 s10, $0x1;
	s10 =	sld [smem:$0x3FB8];
	_ =	sdelay $0x3  }
0x37: {  	[smem:$0x3FB8] =	sst s10  }
0x38: {  	s10 =	sld [smem:$0x3FB9]  }
0x39: {  	_ = 	snop;
	(pc) =	sbr.ind lr, $3  }
0x3a: {  	_ = 	snop  }
0x3b: {  	_ = 	snop  }
0x3c: {  	p2 =	seq.s32 s10, $0x1;
	s10 =	sld [smem:$0x3FB8]  }
0x3d: {  	_ =	shalt  }
0x3e: {  	_ =	shalt  }
0x3f: {  	_ =	shalt  }
0x40: {  	_ =	shalt  }
0x41: {  	_ =	shalt  }
0x42: {  	_ =	shalt  }
0x43: {  	_ =	shalt  }
0x44: {  	_ =	shalt  }
0x45: {  	_ =	shalt  }
0x46: {  	_ =	shalt  }
0x47: {  	_ =	shalt  }
0x48: {  	_ =	shalt  }
0x49: {  	_ =	shalt  }
0x4a: {  	_ =	shalt  }
0x4b: {  	_ =	shalt  }
0x4c: {  	_ =	shalt  }
0x4d: {  	_ =	shalt  }
0x4e: {  	_ =	shalt  }
0x4f: {  	_ =	shalt  }
0x50: {  	_ =	shalt  }
0x51: {  	_ =	shalt  }
0x52: {  	_ =	shalt  }
0x53: {  	_ =	shalt  }
0x54: {  	_ =	shalt  }
0x55: {  	_ =	shalt  }
0x56: {  	_ =	shalt  }
0x57: {  	_ =	shalt  }
0x58: {  	_ =	shalt  }
0x59: {  	_ =	shalt  }
0x5a: {  	_ =	shalt  }
0x5b: {  	_ =	shalt  }
0x5c: {  	_ =	shalt  }
0x5d: {  	_ =	shalt  }
0x5e: {  	_ =	shalt  }
0x5f: {  	_ =	shalt  }
0x60: {  	_ =	shalt  }
0x61: {  	_ =	shalt  }
0x62: {  	_ =	shalt  }
0x63: {  	_ =	shalt  }
0x64: {  	_ =	shalt  }
0x65: {  	_ =	shalt  }
0x66: {  	_ =	shalt  }
0x67: {  	_ =	shalt  }
0x68: {  	_ =	shalt  }
0x69: {  	_ =	shalt  }
0x6a: {  	_ =	shalt  }
0x6b: {  	_ =	shalt  }
0x6c: {  	_ =	shalt  }
0x6d: {  	_ =	shalt  }
0x6e: {  	_ =	shalt  }
0x6f: {  	_ =	shalt  }
0x70: {  	_ =	shalt  }
0x71: {  	_ =	shalt  }
0x72: {  	_ =	shalt  }
0x73: {  	_ =	shalt  }
0x74: {  	_ =	shalt  }
0x75: {  	_ =	shalt  }
0x76: {  	_ =	shalt  }
0x77: {  	_ =	shalt  }
0x78: {  	_ =	shalt  }
0x79: {  	_ =	shalt  }
0x7a: {  	_ =	shalt  }
0x7b: {  	_ =	shalt  }
0x7c: {  	_ =	shalt  }
0x7d: {  	_ =	shalt  }
0x7e: {  	_ =	shalt  }
0x7f: {  	_ =	shalt  }
0x80: {  	_ =	shalt  }
0x81: {  	_ =	shalt  }
0x82: {  	_ =	shalt  }
0x83: {  	_ =	shalt  }
0x84: {  	_ =	shalt  }
0x85: {  	_ =	shalt  }
0x86: {  	_ =	shalt  }
0x87: {  	_ =	shalt  }
.Lfunc_end0:
.L_simem_size_0:
called_computation_lowered:
.L_overlay_start_0:
0x88: {  	s2 =	sld [smem:$0x3FD9]  }
0x89: {  	s3 =	sld [smem:$0x3FFE];
	_ =	sdelay $0x1  }
0x8a: {  	s1 =	srdreg.scid  }
0x8b: {  	s0 =	sand.u32 $0x1, s1  }
0x8c: {  	s18 =	sshll.u32 s0, $0xA;
	s2 =	sadd.s32 s3, s2  }
0x8d: {  	s2 =	sadd.s32 s2, s18  }
0x8e: {  	[smem:$0x3FC4] =	sst s2  }
0x8f: {  	_ = 	snop  }
0x90: {  	s2 =	sld [smem:$0x3FC9]  }
0x91: {  	s19 =	sld [smem:$0x3FC8]  }
0x92: {  	s4 =	sld [smem:$0x3FC7]  }
0x93: {  	s5 =	sld [smem:$0x3FC6]  }
0x94: {  	s6 =	sld [smem:$0x3FD0];
	(tm) =	ssettm $0x1  }
0x95: {  	s7 =	sld [smem:$0x3FFB];
	_ =	sdelay $0x3  }
0x96: {  	_ =	strace s7  }
0x97: {  	s7 =	sld [smem:$0x3FFC];
	_ =	sdelay $0x3  }
0x98: {  	_ =	strace s7  }
0x99: {  	s7 =	sld [smem:$0x3FFD];
	_ =	sdelay $0x3  }
0x9a: {  	_ =	strace s7  }
0x9b: {  	_ =	strace $0x8FFFFFFF  }
0x9c: {  	s20 =	sld [smem:$0x3FDB];
	_ =	sdelay $0x1  }
0x9d: {  	s8 =	simm.s32 $_scs_section_size  }
0x9e: {  	s9 =	simm.s32 $_size__tile_overlayer_lowered;
	s10 =	simm.s32 $_tile_overlayer_lowered  }
0x9f: {  	s23 =	simm.s32 $0x1BFF;
	s22 =	sshll.u32 s10, $0x1;
	s7 =	sadd.s32 s8, s20  }
0xa0: {  	s11 =	simm.s32 $0x0;
	s21 =	sshll.u32 s9, $0x1;
	s9 =	sadd.s32 s22, s7  }
0xa1: {  	[timem:s11], [sflag:s23] =	dma.local [hbm:s9], s21  }
0xa2: {  	_ =	swait.ge [sflag:s23], s21  }
0xa3: {  	s8 =	ssub.s32 $0x0, s21;
	[sflag:s23] =	ssyncset.done $0x0  }
0xa4: {  	[sflag:s23] =	ssyncadd.s32 s8;
	_ =	sdelay $0x1  }
0xa5: {  	s24 =	simm.s32 $0x1B8B  }
0xa6: {  	_ =	swait.ge [sflag:s24], $0x1  }
0xa7: {  	[sflag:s24] =	ssyncset.done $0x0  }
0xa8: {  	s25 =	simm.s32 $0x1B8E;
	[sflag:s24] =	ssyncadd.s32 $0xFFFFFFFF  }
0xa9: {  	s26 =	simm.s32 $execute0_lowered;
	[smem:$0x3FD2] =	sst s25  }
0xaa: {  	s8 =	sshll.u32 s26, $0x1;
	_ =	strace $0x80000046;
	[dreg:$0x1] =	wrdreg $0xFFFFFFFF  }
0xab: {  	s28 =	simm.s32 $_size_execute0_lowered;
	s7 =	sadd.s32 s7, s8;
	[dreg:$0x0] =	wrdreg $0x0  }
0xac: {  	s8 =	sshll.u32 s28, $0x1;
	[dreg:$0x2] =	wrdreg s7  }
0xad: {  	[dreg:$0x3] =	wrdreg s8  }
0xae: {  	[dreg:$0x4] =	wrdreg $0xC0  }
0xaf: {  	_ =	task [dreg:s11], $0x5FFFF  }
0xb0: {  	[dreg:$0x1] =	wrdreg $0xFFFFFFFF  }
0xb1: {  	[dreg:$0x0] =	wrdreg $0x60  }
0xb2: {  	[dreg:$0x2] =	wrdreg s2  }
0xb3: {  	[dreg:$0x3] =	wrdreg s19  }
0xb4: {  	[dreg:$0x4] =	wrdreg s4  }
0xb5: {  	[dreg:$0x5] =	wrdreg s5  }
0xb6: {  	[dreg:$0x6] =	wrdreg s6  }
0xb7: {  	[dreg:$0x7] =	wrdreg $0x9  }
0xb8: {  	_ =	task.clear_ibuf [dreg:s11], $0x8FFFF;
	_ =	strace $0x90000046  }
0xb9: {  	s29 =	simm.s32 $0x9;
	_ =	strace $0x80000048  }
0xba: {  	_ =	swait.ge [sflag:s29], $0x1  }
0xbb: {  	[sflag:s29] =	ssyncadd.s32 $0xFFFFFFFF  }
0xbc: {  	_ =	strace $0x90000048  }
0xbd: {  	_ =	sfence  }
0xbe: {  	s30 =	sld [smem:$0x0];
	_ =	sdelay $0x2  }
0xbf: {  	s31 =	sshll.u32 s1, $0xD;
	s1 =	sshrl.u32 s1, $0x2  }
0xc0: {  	s3 =	sand.u32 $0x4000, s31;
	s1 =	sadd.s32 s1, s30  }
0xc1: {  	s0 =	sor.u32 s3, s0;
	s1 =	sshll.u32 s1, $0x11  }
0xc2: {  	s0 =	sor.u32 s1, s0  }
0xc3: {  	s0 =	sadd.s32 $0x8F2B, s0  }
0xc4: {  	[sflag:s0] =	ssyncadd.remote.s32 $0x1  }
0xc5: {  	_ =	sfence.sel $0xFFFF  }
0xc6: {  	[dreg:$0x0] =	wrdreg $0xFFFFFFFF;
	(pc) =	sbr.abs _section_cstart, $3  }
0xc7: {  	[dreg:$0x1] =	wrdreg $0xFFFFFFFF  }
0xc8: {  	_ =	task.clear_ibuf [dreg:s11], $0x2FFFF;
	_ =	strace $0x9FFFFFFF  }
0xc9: {  	(tm) =	ssettm $0x7FFFFFFF  }
tec
execute0_lowered:
.L_overlay_start_1:
0x0: {  	(tag) =	ssettag $0x1  }
0x1: {  	v0 =	vlaneseq.u32  }
0x2: {  	v1 =	vimm.s32 $0x1380;
	vm0 =	vcmask $0x300;
	vm1 =	vcmask $0x704  }
0x3: {  	s2 =	rddreg [dreg:$0x0];
	v2 =	vimm.s32 $0x3380;
	vm2 =	vcmask $0xB08;
	vm4 =	vcmask $0xF0C  }
0x4: {  	s3 =	rddreg [dreg:$0x1];
	vm5 =	vcmask $0x1310;
	vm6 =	vcmask $0x1714;
	vm7 =	vcmask $0x1B18  }
0x5: {  	s11 =	rddreg [dreg:$0x2];
	vm8 =	vcmask $0x1F1C;
	vm9 =	vcmask $0x2320;
	vm10 =	vcmask $0x2724  }
0x6: {  	s1 =	rddreg [dreg:$0x3];
	vm11 =	vcmask $0x2B28;
	vm12 =	vcmask $0x2F2C;
	vm13 =	vcmask $0x3330  }
0x7: {  	s4 =	rddreg [dreg:$0x4];
	s9 =	simm.s32 $0x0;
	vm14 =	vcmask $0x3734;
	v1 =	vsel vm0, $0x0, v1;
	v2 =	vsel vm0, $0x2000, v2  }
0x8: {  	s5 =	srdreg.scid;
	s6 =	stileid.u32;
	s12 =	simm.s32 $0x7A1400;
	v0 =	vmul.u32 $0x80, v0;
	v1 =	vsel vm1, $0x80, v1;
	v2 =	vsel vm1, $0x2080, v2  }
0x9: {  	s14 =	simm.s32 $0x400;
	s15 =	simm.s32 $0x8400;
	s28 =	simm.s32 $0xB400;
	vm15 =	vcmask $0x3B38;
	v1 =	vsel vm2, $0x100, v1;
	v2 =	vsel vm2, $0x2100, v2  }
0xa: {  	s30 =	simm.s32 $0xC400;
	s13 =	simm.s32 $0x6400;
	s16 =	simm.s32 $0xE400;
	v5 =	vor.u32 $0x1800, v0;
	v6 =	vor.u32 $0x2000, v0;
	v1 =	vsel vm4, $0x180, v1  }
0xb: {  	s17 =	simm.s32 $0x7400;
	s18 =	simm.s32 $0xF400;
	s19 =	simm.s32 $0x1;
	v7 =	vor.u32 $0x2800, v0;
	v2 =	vsel vm4, $0x2180, v2;
	v1 =	vsel vm5, $0x200, v1  }
0xc: {  	s21 =	simm.s32 $0x2;
	s5 =	sand.u32 $0x1, s5;
	s6 =	sshll.u32 s6, $0x1;
	v8 =	vor.u32 $0x3000, v0;
	v2 =	vsel vm5, $0x2200, v2;
	v1 =	vsel vm6, $0x280, v1  }
0xd: {  	s22 =	simm.s32 $0x3;
	s7 =	ssub.s32 $0x2, s5;
	s5 =	sor.u32 s5, s6;
	v9 =	vor.u32 $0x3800, v0;
	v2 =	vsel vm6, $0x2280, v2;
	v1 =	vsel vm7, $0x300, v1  }
0xe: {  	s0 =	simm.s32 $0x0;
	[smem:$0x7FF] =	sst s9;
	s8 =	sshll.u32 s5, $0x6;
	v10 =	vor.u32 $0x4000, v0;
	v2 =	vsel vm7, $0x2300, v2;
	v1 =	vsel vm8, $0x380, v1  }
0xf: {  	_ =	strace $0x80000047;
	s24 =	sshrl.u32 s7, $0x1;
	v11 =	vor.u32 $0x4800, v0;
	s2 =	sadd.s32 s2, s8;
	v2 =	vsel vm8, $0x2380, v2;
	v1 =	vsel vm9, $0x1000, v1  }
0x10: {  	s5 =	sshll.u32 s5, $0x9;
	v12 =	vor.u32 $0x5000, v0;
	s3 =	sadd.s32 s3, s8;
	[dreg:$0x6] =	wrdreg s2;
	v2 =	vsel vm9, $0x3000, v2;
	v1 =	vsel vm10, $0x1080, v1  }
0x11: {  	v13 =	vor.u32 $0x5800, v0;
	s6 =	ssub.s32 s7, s24;
	s25 =	sadd.s32 s4, s5;
	[dreg:$0x8] =	wrdreg s3;
	v2 =	vsel vm10, $0x3080, v2;
	v1 =	vsel vm11, $0x1100, v1  }
0x12: {  	v14 =	vor.u32 $0x6000, v0;
	s5 =	simm.s32 $0x9;
	s26 =	sadd.s32 $0x4000, s25;
	[dreg:$0x7] =	wrdreg s25;
	v2 =	vsel vm11, $0x3100, v2;
	v1 =	vsel vm12, $0x1180, v1  }
0x13: {  	v15 =	vor.u32 $0x6800, v0;
	s7 =	simm.s32 $0x1400;
	s29 =	sadd.s32 $0x8000, s25;
	[dreg:$0x9] =	wrdreg s26;
	v2 =	vsel vm12, $0x3180, v2;
	v1 =	vsel vm13, $0x1200, v1  }
0x14: {  	v16 =	vor.u32 $0x7000, v0;
	s8 =	simm.s32 $0x9400;
	s2 =	sadd.s32 $0xC000, s25;
	[dreg:$0xa] =	wrdreg s29;
	v4 =	vsel vm13, $0x3200, v2;
	v3 =	vsel vm14, $0x1280, v1  }
0x15: {  	v17 =	vor.u32 $0x7800, v0;
	s31 =	smax.u32 s6, $0x1;
	s25 =	simm.s32 $0xA400;
	[dreg:$0xb] =	wrdreg s2;
	v2 =	vsel vm15, $0x1300, v3;
	v3 =	vsel vm14, $0x3280, v4  }
0x16: {  	s6 =	simm.s32 $0xD400;
	[dreg:$0xc] =	wrdreg s31;
	s2 =	simm.s32 $0x10400;
	v1 =	vor.u32 $0x800, v0;
	v4 =	vor.u32 $0x1000, v0;
	v3 =	vsel vm15, $0x3300, v3  }
.LBB2_1:
0x17: {  	[dreg:$0xd] =	wrdreg s0  }
0x18: {  	s3 =	rddreg [dreg:$0x6]  }
0x19: {  	[tilespmem:s9], [sflag:$0x9] =	stream.linear.gather [hbm4b:s3+s9], $0x200, $0x38;
	[tilespmem:$0x14400] =	vst v63  }
0x1a: {  	_ =	swait.ge [sflag:s5], $0x200  }
0x1b: {  	[sflag:s5] =	ssyncset.done $0x0  }
0x1c: {  	s4 =	simm.s32 $0x200;
	s20 =	rddreg [dreg:$0x8];
	[sflag:s5] =	ssyncadd.s32 $0xFFFFFE00  }
0x1d: {  	[tilespmem:s4], [sflag:$0x9] =	stream.linear.gather [hbm4b:s20+s9], $0x200, $0x38;
	[tilespmem:$0x14400] =	vst v63  }
0x1e: {  	_ =	swait.ge [sflag:s5], $0x200  }
0x1f: {  	[sflag:s5] =	ssyncset.done $0x0  }
0x20: {  	[sflag:s5] =	ssyncadd.s32 $0xFFFFFE00  }
0x21: {  	v18 =	vld [tilespmem:$0x0]  }
0x22: {  	v19 =	vld [tilespmem:$0x200];
	_ =	sdelay $0x3  }
0x23: {  	(v2sf) =	vpush v18, $0x0  }
0x24: {  	(v2sf) =	vpush v19, $0x0;
	_ =	sdelay $0x5  }
0x25: {  	(v2sf) =	vpush v18, $0x1;
	_ =	sdelay $0x1  }
0x26: {  	(v2sf) =	vpush v19, $0x1;
	_ =	sdelay $0x5  }
0x27: {  	s23 =	spop (v2sf);
	(v2sf) =	vpush v18, $0x2  }
0x28: {  	s24 =	spop (v2sf);
	(v2sf) =	vpush v19, $0x2;
	_ =	sdelay $0x4  }
0x29: {  	s3 =	sand.u32 $0xFFFFF80, s23  }
0x2a: {  	s3 =	sadd.s32 s11, s3;
	s26 =	spop (v2sf);
	(v2sf) =	vpush v18, $0x3  }
0x2b: {  	[tilespmem:s14], [sflag:$0x1] =	stream.strided.gather [hbm4b:s3+s14], $0x1000, s12, s14, $0x38;
	[tilespmem:$0x14400] =	vst v63  }
0x2c: {  	s3 =	sand.u32 $0xFFFFF80, s24;
	s29 =	spop (v2sf);
	(v2sf) =	vpush v19, $0x3  }
0x2d: {  	s3 =	sadd.s32 s1, s3  }
0x2e: {  	[tilespmem:s15], [sflag:$0x1] =	stream.strided.gather [hbm4b:s3+s14], $0x1000, s12, s14, $0x38;
	[tilespmem:$0x14400] =	vst v63  }
0x2f: {  	s3 =	sand.u32 $0xFFFFF80, s26  }
0x30: {  	s3 =	sadd.s32 s11, s3  }
0x31: {  	[tilespmem:s7], [sflag:$0x2] =	stream.strided.gather [hbm4b:s3+s14], $0x1000, s12, s14, $0x38;
	[tilespmem:$0x14400] =	vst v63  }
0x32: {  	s3 =	sand.u32 $0xFFFFF80, s29;
	s31 =	spop (v2sf);
	(v2sf) =	vpush v18, $0x4  }
0x33: {  	s3 =	sadd.s32 s1, s3;
	s5 =	spop (v2sf);
	(v2sf) =	vpush v19, $0x4  }
0x34: {  	[tilespmem:s8], [sflag:$0x2] =	stream.strided.gather [hbm4b:s3+s14], $0x1000, s12, s14, $0x38;
	[tilespmem:$0x14400] =	vst v63  }
0x35: {  	s3 =	sand.u32 $0xFFFFF80, s31;
	(v2sf) =	vpush v18, $0x5  }
0x36: {  	s0 =	simm.s32 $0x2400;
	s3 =	sadd.s32 s11, s3  }
0x37: {  	[tilespmem:s0], [sflag:$0x3] =	stream.strided.gather [hbm4b:s3+s14], $0x1000, s12, s14, $0x38;
	[tilespmem:$0x14400] =	vst v63  }
0x38: {  	s3 =	sand.u32 $0xFFFFF80, s5  }
0x39: {  	s9 =	spop (v2sf);
	s3 =	sadd.s32 s1, s3  }
0x3a: {  	(v2sf) =	vpush v19, $0x5;
	[tilespmem:s25], [sflag:$0x3] =	stream.strided.gather [hbm4b:s3+s14], $0x1000, s12, s14, $0x38;
	[tilespmem:$0x14400] =	vst v63  }
0x3b: {  	s20 =	spop (v2sf);
	(v2sf) =	vpush v18, $0x6;
	s3 =	sand.u32 $0xFFFFF80, s9  }
0x3c: {  	s10 =	simm.s32 $0x3400;
	s3 =	sadd.s32 s11, s3  }
0x3d: {  	[tilespmem:s10], [sflag:$0x4] =	stream.strided.gather [hbm4b:s3+s14], $0x1000, s12, s14, $0x38;
	[tilespmem:$0x14400] =	vst v63  }
0x3e: {  	s3 =	sand.u32 $0xFFFFF80, s20  }
0x3f: {  	s3 =	sadd.s32 s1, s3  }
0x40: {  	[tilespmem:s28], [sflag:$0x4] =	stream.strided.gather [hbm4b:s3+s14], $0x1000, s12, s14, $0x38;
	[tilespmem:$0x14400] =	vst v63  }
0x41: {  	s23 =	spop (v2sf);
	(v2sf) =	vpush v19, $0x6  }
0x42: {  	s26 =	spop (v2sf);
	(v2sf) =	vpush v18, $0x7  }
0x43: {  	s3 =	sand.u32 $0xFFFFF80, s23  }
0x44: {  	s24 =	simm.s32 $0x4400;
	s3 =	sadd.s32 s11, s3;
	s29 =	spop (v2sf)  }
0x45: {  	(v2sf) =	vpush v19, $0x7;
	[tilespmem:s24], [sflag:$0x5] =	stream.strided.gather [hbm4b:s3+s14], $0x1000, s12, s14, $0x38;
	[tilespmem:$0x14400] =	vst v63  }
0x46: {  	s3 =	sand.u32 $0xFFFFF80, s26  }
0x47: {  	s3 =	sadd.s32 s1, s3  }
0x48: {  	[tilespmem:s30], [sflag:$0x5] =	stream.strided.gather [hbm4b:s3+s14], $0x1000, s12, s14, $0x38;
	[tilespmem:$0x14400] =	vst v63  }
0x49: {  	s0 =	simm.s32 $0x5400;
	s31 =	spop (v2sf);
	s3 =	sand.u32 $0xFFFFF80, s29  }
0x4a: {  	s9 =	sand.u32 $0xFFFFF80, s31;
	s10 =	spop (v2sf);
	s3 =	sadd.s32 s11, s3  }
0x4b: {  	[tilespmem:s0], [sflag:$0x6] =	stream.strided.gather [hbm4b:s3+s14], $0x1000, s12, s14, $0x38;
	[tilespmem:$0x14400] =	vst v63  }
0x4c: {  	s20 =	sand.u32 $0xFFFFF80, s10;
	s3 =	sadd.s32 s1, s9  }
0x4d: {  	[tilespmem:s6], [sflag:$0x6] =	stream.strided.gather [hbm4b:s3+s14], $0x1000, s12, s14, $0x38;
	[tilespmem:$0x14400] =	vst v63  }
0x4e: {  	s3 =	sadd.s32 s11, s20  }
0x4f: {  	[tilespmem:s13], [sflag:$0x7] =	stream.strided.gather [hbm4b:s3+s14], $0x1000, s12, s14, $0x38;
	[tilespmem:$0x14400] =	vst v63  }
0x50: {  	s23 =	spop (v2sf)  }
0x51: {  	s24 =	sand.u32 $0xFFFFF80, s23;
	s26 =	spop (v2sf)  }
0x52: {  	s3 =	sadd.s32 s1, s24;
	s29 =	sand.u32 $0xFFFFF80, s26  }
0x53: {  	[tilespmem:s16], [sflag:$0x7] =	stream.strided.gather [hbm4b:s3+s14], $0x1000, s12, s14, $0x38;
	[tilespmem:$0x14400] =	vst v63  }
0x54: {  	s31 =	spop (v2sf);
	s3 =	sadd.s32 s11, s29  }
0x55: {  	[tilespmem:s17], [sflag:$0x8] =	stream.strided.gather [hbm4b:s3+s14], $0x1000, s12, s14, $0x38;
	[tilespmem:$0x14400] =	vst v63  }
0x56: {  	s6 =	simm.s32 $0x10;
	s3 =	sand.u32 $0xFFFFF80, s31  }
0x57: {  	s13 =	simm.s32 $0x0;
	s16 =	simm.s32 $0x0;
	s3 =	sadd.s32 s1, s3  }
0x58: {  	[tilespmem:s18], [sflag:$0x8] =	stream.strided.gather [hbm4b:s3+s14], $0x1000, s12, s14, $0x38;
	[tilespmem:$0x14400] =	vst v63  }
.LBB2_2:
0x59: {  	v23 =	vld [tilespmem:s13+$0x0]  }
0x5a: {  	v22 =	vld [tilespmem:s4+$0x0];
	s3 =	smin.u32 s6, $0x1F0  }
0x5b: {  	v19 =	vld [tilespmem:s3+$0x0]  }
0x5c: {  	v18 =	vld [tilespmem:s3+$0x200];
	_ =	swait.ge [sflag:s19], $0x1000  }
0x5d: {  	[sflag:s19] =	ssyncset.done $0x0  }
0x5e: {  	[sflag:s19] =	ssyncadd.s32 $0xFFFFF000  }
0x5f: {  	_ =	swait.ge [sflag:s19], $0x1000  }
0x60: {  	(v2sf) =	vpush v23, $0x0  }
0x61: {  	(v2sf) =	vpush v22, $0x0;
	_ =	sdelay $0xd  }
0x62: {  	s18 =	spop (v2sf);
	(v2sf) =	vpush v23, $0x8  }
0x63: {  	s3 =	sand.u32 $0x7F, s18;
	s5 =	spop (v2sf);
	(v2sf) =	vpush v22, $0x8  }
0x64: {  	v20 =	vor.u32 s3, v0  }
0x65: {  	s5 =	sand.u32 $0x7F, s5;
	v21 =	vor.u32 s3, v1  }
0x66: {  	v24 =	vor.u32 s5, v0  }
0x67: {  	[sflag:s19] =	ssyncset.done $0x0;
	v25 =	vor.u32 s5, v1  }
0x68: {  	[sflag:s19] =	ssyncadd.s32 $0xFFFFF000  }
0x69: {  	v26 =	vld.idx.msk [tilespmem:v20+s14+$0x0], $0xffff  }
0x6a: {  	s20 =	sshll.u32 s16, $0x7;
	v27 =	vld.idx.msk [tilespmem:v21+s14+$0x0], $0xffff  }
0x6b: {  	s23 =	sadd.s32 $0xFFFFFFF0, s6;
	s3 =	sand.u32 $0xFFFFFC00, s20;
	v24 =	vld.idx.msk [tilespmem:v24+s15+$0x0], $0xffff  }
0x6c: {  	s17 =	sand.u32 $0x70, s23;
	v20 =	vor.u32 s3, v2;
	v25 =	vld.idx.msk [tilespmem:v25+s15+$0x0], $0xffff  }
0x6d: {  	v21 =	vor.u32 s3, v3;
	v28 =	vor.u32 s17, v20  }
0x6e: {  	v29 =	vor.u32 s17, v21;
	_ =	sdelay $0x1  }
0x6f: {  	v24 =	vmul.f32 v24, v26  }
0x70: {  	v25 =	vmul.f32 v25, v27;
	s18 =	spop (v2sf)  }
0x71: {  	[tilespmem:v28+s2+$0x0] =	vst.idx.msk $0xffff, v24;
	s24 =	sand.u32 $0xFFFFF80, s18;
	s20 =	spop (v2sf)  }
0x72: {  	[tilespmem:v29+s2+$0x0] =	vst.idx.msk $0xffff, v25;
	s3 =	sadd.s32 s11, s24;
	s26 =	sand.u32 $0xFFFFF80, s20  }
0x73: {  	[tilespmem:s14], [sflag:$0x1] =	stream.strided.gather [hbm4b:s3+s14], $0x1000, s12, s14, $0x38;
	[tilespmem:$0x14400] =	vst v63  }
0x74: {  	s3 =	sadd.s32 s1, s26  }
0x75: {  	[tilespmem:s15], [sflag:$0x1] =	stream.strided.gather [hbm4b:s3+s14], $0x1000, s12, s14, $0x38;
	[tilespmem:$0x14400] =	vst v63  }
0x76: {  	_ =	swait.ge [sflag:s21], $0x1000  }
0x77: {  	[sflag:s21] =	ssyncset.done $0x0  }
0x78: {  	[sflag:s21] =	ssyncadd.s32 $0xFFFFF000  }
0x79: {  	_ =	swait.ge [sflag:s21], $0x1000  }
0x7a: {  	(v2sf) =	vpush v23, $0x1;
	_ =	sdelay $0x1  }
0x7b: {  	(v2sf) =	vpush v22, $0x1;
	_ =	sdelay $0xc  }
0x7c: {  	s29 =	spop (v2sf);
	(v2sf) =	vpush v23, $0x9  }
0x7d: {  	s3 =	sand.u32 $0x7F, s29  }
0x7e: {  	s31 =	spop (v2sf);
	(v2sf) =	vpush v22, $0x9;
	v46 =	vor.u32 s3, v4  }
0x7f: {  	s5 =	sand.u32 $0x7F, s31;
	v47 =	vor.u32 s3, v5  }
0x80: {  	v48 =	vor.u32 s5, v4  }
0x81: {  	[sflag:s21] =	ssyncset.done $0x0;
	v49 =	vor.u32 s5, v5  }
0x82: {  	[sflag:s21] =	ssyncadd.s32 $0xFFFFF000  }
0x83: {  	v24 =	vld.idx.msk [tilespmem:v46+s14+$0x0], $0xffff  }
0x84: {  	v25 =	vld.idx.msk [tilespmem:v47+s14+$0x0], $0xffff  }
0x85: {  	v26 =	vld.idx.msk [tilespmem:v48+s15+$0x0], $0xffff  }
0x86: {  	s0 =	sor.u32 $0x1, s17;
	v27 =	vld.idx.msk [tilespmem:v49+s15+$0x0], $0xffff  }
0x87: {  	v50 =	vor.u32 s0, v20  }
0x88: {  	v51 =	vor.u32 s0, v21;
	_ =	sdelay $0x1  }
0x89: {  	v24 =	vmul.f32 v26, v24  }
0x8a: {  	v25 =	vmul.f32 v27, v25;
	s19 =	spop (v2sf)  }
0x8b: {  	[tilespmem:v50+s2+$0x0] =	vst.idx.msk $0xffff, v24;
	s5 =	sand.u32 $0xFFFFF80, s19  }
0x8c: {  	[tilespmem:v51+s2+$0x0] =	vst.idx.msk $0xffff, v25;
	s21 =	spop (v2sf);
	s3 =	sadd.s32 s11, s5  }
0x8d: {  	[tilespmem:s7], [sflag:$0x2] =	stream.strided.gather [hbm4b:s3+s14], $0x1000, s12, s14, $0x38;
	[tilespmem:$0x14400] =	vst v63  }
0x8e: {  	s7 =	sand.u32 $0xFFFFF80, s21  }
0x8f: {  	s3 =	sadd.s32 s1, s7  }
0x90: {  	[tilespmem:s8], [sflag:$0x2] =	stream.strided.gather [hbm4b:s3+s14], $0x1000, s12, s14, $0x38;
	[tilespmem:$0x14400] =	vst v63  }
0x91: {  	_ =	swait.ge [sflag:s22], $0x1000  }
0x92: {  	[sflag:s22] =	ssyncset.done $0x0  }
0x93: {  	[sflag:s22] =	ssyncadd.s32 $0xFFFFF000  }
0x94: {  	_ =	swait.ge [sflag:s22], $0x1000  }
0x95: {  	(v2sf) =	vpush v23, $0x2  }
0x96: {  	(v2sf) =	vpush v22, $0x2;
	_ =	sdelay $0xd  }
0x97: {  	s8 =	spop (v2sf);
	(v2sf) =	vpush v23, $0xA  }
0x98: {  	s3 =	sand.u32 $0x7F, s8;
	s23 =	spop (v2sf);
	(v2sf) =	vpush v22, $0xA  }
0x99: {  	v52 =	vor.u32 s3, v6  }
0x9a: {  	s5 =	sand.u32 $0x7F, s23;
	v53 =	vor.u32 s3, v7  }
0x9b: {  	v54 =	vor.u32 s5, v6  }
0x9c: {  	[sflag:s22] =	ssyncset.done $0x0;
	v55 =	vor.u32 s5, v7  }
0x9d: {  	[sflag:s22] =	ssyncadd.s32 $0xFFFFF000  }
0x9e: {  	v24 =	vld.idx.msk [tilespmem:v52+s14+$0x0], $0xffff  }
0x9f: {  	v25 =	vld.idx.msk [tilespmem:v53+s14+$0x0], $0xffff  }
0xa0: {  	v26 =	vld.idx.msk [tilespmem:v54+s15+$0x0], $0xffff  }
0xa1: {  	s5 =	sor.u32 $0x2, s17;
	v27 =	vld.idx.msk [tilespmem:v55+s15+$0x0], $0xffff  }
0xa2: {  	v56 =	vor.u32 s5, v20  }
0xa3: {  	v57 =	vor.u32 s5, v21;
	_ =	sdelay $0x1  }
0xa4: {  	v24 =	vmul.f32 v26, v24  }
0xa5: {  	v25 =	vmul.f32 v27, v25;
	s22 =	spop (v2sf)  }
0xa6: {  	[tilespmem:v56+s2+$0x0] =	vst.idx.msk $0xffff, v24;
	s7 =	sand.u32 $0xFFFFF80, s22;
	s23 =	spop (v2sf)  }
0xa7: {  	s8 =	simm.s32 $0x2400;
	[tilespmem:v57+s2+$0x0] =	vst.idx.msk $0xffff, v25;
	s3 =	sadd.s32 s11, s7;
	s7 =	sand.u32 $0xFFFFF80, s23  }
0xa8: {  	[tilespmem:s8], [sflag:$0x3] =	stream.strided.gather [hbm4b:s3+s14], $0x1000, s12, s14, $0x38;
	[tilespmem:$0x14400] =	vst v63  }
0xa9: {  	s24 =	simm.s32 $0x4;
	s3 =	sadd.s32 s1, s7  }
0xaa: {  	[tilespmem:s25], [sflag:$0x3] =	stream.strided.gather [hbm4b:s3+s14], $0x1000, s12, s14, $0x38;
	[tilespmem:$0x14400] =	vst v63  }
0xab: {  	_ =	swait.ge [sflag:s24], $0x1000  }
0xac: {  	[sflag:s24] =	ssyncset.done $0x0  }
0xad: {  	[sflag:s24] =	ssyncadd.s32 $0xFFFFF000  }
0xae: {  	_ =	swait.ge [sflag:s24], $0x1000  }
0xaf: {  	(v2sf) =	vpush v23, $0x3  }
0xb0: {  	(v2sf) =	vpush v22, $0x3;
	_ =	sdelay $0xd  }
0xb1: {  	s8 =	spop (v2sf);
	(v2sf) =	vpush v23, $0xB  }
0xb2: {  	s3 =	sand.u32 $0x7F, s8;
	s25 =	spop (v2sf);
	(v2sf) =	vpush v22, $0xB  }
0xb3: {  	v58 =	vor.u32 s3, v8  }
0xb4: {  	s5 =	sand.u32 $0x7F, s25;
	v59 =	vor.u32 s3, v9  }
0xb5: {  	v60 =	vor.u32 s5, v8  }
0xb6: {  	[sflag:s24] =	ssyncset.done $0x0;
	v61 =	vor.u32 s5, v9  }
0xb7: {  	[sflag:s24] =	ssyncadd.s32 $0xFFFFF000  }
0xb8: {  	v24 =	vld.idx.msk [tilespmem:v58+s14+$0x0], $0xffff  }
0xb9: {  	v25 =	vld.idx.msk [tilespmem:v59+s14+$0x0], $0xffff  }
0xba: {  	v26 =	vld.idx.msk [tilespmem:v60+s15+$0x0], $0xffff  }
0xbb: {  	s5 =	sor.u32 $0x3, s17;
	v27 =	vld.idx.msk [tilespmem:v61+s15+$0x0], $0xffff  }
0xbc: {  	v62 =	vor.u32 s5, v20  }
0xbd: {  	v63 =	vor.u32 s5, v21;
	_ =	sdelay $0x1  }
0xbe: {  	v24 =	vmul.f32 v26, v24  }
0xbf: {  	v25 =	vmul.f32 v27, v25;
	s24 =	spop (v2sf)  }
0xc0: {  	[tilespmem:v62+s2+$0x0] =	vst.idx.msk $0xffff, v24;
	s7 =	sand.u32 $0xFFFFF80, s24;
	s25 =	spop (v2sf)  }
0xc1: {  	s8 =	simm.s32 $0x3400;
	[tilespmem:v63+s2+$0x0] =	vst.idx.msk $0xffff, v25;
	s3 =	sadd.s32 s11, s7;
	s5 =	sand.u32 $0xFFFFF80, s25  }
0xc2: {  	[tilespmem:s8], [sflag:$0x4] =	stream.strided.gather [hbm4b:s3+s14], $0x1000, s12, s14, $0x38;
	[tilespmem:$0x14400] =	vst v63  }
0xc3: {  	s26 =	simm.s32 $0x5;
	s3 =	sadd.s32 s1, s5  }
0xc4: {  	[tilespmem:s28], [sflag:$0x4] =	stream.strided.gather [hbm4b:s3+s14], $0x1000, s12, s14, $0x38;
	[tilespmem:$0x14400] =	vst v63  }
0xc5: {  	_ =	swait.ge [sflag:s26], $0x1000  }
0xc6: {  	[sflag:s26] =	ssyncset.done $0x0  }
0xc7: {  	[sflag:s26] =	ssyncadd.s32 $0xFFFFF000  }
0xc8: {  	_ =	swait.ge [sflag:s26], $0x1000  }
0xc9: {  	(v2sf) =	vpush v23, $0x4  }
0xca: {  	(v2sf) =	vpush v22, $0x4;
	_ =	sdelay $0xd  }
0xcb: {  	s7 =	spop (v2sf);
	(v2sf) =	vpush v23, $0xC  }
0xcc: {  	s3 =	sand.u32 $0x7F, s7;
	s8 =	spop (v2sf);
	(v2sf) =	vpush v22, $0xC  }
0xcd: {  	v32 =	vor.u32 s3, v10  }
0xce: {  	s5 =	sand.u32 $0x7F, s8;
	v33 =	vor.u32 s3, v11  }
0xcf: {  	v34 =	vor.u32 s5, v10  }
0xd0: {  	[sflag:s26] =	ssyncset.done $0x0;
	v35 =	vor.u32 s5, v11  }
0xd1: {  	[sflag:s26] =	ssyncadd.s32 $0xFFFFF000  }
0xd2: {  	v24 =	vld.idx.msk [tilespmem:v32+s14+$0x0], $0xffff  }
0xd3: {  	v25 =	vld.idx.msk [tilespmem:v33+s14+$0x0], $0xffff  }
0xd4: {  	v26 =	vld.idx.msk [tilespmem:v34+s15+$0x0], $0xffff  }
0xd5: {  	s5 =	sor.u32 $0x4, s17;
	v27 =	vld.idx.msk [tilespmem:v35+s15+$0x0], $0xffff  }
0xd6: {  	v36 =	vor.u32 s5, v20  }
0xd7: {  	v37 =	vor.u32 s5, v21;
	_ =	sdelay $0x1  }
0xd8: {  	v24 =	vmul.f32 v26, v24  }
0xd9: {  	v25 =	vmul.f32 v27, v25;
	s26 =	spop (v2sf)  }
0xda: {  	[tilespmem:v36+s2+$0x0] =	vst.idx.msk $0xffff, v24;
	s7 =	sand.u32 $0xFFFFF80, s26;
	s28 =	spop (v2sf)  }
0xdb: {  	s8 =	simm.s32 $0x4400;
	[tilespmem:v37+s2+$0x0] =	vst.idx.msk $0xffff, v25;
	s3 =	sadd.s32 s11, s7;
	s5 =	sand.u32 $0xFFFFF80, s28  }
0xdc: {  	[tilespmem:s8], [sflag:$0x5] =	stream.strided.gather [hbm4b:s3+s14], $0x1000, s12, s14, $0x38;
	[tilespmem:$0x14400] =	vst v63  }
0xdd: {  	s29 =	simm.s32 $0x6;
	s3 =	sadd.s32 s1, s5  }
0xde: {  	[tilespmem:s30], [sflag:$0x5] =	stream.strided.gather [hbm4b:s3+s14], $0x1000, s12, s14, $0x38;
	[tilespmem:$0x14400] =	vst v63  }
0xdf: {  	_ =	swait.ge [sflag:s29], $0x1000  }
0xe0: {  	[sflag:s29] =	ssyncset.done $0x0  }
0xe1: {  	[sflag:s29] =	ssyncadd.s32 $0xFFFFF000  }
0xe2: {  	_ =	swait.ge [sflag:s29], $0x1000  }
0xe3: {  	(v2sf) =	vpush v23, $0x5  }
0xe4: {  	(v2sf) =	vpush v22, $0x5;
	_ =	sdelay $0xd  }
0xe5: {  	s7 =	spop (v2sf);
	(v2sf) =	vpush v23, $0xD  }
0xe6: {  	s3 =	sand.u32 $0x7F, s7;
	s8 =	spop (v2sf);
	(v2sf) =	vpush v22, $0xD  }
0xe7: {  	v38 =	vor.u32 s3, v12  }
0xe8: {  	s5 =	sand.u32 $0x7F, s8;
	v39 =	vor.u32 s3, v13  }
0xe9: {  	v40 =	vor.u32 s5, v12  }
0xea: {  	[sflag:s29] =	ssyncset.done $0x0;
	v41 =	vor.u32 s5, v13  }
0xeb: {  	[sflag:s29] =	ssyncadd.s32 $0xFFFFF000  }
0xec: {  	v24 =	vld.idx.msk [tilespmem:v38+s14+$0x0], $0xffff  }
0xed: {  	v25 =	vld.idx.msk [tilespmem:v39+s14+$0x0], $0xffff  }
0xee: {  	v26 =	vld.idx.msk [tilespmem:v40+s15+$0x0], $0xffff  }
0xef: {  	s5 =	sor.u32 $0x5, s17;
	v27 =	vld.idx.msk [tilespmem:v41+s15+$0x0], $0xffff  }
0xf0: {  	v42 =	vor.u32 s5, v20  }
0xf1: {  	v43 =	vor.u32 s5, v21;
	_ =	sdelay $0x1  }
0xf2: {  	v24 =	vmul.f32 v26, v24  }
0xf3: {  	v25 =	vmul.f32 v27, v25;
	s29 =	spop (v2sf)  }
0xf4: {  	[tilespmem:v42+s2+$0x0] =	vst.idx.msk $0xffff, v24;
	s7 =	sand.u32 $0xFFFFF80, s29;
	s30 =	spop (v2sf)  }
0xf5: {  	s8 =	simm.s32 $0x5400;
	[tilespmem:v43+s2+$0x0] =	vst.idx.msk $0xffff, v25;
	s3 =	sadd.s32 s11, s7;
	s7 =	sand.u32 $0xFFFFF80, s30  }
0xf6: {  	[tilespmem:s8], [sflag:$0x6] =	stream.strided.gather [hbm4b:s3+s14], $0x1000, s12, s14, $0x38;
	[tilespmem:$0x14400] =	vst v63  }
0xf7: {  	s31 =	simm.s32 $0x7;
	s3 =	sadd.s32 s1, s7;
	s8 =	simm.s32 $0xD400  }
0xf8: {  	[tilespmem:s8], [sflag:$0x6] =	stream.strided.gather [hbm4b:s3+s14], $0x1000, s12, s14, $0x38;
	[tilespmem:$0x14400] =	vst v63  }
0xf9: {  	_ =	swait.ge [sflag:s31], $0x1000  }
0xfa: {  	[sflag:s31] =	ssyncset.done $0x0  }
0xfb: {  	[sflag:s31] =	ssyncadd.s32 $0xFFFFF000  }
0xfc: {  	_ =	swait.ge [sflag:s31], $0x1000  }
0xfd: {  	(v2sf) =	vpush v23, $0x6  }
0xfe: {  	(v2sf) =	vpush v22, $0x6;
	_ =	sdelay $0xd  }
0xff: {  	s7 =	spop (v2sf);
	(v2sf) =	vpush v23, $0xE  }
0x100: {  	s3 =	sand.u32 $0x7F, s7;
	s8 =	spop (v2sf);
	(v2sf) =	vpush v22, $0xE  }
0x101: {  	v44 =	vor.u32 s3, v14  }
0x102: {  	s5 =	sand.u32 $0x7F, s8;
	v45 =	vor.u32 s3, v15  }
0x103: {  	v46 =	vor.u32 s5, v14  }
0x104: {  	[sflag:s31] =	ssyncset.done $0x0;
	v47 =	vor.u32 s5, v15  }
0x105: {  	[sflag:s31] =	ssyncadd.s32 $0xFFFFF000  }
0x106: {  	v24 =	vld.idx.msk [tilespmem:v44+s14+$0x0], $0xffff  }
0x107: {  	v25 =	vld.idx.msk [tilespmem:v45+s14+$0x0], $0xffff  }
0x108: {  	v26 =	vld.idx.msk [tilespmem:v46+s15+$0x0], $0xffff  }
0x109: {  	s5 =	sor.u32 $0x6, s17;
	v27 =	vld.idx.msk [tilespmem:v47+s15+$0x0], $0xffff  }
0x10a: {  	v48 =	vor.u32 s5, v20  }
0x10b: {  	v49 =	vor.u32 s5, v21;
	_ =	sdelay $0x1  }
0x10c: {  	v24 =	vmul.f32 v26, v24  }
0x10d: {  	v25 =	vmul.f32 v27, v25;
	s31 =	spop (v2sf)  }
0x10e: {  	[tilespmem:v48+s2+$0x0] =	vst.idx.msk $0xffff, v24;
	s7 =	sand.u32 $0xFFFFF80, s31;
	s3 =	spop (v2sf)  }
0x10f: {  	s8 =	simm.s32 $0x6400;
	[tilespmem:v49+s2+$0x0] =	vst.idx.msk $0xffff, v25;
	s5 =	sadd.s32 s11, s7;
	s7 =	sand.u32 $0xFFFFF80, s3  }
0x110: {  	[tilespmem:s8], [sflag:$0x7] =	stream.strided.gather [hbm4b:s5+s14], $0x1000, s12, s14, $0x38;
	[tilespmem:$0x14400] =	vst v63  }
0x111: {  	s0 =	simm.s32 $0x8;
	s5 =	sadd.s32 s1, s7;
	s8 =	simm.s32 $0xE400  }
0x112: {  	[tilespmem:s8], [sflag:$0x7] =	stream.strided.gather [hbm4b:s5+s14], $0x1000, s12, s14, $0x38;
	[tilespmem:$0x14400] =	vst v63  }
0x113: {  	_ =	swait.ge [sflag:s0], $0x1000  }
0x114: {  	[sflag:s0] =	ssyncset.done $0x0  }
0x115: {  	[sflag:s0] =	ssyncadd.s32 $0xFFFFF000  }
0x116: {  	_ =	swait.ge [sflag:s0], $0x1000  }
0x117: {  	(v2sf) =	vpush v23, $0x7;
	_ =	sdelay $0x1  }
0x118: {  	(v2sf) =	vpush v22, $0x7;
	_ =	sdelay $0xc  }
0x119: {  	s7 =	spop (v2sf);
	(v2sf) =	vpush v23, $0xF  }
0x11a: {  	s5 =	sand.u32 $0x7F, s7  }
0x11b: {  	s8 =	spop (v2sf);
	(v2sf) =	vpush v22, $0xF;
	v50 =	vor.u32 s5, v16  }
0x11c: {  	s7 =	sand.u32 $0x7F, s8;
	v51 =	vor.u32 s5, v17  }
0x11d: {  	v52 =	vor.u32 s7, v16  }
0x11e: {  	[sflag:s0] =	ssyncset.done $0x0;
	v53 =	vor.u32 s7, v17  }
0x11f: {  	[sflag:s0] =	ssyncadd.s32 $0xFFFFF000  }
0x120: {  	v23 =	vld.idx.msk [tilespmem:v50+s14+$0x0], $0xffff  }
0x121: {  	v22 =	vld.idx.msk [tilespmem:v51+s14+$0x0], $0xffff  }
0x122: {  	v24 =	vld.idx.msk [tilespmem:v52+s15+$0x0], $0xffff  }
0x123: {  	s8 =	sor.u32 $0x7, s17;
	v25 =	vld.idx.msk [tilespmem:v53+s15+$0x0], $0xffff  }
0x124: {  	v54 =	vor.u32 s8, v20  }
0x125: {  	v55 =	vor.u32 s8, v21;
	_ =	sdelay $0x1  }
0x126: {  	v23 =	vmul.f32 v24, v23  }
0x127: {  	v22 =	vmul.f32 v25, v22;
	s5 =	spop (v2sf)  }
0x128: {  	[tilespmem:v54+s2+$0x0] =	vst.idx.msk $0xffff, v23;
	s0 =	sand.u32 $0xFFFFF80, s5  }
0x129: {  	[tilespmem:v55+s2+$0x0] =	vst.idx.msk $0xffff, v22;
	s7 =	spop (v2sf);
	s8 =	sadd.s32 s11, s0;
	s0 =	simm.s32 $0x7400  }
0x12a: {  	[tilespmem:s0], [sflag:$0x8] =	stream.strided.gather [hbm4b:s8+s14], $0x1000, s12, s14, $0x38;
	[tilespmem:$0x14400] =	vst v63  }
0x12b: {  	s0 =	sand.u32 $0xFFFFF80, s7  }
0x12c: {  	s9 =	simm.s32 $0x1;
	s8 =	sadd.s32 s1, s0;
	s0 =	simm.s32 $0xF400  }
0x12d: {  	[tilespmem:s0], [sflag:$0x8] =	stream.strided.gather [hbm4b:s8+s14], $0x1000, s12, s14, $0x38;
	[tilespmem:$0x14400] =	vst v63  }
0x12e: {  	_ =	swait.ge [sflag:s9], $0x1000  }
0x12f: {  	[sflag:s9] =	ssyncset.done $0x0  }
0x130: {  	[sflag:s9] =	ssyncadd.s32 $0xFFFFF000  }
0x131: {  	p0 =	seq.s32 s6, $0x200;
	_ =	swait.ge [sflag:s9], $0x1000  }
0x132: {  	(v2sf) =	vpush @!p0 v19, $0x0  }
0x133: {  	s18 =	sand.u32 $0x7F, s18  }
0x134: {  	v56 =	vor.u32 s18, v0  }
0x135: {  	s20 =	sand.u32 $0x7F, s20;
	v57 =	vor.u32 s18, v1  }
0x136: {  	v58 =	vor.u32 s20, v0;
	(v2sf) =	vpush @!p0 v18, $0x0  }
0x137: {  	v59 =	vor.u32 s20, v1;
	[sflag:s9] =	ssyncset.done $0x0  }
0x138: {  	[sflag:s9] =	ssyncadd.s32 $0xFFFFF000  }
0x139: {  	v22 =	vld.idx.msk [tilespmem:v56+s14+$0x0], $0xffff  }
0x13a: {  	v23 =	vld.idx.msk [tilespmem:v57+s14+$0x0], $0xffff  }
0x13b: {  	v24 =	vld.idx.msk [tilespmem:v58+s15+$0x0], $0xffff  }
0x13c: {  	s0 =	sor.u32 $0x8, s17;
	v25 =	vld.idx.msk [tilespmem:v59+s15+$0x0], $0xffff  }
0x13d: {  	v60 =	vor.u32 s0, v20  }
0x13e: {  	v61 =	vor.u32 s0, v21;
	_ =	sdelay $0x1  }
0x13f: {  	v22 =	vmul.f32 v24, v22  }
0x140: {  	v23 =	vmul.f32 v25, v23;
	s8 =	spop @!p0 (v2sf)  }
0x141: {  	[tilespmem:v60+s2+$0x0] =	vst.idx.msk $0xffff, v22;
	s8 =	sand.u32 @!p0 $0xFFFFF80, s8  }
0x142: {  	s18 =	simm.s32 @!p0 $0x7A1400;
	s20 =	simm.s32 @!p0 $0x400;
	[tilespmem:v61+s2+$0x0] =	vst.idx.msk $0xffff, v23;
	s8 =	sadd.s32 @!p0 s11, s8  }
0x143: {  	[tilespmem:s20], [sflag:$0x1] =	stream.strided.gather @!p0 [hbm4b:s8+s20], $0x1000, s18, s20, $0x38;
	[tilespmem:$0x14400] =	vst v63  }
0x144: {  	s8 =	spop @!p0 (v2sf)  }
0x145: {  	s8 =	sand.u32 @!p0 $0xFFFFF80, s8  }
0x146: {  	s10 =	simm.s32 $0x2;
	s9 =	simm.s32 @!p0 $0x8400;
	s8 =	sadd.s32 @!p0 s1, s8  }
0x147: {  	[tilespmem:s9], [sflag:$0x1] =	stream.strided.gather @!p0 [hbm4b:s8+s20], $0x1000, s18, s20, $0x38;
	[tilespmem:$0x14400] =	vst v63  }
0x148: {  	_ =	swait.ge [sflag:s10], $0x1000  }
0x149: {  	[sflag:s10] =	ssyncset.done $0x0  }
0x14a: {  	[sflag:s10] =	ssyncadd.s32 $0xFFFFF000  }
0x14b: {  	_ =	swait.ge [sflag:s10], $0x1000  }
0x14c: {  	(v2sf) =	vpush @!p0 v19, $0x1  }
0x14d: {  	s9 =	sand.u32 $0x7F, s19  }
0x14e: {  	v62 =	vor.u32 s9, v4  }
0x14f: {  	s0 =	sand.u32 $0x7F, s21;
	v63 =	vor.u32 s9, v5  }
0x150: {  	s21 =	simm.s32 $0x2;
	v28 =	vor.u32 s0, v4;
	(v2sf) =	vpush @!p0 v18, $0x1  }
0x151: {  	v29 =	vor.u32 s0, v5;
	[sflag:s21] =	ssyncset.done $0x0  }
0x152: {  	[sflag:s21] =	ssyncadd.s32 $0xFFFFF000  }
0x153: {  	v22 =	vld.idx.msk [tilespmem:v62+s14+$0x0], $0xffff  }
0x154: {  	v23 =	vld.idx.msk [tilespmem:v63+s14+$0x0], $0xffff  }
0x155: {  	v24 =	vld.idx.msk [tilespmem:v28+s15+$0x0], $0xffff  }
0x156: {  	s0 =	sor.u32 $0x9, s17;
	v25 =	vld.idx.msk [tilespmem:v29+s15+$0x0], $0xffff  }
0x157: {  	v30 =	vor.u32 s0, v20  }
0x158: {  	v31 =	vor.u32 s0, v21;
	_ =	sdelay $0x1  }
0x159: {  	v22 =	vmul.f32 v24, v22  }
0x15a: {  	v23 =	vmul.f32 v25, v23;
	s8 =	spop @!p0 (v2sf)  }
0x15b: {  	[tilespmem:v30+s2+$0x0] =	vst.idx.msk $0xffff, v22;
	s8 =	sand.u32 @!p0 $0xFFFFF80, s8  }
0x15c: {  	s9 =	simm.s32 @!p0 $0x1400;
	[tilespmem:v31+s2+$0x0] =	vst.idx.msk $0xffff, v23;
	s8 =	sadd.s32 @!p0 s11, s8  }
0x15d: {  	[tilespmem:s9], [sflag:$0x2] =	stream.strided.gather @!p0 [hbm4b:s8+s20], $0x1000, s18, s20, $0x38;
	[tilespmem:$0x14400] =	vst v63  }
0x15e: {  	s8 =	spop @!p0 (v2sf)  }
0x15f: {  	s8 =	sand.u32 @!p0 $0xFFFFF80, s8  }
0x160: {  	s9 =	simm.s32 @!p0 $0x9400;
	s8 =	sadd.s32 @!p0 s1, s8  }
0x161: {  	[tilespmem:s9], [sflag:$0x2] =	stream.strided.gather @!p0 [hbm4b:s8+s20], $0x1000, s18, s20, $0x38;
	[tilespmem:$0x14400] =	vst v63  }
0x162: {  	s9 =	simm.s32 $0x3  }
0x163: {  	s8 =	simm.s32 $0x3;
	_ =	swait.ge [sflag:s9], $0x1000  }
0x164: {  	s9 =	simm.s32 $0x3;
	[sflag:s8] =	ssyncset.done $0x0  }
0x165: {  	s8 =	simm.s32 $0x3;
	[sflag:s9] =	ssyncadd.s32 $0xFFFFF000  }
0x166: {  	_ =	swait.ge [sflag:s8], $0x1000  }
0x167: {  	(v2sf) =	vpush @!p0 v19, $0x2  }
0x168: {  	s0 =	sand.u32 $0x7F, s23  }
0x169: {  	v34 =	vor.u32 s0, v6  }
0x16a: {  	v35 =	vor.u32 s0, v7;
	s9 =	sand.u32 $0x7F, s22  }
0x16b: {  	s22 =	simm.s32 $0x3;
	v32 =	vor.u32 s9, v6;
	(v2sf) =	vpush @!p0 v18, $0x2  }
0x16c: {  	v33 =	vor.u32 s9, v7;
	[sflag:s22] =	ssyncset.done $0x0  }
0x16d: {  	[sflag:s22] =	ssyncadd.s32 $0xFFFFF000  }
0x16e: {  	v24 =	vld.idx.msk [tilespmem:v34+s15+$0x0], $0xffff  }
0x16f: {  	v25 =	vld.idx.msk [tilespmem:v35+s15+$0x0], $0xffff  }
0x170: {  	v22 =	vld.idx.msk [tilespmem:v32+s14+$0x0], $0xffff  }
0x171: {  	s9 =	sor.u32 $0xA, s17;
	v23 =	vld.idx.msk [tilespmem:v33+s14+$0x0], $0xffff  }
0x172: {  	v36 =	vor.u32 s9, v20  }
0x173: {  	v37 =	vor.u32 s9, v21;
	_ =	sdelay $0x1  }
0x174: {  	v22 =	vmul.f32 v24, v22  }
0x175: {  	v23 =	vmul.f32 v25, v23;
	s8 =	spop @!p0 (v2sf)  }
0x176: {  	[tilespmem:v36+s2+$0x0] =	vst.idx.msk $0xffff, v22;
	s8 =	sand.u32 @!p0 $0xFFFFF80, s8  }
0x177: {  	s9 =	simm.s32 @!p0 $0x2400;
	[tilespmem:v37+s2+$0x0] =	vst.idx.msk $0xffff, v23;
	s8 =	sadd.s32 @!p0 s11, s8  }
0x178: {  	[tilespmem:s9], [sflag:$0x3] =	stream.strided.gather @!p0 [hbm4b:s8+s20], $0x1000, s18, s20, $0x38;
	[tilespmem:$0x14400] =	vst v63  }
0x179: {  	s8 =	spop @!p0 (v2sf)  }
0x17a: {  	s8 =	sand.u32 @!p0 $0xFFFFF80, s8  }
0x17b: {  	s10 =	simm.s32 $0x4;
	s9 =	simm.s32 @!p0 $0xA400;
	s8 =	sadd.s32 @!p0 s1, s8  }
0x17c: {  	[tilespmem:s9], [sflag:$0x3] =	stream.strided.gather @!p0 [hbm4b:s8+s20], $0x1000, s18, s20, $0x38;
	[tilespmem:$0x14400] =	vst v63  }
0x17d: {  	_ =	swait.ge [sflag:s10], $0x1000  }
0x17e: {  	[sflag:s10] =	ssyncset.done $0x0  }
0x17f: {  	[sflag:s10] =	ssyncadd.s32 $0xFFFFF000  }
0x180: {  	_ =	swait.ge [sflag:s10], $0x1000  }
0x181: {  	(v2sf) =	vpush @!p0 v19, $0x3  }
0x182: {  	s23 =	sand.u32 $0x7F, s24  }
0x183: {  	v38 =	vor.u32 s23, v8  }
0x184: {  	s24 =	sand.u32 $0x7F, s25;
	v39 =	vor.u32 s23, v9  }
0x185: {  	v40 =	vor.u32 s24, v8;
	(v2sf) =	vpush @!p0 v18, $0x3  }
0x186: {  	v41 =	vor.u32 s24, v9;
	[sflag:s10] =	ssyncset.done $0x0  }
0x187: {  	[sflag:s10] =	ssyncadd.s32 $0xFFFFF000  }
0x188: {  	v22 =	vld.idx.msk [tilespmem:v38+s14+$0x0], $0xffff  }
0x189: {  	v23 =	vld.idx.msk [tilespmem:v39+s14+$0x0], $0xffff  }
0x18a: {  	v24 =	vld.idx.msk [tilespmem:v40+s15+$0x0], $0xffff  }
0x18b: {  	s23 =	sor.u32 $0xB, s17;
	v25 =	vld.idx.msk [tilespmem:v41+s15+$0x0], $0xffff  }
0x18c: {  	v42 =	vor.u32 s23, v20  }
0x18d: {  	v43 =	vor.u32 s23, v21;
	_ =	sdelay $0x1  }
0x18e: {  	v22 =	vmul.f32 v24, v22  }
0x18f: {  	v23 =	vmul.f32 v25, v23;
	s8 =	spop @!p0 (v2sf)  }
0x190: {  	[tilespmem:v42+s2+$0x0] =	vst.idx.msk $0xffff, v22;
	s8 =	sand.u32 @!p0 $0xFFFFF80, s8  }
0x191: {  	s9 =	simm.s32 @!p0 $0x3400;
	[tilespmem:v43+s2+$0x0] =	vst.idx.msk $0xffff, v23;
	s8 =	sadd.s32 @!p0 s11, s8  }
0x192: {  	[tilespmem:s9], [sflag:$0x4] =	stream.strided.gather @!p0 [hbm4b:s8+s20], $0x1000, s18, s20, $0x38;
	[tilespmem:$0x14400] =	vst v63  }
0x193: {  	s8 =	spop @!p0 (v2sf)  }
0x194: {  	s8 =	sand.u32 @!p0 $0xFFFFF80, s8  }
0x195: {  	s0 =	simm.s32 $0x5;
	s9 =	simm.s32 @!p0 $0xB400;
	s8 =	sadd.s32 @!p0 s1, s8  }
0x196: {  	[tilespmem:s9], [sflag:$0x4] =	stream.strided.gather @!p0 [hbm4b:s8+s20], $0x1000, s18, s20, $0x38;
	[tilespmem:$0x14400] =	vst v63  }
0x197: {  	_ =	swait.ge [sflag:s0], $0x1000  }
0x198: {  	[sflag:s0] =	ssyncset.done $0x0  }
0x199: {  	[sflag:s0] =	ssyncadd.s32 $0xFFFFF000  }
0x19a: {  	_ =	swait.ge [sflag:s0], $0x1000  }
0x19b: {  	(v2sf) =	vpush @!p0 v19, $0x4  }
0x19c: {  	s24 =	sand.u32 $0x7F, s26  }
0x19d: {  	v44 =	vor.u32 s24, v10  }
0x19e: {  	s26 =	sand.u32 $0x7F, s28;
	v45 =	vor.u32 s24, v11  }
0x19f: {  	v46 =	vor.u32 s26, v10;
	(v2sf) =	vpush @!p0 v18, $0x4  }
0x1a0: {  	v47 =	vor.u32 s26, v11;
	[sflag:s0] =	ssyncset.done $0x0  }
0x1a1: {  	[sflag:s0] =	ssyncadd.s32 $0xFFFFF000  }
0x1a2: {  	v22 =	vld.idx.msk [tilespmem:v44+s14+$0x0], $0xffff  }
0x1a3: {  	v23 =	vld.idx.msk [tilespmem:v45+s14+$0x0], $0xffff  }
0x1a4: {  	v24 =	vld.idx.msk [tilespmem:v46+s15+$0x0], $0xffff  }
0x1a5: {  	s23 =	sor.u32 $0xC, s17;
	v25 =	vld.idx.msk [tilespmem:v47+s15+$0x0], $0xffff  }
0x1a6: {  	v48 =	vor.u32 s23, v20  }
0x1a7: {  	v49 =	vor.u32 s23, v21;
	_ =	sdelay $0x1  }
0x1a8: {  	v22 =	vmul.f32 v24, v22  }
0x1a9: {  	v23 =	vmul.f32 v25, v23;
	s8 =	spop @!p0 (v2sf)  }
0x1aa: {  	[tilespmem:v48+s2+$0x0] =	vst.idx.msk $0xffff, v22;
	s8 =	sand.u32 @!p0 $0xFFFFF80, s8  }
0x1ab: {  	s9 =	simm.s32 @!p0 $0x4400;
	[tilespmem:v49+s2+$0x0] =	vst.idx.msk $0xffff, v23;
	s8 =	sadd.s32 @!p0 s11, s8  }
0x1ac: {  	[tilespmem:s9], [sflag:$0x5] =	stream.strided.gather @!p0 [hbm4b:s8+s20], $0x1000, s18, s20, $0x38;
	[tilespmem:$0x14400] =	vst v63  }
0x1ad: {  	s8 =	spop @!p0 (v2sf)  }
0x1ae: {  	s8 =	sand.u32 @!p0 $0xFFFFF80, s8  }
0x1af: {  	s0 =	simm.s32 $0x6;
	s9 =	simm.s32 @!p0 $0xC400;
	s8 =	sadd.s32 @!p0 s1, s8  }
0x1b0: {  	[tilespmem:s9], [sflag:$0x5] =	stream.strided.gather @!p0 [hbm4b:s8+s20], $0x1000, s18, s20, $0x38;
	[tilespmem:$0x14400] =	vst v63  }
0x1b1: {  	_ =	swait.ge [sflag:s0], $0x1000  }
0x1b2: {  	[sflag:s0] =	ssyncset.done $0x0  }
0x1b3: {  	[sflag:s0] =	ssyncadd.s32 $0xFFFFF000  }
0x1b4: {  	_ =	swait.ge [sflag:s0], $0x1000  }
0x1b5: {  	(v2sf) =	vpush @!p0 v19, $0x5  }
0x1b6: {  	s24 =	sand.u32 $0x7F, s29  }
0x1b7: {  	v50 =	vor.u32 s24, v12  }
0x1b8: {  	s26 =	sand.u32 $0x7F, s30;
	v51 =	vor.u32 s24, v13  }
0x1b9: {  	v52 =	vor.u32 s26, v12;
	(v2sf) =	vpush @!p0 v18, $0x5  }
0x1ba: {  	v53 =	vor.u32 s26, v13;
	[sflag:s0] =	ssyncset.done $0x0  }
0x1bb: {  	[sflag:s0] =	ssyncadd.s32 $0xFFFFF000  }
0x1bc: {  	v22 =	vld.idx.msk [tilespmem:v50+s14+$0x0], $0xffff  }
0x1bd: {  	v23 =	vld.idx.msk [tilespmem:v51+s14+$0x0], $0xffff  }
0x1be: {  	v24 =	vld.idx.msk [tilespmem:v52+s15+$0x0], $0xffff  }
0x1bf: {  	s0 =	sor.u32 $0xD, s17;
	v25 =	vld.idx.msk [tilespmem:v53+s15+$0x0], $0xffff  }
0x1c0: {  	v54 =	vor.u32 s0, v20  }
0x1c1: {  	v55 =	vor.u32 s0, v21;
	_ =	sdelay $0x1  }
0x1c2: {  	v22 =	vmul.f32 v24, v22  }
0x1c3: {  	v23 =	vmul.f32 v25, v23;
	s8 =	spop @!p0 (v2sf)  }
0x1c4: {  	[tilespmem:v54+s2+$0x0] =	vst.idx.msk $0xffff, v22;
	s8 =	sand.u32 @!p0 $0xFFFFF80, s8  }
0x1c5: {  	s9 =	simm.s32 @!p0 $0x5400;
	[tilespmem:v55+s2+$0x0] =	vst.idx.msk $0xffff, v23;
	s8 =	sadd.s32 @!p0 s11, s8  }
0x1c6: {  	[tilespmem:s9], [sflag:$0x6] =	stream.strided.gather @!p0 [hbm4b:s8+s20], $0x1000, s18, s20, $0x38;
	[tilespmem:$0x14400] =	vst v63  }
0x1c7: {  	s8 =	spop @!p0 (v2sf)  }
0x1c8: {  	s8 =	sand.u32 @!p0 $0xFFFFF80, s8  }
0x1c9: {  	s29 =	simm.s32 $0x7;
	s9 =	simm.s32 @!p0 $0xD400;
	s8 =	sadd.s32 @!p0 s1, s8  }
0x1ca: {  	[tilespmem:s9], [sflag:$0x6] =	stream.strided.gather @!p0 [hbm4b:s8+s20], $0x1000, s18, s20, $0x38;
	[tilespmem:$0x14400] =	vst v63  }
0x1cb: {  	_ =	swait.ge [sflag:s29], $0x1000  }
0x1cc: {  	[sflag:s29] =	ssyncset.done $0x0  }
0x1cd: {  	[sflag:s29] =	ssyncadd.s32 $0xFFFFF000  }
0x1ce: {  	_ =	swait.ge [sflag:s29], $0x1000  }
0x1cf: {  	(v2sf) =	vpush @!p0 v19, $0x6  }
0x1d0: {  	s9 =	sand.u32 $0x7F, s31  }
0x1d1: {  	v56 =	vor.u32 s9, v14  }
0x1d2: {  	s3 =	sand.u32 $0x7F, s3;
	v57 =	vor.u32 s9, v15  }
0x1d3: {  	v58 =	vor.u32 s3, v14;
	(v2sf) =	vpush @!p0 v18, $0x6  }
0x1d4: {  	v59 =	vor.u32 s3, v15;
	[sflag:s29] =	ssyncset.done $0x0  }
0x1d5: {  	[sflag:s29] =	ssyncadd.s32 $0xFFFFF000  }
0x1d6: {  	v22 =	vld.idx.msk [tilespmem:v56+s14+$0x0], $0xffff  }
0x1d7: {  	v23 =	vld.idx.msk [tilespmem:v57+s14+$0x0], $0xffff  }
0x1d8: {  	v24 =	vld.idx.msk [tilespmem:v58+s15+$0x0], $0xffff  }
0x1d9: {  	s24 =	sor.u32 $0xE, s17;
	v25 =	vld.idx.msk [tilespmem:v59+s15+$0x0], $0xffff  }
0x1da: {  	v60 =	vor.u32 s24, v20  }
0x1db: {  	v61 =	vor.u32 s24, v21;
	_ =	sdelay $0x1  }
0x1dc: {  	v22 =	vmul.f32 v24, v22  }
0x1dd: {  	v23 =	vmul.f32 v25, v23;
	s3 =	spop @!p0 (v2sf)  }
0x1de: {  	[tilespmem:v60+s2+$0x0] =	vst.idx.msk $0xffff, v22;
	s3 =	sand.u32 @!p0 $0xFFFFF80, s3  }
0x1df: {  	s8 =	simm.s32 @!p0 $0x6400;
	[tilespmem:v61+s2+$0x0] =	vst.idx.msk $0xffff, v23;
	s3 =	sadd.s32 @!p0 s11, s3  }
0x1e0: {  	[tilespmem:s8], [sflag:$0x7] =	stream.strided.gather @!p0 [hbm4b:s3+s20], $0x1000, s18, s20, $0x38;
	[tilespmem:$0x14400] =	vst v63  }
0x1e1: {  	s3 =	spop @!p0 (v2sf)  }
0x1e2: {  	s3 =	sand.u32 @!p0 $0xFFFFF80, s3  }
0x1e3: {  	s23 =	simm.s32 $0x8;
	s8 =	simm.s32 @!p0 $0xE400;
	s3 =	sadd.s32 @!p0 s1, s3  }
0x1e4: {  	[tilespmem:s8], [sflag:$0x7] =	stream.strided.gather @!p0 [hbm4b:s3+s20], $0x1000, s18, s20, $0x38;
	[tilespmem:$0x14400] =	vst v63  }
0x1e5: {  	_ =	swait.ge [sflag:s23], $0x1000  }
0x1e6: {  	[sflag:s23] =	ssyncset.done $0x0  }
0x1e7: {  	[sflag:s23] =	ssyncadd.s32 $0xFFFFF000  }
0x1e8: {  	_ =	swait.ge [sflag:s23], $0x1000  }
0x1e9: {  	(v2sf) =	vpush @!p0 v19, $0x7  }
0x1ea: {  	s26 =	sand.u32 $0x7F, s5  }
0x1eb: {  	v62 =	vor.u32 s26, v17;
	s29 =	sand.u32 $0x7F, s7  }
0x1ec: {  	v63 =	vor.u32 s29, v16  }
0x1ed: {  	v19 =	vor.u32 s26, v16  }
0x1ee: {  	[sflag:s23] =	ssyncset.done $0x0;
	(v2sf) =	vpush @!p0 v18, $0x7;
	v18 =	vor.u32 s29, v17  }
0x1ef: {  	[sflag:s23] =	ssyncadd.s32 $0xFFFFF000  }
0x1f0: {  	v22 =	vld.idx.msk [tilespmem:v62+s14+$0x0], $0xffff  }
0x1f1: {  	v23 =	vld.idx.msk [tilespmem:v63+s15+$0x0], $0xffff  }
0x1f2: {  	v19 =	vld.idx.msk [tilespmem:v19+s14+$0x0], $0xffff  }
0x1f3: {  	s31 =	sor.u32 $0xF, s17;
	v18 =	vld.idx.msk [tilespmem:v18+s15+$0x0], $0xffff  }
0x1f4: {  	v20 =	vor.u32 s31, v20  }
0x1f5: {  	v21 =	vor.u32 s31, v21;
	_ =	sdelay $0x1  }
0x1f6: {  	v19 =	vmul.f32 v23, v19  }
0x1f7: {  	s6 =	sadd.s32 @!p0 $0x10, s6;
	s13 =	sadd.s32 @!p0 $0x10, s13;
	v18 =	vmul.f32 v18, v22;
	s3 =	spop @!p0 (v2sf)  }
0x1f8: {  	s4 =	sadd.s32 @!p0 $0x10, s4;
	p1 =	sne.s32 @!p0 s6, $0x210;
	[tilespmem:v20+s2+$0x0] =	vst.idx.msk $0xffff, v19;
	s3 =	sand.u32 @!p0 $0xFFFFF80, s3  }
0x1f9: {  	p1 =	por p0, !p1;
	s5 =	simm.s32 @!p0 $0x7400;
	[tilespmem:v21+s2+$0x0] =	vst.idx.msk $0xffff, v18;
	s3 =	sadd.s32 @!p0 s11, s3  }
0x1fa: {  	[tilespmem:s5], [sflag:$0x8] =	stream.strided.gather @!p0 [hbm4b:s3+s20], $0x1000, s18, s20, $0x38;
	[tilespmem:$0x14400] =	vst v63  }
.Ltmp0:
0x1fb: {  	s16 =	sadd.s32 @!p0 $0x1, s16;
	s25 =	simm.s32 $0xA400;
	(pc) =	sbr.rel @!p1 .LBB2_2-.Ltmp0, $4  }
0x1fc: {  	s28 =	simm.s32 $0xB400;
	s30 =	simm.s32 $0xC400;
	s3 =	spop @!p0 (v2sf)  }
0x1fd: {  	s19 =	simm.s32 $0x1;
	s7 =	simm.s32 $0x1400;
	s3 =	sand.u32 @!p0 $0xFFFFF80, s3  }
0x1fe: {  	s8 =	simm.s32 $0x9400;
	s5 =	simm.s32 @!p0 $0xF400;
	s3 =	sadd.s32 @!p0 s1, s3  }
0x1ff: {  	[tilespmem:s5], [sflag:$0x8] =	stream.strided.gather @!p0 [hbm4b:s3+s20], $0x1000, s18, s20, $0x38;
	[tilespmem:$0x14400] =	vst v63  }
0x200: {  	s9 =	simm.s32 $0x0;
	s3 =	rddreg [dreg:$0x7];
	s5 =	simm.s32 $0x9  }
0x201: {  	[hbm4b:s3+s9] =	stream.linear.scatter [tilespmem:s2], [sflag:$0x9], $0x1000, $0x38;
	[tilespmem:$0x14400] =	vst v63  }
0x202: {  	_ =	swait.ge [sflag:s5], $0x1000  }
0x203: {  	[sflag:s5] =	ssyncset.done $0x0  }
0x204: {  	s0 =	simm.s32 $0x11400;
	s18 =	rddreg [dreg:$0x9];
	[sflag:s5] =	ssyncadd.s32 $0xFFFFF000  }
0x205: {  	[hbm4b:s18+s9] =	stream.linear.scatter [tilespmem:s0], [sflag:$0x9], $0x1000, $0x38;
	[tilespmem:$0x14400] =	vst v63  }
0x206: {  	_ =	swait.ge [sflag:s5], $0x1000  }
0x207: {  	[sflag:s5] =	ssyncset.done $0x0  }
0x208: {  	s23 =	simm.s32 $0x12400;
	s20 =	rddreg [dreg:$0xa];
	[sflag:s5] =	ssyncadd.s32 $0xFFFFF000  }
0x209: {  	[hbm4b:s20+s9] =	stream.linear.scatter [tilespmem:s23], [sflag:$0x9], $0x1000, $0x38;
	[tilespmem:$0x14400] =	vst v63  }
0x20a: {  	_ =	swait.ge [sflag:s5], $0x1000  }
0x20b: {  	[sflag:s5] =	ssyncset.done $0x0  }
0x20c: {  	s26 =	simm.s32 $0x13400;
	s24 =	rddreg [dreg:$0xb];
	[sflag:s5] =	ssyncadd.s32 $0xFFFFF000  }
0x20d: {  	[hbm4b:s24+s9] =	stream.linear.scatter [tilespmem:s26], [sflag:$0x9], $0x1000, $0x38;
	[tilespmem:$0x14400] =	vst v63  }
0x20e: {  	_ =	swait.ge [sflag:s5], $0x1000  }
0x20f: {  	s29 =	rddreg [dreg:$0xd]  }
0x210: {  	s31 =	rddreg [dreg:$0xc];
	s0 =	sadd.s32 $0x1, s29  }
0x211: {  	p0 =	sne.s32 s0, s31  }
.Ltmp1:
0x212: {  	_ = 	snop;
	(pc) =	sbr.rel @p0 .LBB2_1-.Ltmp1, $4  }
0x213: {  	_ = 	snop  }
0x214: {  	s6 =	simm.s32 $0xD400  }
0x215: {  	s13 =	simm.s32 $0x6400;
	s16 =	simm.s32 $0xE400;
	[sflag:s5] =	ssyncset.done $0x0  }
0x216: {  	s17 =	simm.s32 $0x7400;
	s18 =	simm.s32 $0xF400;
	[sflag:s5] =	ssyncadd.s32 $0xFFFFF000  }
0x217: {  	_ =	sfence.sel $0x180000  }
0x218: {  	[bflag:$0x0] =	sbarrier.arrive $0xFFFF  }
0x219: {  	_ =	strace $0x90000047  }
0x21a: {  	s0 =	stileid.u32;
	[bflag:$0x2] =	sbarrier.arrive $0xFFFF  }
0x21b: {  	p0 =	sne.s32 s0, $0x0;
	s0 =	rddreg [dreg:$0x5]  }
0x21c: {  	s0 =	sadd.s32 @!p0 $0x100000, s0  }
0x21d: {  	[sflag:s0] =	ssyncadd.tile.s32 @!p0 $0x1;
	_ =	shalt  }
.Lfunc_end2:
_tile_overlayer_lowered:
.L_overlay_start_2:
0x21e: {  	(tag) =	ssettag $0x2  }
0x21f: {  	s0 =	rddreg [dreg:$0x0];
	s2 =	stileid.u32  }
0x220: {  	s1 =	rddreg [dreg:$0x1];
	p0 =	sne.s32 s2, $0x0  }
0x221: {  	s3 =	rddreg [dreg:$0x2];
	[bflag:$0x3] =	sbarrier.arrive $0xFFFF;
	s2 =	simm.s32 @!p0 $0x1C09  }
0x222: {  	[timem:s3], [sflag:s2] =	dma.local @!p0 [hbm:s0], s1  }
0x223: {  	s0 =	simm.s32 @!p0 $0x9  }
0x224: {  	_ =	swait.ge @!p0 [sflag:s0], s1  }
0x225: {  	s1 =	ssub.s32 @!p0 $0x0, s1;
	[sflag:s0] =	ssyncset.done @!p0 $0x0  }
0x226: {  	[sflag:s0] =	ssyncadd.s32 @!p0 s1  }
0x227: {  	[bflag:$0x3] =	sbarrier.arrive $0xFFFF  }
0x228: {  	_ =	shalt  }

</sc_bundles>
